<compile_context>
chip_gen: v7x
topology: tpu7x:2x2x1
jax: 0.10.2.dev20260603
libtpu: 0.0.44.dev20260713+nightly
codegen_flags: <defaults>
</compile_context>

<pallas_src>
import functools

import jax
import jax.numpy as jnp
from jax import lax
from jax.experimental import pallas as pl
from jax.experimental.pallas import tpu as pltpu
from jax.experimental.pallas import tpu_sc as plsc

N = 10000
E = 160000
IN = 128
HID = 128
CLS = 16

NPAD = 10240
ROWS_PER_TILE = 640
EPAD = 163840
CHUNK = 128
CHUNKS_PER_TILE = 40
IDX_ROWS = EPAD // CHUNK

_NC, _NS = 2, 16



def _mm_body(x_ref, w0_ref, b0_ref, w1_ref, b1_ref, o0_ref, o1_ref):
    x = x_ref[...]
    o0_ref[...] = jnp.dot(x, w0_ref[...], preferred_element_type=jnp.float32) + b0_ref[...]
    o1_ref[...] = jnp.dot(x, w1_ref[...], preferred_element_type=jnp.float32) + b1_ref[...]


def _tc_mm(x, w0, b0, w1, b1):
    di = x.shape[1]
    do = w0.shape[1]
    grid = NPAD // ROWS_PER_TILE
    return pl.pallas_call(
        _mm_body,
        grid=(grid,),
        in_specs=[
            pl.BlockSpec((ROWS_PER_TILE, di), lambda i: (i, 0)),
            pl.BlockSpec((di, do), lambda i: (0, 0)),
            pl.BlockSpec((1, do), lambda i: (0, 0)),
            pl.BlockSpec((di, do), lambda i: (0, 0)),
            pl.BlockSpec((1, do), lambda i: (0, 0)),
        ],
        out_specs=[
            pl.BlockSpec((ROWS_PER_TILE, do), lambda i: (i, 0)),
            pl.BlockSpec((ROWS_PER_TILE, do), lambda i: (i, 0)),
        ],
        out_shape=[
            jax.ShapeDtypeStruct((NPAD, do), jnp.float32),
            jax.ShapeDtypeStruct((NPAD, do), jnp.float32),
        ],
    )(x, w0, b0, w1, b1)


def _combine(p00, p01, p10, p11, dg00, dg01, dg10, dg11):
    deg0 = dg00[:, 0:1] + dg01[:, 0:1]
    deg1 = dg10[:, 0:1] + dg11[:, 0:1]
    inv0 = 1.0 / jnp.maximum(deg0, 1.0)
    inv1 = 1.0 / jnp.maximum(deg1, 1.0)
    return (p00 + p01) * inv0 + (p10 + p11) * inv1


def _norm_mm_body(p00_ref, p01_ref, p10_ref, p11_ref,
                  dg00_ref, dg01_ref, dg10_ref, dg11_ref,
                  w0_ref, b0_ref, w1_ref, b1_ref, o0_ref, o1_ref, *, relu):
    h = _combine(p00_ref[0], p01_ref[0], p10_ref[0], p11_ref[0],
                 dg00_ref[0], dg01_ref[0], dg10_ref[0], dg11_ref[0])
    if relu:
        h = jnp.maximum(h, 0.0)
    o0_ref[...] = jnp.dot(h, w0_ref[...], preferred_element_type=jnp.float32) + b0_ref[...]
    o1_ref[...] = jnp.dot(h, w1_ref[...], preferred_element_type=jnp.float32) + b1_ref[...]


def _part_specs(di):
    c0 = pl.BlockSpec((1, ROWS_PER_TILE, di), lambda i: (0, i, 0))
    c1 = pl.BlockSpec((1, ROWS_PER_TILE, di), lambda i: (1, i, 0))
    return c0, c1


def _tc_norm_mm(parts, degs, w0, b0, w1, b1, relu):
    p0, p1 = parts
    dg0, dg1 = degs
    di = p0.shape[2]
    do = w0.shape[1]
    grid = NPAD // ROWS_PER_TILE
    pc0, pc1 = _part_specs(di)
    dc0, dc1 = _part_specs(HID)
    return pl.pallas_call(
        functools.partial(_norm_mm_body, relu=relu),
        grid=(grid,),
        in_specs=[pc0, pc1, pc0, pc1, dc0, dc1, dc0, dc1] + [
            pl.BlockSpec((di, do), lambda i: (0, 0)),
            pl.BlockSpec((1, do), lambda i: (0, 0)),
            pl.BlockSpec((di, do), lambda i: (0, 0)),
            pl.BlockSpec((1, do), lambda i: (0, 0)),
        ],
        out_specs=[
            pl.BlockSpec((ROWS_PER_TILE, do), lambda i: (i, 0)),
            pl.BlockSpec((ROWS_PER_TILE, do), lambda i: (i, 0)),
        ],
        out_shape=[
            jax.ShapeDtypeStruct((NPAD, do), jnp.float32),
            jax.ShapeDtypeStruct((NPAD, do), jnp.float32),
        ],
    )(p0, p0, p1, p1, dg0, dg0, dg1, dg1, w0, b0, w1, b1)


def _norm_final_body(p00_ref, p01_ref, p10_ref, p11_ref,
                     dg00_ref, dg01_ref, dg10_ref, dg11_ref, o_ref):
    o_ref[...] = _combine(p00_ref[0], p01_ref[0], p10_ref[0], p11_ref[0],
                          dg00_ref[0], dg01_ref[0], dg10_ref[0], dg11_ref[0])


def _tc_norm_final(parts, degs):
    p0, p1 = parts
    dg0, dg1 = degs
    di = p0.shape[2]
    grid = NPAD // ROWS_PER_TILE
    pc0, pc1 = _part_specs(di)
    dc0, dc1 = _part_specs(HID)
    return pl.pallas_call(
        _norm_final_body,
        grid=(grid,),
        in_specs=[pc0, pc1, pc0, pc1, dc0, dc1, dc0, dc1],
        out_specs=pl.BlockSpec((ROWS_PER_TILE, di), lambda i: (i, 0)),
        out_shape=jax.ShapeDtypeStruct((NPAD, di), jnp.float32),
    )(p0, p0, p1, p1, dg0, dg0, dg1, dg1)



def _make_sc_segsum(d):
    mesh = plsc.VectorSubcoreMesh(core_axis_name="c", subcore_axis_name="s")

    out_type = [
        jax.ShapeDtypeStruct((_NC, NPAD, d), jnp.float32),
        jax.ShapeDtypeStruct((_NC, NPAD, d), jnp.float32),
    ]
    ROWS_PER_S = 2 * CHUNKS_PER_TILE
    FAST_ROWS = 64
    WINDOW = max(FAST_ROWS, ROWS_PER_S - FAST_ROWS)

    scratch = [
        pltpu.VMEM_SHARED((NPAD, d), jnp.float32),
        pltpu.VMEM((WINDOW, CHUNK), jnp.int32),
        pltpu.VMEM((WINDOW, CHUNK), jnp.int32),
        pltpu.VMEM((CHUNK, d), jnp.float32),
        pltpu.VMEM((CHUNK, d), jnp.float32),
        pltpu.SemaphoreType.DMA,
    ]

    def body(wh0_hbm, wh1_hbm, s0_hbm, d0_hbm, s1_hbm, d1_hbm, zcol_hbm,
             p0, p1, acc_sh, sidx_v, didx_v, rows0_v, rows1_v, gsem):
        c = lax.axis_index("c")
        s = lax.axis_index("s")
        rz = s * ROWS_PER_TILE
        eb = s * ROWS_PER_S
        win = eb + jnp.where(c == 0, 0, ROWS_PER_S - WINDOW)
        base = jnp.where(c == 0, 0, WINDOW - (ROWS_PER_S - FAST_ROWS))
        cnt = jnp.where(c == 0, FAST_ROWS, ROWS_PER_S - FAST_ROWS)

        pltpu.sync_copy(zcol_hbm, acc_sh.at[pl.ds(rz, ROWS_PER_TILE)])
        plsc.subcore_barrier()

        def do_relation(s_hbm, d_hbm, wh_hbm, out, last):
            pltpu.sync_copy(s_hbm.at[pl.ds(win, WINDOW)], sidx_v)
            pltpu.sync_copy(d_hbm.at[pl.ds(win, WINDOW)], didx_v)

            def wait_gather(buf):
                pltpu.make_async_copy(wh_hbm.at[sidx_v.at[0]], buf, gsem).wait()

            pltpu.async_copy(wh_hbm.at[sidx_v.at[base]], rows0_v, gsem)

            def pair(j, carry):
                k0 = base + 2 * j
                k1 = k0 + 1
                wait_gather(rows0_v)
                pltpu.async_copy(wh_hbm.at[sidx_v.at[k1]], rows1_v, gsem)
                pltpu.sync_copy(rows0_v, acc_sh.at[didx_v.at[k0]], add=True)
                wait_gather(rows1_v)

                @pl.when(j < cnt // 2 - 1)
                def _():
                    pltpu.async_copy(wh_hbm.at[sidx_v.at[k1 + 1]], rows0_v, gsem)

                pltpu.sync_copy(rows1_v, acc_sh.at[didx_v.at[k1]], add=True)
                return carry

            lax.fori_loop(0, cnt // 2, pair, 0)
            plsc.subcore_barrier()

            pltpu.sync_copy(acc_sh.at[pl.ds(rz, ROWS_PER_TILE)],
                            out.at[c, pl.ds(rz, ROWS_PER_TILE)])

            if not last:
                pltpu.sync_copy(zcol_hbm, acc_sh.at[pl.ds(rz, ROWS_PER_TILE)])
                plsc.subcore_barrier()

        do_relation(s0_hbm, d0_hbm, wh0_hbm, p0, False)
        do_relation(s1_hbm, d1_hbm, wh1_hbm, p1, True)

    return pl.kernel(body, out_type=out_type, mesh=mesh,
                     scratch_types=scratch)


def _make_sc_deg():
    mesh = plsc.VectorSubcoreMesh(core_axis_name="c", subcore_axis_name="s")

    out_type = [
        jax.ShapeDtypeStruct((_NC, NPAD, HID), jnp.float32),
        jax.ShapeDtypeStruct((_NC, NPAD, HID), jnp.float32),
    ]
    scratch = [
        pltpu.VMEM_SHARED((NPAD, HID), jnp.float32),
        pltpu.VMEM((CHUNKS_PER_TILE, CHUNK), jnp.int32),
        pltpu.VMEM((CHUNK, HID), jnp.float32),
    ]

    def body(d0_hbm, d1_hbm, z16_hbm, ones_hbm,
             dg0, dg1, dgacc_sh, didx_v, ones_v):
        c = lax.axis_index("c")
        s = lax.axis_index("s")
        wid = s * _NC + c
        rz = s * ROWS_PER_TILE
        eb = wid * CHUNKS_PER_TILE

        pltpu.sync_copy(ones_hbm, ones_v)
        pltpu.sync_copy(z16_hbm, dgacc_sh.at[pl.ds(rz, ROWS_PER_TILE)])
        plsc.subcore_barrier()

        def do_relation(d_hbm, out, last):
            pltpu.sync_copy(d_hbm.at[pl.ds(eb, CHUNKS_PER_TILE)], didx_v)

            def chunk(k, carry):
                pltpu.sync_copy(ones_v, dgacc_sh.at[didx_v.at[k]], add=True)
                return carry

            lax.fori_loop(0, CHUNKS_PER_TILE, chunk, 0)
            plsc.subcore_barrier()

            pltpu.sync_copy(dgacc_sh.at[pl.ds(rz, ROWS_PER_TILE)],
                            out.at[c, pl.ds(rz, ROWS_PER_TILE)])

            if not last:
                pltpu.sync_copy(z16_hbm, dgacc_sh.at[pl.ds(rz, ROWS_PER_TILE)])
                plsc.subcore_barrier()

        do_relation(d0_hbm, dg0, False)
        do_relation(d1_hbm, dg1, True)

    return pl.kernel(body, out_type=out_type, mesh=mesh,
                     scratch_types=scratch)



def kernel(embed, edge_index_r0, edge_index_r1,
           W0_r0, b0_r0, W0_r1, b0_r1,
           W1_r0, b1_r0, W1_r1, b1_r1,
           W2_r0, b2_r0, W2_r1, b2_r1):
    f32 = jnp.float32

    x = jnp.zeros((NPAD, IN), f32).at[:N].set(embed)

    def prep_edges(ei):
        src = ei[0].astype(jnp.int32)
        dst = ei[1].astype(jnp.int32)
        src = jnp.concatenate([src, jnp.zeros((EPAD - E,), jnp.int32)])
        dst = jnp.concatenate([dst, jnp.full((EPAD - E,), N, jnp.int32)])
        return src.reshape(IDX_ROWS, CHUNK), dst.reshape(IDX_ROWS, CHUNK)

    s0, d0 = prep_edges(edge_index_r0)
    s1, d1 = prep_edges(edge_index_r1)

    zcol128 = jnp.zeros((ROWS_PER_TILE, HID), f32)
    ones128 = jnp.ones((CHUNK, HID), f32)

    b0r0 = b0_r0.reshape(1, -1)
    b0r1 = b0_r1.reshape(1, -1)
    b1r0 = b1_r0.reshape(1, -1)
    b1r1 = b1_r1.reshape(1, -1)
    W2p_r0 = jnp.zeros((HID, HID), f32).at[:, :CLS].set(W2_r0)
    W2p_r1 = jnp.zeros((HID, HID), f32).at[:, :CLS].set(W2_r1)
    b2r0 = jnp.zeros((1, HID), f32).at[0, :CLS].set(b2_r0)
    b2r1 = jnp.zeros((1, HID), f32).at[0, :CLS].set(b2_r1)

    sc_hid = _make_sc_segsum(HID)
    sc_deg = _make_sc_deg()

    degs = sc_deg(d0, d1, zcol128, ones128)

    wh0, wh1 = _tc_mm(x, W0_r0, b0r0, W0_r1, b0r1)
    parts = sc_hid(wh0, wh1, s0, d0, s1, d1, zcol128)

    wh0, wh1 = _tc_norm_mm(parts, degs, W1_r0, b1r0, W1_r1, b1r1, relu=True)
    parts = sc_hid(wh0, wh1, s0, d0, s1, d1, zcol128)

    wh0, wh1 = _tc_norm_mm(parts, degs, W2p_r0, b2r0, W2p_r1, b2r1, relu=False)
    parts = sc_hid(wh0, wh1, s0, d0, s1, d1, zcol128)

    out = _tc_norm_final(parts, degs)
    return out[:N, :CLS]

# --- scband reference (transcript-rebuilt; emitter-appended) ---
"""Pipeline reference for scband-rgcn-70978629533711 (READ-ONLY COPY).

The authoritative reference and input builder live on the scoring server;
editing this copy changes nothing except your own understanding.
"""

import jax, jax.numpy as jnp
import numpy as np

N = 10000
R = 2
E = 160000
IN = 128
HID = 128
CLS = 16


def _glorot(k, shape):
    fan_in, fan_out = shape
    lim = (6.0 / (fan_in + fan_out)) ** 0.5
    return jax.random.uniform(k, shape, jnp.float32, -lim, lim)


def setup_inputs(seed: int = 0) -> dict:
    key = jax.random.key(seed)
    ks = jax.random.split(key, 16)
    inp = {}
    # learned node embeddings (nn.ParameterDict embed, xavier init)
    inp["embed"] = _glorot(ks[0], (N, IN))
    # edges per relation: row 0 = src node ids, row 1 = dst node ids
    inp["edge_index_r0"] = jax.random.randint(ks[1], (2, E), 0, N)
    inp["edge_index_r1"] = jax.random.randint(ks[2], (2, E), 0, N)
    # per-layer, per-relation linear weights (nn.Linear(in, out))
    dims = [(IN, HID), (HID, HID), (HID, CLS)]
    i = 3
    for l, (di, do) in enumerate(dims):
        for r in range(R):
            inp[f"W{l}_r{r}"] = _glorot(ks[i], (di, do))
            i += 1
            inp[f"b{l}_r{r}"] = jnp.zeros((do,), jnp.float32)
    return inp


def _rgcn_layer(h, edges, Ws, bs):
    # per relation: Wh = Linear_r(h); message = copy_u; reduce = mean per dst;
    # cross-relation reducer = sum  (DGL multi_update_all(funcs, 'sum'))
    out = jnp.zeros((N, Ws[0].shape[1]), jnp.float32)
    for r in range(len(edges)):
        src = edges[r][0]
        dst = edges[r][1]
        Wh = h @ Ws[r] + bs[r]
        msg = jnp.take(Wh, src, axis=0)
        summed = jax.ops.segment_sum(msg, dst, num_segments=N)
        deg = jax.ops.segment_sum(jnp.ones((dst.shape[0],), jnp.float32), dst, num_segments=N)
        out = out + summed / jnp.maximum(deg, 1.0)[:, None]
    return out


def reference(embed, edge_index_r0, edge_index_r1,
              W0_r0, b0_r0, W0_r1, b0_r1,
              W1_r0, b1_r0, W1_r1, b1_r1,
              W2_r0, b2_r0, W2_r1, b2_r1):
    edges = (edge_index_r0, edge_index_r1)
    # layer 0: embed -> hidden, then activation
    h = _rgcn_layer(embed, edges, (W0_r0, W0_r1), (b0_r0, b0_r1))
    h = jax.nn.relu(h)
    # layer 1: hidden -> hidden (dropout p=0.0 -> identity)
    h = _rgcn_layer(h, edges, (W1_r0, W1_r1), (b1_r0, b1_r1))
    # layer 2: hidden -> classes (dropout p=0.0 -> identity)
    h = _rgcn_layer(h, edges, (W2_r0, W2_r1), (b2_r0, b2_r1))
    return h  # h_dict[category] for the single node type

if __name__ == "__main__":
    import jax
    _d = setup_inputs()
    print(jax.jit(kernel)(*tuple(_d.values())))

</pallas_src>

<mosaic_0001>
#map = affine_map<(d0, d1) -> (0, 0)>
#map1 = affine_map<(d0, d1) -> (0, 0, 0)>
module attributes {stable_mosaic.version = 14 : i64} {
  func.func @body(%arg0: i32, %arg1: i32, %arg2: memref<10240x128xf32, #tpu.memory_space<hbm>>, %arg3: memref<10240x128xf32, #tpu.memory_space<hbm>>, %arg4: memref<1280x128xi32, #tpu.memory_space<hbm>>, %arg5: memref<1280x128xi32, #tpu.memory_space<hbm>>, %arg6: memref<1280x128xi32, #tpu.memory_space<hbm>>, %arg7: memref<1280x128xi32, #tpu.memory_space<hbm>>, %arg8: memref<640x128xf32, #tpu.memory_space<hbm>>, %arg9: memref<2x10240x128xf32, #tpu.memory_space<hbm>>, %arg10: memref<2x10240x128xf32, #tpu.memory_space<hbm>>, %arg11: memref<10240x128xf32, #tpu.memory_space<vmem_shared>>, %arg12: memref<64x128xi32, #tpu.memory_space<vmem>>, %arg13: memref<64x128xi32, #tpu.memory_space<vmem>>, %arg14: memref<128x128xf32, #tpu.memory_space<vmem>>, %arg15: memref<128x128xf32, #tpu.memory_space<vmem>>, %arg16: memref<!tpu.dma_semaphore, #tpu.memory_space<semaphore_mem>>) attributes {dimension_semantics = [#tpu.dimension_semantics<core_parallel>, #tpu.dimension_semantics<subcore_parallel>], iteration_bounds = array<i64: 2, 16>, scalar_prefetch = 0 : i64, scratch_operands = 6 : i64, tpu.core_type = #tpu.core_type<sc_vector_subcore>, window_params = [{transform_indices = #map}, {transform_indices = #map}, {transform_indices = #map}, {transform_indices = #map}, {transform_indices = #map}, {transform_indices = #map}, {transform_indices = #map}, {transform_indices = #map1}, {transform_indices = #map1}]} {
    %mul3A = arith.constant 640 : i32
    %mul3A_0 = arith.muli %arg1, %mul3A : i32
    %mul3A_1 = arith.constant 80 : i32
    %mul3A_2 = arith.muli %arg1, %mul3A_1 : i32
    %eq3A = arith.constant 0 : i32
    %eq3A_3 = arith.cmpi eq, %arg0, %eq3A : i32
    %jit3A = arith.constant 0 : i32
    %jit3A_4 = arith.constant 16 : i32
    %select_n3A = arith.select %eq3A_3, %jit3A, %jit3A_4 : i32
    %add3A = arith.addi %mul3A_2, %select_n3A : i32
    %eq3A_5 = arith.constant 0 : i32
    %eq3A_6 = arith.cmpi eq, %arg0, %eq3A_5 : i32
    %jit3A_7 = arith.constant 0 : i32
    %jit3A_8 = arith.constant 48 : i32
    %select_n3A_9 = arith.select %eq3A_6, %jit3A_7, %jit3A_8 : i32
    %eq3A_10 = arith.constant 0 : i32
    %eq3A_11 = arith.cmpi eq, %arg0, %eq3A_10 : i32
    %jit3A_12 = arith.constant 64 : i32
    %jit3A_13 = arith.constant 16 : i32
    %select_n3A_14 = arith.select %eq3A_11, %jit3A_12, %jit3A_13 : i32
    "tpu.region"() ({
      %run_scoped3A = tpu.sem_alloc : memref<!tpu.dma_semaphore, #tpu.memory_space<semaphore_mem>>
      %dma_start3A_90 = arith.constant 0 : i32
      %dma_start3A_91 = tpu.memref_slice %arg11[%mul3A_0, %dma_start3A_90] : memref<10240x128xf32, #tpu.memory_space<vmem_shared>> -> memref<640x128xf32, #tpu.memory_space<vmem_shared>>
      tpu.enqueue_dma source(%arg8 : memref<640x128xf32, #tpu.memory_space<hbm>>) target(%dma_start3A_91 : memref<640x128xf32, #tpu.memory_space<vmem_shared>>) target_semaphore(%run_scoped3A : memref<!tpu.dma_semaphore, #tpu.memory_space<semaphore_mem>>)
      %dma_wait3A = arith.constant 0 : i32
      %dma_wait3A_92 = tpu.memref_slice %arg11[%mul3A_0, %dma_wait3A] : memref<10240x128xf32, #tpu.memory_space<vmem_shared>> -> memref<640x128xf32, #tpu.memory_space<vmem_shared>>
      tpu.wait_dma2 semaphore(%run_scoped3A : memref<!tpu.dma_semaphore, #tpu.memory_space<semaphore_mem>>) src(%arg8 : memref<640x128xf32, #tpu.memory_space<hbm>>) dst(%dma_wait3A_92 : memref<640x128xf32, #tpu.memory_space<vmem_shared>>)
      tpu.yield
    }) : () -> ()
    %barrier3A = arith.constant 0 : index
    tpu.barrier barrier_id(%barrier3A)
    "tpu.region"() ({
      %run_scoped3A = tpu.sem_alloc : memref<!tpu.dma_semaphore, #tpu.memory_space<semaphore_mem>>
      %dma_start3A_90 = arith.constant 0 : i32
      %dma_start3A_91 = tpu.memref_slice %arg4[%add3A, %dma_start3A_90] : memref<1280x128xi32, #tpu.memory_space<hbm>> -> memref<64x128xi32, #tpu.memory_space<hbm>>
      %dma_start3A_92 = arith.constant 0 : i32
      %dma_start3A_93 = tpu.memref_slice %arg4[%add3A, %dma_start3A_92] : memref<1280x128xi32, #tpu.memory_space<hbm>> -> memref<64x128xi32, #tpu.memory_space<hbm>>
      tpu.enqueue_dma source(%dma_start3A_93 : memref<64x128xi32, #tpu.memory_space<hbm>>) target(%arg12 : memref<64x128xi32, #tpu.memory_space<vmem>>) target_semaphore(%run_scoped3A : memref<!tpu.dma_semaphore, #tpu.memory_space<semaphore_mem>>)
      %dma_wait3A = arith.constant 0 : i32
      %dma_wait3A_94 = tpu.memref_slice %arg4[%add3A, %dma_wait3A] : memref<1280x128xi32, #tpu.memory_space<hbm>> -> memref<64x128xi32, #tpu.memory_space<hbm>>
      %dma_wait3A_95 = arith.constant 0 : i32
      %dma_wait3A_96 = tpu.memref_slice %arg4[%add3A, %dma_wait3A_95] : memref<1280x128xi32, #tpu.memory_space<hbm>> -> memref<64x128xi32, #tpu.memory_space<hbm>>
      tpu.wait_dma2 semaphore(%run_scoped3A : memref<!tpu.dma_semaphore, #tpu.memory_space<semaphore_mem>>) src(%dma_wait3A_96 : memref<64x128xi32, #tpu.memory_space<hbm>>) dst(%arg12 : memref<64x128xi32, #tpu.memory_space<vmem>>)
      tpu.yield
    }) : () -> ()
    "tpu.region"() ({
      %run_scoped3A = tpu.sem_alloc : memref<!tpu.dma_semaphore, #tpu.memory_space<semaphore_mem>>
      %dma_start3A_90 = arith.constant 0 : i32
      %dma_start3A_91 = tpu.memref_slice %arg5[%add3A, %dma_start3A_90] : memref<1280x128xi32, #tpu.memory_space<hbm>> -> memref<64x128xi32, #tpu.memory_space<hbm>>
      %dma_start3A_92 = arith.constant 0 : i32
      %dma_start3A_93 = tpu.memref_slice %arg5[%add3A, %dma_start3A_92] : memref<1280x128xi32, #tpu.memory_space<hbm>> -> memref<64x128xi32, #tpu.memory_space<hbm>>
      tpu.enqueue_dma source(%dma_start3A_93 : memref<64x128xi32, #tpu.memory_space<hbm>>) target(%arg13 : memref<64x128xi32, #tpu.memory_space<vmem>>) target_semaphore(%run_scoped3A : memref<!tpu.dma_semaphore, #tpu.memory_space<semaphore_mem>>)
      %dma_wait3A = arith.constant 0 : i32
      %dma_wait3A_94 = tpu.memref_slice %arg5[%add3A, %dma_wait3A] : memref<1280x128xi32, #tpu.memory_space<hbm>> -> memref<64x128xi32, #tpu.memory_space<hbm>>
      %dma_wait3A_95 = arith.constant 0 : i32
      %dma_wait3A_96 = tpu.memref_slice %arg5[%add3A, %dma_wait3A_95] : memref<1280x128xi32, #tpu.memory_space<hbm>> -> memref<64x128xi32, #tpu.memory_space<hbm>>
      tpu.wait_dma2 semaphore(%run_scoped3A : memref<!tpu.dma_semaphore, #tpu.memory_space<semaphore_mem>>) src(%dma_wait3A_96 : memref<64x128xi32, #tpu.memory_space<hbm>>) dst(%arg13 : memref<64x128xi32, #tpu.memory_space<vmem>>)
      tpu.yield
    }) : () -> ()
    %dma_start3A = arith.constant 0 : i32
    %dma_start3A_15 = tpu.memref_slice %arg12[%select_n3A_9, %dma_start3A] : memref<64x128xi32, #tpu.memory_space<vmem>> -> memref<1x128xi32, #tpu.memory_space<vmem>>
    %dma_start3A_16 = tpu.memref_squeeze %dma_start3A_15 : memref<1x128xi32, #tpu.memory_space<vmem>> -> memref<128xi32, #tpu.memory_space<vmem>>
    %dma_start3A_17 = arith.constant 0 : i32
    %dma_start3A_18 = arith.constant 0 : i32
    %dma_start3A_19 = tpu.memref_slice %arg2[%dma_start3A_17, %dma_start3A_18] : memref<10240x128xf32, #tpu.memory_space<hbm>> -> memref<10240x128xf32, #tpu.memory_space<hbm>>
    tpu.enqueue_indirect_dma source(%dma_start3A_19 : memref<10240x128xf32, #tpu.memory_space<hbm>>) target(%arg14 : memref<128x128xf32, #tpu.memory_space<vmem>>) offsets(%dma_start3A_16 : memref<128xi32, #tpu.memory_space<vmem>>) semaphore(%arg16 : memref<!tpu.dma_semaphore, #tpu.memory_space<semaphore_mem>>)
    %jit3A_20 = arith.constant 2 : i32
    %div3A = arith.divsi %select_n3A_14, %jit3A_20 : i32
    %sign3A = arith.constant 0 : i32
    %sign3A_21 = arith.cmpi sgt, %select_n3A_14, %sign3A : i32
    %sign3A_22 = arith.extui %sign3A_21 : i1 to i32
    %sign3A_23 = arith.constant 0 : i32
    %sign3A_24 = arith.cmpi slt, %select_n3A_14, %sign3A_23 : i32
    %sign3A_25 = arith.extui %sign3A_24 : i1 to i32
    %sign3A_26 = arith.subi %sign3A_22, %sign3A_25 : i32
    %sign3A_27 = arith.constant 0 : i32
    %sign3A_28 = arith.cmpi sgt, %jit3A_20, %sign3A_27 : i32
    %sign3A_29 = arith.extui %sign3A_28 : i1 to i32
    %sign3A_30 = arith.constant 0 : i32
    %sign3A_31 = arith.cmpi slt, %jit3A_20, %sign3A_30 : i32
    %sign3A_32 = arith.extui %sign3A_31 : i1 to i32
    %sign3A_33 = arith.subi %sign3A_29, %sign3A_32 : i32
    %ne3A = arith.cmpi ne, %sign3A_26, %sign3A_33 : i32
    %rem3A = arith.remsi %select_n3A_14, %jit3A_20 : i32
    %ne3A_34 = arith.constant 0 : i32
    %ne3A_35 = arith.cmpi ne, %rem3A, %ne3A_34 : i32
    %and3A = arith.andi %ne3A, %ne3A_35 : i1
    %sub3A = arith.constant 1 : i32
    %sub3A_36 = arith.subi %div3A, %sub3A : i32
    %select_n3A_37 = arith.select %and3A, %sub3A_36, %div3A : i32
    %while3A = arith.constant 0 : i32
    %while3A_38 = arith.constant 0 : i32
    %while3A_39 = arith.subi %select_n3A_37, %while3A_38 : i32
    %while3A_40 = arith.addi %while3A_38, %while3A_39 : i32
    %while3A_41 = arith.constant 1 : i32
    %while3A_42 = arith.divsi %while3A_39, %while3A_41 : i32
    %while3A_43 = arith.muli %while3A_42, %while3A_41 : i32
    %while3A_44 = arith.addi %while3A_38, %while3A_43 : i32
    %while3A_45 = arith.constant 1 : i32
    scf.for %while3A_90 = %while3A_38 to %while3A_44 step %while3A_45  : i32 {
      %mul3A_91 = arith.constant 2 : i32
      %mul3A_92 = arith.muli %mul3A_91, %while3A_90 : i32
      %add3A_93 = arith.addi %select_n3A_9, %mul3A_92 : i32
      %add3A_94 = arith.constant 1 : i32
      %add3A_95 = arith.addi %add3A_93, %add3A_94 : i32
      %dma_wait3A = arith.constant 0 : i32
      %dma_wait3A_96 = arith.constant 0 : i32
      %dma_wait3A_97 = tpu.memref_slice %arg12[%dma_wait3A, %dma_wait3A_96] : memref<64x128xi32, #tpu.memory_space<vmem>> -> memref<1x128xi32, #tpu.memory_space<vmem>>
      %dma_wait3A_98 = tpu.memref_squeeze %dma_wait3A_97 : memref<1x128xi32, #tpu.memory_space<vmem>> -> memref<128xi32, #tpu.memory_space<vmem>>
      %dma_wait3A_99 = arith.constant 0 : i32
      %dma_wait3A_100 = arith.constant 0 : i32
      %dma_wait3A_101 = tpu.memref_slice %arg2[%dma_wait3A_99, %dma_wait3A_100] : memref<10240x128xf32, #tpu.memory_space<hbm>> -> memref<10240x128xf32, #tpu.memory_space<hbm>>
      tpu.wait_indirect_dma semaphore(%arg16 : memref<!tpu.dma_semaphore, #tpu.memory_space<semaphore_mem>>) src(%dma_wait3A_101 : memref<10240x128xf32, #tpu.memory_space<hbm>>) dst(%arg14 : memref<128x128xf32, #tpu.memory_space<vmem>>)
      %dma_start3A_102 = arith.constant 0 : i32
      %dma_start3A_103 = tpu.memref_slice %arg12[%add3A_95, %dma_start3A_102] : memref<64x128xi32, #tpu.memory_space<vmem>> -> memref<1x128xi32, #tpu.memory_space<vmem>>
      %dma_start3A_104 = tpu.memref_squeeze %dma_start3A_103 : memref<1x128xi32, #tpu.memory_space<vmem>> -> memref<128xi32, #tpu.memory_space<vmem>>
      %dma_start3A_105 = arith.constant 0 : i32
      %dma_start3A_106 = arith.constant 0 : i32
      %dma_start3A_107 = tpu.memref_slice %arg2[%dma_start3A_105, %dma_start3A_106] : memref<10240x128xf32, #tpu.memory_space<hbm>> -> memref<10240x128xf32, #tpu.memory_space<hbm>>
      tpu.enqueue_indirect_dma source(%dma_start3A_107 : memref<10240x128xf32, #tpu.memory_space<hbm>>) target(%arg15 : memref<128x128xf32, #tpu.memory_space<vmem>>) offsets(%dma_start3A_104 : memref<128xi32, #tpu.memory_space<vmem>>) semaphore(%arg16 : memref<!tpu.dma_semaphore, #tpu.memory_space<semaphore_mem>>)
      "tpu.region"() ({
        %run_scoped3A = tpu.sem_alloc : memref<!tpu.dma_semaphore, #tpu.memory_space<semaphore_mem>>
        %dma_start3A_142 = arith.constant 0 : i32
        %dma_start3A_143 = tpu.memref_slice %arg13[%add3A_93, %dma_start3A_142] : memref<64x128xi32, #tpu.memory_space<vmem>> -> memref<1x128xi32, #tpu.memory_space<vmem>>
        %dma_start3A_144 = tpu.memref_squeeze %dma_start3A_143 : memref<1x128xi32, #tpu.memory_space<vmem>> -> memref<128xi32, #tpu.memory_space<vmem>>
        %dma_start3A_145 = arith.constant 0 : i32
        %dma_start3A_146 = arith.constant 0 : i32
        %dma_start3A_147 = tpu.memref_slice %arg11[%dma_start3A_145, %dma_start3A_146] : memref<10240x128xf32, #tpu.memory_space<vmem_shared>> -> memref<10240x128xf32, #tpu.memory_space<vmem_shared>>
        tpu.enqueue_indirect_dma source(%arg14 : memref<128x128xf32, #tpu.memory_space<vmem>>) target(%dma_start3A_147 : memref<10240x128xf32, #tpu.memory_space<vmem_shared>>) offsets(%dma_start3A_144 : memref<128xi32, #tpu.memory_space<vmem>>) semaphore(%run_scoped3A : memref<!tpu.dma_semaphore, #tpu.memory_space<semaphore_mem>>) {add = true}
        %dma_wait3A_148 = arith.constant 0 : i32
        %dma_wait3A_149 = tpu.memref_slice %arg13[%add3A_93, %dma_wait3A_148] : memref<64x128xi32, #tpu.memory_space<vmem>> -> memref<1x128xi32, #tpu.memory_space<vmem>>
        %dma_wait3A_150 = tpu.memref_squeeze %dma_wait3A_149 : memref<1x128xi32, #tpu.memory_space<vmem>> -> memref<128xi32, #tpu.memory_space<vmem>>
        %dma_wait3A_151 = arith.constant 0 : i32
        %dma_wait3A_152 = arith.constant 0 : i32
        %dma_wait3A_153 = tpu.memref_slice %arg11[%dma_wait3A_151, %dma_wait3A_152] : memref<10240x128xf32, #tpu.memory_space<vmem_shared>> -> memref<10240x128xf32, #tpu.memory_space<vmem_shared>>
        tpu.wait_indirect_dma semaphore(%run_scoped3A : memref<!tpu.dma_semaphore, #tpu.memory_space<semaphore_mem>>) src(%arg14 : memref<128x128xf32, #tpu.memory_space<vmem>>) dst(%dma_wait3A_153 : memref<10240x128xf32, #tpu.memory_space<vmem_shared>>)
        tpu.yield
      }) : () -> ()
      %dma_wait3A_108 = arith.constant 0 : i32
      %dma_wait3A_109 = arith.constant 0 : i32
      %dma_wait3A_110 = tpu.memref_slice %arg12[%dma_wait3A_108, %dma_wait3A_109] : memref<64x128xi32, #tpu.memory_space<vmem>> -> memref<1x128xi32, #tpu.memory_space<vmem>>
      %dma_wait3A_111 = tpu.memref_squeeze %dma_wait3A_110 : memref<1x128xi32, #tpu.memory_space<vmem>> -> memref<128xi32, #tpu.memory_space<vmem>>
      %dma_wait3A_112 = arith.constant 0 : i32
      %dma_wait3A_113 = arith.constant 0 : i32
      %dma_wait3A_114 = tpu.memref_slice %arg2[%dma_wait3A_112, %dma_wait3A_113] : memref<10240x128xf32, #tpu.memory_space<hbm>> -> memref<10240x128xf32, #tpu.memory_space<hbm>>
      tpu.wait_indirect_dma semaphore(%arg16 : memref<!tpu.dma_semaphore, #tpu.memory_space<semaphore_mem>>) src(%dma_wait3A_114 : memref<10240x128xf32, #tpu.memory_space<hbm>>) dst(%arg15 : memref<128x128xf32, #tpu.memory_space<vmem>>)
      %jit3A_115 = arith.constant 2 : i32
      %div3A_116 = arith.divsi %select_n3A_14, %jit3A_115 : i32
      %sign3A_117 = arith.constant 0 : i32
      %sign3A_118 = arith.cmpi sgt, %select_n3A_14, %sign3A_117 : i32
      %sign3A_119 = arith.extui %sign3A_118 : i1 to i32
      %sign3A_120 = arith.constant 0 : i32
      %sign3A_121 = arith.cmpi slt, %select_n3A_14, %sign3A_120 : i32
      %sign3A_122 = arith.extui %sign3A_121 : i1 to i32
      %sign3A_123 = arith.subi %sign3A_119, %sign3A_122 : i32
      %sign3A_124 = arith.constant 0 : i32
      %sign3A_125 = arith.cmpi sgt, %jit3A_115, %sign3A_124 : i32
      %sign3A_126 = arith.extui %sign3A_125 : i1 to i32
      %sign3A_127 = arith.constant 0 : i32
      %sign3A_128 = arith.cmpi slt, %jit3A_115, %sign3A_127 : i32
      %sign3A_129 = arith.extui %sign3A_128 : i1 to i32
      %sign3A_130 = arith.subi %sign3A_126, %sign3A_129 : i32
      %ne3A_131 = arith.cmpi ne, %sign3A_123, %sign3A_130 : i32
      %rem3A_132 = arith.remsi %select_n3A_14, %jit3A_115 : i32
      %ne3A_133 = arith.constant 0 : i32
      %ne3A_134 = arith.cmpi ne, %rem3A_132, %ne3A_133 : i32
      %and3A_135 = arith.andi %ne3A_131, %ne3A_134 : i1
      %sub3A_136 = arith.constant 1 : i32
      %sub3A_137 = arith.subi %div3A_116, %sub3A_136 : i32
      %select_n3A_138 = arith.select %and3A_135, %sub3A_137, %div3A_116 : i32
      %sub3A_139 = arith.constant 1 : i32
      %sub3A_140 = arith.subi %select_n3A_138, %sub3A_139 : i32
      %lt3A = arith.cmpi slt, %while3A_90, %sub3A_140 : i32
      %convert_element_type3A = arith.extui %lt3A : i1 to i32
      %cond3A = arith.constant 0 : i32
      %cond3A_141 = arith.cmpi ne, %convert_element_type3A, %cond3A : i32
      scf.if %cond3A_141 {
        %add3A_142 = arith.constant 1 : i32
        %add3A_143 = arith.addi %add3A_95, %add3A_142 : i32
        %dma_start3A_144 = arith.constant 0 : i32
        %dma_start3A_145 = tpu.memref_slice %arg12[%add3A_143, %dma_start3A_144] : memref<64x128xi32, #tpu.memory_space<vmem>> -> memref<1x128xi32, #tpu.memory_space<vmem>>
        %dma_start3A_146 = tpu.memref_squeeze %dma_start3A_145 : memref<1x128xi32, #tpu.memory_space<vmem>> -> memref<128xi32, #tpu.memory_space<vmem>>
        %dma_start3A_147 = arith.constant 0 : i32
        %dma_start3A_148 = arith.constant 0 : i32
        %dma_start3A_149 = tpu.memref_slice %arg2[%dma_start3A_147, %dma_start3A_148] : memref<10240x128xf32, #tpu.memory_space<hbm>> -> memref<10240x128xf32, #tpu.memory_space<hbm>>
        tpu.enqueue_indirect_dma source(%dma_start3A_149 : memref<10240x128xf32, #tpu.memory_space<hbm>>) target(%arg14 : memref<128x128xf32, #tpu.memory_space<vmem>>) offsets(%dma_start3A_146 : memref<128xi32, #tpu.memory_space<vmem>>) semaphore(%arg16 : memref<!tpu.dma_semaphore, #tpu.memory_space<semaphore_mem>>)
      } else {
      }
      "tpu.region"() ({
        %run_scoped3A = tpu.sem_alloc : memref<!tpu.dma_semaphore, #tpu.memory_space<semaphore_mem>>
        %dma_start3A_142 = arith.constant 0 : i32
        %dma_start3A_143 = tpu.memref_slice %arg13[%add3A_95, %dma_start3A_142] : memref<64x128xi32, #tpu.memory_space<vmem>> -> memref<1x128xi32, #tpu.memory_space<vmem>>
        %dma_start3A_144 = tpu.memref_squeeze %dma_start3A_143 : memref<1x128xi32, #tpu.memory_space<vmem>> -> memref<128xi32, #tpu.memory_space<vmem>>
        %dma_start3A_145 = arith.constant 0 : i32
        %dma_start3A_146 = arith.constant 0 : i32
        %dma_start3A_147 = tpu.memref_slice %arg11[%dma_start3A_145, %dma_start3A_146] : memref<10240x128xf32, #tpu.memory_space<vmem_shared>> -> memref<10240x128xf32, #tpu.memory_space<vmem_shared>>
        tpu.enqueue_indirect_dma source(%arg15 : memref<128x128xf32, #tpu.memory_space<vmem>>) target(%dma_start3A_147 : memref<10240x128xf32, #tpu.memory_space<vmem_shared>>) offsets(%dma_start3A_144 : memref<128xi32, #tpu.memory_space<vmem>>) semaphore(%run_scoped3A : memref<!tpu.dma_semaphore, #tpu.memory_space<semaphore_mem>>) {add = true}
        %dma_wait3A_148 = arith.constant 0 : i32
        %dma_wait3A_149 = tpu.memref_slice %arg13[%add3A_95, %dma_wait3A_148] : memref<64x128xi32, #tpu.memory_space<vmem>> -> memref<1x128xi32, #tpu.memory_space<vmem>>
        %dma_wait3A_150 = tpu.memref_squeeze %dma_wait3A_149 : memref<1x128xi32, #tpu.memory_space<vmem>> -> memref<128xi32, #tpu.memory_space<vmem>>
        %dma_wait3A_151 = arith.constant 0 : i32
        %dma_wait3A_152 = arith.constant 0 : i32
        %dma_wait3A_153 = tpu.memref_slice %arg11[%dma_wait3A_151, %dma_wait3A_152] : memref<10240x128xf32, #tpu.memory_space<vmem_shared>> -> memref<10240x128xf32, #tpu.memory_space<vmem_shared>>
        tpu.wait_indirect_dma semaphore(%run_scoped3A : memref<!tpu.dma_semaphore, #tpu.memory_space<semaphore_mem>>) src(%arg15 : memref<128x128xf32, #tpu.memory_space<vmem>>) dst(%dma_wait3A_153 : memref<10240x128xf32, #tpu.memory_space<vmem_shared>>)
        tpu.yield
      }) : () -> ()
    }
    %while3A_46 = arith.constant 1 : i32
    scf.for %while3A_90 = %while3A_44 to %while3A_40 step %while3A_46  : i32 {
      %mul3A_91 = arith.constant 2 : i32
      %mul3A_92 = arith.muli %mul3A_91, %while3A_90 : i32
      %add3A_93 = arith.addi %select_n3A_9, %mul3A_92 : i32
      %add3A_94 = arith.constant 1 : i32
      %add3A_95 = arith.addi %add3A_93, %add3A_94 : i32
      %dma_wait3A = arith.constant 0 : i32
      %dma_wait3A_96 = arith.constant 0 : i32
      %dma_wait3A_97 = tpu.memref_slice %arg12[%dma_wait3A, %dma_wait3A_96] : memref<64x128xi32, #tpu.memory_space<vmem>> -> memref<1x128xi32, #tpu.memory_space<vmem>>
      %dma_wait3A_98 = tpu.memref_squeeze %dma_wait3A_97 : memref<1x128xi32, #tpu.memory_space<vmem>> -> memref<128xi32, #tpu.memory_space<vmem>>
      %dma_wait3A_99 = arith.constant 0 : i32
      %dma_wait3A_100 = arith.constant 0 : i32
      %dma_wait3A_101 = tpu.memref_slice %arg2[%dma_wait3A_99, %dma_wait3A_100] : memref<10240x128xf32, #tpu.memory_space<hbm>> -> memref<10240x128xf32, #tpu.memory_space<hbm>>
      tpu.wait_indirect_dma semaphore(%arg16 : memref<!tpu.dma_semaphore, #tpu.memory_space<semaphore_mem>>) src(%dma_wait3A_101 : memref<10240x128xf32, #tpu.memory_space<hbm>>) dst(%arg14 : memref<128x128xf32, #tpu.memory_space<vmem>>)
      %dma_start3A_102 = arith.constant 0 : i32
      %dma_start3A_103 = tpu.memref_slice %arg12[%add3A_95, %dma_start3A_102] : memref<64x128xi32, #tpu.memory_space<vmem>> -> memref<1x128xi32, #tpu.memory_space<vmem>>
      %dma_start3A_104 = tpu.memref_squeeze %dma_start3A_103 : memref<1x128xi32, #tpu.memory_space<vmem>> -> memref<128xi32, #tpu.memory_space<vmem>>
      %dma_start3A_105 = arith.constant 0 : i32
      %dma_start3A_106 = arith.constant 0 : i32
      %dma_start3A_107 = tpu.memref_slice %arg2[%dma_start3A_105, %dma_start3A_106] : memref<10240x128xf32, #tpu.memory_space<hbm>> -> memref<10240x128xf32, #tpu.memory_space<hbm>>
      tpu.enqueue_indirect_dma source(%dma_start3A_107 : memref<10240x128xf32, #tpu.memory_space<hbm>>) target(%arg15 : memref<128x128xf32, #tpu.memory_space<vmem>>) offsets(%dma_start3A_104 : memref<128xi32, #tpu.memory_space<vmem>>) semaphore(%arg16 : memref<!tpu.dma_semaphore, #tpu.memory_space<semaphore_mem>>)
      "tpu.region"() ({
        %run_scoped3A = tpu.sem_alloc : memref<!tpu.dma_semaphore, #tpu.memory_space<semaphore_mem>>
        %dma_start3A_142 = arith.constant 0 : i32
        %dma_start3A_143 = tpu.memref_slice %arg13[%add3A_93, %dma_start3A_142] : memref<64x128xi32, #tpu.memory_space<vmem>> -> memref<1x128xi32, #tpu.memory_space<vmem>>
        %dma_start3A_144 = tpu.memref_squeeze %dma_start3A_143 : memref<1x128xi32, #tpu.memory_space<vmem>> -> memref<128xi32, #tpu.memory_space<vmem>>
        %dma_start3A_145 = arith.constant 0 : i32
        %dma_start3A_146 = arith.constant 0 : i32
        %dma_start3A_147 = tpu.memref_slice %arg11[%dma_start3A_145, %dma_start3A_146] : memref<10240x128xf32, #tpu.memory_space<vmem_shared>> -> memref<10240x128xf32, #tpu.memory_space<vmem_shared>>
        tpu.enqueue_indirect_dma source(%arg14 : memref<128x128xf32, #tpu.memory_space<vmem>>) target(%dma_start3A_147 : memref<10240x128xf32, #tpu.memory_space<vmem_shared>>) offsets(%dma_start3A_144 : memref<128xi32, #tpu.memory_space<vmem>>) semaphore(%run_scoped3A : memref<!tpu.dma_semaphore, #tpu.memory_space<semaphore_mem>>) {add = true}
        %dma_wait3A_148 = arith.constant 0 : i32
        %dma_wait3A_149 = tpu.memref_slice %arg13[%add3A_93, %dma_wait3A_148] : memref<64x128xi32, #tpu.memory_space<vmem>> -> memref<1x128xi32, #tpu.memory_space<vmem>>
        %dma_wait3A_150 = tpu.memref_squeeze %dma_wait3A_149 : memref<1x128xi32, #tpu.memory_space<vmem>> -> memref<128xi32, #tpu.memory_space<vmem>>
        %dma_wait3A_151 = arith.constant 0 : i32
        %dma_wait3A_152 = arith.constant 0 : i32
        %dma_wait3A_153 = tpu.memref_slice %arg11[%dma_wait3A_151, %dma_wait3A_152] : memref<10240x128xf32, #tpu.memory_space<vmem_shared>> -> memref<10240x128xf32, #tpu.memory_space<vmem_shared>>
        tpu.wait_indirect_dma semaphore(%run_scoped3A : memref<!tpu.dma_semaphore, #tpu.memory_space<semaphore_mem>>) src(%arg14 : memref<128x128xf32, #tpu.memory_space<vmem>>) dst(%dma_wait3A_153 : memref<10240x128xf32, #tpu.memory_space<vmem_shared>>)
        tpu.yield
      }) : () -> ()
      %dma_wait3A_108 = arith.constant 0 : i32
      %dma_wait3A_109 = arith.constant 0 : i32
      %dma_wait3A_110 = tpu.memref_slice %arg12[%dma_wait3A_108, %dma_wait3A_109] : memref<64x128xi32, #tpu.memory_space<vmem>> -> memref<1x128xi32, #tpu.memory_space<vmem>>
      %dma_wait3A_111 = tpu.memref_squeeze %dma_wait3A_110 : memref<1x128xi32, #tpu.memory_space<vmem>> -> memref<128xi32, #tpu.memory_space<vmem>>
      %dma_wait3A_112 = arith.constant 0 : i32
      %dma_wait3A_113 = arith.constant 0 : i32
      %dma_wait3A_114 = tpu.memref_slice %arg2[%dma_wait3A_112, %dma_wait3A_113] : memref<10240x128xf32, #tpu.memory_space<hbm>> -> memref<10240x128xf32, #tpu.memory_space<hbm>>
      tpu.wait_indirect_dma semaphore(%arg16 : memref<!tpu.dma_semaphore, #tpu.memory_space<semaphore_mem>>) src(%dma_wait3A_114 : memref<10240x128xf32, #tpu.memory_space<hbm>>) dst(%arg15 : memref<128x128xf32, #tpu.memory_space<vmem>>)
      %jit3A_115 = arith.constant 2 : i32
      %div3A_116 = arith.divsi %select_n3A_14, %jit3A_115 : i32
      %sign3A_117 = arith.constant 0 : i32
      %sign3A_118 = arith.cmpi sgt, %select_n3A_14, %sign3A_117 : i32
      %sign3A_119 = arith.extui %sign3A_118 : i1 to i32
      %sign3A_120 = arith.constant 0 : i32
      %sign3A_121 = arith.cmpi slt, %select_n3A_14, %sign3A_120 : i32
      %sign3A_122 = arith.extui %sign3A_121 : i1 to i32
      %sign3A_123 = arith.subi %sign3A_119, %sign3A_122 : i32
      %sign3A_124 = arith.constant 0 : i32
      %sign3A_125 = arith.cmpi sgt, %jit3A_115, %sign3A_124 : i32
      %sign3A_126 = arith.extui %sign3A_125 : i1 to i32
      %sign3A_127 = arith.constant 0 : i32
      %sign3A_128 = arith.cmpi slt, %jit3A_115, %sign3A_127 : i32
      %sign3A_129 = arith.extui %sign3A_128 : i1 to i32
      %sign3A_130 = arith.subi %sign3A_126, %sign3A_129 : i32
      %ne3A_131 = arith.cmpi ne, %sign3A_123, %sign3A_130 : i32
      %rem3A_132 = arith.remsi %select_n3A_14, %jit3A_115 : i32
      %ne3A_133 = arith.constant 0 : i32
      %ne3A_134 = arith.cmpi ne, %rem3A_132, %ne3A_133 : i32
      %and3A_135 = arith.andi %ne3A_131, %ne3A_134 : i1
      %sub3A_136 = arith.constant 1 : i32
      %sub3A_137 = arith.subi %div3A_116, %sub3A_136 : i32
      %select_n3A_138 = arith.select %and3A_135, %sub3A_137, %div3A_116 : i32
      %sub3A_139 = arith.constant 1 : i32
      %sub3A_140 = arith.subi %select_n3A_138, %sub3A_139 : i32
      %lt3A = arith.cmpi slt, %while3A_90, %sub3A_140 : i32
      %convert_element_type3A = arith.extui %lt3A : i1 to i32
      %cond3A = arith.constant 0 : i32
      %cond3A_141 = arith.cmpi ne, %convert_element_type3A, %cond3A : i32
      scf.if %cond3A_141 {
        %add3A_142 = arith.constant 1 : i32
        %add3A_143 = arith.addi %add3A_95, %add3A_142 : i32
        %dma_start3A_144 = arith.constant 0 : i32
        %dma_start3A_145 = tpu.memref_slice %arg12[%add3A_143, %dma_start3A_144] : memref<64x128xi32, #tpu.memory_space<vmem>> -> memref<1x128xi32, #tpu.memory_space<vmem>>
        %dma_start3A_146 = tpu.memref_squeeze %dma_start3A_145 : memref<1x128xi32, #tpu.memory_space<vmem>> -> memref<128xi32, #tpu.memory_space<vmem>>
        %dma_start3A_147 = arith.constant 0 : i32
        %dma_start3A_148 = arith.constant 0 : i32
        %dma_start3A_149 = tpu.memref_slice %arg2[%dma_start3A_147, %dma_start3A_148] : memref<10240x128xf32, #tpu.memory_space<hbm>> -> memref<10240x128xf32, #tpu.memory_space<hbm>>
        tpu.enqueue_indirect_dma source(%dma_start3A_149 : memref<10240x128xf32, #tpu.memory_space<hbm>>) target(%arg14 : memref<128x128xf32, #tpu.memory_space<vmem>>) offsets(%dma_start3A_146 : memref<128xi32, #tpu.memory_space<vmem>>) semaphore(%arg16 : memref<!tpu.dma_semaphore, #tpu.memory_space<semaphore_mem>>)
      } else {
      }
      "tpu.region"() ({
        %run_scoped3A = tpu.sem_alloc : memref<!tpu.dma_semaphore, #tpu.memory_space<semaphore_mem>>
        %dma_start3A_142 = arith.constant 0 : i32
        %dma_start3A_143 = tpu.memref_slice %arg13[%add3A_95, %dma_start3A_142] : memref<64x128xi32, #tpu.memory_space<vmem>> -> memref<1x128xi32, #tpu.memory_space<vmem>>
        %dma_start3A_144 = tpu.memref_squeeze %dma_start3A_143 : memref<1x128xi32, #tpu.memory_space<vmem>> -> memref<128xi32, #tpu.memory_space<vmem>>
        %dma_start3A_145 = arith.constant 0 : i32
        %dma_start3A_146 = arith.constant 0 : i32
        %dma_start3A_147 = tpu.memref_slice %arg11[%dma_start3A_145, %dma_start3A_146] : memref<10240x128xf32, #tpu.memory_space<vmem_shared>> -> memref<10240x128xf32, #tpu.memory_space<vmem_shared>>
        tpu.enqueue_indirect_dma source(%arg15 : memref<128x128xf32, #tpu.memory_space<vmem>>) target(%dma_start3A_147 : memref<10240x128xf32, #tpu.memory_space<vmem_shared>>) offsets(%dma_start3A_144 : memref<128xi32, #tpu.memory_space<vmem>>) semaphore(%run_scoped3A : memref<!tpu.dma_semaphore, #tpu.memory_space<semaphore_mem>>) {add = true}
        %dma_wait3A_148 = arith.constant 0 : i32
        %dma_wait3A_149 = tpu.memref_slice %arg13[%add3A_95, %dma_wait3A_148] : memref<64x128xi32, #tpu.memory_space<vmem>> -> memref<1x128xi32, #tpu.memory_space<vmem>>
        %dma_wait3A_150 = tpu.memref_squeeze %dma_wait3A_149 : memref<1x128xi32, #tpu.memory_space<vmem>> -> memref<128xi32, #tpu.memory_space<vmem>>
        %dma_wait3A_151 = arith.constant 0 : i32
        %dma_wait3A_152 = arith.constant 0 : i32
        %dma_wait3A_153 = tpu.memref_slice %arg11[%dma_wait3A_151, %dma_wait3A_152] : memref<10240x128xf32, #tpu.memory_space<vmem_shared>> -> memref<10240x128xf32, #tpu.memory_space<vmem_shared>>
        tpu.wait_indirect_dma semaphore(%run_scoped3A : memref<!tpu.dma_semaphore, #tpu.memory_space<semaphore_mem>>) src(%arg15 : memref<128x128xf32, #tpu.memory_space<vmem>>) dst(%dma_wait3A_153 : memref<10240x128xf32, #tpu.memory_space<vmem_shared>>)
        tpu.yield
      }) : () -> ()
    }
    %barrier3A_47 = arith.constant 0 : index
    tpu.barrier barrier_id(%barrier3A_47)
    "tpu.region"() ({
      %run_scoped3A = tpu.sem_alloc : memref<!tpu.dma_semaphore, #tpu.memory_space<semaphore_mem>>
      %dma_start3A_90 = arith.constant 0 : i32
      %dma_start3A_91 = tpu.memref_slice %arg9[%arg0, %mul3A_0, %dma_start3A_90] : memref<2x10240x128xf32, #tpu.memory_space<hbm>> -> memref<1x640x128xf32, #tpu.memory_space<hbm>>
      %dma_start3A_92 = tpu.memref_squeeze %dma_start3A_91 : memref<1x640x128xf32, #tpu.memory_space<hbm>> -> memref<640x128xf32, #tpu.memory_space<hbm>>
      %dma_start3A_93 = arith.constant 0 : i32
      %dma_start3A_94 = tpu.memref_slice %arg11[%mul3A_0, %dma_start3A_93] : memref<10240x128xf32, #tpu.memory_space<vmem_shared>> -> memref<640x128xf32, #tpu.memory_space<vmem_shared>>
      tpu.enqueue_dma source(%dma_start3A_94 : memref<640x128xf32, #tpu.memory_space<vmem_shared>>) target(%dma_start3A_92 : memref<640x128xf32, #tpu.memory_space<hbm>>) target_semaphore(%run_scoped3A : memref<!tpu.dma_semaphore, #tpu.memory_space<semaphore_mem>>)
      %dma_wait3A = arith.constant 0 : i32
      %dma_wait3A_95 = tpu.memref_slice %arg9[%arg0, %mul3A_0, %dma_wait3A] : memref<2x10240x128xf32, #tpu.memory_space<hbm>> -> memref<1x640x128xf32, #tpu.memory_space<hbm>>
      %dma_wait3A_96 = tpu.memref_squeeze %dma_wait3A_95 : memref<1x640x128xf32, #tpu.memory_space<hbm>> -> memref<640x128xf32, #tpu.memory_space<hbm>>
      %dma_wait3A_97 = arith.constant 0 : i32
      %dma_wait3A_98 = tpu.memref_slice %arg11[%mul3A_0, %dma_wait3A_97] : memref<10240x128xf32, #tpu.memory_space<vmem_shared>> -> memref<640x128xf32, #tpu.memory_space<vmem_shared>>
      tpu.wait_dma2 semaphore(%run_scoped3A : memref<!tpu.dma_semaphore, #tpu.memory_space<semaphore_mem>>) src(%dma_wait3A_98 : memref<640x128xf32, #tpu.memory_space<vmem_shared>>) dst(%dma_wait3A_96 : memref<640x128xf32, #tpu.memory_space<hbm>>)
      tpu.yield
    }) : () -> ()
    "tpu.region"() ({
      %run_scoped3A = tpu.sem_alloc : memref<!tpu.dma_semaphore, #tpu.memory_space<semaphore_mem>>
      %dma_start3A_90 = arith.constant 0 : i32
      %dma_start3A_91 = tpu.memref_slice %arg11[%mul3A_0, %dma_start3A_90] : memref<10240x128xf32, #tpu.memory_space<vmem_shared>> -> memref<640x128xf32, #tpu.memory_space<vmem_shared>>
      tpu.enqueue_dma source(%arg8 : memref<640x128xf32, #tpu.memory_space<hbm>>) target(%dma_start3A_91 : memref<640x128xf32, #tpu.memory_space<vmem_shared>>) target_semaphore(%run_scoped3A : memref<!tpu.dma_semaphore, #tpu.memory_space<semaphore_mem>>)
      %dma_wait3A = arith.constant 0 : i32
      %dma_wait3A_92 = tpu.memref_slice %arg11[%mul3A_0, %dma_wait3A] : memref<10240x128xf32, #tpu.memory_space<vmem_shared>> -> memref<640x128xf32, #tpu.memory_space<vmem_shared>>
      tpu.wait_dma2 semaphore(%run_scoped3A : memref<!tpu.dma_semaphore, #tpu.memory_space<semaphore_mem>>) src(%arg8 : memref<640x128xf32, #tpu.memory_space<hbm>>) dst(%dma_wait3A_92 : memref<640x128xf32, #tpu.memory_space<vmem_shared>>)
      tpu.yield
    }) : () -> ()
    %barrier3A_48 = arith.constant 0 : index
    tpu.barrier barrier_id(%barrier3A_48)
    "tpu.region"() ({
      %run_scoped3A = tpu.sem_alloc : memref<!tpu.dma_semaphore, #tpu.memory_space<semaphore_mem>>
      %dma_start3A_90 = arith.constant 0 : i32
      %dma_start3A_91 = tpu.memref_slice %arg6[%add3A, %dma_start3A_90] : memref<1280x128xi32, #tpu.memory_space<hbm>> -> memref<64x128xi32, #tpu.memory_space<hbm>>
      %dma_start3A_92 = arith.constant 0 : i32
      %dma_start3A_93 = tpu.memref_slice %arg6[%add3A, %dma_start3A_92] : memref<1280x128xi32, #tpu.memory_space<hbm>> -> memref<64x128xi32, #tpu.memory_space<hbm>>
      tpu.enqueue_dma source(%dma_start3A_93 : memref<64x128xi32, #tpu.memory_space<hbm>>) target(%arg12 : memref<64x128xi32, #tpu.memory_space<vmem>>) target_semaphore(%run_scoped3A : memref<!tpu.dma_semaphore, #tpu.memory_space<semaphore_mem>>)
      %dma_wait3A = arith.constant 0 : i32
      %dma_wait3A_94 = tpu.memref_slice %arg6[%add3A, %dma_wait3A] : memref<1280x128xi32, #tpu.memory_space<hbm>> -> memref<64x128xi32, #tpu.memory_space<hbm>>
      %dma_wait3A_95 = arith.constant 0 : i32
      %dma_wait3A_96 = tpu.memref_slice %arg6[%add3A, %dma_wait3A_95] : memref<1280x128xi32, #tpu.memory_space<hbm>> -> memref<64x128xi32, #tpu.memory_space<hbm>>
      tpu.wait_dma2 semaphore(%run_scoped3A : memref<!tpu.dma_semaphore, #tpu.memory_space<semaphore_mem>>) src(%dma_wait3A_96 : memref<64x128xi32, #tpu.memory_space<hbm>>) dst(%arg12 : memref<64x128xi32, #tpu.memory_space<vmem>>)
      tpu.yield
    }) : () -> ()
    "tpu.region"() ({
      %run_scoped3A = tpu.sem_alloc : memref<!tpu.dma_semaphore, #tpu.memory_space<semaphore_mem>>
      %dma_start3A_90 = arith.constant 0 : i32
      %dma_start3A_91 = tpu.memref_slice %arg7[%add3A, %dma_start3A_90] : memref<1280x128xi32, #tpu.memory_space<hbm>> -> memref<64x128xi32, #tpu.memory_space<hbm>>
      %dma_start3A_92 = arith.constant 0 : i32
      %dma_start3A_93 = tpu.memref_slice %arg7[%add3A, %dma_start3A_92] : memref<1280x128xi32, #tpu.memory_space<hbm>> -> memref<64x128xi32, #tpu.memory_space<hbm>>
      tpu.enqueue_dma source(%dma_start3A_93 : memref<64x128xi32, #tpu.memory_space<hbm>>) target(%arg13 : memref<64x128xi32, #tpu.memory_space<vmem>>) target_semaphore(%run_scoped3A : memref<!tpu.dma_semaphore, #tpu.memory_space<semaphore_mem>>)
      %dma_wait3A = arith.constant 0 : i32
      %dma_wait3A_94 = tpu.memref_slice %arg7[%add3A, %dma_wait3A] : memref<1280x128xi32, #tpu.memory_space<hbm>> -> memref<64x128xi32, #tpu.memory_space<hbm>>
      %dma_wait3A_95 = arith.constant 0 : i32
      %dma_wait3A_96 = tpu.memref_slice %arg7[%add3A, %dma_wait3A_95] : memref<1280x128xi32, #tpu.memory_space<hbm>> -> memref<64x128xi32, #tpu.memory_space<hbm>>
      tpu.wait_dma2 semaphore(%run_scoped3A : memref<!tpu.dma_semaphore, #tpu.memory_space<semaphore_mem>>) src(%dma_wait3A_96 : memref<64x128xi32, #tpu.memory_space<hbm>>) dst(%arg13 : memref<64x128xi32, #tpu.memory_space<vmem>>)
      tpu.yield
    }) : () -> ()
    %dma_start3A_49 = arith.constant 0 : i32
    %dma_start3A_50 = tpu.memref_slice %arg12[%select_n3A_9, %dma_start3A_49] : memref<64x128xi32, #tpu.memory_space<vmem>> -> memref<1x128xi32, #tpu.memory_space<vmem>>
    %dma_start3A_51 = tpu.memref_squeeze %dma_start3A_50 : memref<1x128xi32, #tpu.memory_space<vmem>> -> memref<128xi32, #tpu.memory_space<vmem>>
    %dma_start3A_52 = arith.constant 0 : i32
    %dma_start3A_53 = arith.constant 0 : i32
    %dma_start3A_54 = tpu.memref_slice %arg3[%dma_start3A_52, %dma_start3A_53] : memref<10240x128xf32, #tpu.memory_space<hbm>> -> memref<10240x128xf32, #tpu.memory_space<hbm>>
    tpu.enqueue_indirect_dma source(%dma_start3A_54 : memref<10240x128xf32, #tpu.memory_space<hbm>>) target(%arg14 : memref<128x128xf32, #tpu.memory_space<vmem>>) offsets(%dma_start3A_51 : memref<128xi32, #tpu.memory_space<vmem>>) semaphore(%arg16 : memref<!tpu.dma_semaphore, #tpu.memory_space<semaphore_mem>>)
    %jit3A_55 = arith.constant 2 : i32
    %div3A_56 = arith.divsi %select_n3A_14, %jit3A_55 : i32
    %sign3A_57 = arith.constant 0 : i32
    %sign3A_58 = arith.cmpi sgt, %select_n3A_14, %sign3A_57 : i32
    %sign3A_59 = arith.extui %sign3A_58 : i1 to i32
    %sign3A_60 = arith.constant 0 : i32
    %sign3A_61 = arith.cmpi slt, %select_n3A_14, %sign3A_60 : i32
    %sign3A_62 = arith.extui %sign3A_61 : i1 to i32
    %sign3A_63 = arith.subi %sign3A_59, %sign3A_62 : i32
    %sign3A_64 = arith.constant 0 : i32
    %sign3A_65 = arith.cmpi sgt, %jit3A_55, %sign3A_64 : i32
    %sign3A_66 = arith.extui %sign3A_65 : i1 to i32
    %sign3A_67 = arith.constant 0 : i32
    %sign3A_68 = arith.cmpi slt, %jit3A_55, %sign3A_67 : i32
    %sign3A_69 = arith.extui %sign3A_68 : i1 to i32
    %sign3A_70 = arith.subi %sign3A_66, %sign3A_69 : i32
    %ne3A_71 = arith.cmpi ne, %sign3A_63, %sign3A_70 : i32
    %rem3A_72 = arith.remsi %select_n3A_14, %jit3A_55 : i32
    %ne3A_73 = arith.constant 0 : i32
    %ne3A_74 = arith.cmpi ne, %rem3A_72, %ne3A_73 : i32
    %and3A_75 = arith.andi %ne3A_71, %ne3A_74 : i1
    %sub3A_76 = arith.constant 1 : i32
    %sub3A_77 = arith.subi %div3A_56, %sub3A_76 : i32
    %select_n3A_78 = arith.select %and3A_75, %sub3A_77, %div3A_56 : i32
    %while3A_79 = arith.constant 0 : i32
    %while3A_80 = arith.constant 0 : i32
    %while3A_81 = arith.subi %select_n3A_78, %while3A_80 : i32
    %while3A_82 = arith.addi %while3A_80, %while3A_81 : i32
    %while3A_83 = arith.constant 1 : i32
    %while3A_84 = arith.divsi %while3A_81, %while3A_83 : i32
    %while3A_85 = arith.muli %while3A_84, %while3A_83 : i32
    %while3A_86 = arith.addi %while3A_80, %while3A_85 : i32
    %while3A_87 = arith.constant 1 : i32
    scf.for %while3A_90 = %while3A_80 to %while3A_86 step %while3A_87  : i32 {
      %mul3A_91 = arith.constant 2 : i32
      %mul3A_92 = arith.muli %mul3A_91, %while3A_90 : i32
      %add3A_93 = arith.addi %select_n3A_9, %mul3A_92 : i32
      %add3A_94 = arith.constant 1 : i32
      %add3A_95 = arith.addi %add3A_93, %add3A_94 : i32
      %dma_wait3A = arith.constant 0 : i32
      %dma_wait3A_96 = arith.constant 0 : i32
      %dma_wait3A_97 = tpu.memref_slice %arg12[%dma_wait3A, %dma_wait3A_96] : memref<64x128xi32, #tpu.memory_space<vmem>> -> memref<1x128xi32, #tpu.memory_space<vmem>>
      %dma_wait3A_98 = tpu.memref_squeeze %dma_wait3A_97 : memref<1x128xi32, #tpu.memory_space<vmem>> -> memref<128xi32, #tpu.memory_space<vmem>>
      %dma_wait3A_99 = arith.constant 0 : i32
      %dma_wait3A_100 = arith.constant 0 : i32
      %dma_wait3A_101 = tpu.memref_slice %arg3[%dma_wait3A_99, %dma_wait3A_100] : memref<10240x128xf32, #tpu.memory_space<hbm>> -> memref<10240x128xf32, #tpu.memory_space<hbm>>
      tpu.wait_indirect_dma semaphore(%arg16 : memref<!tpu.dma_semaphore, #tpu.memory_space<semaphore_mem>>) src(%dma_wait3A_101 : memref<10240x128xf32, #tpu.memory_space<hbm>>) dst(%arg14 : memref<128x128xf32, #tpu.memory_space<vmem>>)
      %dma_start3A_102 = arith.constant 0 : i32
      %dma_start3A_103 = tpu.memref_slice %arg12[%add3A_95, %dma_start3A_102] : memref<64x128xi32, #tpu.memory_space<vmem>> -> memref<1x128xi32, #tpu.memory_space<vmem>>
      %dma_start3A_104 = tpu.memref_squeeze %dma_start3A_103 : memref<1x128xi32, #tpu.memory_space<vmem>> -> memref<128xi32, #tpu.memory_space<vmem>>
      %dma_start3A_105 = arith.constant 0 : i32
      %dma_start3A_106 = arith.constant 0 : i32
      %dma_start3A_107 = tpu.memref_slice %arg3[%dma_start3A_105, %dma_start3A_106] : memref<10240x128xf32, #tpu.memory_space<hbm>> -> memref<10240x128xf32, #tpu.memory_space<hbm>>
      tpu.enqueue_indirect_dma source(%dma_start3A_107 : memref<10240x128xf32, #tpu.memory_space<hbm>>) target(%arg15 : memref<128x128xf32, #tpu.memory_space<vmem>>) offsets(%dma_start3A_104 : memref<128xi32, #tpu.memory_space<vmem>>) semaphore(%arg16 : memref<!tpu.dma_semaphore, #tpu.memory_space<semaphore_mem>>)
      "tpu.region"() ({
        %run_scoped3A = tpu.sem_alloc : memref<!tpu.dma_semaphore, #tpu.memory_space<semaphore_mem>>
        %dma_start3A_142 = arith.constant 0 : i32
        %dma_start3A_143 = tpu.memref_slice %arg13[%add3A_93, %dma_start3A_142] : memref<64x128xi32, #tpu.memory_space<vmem>> -> memref<1x128xi32, #tpu.memory_space<vmem>>
        %dma_start3A_144 = tpu.memref_squeeze %dma_start3A_143 : memref<1x128xi32, #tpu.memory_space<vmem>> -> memref<128xi32, #tpu.memory_space<vmem>>
        %dma_start3A_145 = arith.constant 0 : i32
        %dma_start3A_146 = arith.constant 0 : i32
        %dma_start3A_147 = tpu.memref_slice %arg11[%dma_start3A_145, %dma_start3A_146] : memref<10240x128xf32, #tpu.memory_space<vmem_shared>> -> memref<10240x128xf32, #tpu.memory_space<vmem_shared>>
        tpu.enqueue_indirect_dma source(%arg14 : memref<128x128xf32, #tpu.memory_space<vmem>>) target(%dma_start3A_147 : memref<10240x128xf32, #tpu.memory_space<vmem_shared>>) offsets(%dma_start3A_144 : memref<128xi32, #tpu.memory_space<vmem>>) semaphore(%run_scoped3A : memref<!tpu.dma_semaphore, #tpu.memory_space<semaphore_mem>>) {add = true}
        %dma_wait3A_148 = arith.constant 0 : i32
        %dma_wait3A_149 = tpu.memref_slice %arg13[%add3A_93, %dma_wait3A_148] : memref<64x128xi32, #tpu.memory_space<vmem>> -> memref<1x128xi32, #tpu.memory_space<vmem>>
        %dma_wait3A_150 = tpu.memref_squeeze %dma_wait3A_149 : memref<1x128xi32, #tpu.memory_space<vmem>> -> memref<128xi32, #tpu.memory_space<vmem>>
        %dma_wait3A_151 = arith.constant 0 : i32
        %dma_wait3A_152 = arith.constant 0 : i32
        %dma_wait3A_153 = tpu.memref_slice %arg11[%dma_wait3A_151, %dma_wait3A_152] : memref<10240x128xf32, #tpu.memory_space<vmem_shared>> -> memref<10240x128xf32, #tpu.memory_space<vmem_shared>>
        tpu.wait_indirect_dma semaphore(%run_scoped3A : memref<!tpu.dma_semaphore, #tpu.memory_space<semaphore_mem>>) src(%arg14 : memref<128x128xf32, #tpu.memory_space<vmem>>) dst(%dma_wait3A_153 : memref<10240x128xf32, #tpu.memory_space<vmem_shared>>)
        tpu.yield
      }) : () -> ()
      %dma_wait3A_108 = arith.constant 0 : i32
      %dma_wait3A_109 = arith.constant 0 : i32
      %dma_wait3A_110 = tpu.memref_slice %arg12[%dma_wait3A_108, %dma_wait3A_109] : memref<64x128xi32, #tpu.memory_space<vmem>> -> memref<1x128xi32, #tpu.memory_space<vmem>>
      %dma_wait3A_111 = tpu.memref_squeeze %dma_wait3A_110 : memref<1x128xi32, #tpu.memory_space<vmem>> -> memref<128xi32, #tpu.memory_space<vmem>>
      %dma_wait3A_112 = arith.constant 0 : i32
      %dma_wait3A_113 = arith.constant 0 : i32
      %dma_wait3A_114 = tpu.memref_slice %arg3[%dma_wait3A_112, %dma_wait3A_113] : memref<10240x128xf32, #tpu.memory_space<hbm>> -> memref<10240x128xf32, #tpu.memory_space<hbm>>
      tpu.wait_indirect_dma semaphore(%arg16 : memref<!tpu.dma_semaphore, #tpu.memory_space<semaphore_mem>>) src(%dma_wait3A_114 : memref<10240x128xf32, #tpu.memory_space<hbm>>) dst(%arg15 : memref<128x128xf32, #tpu.memory_space<vmem>>)
      %jit3A_115 = arith.constant 2 : i32
      %div3A_116 = arith.divsi %select_n3A_14, %jit3A_115 : i32
      %sign3A_117 = arith.constant 0 : i32
      %sign3A_118 = arith.cmpi sgt, %select_n3A_14, %sign3A_117 : i32
      %sign3A_119 = arith.extui %sign3A_118 : i1 to i32
      %sign3A_120 = arith.constant 0 : i32
      %sign3A_121 = arith.cmpi slt, %select_n3A_14, %sign3A_120 : i32
      %sign3A_122 = arith.extui %sign3A_121 : i1 to i32
      %sign3A_123 = arith.subi %sign3A_119, %sign3A_122 : i32
      %sign3A_124 = arith.constant 0 : i32
      %sign3A_125 = arith.cmpi sgt, %jit3A_115, %sign3A_124 : i32
      %sign3A_126 = arith.extui %sign3A_125 : i1 to i32
      %sign3A_127 = arith.constant 0 : i32
      %sign3A_128 = arith.cmpi slt, %jit3A_115, %sign3A_127 : i32
      %sign3A_129 = arith.extui %sign3A_128 : i1 to i32
      %sign3A_130 = arith.subi %sign3A_126, %sign3A_129 : i32
      %ne3A_131 = arith.cmpi ne, %sign3A_123, %sign3A_130 : i32
      %rem3A_132 = arith.remsi %select_n3A_14, %jit3A_115 : i32
      %ne3A_133 = arith.constant 0 : i32
      %ne3A_134 = arith.cmpi ne, %rem3A_132, %ne3A_133 : i32
      %and3A_135 = arith.andi %ne3A_131, %ne3A_134 : i1
      %sub3A_136 = arith.constant 1 : i32
      %sub3A_137 = arith.subi %div3A_116, %sub3A_136 : i32
      %select_n3A_138 = arith.select %and3A_135, %sub3A_137, %div3A_116 : i32
      %sub3A_139 = arith.constant 1 : i32
      %sub3A_140 = arith.subi %select_n3A_138, %sub3A_139 : i32
      %lt3A = arith.cmpi slt, %while3A_90, %sub3A_140 : i32
      %convert_element_type3A = arith.extui %lt3A : i1 to i32
      %cond3A = arith.constant 0 : i32
      %cond3A_141 = arith.cmpi ne, %convert_element_type3A, %cond3A : i32
      scf.if %cond3A_141 {
        %add3A_142 = arith.constant 1 : i32
        %add3A_143 = arith.addi %add3A_95, %add3A_142 : i32
        %dma_start3A_144 = arith.constant 0 : i32
        %dma_start3A_145 = tpu.memref_slice %arg12[%add3A_143, %dma_start3A_144] : memref<64x128xi32, #tpu.memory_space<vmem>> -> memref<1x128xi32, #tpu.memory_space<vmem>>
        %dma_start3A_146 = tpu.memref_squeeze %dma_start3A_145 : memref<1x128xi32, #tpu.memory_space<vmem>> -> memref<128xi32, #tpu.memory_space<vmem>>
        %dma_start3A_147 = arith.constant 0 : i32
        %dma_start3A_148 = arith.constant 0 : i32
        %dma_start3A_149 = tpu.memref_slice %arg3[%dma_start3A_147, %dma_start3A_148] : memref<10240x128xf32, #tpu.memory_space<hbm>> -> memref<10240x128xf32, #tpu.memory_space<hbm>>
        tpu.enqueue_indirect_dma source(%dma_start3A_149 : memref<10240x128xf32, #tpu.memory_space<hbm>>) target(%arg14 : memref<128x128xf32, #tpu.memory_space<vmem>>) offsets(%dma_start3A_146 : memref<128xi32, #tpu.memory_space<vmem>>) semaphore(%arg16 : memref<!tpu.dma_semaphore, #tpu.memory_space<semaphore_mem>>)
      } else {
      }
      "tpu.region"() ({
        %run_scoped3A = tpu.sem_alloc : memref<!tpu.dma_semaphore, #tpu.memory_space<semaphore_mem>>
        %dma_start3A_142 = arith.constant 0 : i32
        %dma_start3A_143 = tpu.memref_slice %arg13[%add3A_95, %dma_start3A_142] : memref<64x128xi32, #tpu.memory_space<vmem>> -> memref<1x128xi32, #tpu.memory_space<vmem>>
        %dma_start3A_144 = tpu.memref_squeeze %dma_start3A_143 : memref<1x128xi32, #tpu.memory_space<vmem>> -> memref<128xi32, #tpu.memory_space<vmem>>
        %dma_start3A_145 = arith.constant 0 : i32
        %dma_start3A_146 = arith.constant 0 : i32
        %dma_start3A_147 = tpu.memref_slice %arg11[%dma_start3A_145, %dma_start3A_146] : memref<10240x128xf32, #tpu.memory_space<vmem_shared>> -> memref<10240x128xf32, #tpu.memory_space<vmem_shared>>
        tpu.enqueue_indirect_dma source(%arg15 : memref<128x128xf32, #tpu.memory_space<vmem>>) target(%dma_start3A_147 : memref<10240x128xf32, #tpu.memory_space<vmem_shared>>) offsets(%dma_start3A_144 : memref<128xi32, #tpu.memory_space<vmem>>) semaphore(%run_scoped3A : memref<!tpu.dma_semaphore, #tpu.memory_space<semaphore_mem>>) {add = true}
        %dma_wait3A_148 = arith.constant 0 : i32
        %dma_wait3A_149 = tpu.memref_slice %arg13[%add3A_95, %dma_wait3A_148] : memref<64x128xi32, #tpu.memory_space<vmem>> -> memref<1x128xi32, #tpu.memory_space<vmem>>
        %dma_wait3A_150 = tpu.memref_squeeze %dma_wait3A_149 : memref<1x128xi32, #tpu.memory_space<vmem>> -> memref<128xi32, #tpu.memory_space<vmem>>
        %dma_wait3A_151 = arith.constant 0 : i32
        %dma_wait3A_152 = arith.constant 0 : i32
        %dma_wait3A_153 = tpu.memref_slice %arg11[%dma_wait3A_151, %dma_wait3A_152] : memref<10240x128xf32, #tpu.memory_space<vmem_shared>> -> memref<10240x128xf32, #tpu.memory_space<vmem_shared>>
        tpu.wait_indirect_dma semaphore(%run_scoped3A : memref<!tpu.dma_semaphore, #tpu.memory_space<semaphore_mem>>) src(%arg15 : memref<128x128xf32, #tpu.memory_space<vmem>>) dst(%dma_wait3A_153 : memref<10240x128xf32, #tpu.memory_space<vmem_shared>>)
        tpu.yield
      }) : () -> ()
    }
    %while3A_88 = arith.constant 1 : i32
    scf.for %while3A_90 = %while3A_86 to %while3A_82 step %while3A_88  : i32 {
      %mul3A_91 = arith.constant 2 : i32
      %mul3A_92 = arith.muli %mul3A_91, %while3A_90 : i32
      %add3A_93 = arith.addi %select_n3A_9, %mul3A_92 : i32
      %add3A_94 = arith.constant 1 : i32
      %add3A_95 = arith.addi %add3A_93, %add3A_94 : i32
      %dma_wait3A = arith.constant 0 : i32
      %dma_wait3A_96 = arith.constant 0 : i32
      %dma_wait3A_97 = tpu.memref_slice %arg12[%dma_wait3A, %dma_wait3A_96] : memref<64x128xi32, #tpu.memory_space<vmem>> -> memref<1x128xi32, #tpu.memory_space<vmem>>
      %dma_wait3A_98 = tpu.memref_squeeze %dma_wait3A_97 : memref<1x128xi32, #tpu.memory_space<vmem>> -> memref<128xi32, #tpu.memory_space<vmem>>
      %dma_wait3A_99 = arith.constant 0 : i32
      %dma_wait3A_100 = arith.constant 0 : i32
      %dma_wait3A_101 = tpu.memref_slice %arg3[%dma_wait3A_99, %dma_wait3A_100] : memref<10240x128xf32, #tpu.memory_space<hbm>> -> memref<10240x128xf32, #tpu.memory_space<hbm>>
      tpu.wait_indirect_dma semaphore(%arg16 : memref<!tpu.dma_semaphore, #tpu.memory_space<semaphore_mem>>) src(%dma_wait3A_101 : memref<10240x128xf32, #tpu.memory_space<hbm>>) dst(%arg14 : memref<128x128xf32, #tpu.memory_space<vmem>>)
      %dma_start3A_102 = arith.constant 0 : i32
      %dma_start3A_103 = tpu.memref_slice %arg12[%add3A_95, %dma_start3A_102] : memref<64x128xi32, #tpu.memory_space<vmem>> -> memref<1x128xi32, #tpu.memory_space<vmem>>
      %dma_start3A_104 = tpu.memref_squeeze %dma_start3A_103 : memref<1x128xi32, #tpu.memory_space<vmem>> -> memref<128xi32, #tpu.memory_space<vmem>>
      %dma_start3A_105 = arith.constant 0 : i32
      %dma_start3A_106 = arith.constant 0 : i32
      %dma_start3A_107 = tpu.memref_slice %arg3[%dma_start3A_105, %dma_start3A_106] : memref<10240x128xf32, #tpu.memory_space<hbm>> -> memref<10240x128xf32, #tpu.memory_space<hbm>>
      tpu.enqueue_indirect_dma source(%dma_start3A_107 : memref<10240x128xf32, #tpu.memory_space<hbm>>) target(%arg15 : memref<128x128xf32, #tpu.memory_space<vmem>>) offsets(%dma_start3A_104 : memref<128xi32, #tpu.memory_space<vmem>>) semaphore(%arg16 : memref<!tpu.dma_semaphore, #tpu.memory_space<semaphore_mem>>)
      "tpu.region"() ({
        %run_scoped3A = tpu.sem_alloc : memref<!tpu.dma_semaphore, #tpu.memory_space<semaphore_mem>>
        %dma_start3A_142 = arith.constant 0 : i32
        %dma_start3A_143 = tpu.memref_slice %arg13[%add3A_93, %dma_start3A_142] : memref<64x128xi32, #tpu.memory_space<vmem>> -> memref<1x128xi32, #tpu.memory_space<vmem>>
        %dma_start3A_144 = tpu.memref_squeeze %dma_start3A_143 : memref<1x128xi32, #tpu.memory_space<vmem>> -> memref<128xi32, #tpu.memory_space<vmem>>
        %dma_start3A_145 = arith.constant 0 : i32
        %dma_start3A_146 = arith.constant 0 : i32
        %dma_start3A_147 = tpu.memref_slice %arg11[%dma_start3A_145, %dma_start3A_146] : memref<10240x128xf32, #tpu.memory_space<vmem_shared>> -> memref<10240x128xf32, #tpu.memory_space<vmem_shared>>
        tpu.enqueue_indirect_dma source(%arg14 : memref<128x128xf32, #tpu.memory_space<vmem>>) target(%dma_start3A_147 : memref<10240x128xf32, #tpu.memory_space<vmem_shared>>) offsets(%dma_start3A_144 : memref<128xi32, #tpu.memory_space<vmem>>) semaphore(%run_scoped3A : memref<!tpu.dma_semaphore, #tpu.memory_space<semaphore_mem>>) {add = true}
        %dma_wait3A_148 = arith.constant 0 : i32
        %dma_wait3A_149 = tpu.memref_slice %arg13[%add3A_93, %dma_wait3A_148] : memref<64x128xi32, #tpu.memory_space<vmem>> -> memref<1x128xi32, #tpu.memory_space<vmem>>
        %dma_wait3A_150 = tpu.memref_squeeze %dma_wait3A_149 : memref<1x128xi32, #tpu.memory_space<vmem>> -> memref<128xi32, #tpu.memory_space<vmem>>
        %dma_wait3A_151 = arith.constant 0 : i32
        %dma_wait3A_152 = arith.constant 0 : i32
        %dma_wait3A_153 = tpu.memref_slice %arg11[%dma_wait3A_151, %dma_wait3A_152] : memref<10240x128xf32, #tpu.memory_space<vmem_shared>> -> memref<10240x128xf32, #tpu.memory_space<vmem_shared>>
        tpu.wait_indirect_dma semaphore(%run_scoped3A : memref<!tpu.dma_semaphore, #tpu.memory_space<semaphore_mem>>) src(%arg14 : memref<128x128xf32, #tpu.memory_space<vmem>>) dst(%dma_wait3A_153 : memref<10240x128xf32, #tpu.memory_space<vmem_shared>>)
        tpu.yield
      }) : () -> ()
      %dma_wait3A_108 = arith.constant 0 : i32
      %dma_wait3A_109 = arith.constant 0 : i32
      %dma_wait3A_110 = tpu.memref_slice %arg12[%dma_wait3A_108, %dma_wait3A_109] : memref<64x128xi32, #tpu.memory_space<vmem>> -> memref<1x128xi32, #tpu.memory_space<vmem>>
      %dma_wait3A_111 = tpu.memref_squeeze %dma_wait3A_110 : memref<1x128xi32, #tpu.memory_space<vmem>> -> memref<128xi32, #tpu.memory_space<vmem>>
      %dma_wait3A_112 = arith.constant 0 : i32
      %dma_wait3A_113 = arith.constant 0 : i32
      %dma_wait3A_114 = tpu.memref_slice %arg3[%dma_wait3A_112, %dma_wait3A_113] : memref<10240x128xf32, #tpu.memory_space<hbm>> -> memref<10240x128xf32, #tpu.memory_space<hbm>>
      tpu.wait_indirect_dma semaphore(%arg16 : memref<!tpu.dma_semaphore, #tpu.memory_space<semaphore_mem>>) src(%dma_wait3A_114 : memref<10240x128xf32, #tpu.memory_space<hbm>>) dst(%arg15 : memref<128x128xf32, #tpu.memory_space<vmem>>)
      %jit3A_115 = arith.constant 2 : i32
      %div3A_116 = arith.divsi %select_n3A_14, %jit3A_115 : i32
      %sign3A_117 = arith.constant 0 : i32
      %sign3A_118 = arith.cmpi sgt, %select_n3A_14, %sign3A_117 : i32
      %sign3A_119 = arith.extui %sign3A_118 : i1 to i32
      %sign3A_120 = arith.constant 0 : i32
      %sign3A_121 = arith.cmpi slt, %select_n3A_14, %sign3A_120 : i32
      %sign3A_122 = arith.extui %sign3A_121 : i1 to i32
      %sign3A_123 = arith.subi %sign3A_119, %sign3A_122 : i32
      %sign3A_124 = arith.constant 0 : i32
      %sign3A_125 = arith.cmpi sgt, %jit3A_115, %sign3A_124 : i32
      %sign3A_126 = arith.extui %sign3A_125 : i1 to i32
      %sign3A_127 = arith.constant 0 : i32
      %sign3A_128 = arith.cmpi slt, %jit3A_115, %sign3A_127 : i32
      %sign3A_129 = arith.extui %sign3A_128 : i1 to i32
      %sign3A_130 = arith.subi %sign3A_126, %sign3A_129 : i32
      %ne3A_131 = arith.cmpi ne, %sign3A_123, %sign3A_130 : i32
      %rem3A_132 = arith.remsi %select_n3A_14, %jit3A_115 : i32
      %ne3A_133 = arith.constant 0 : i32
      %ne3A_134 = arith.cmpi ne, %rem3A_132, %ne3A_133 : i32
      %and3A_135 = arith.andi %ne3A_131, %ne3A_134 : i1
      %sub3A_136 = arith.constant 1 : i32
      %sub3A_137 = arith.subi %div3A_116, %sub3A_136 : i32
      %select_n3A_138 = arith.select %and3A_135, %sub3A_137, %div3A_116 : i32
      %sub3A_139 = arith.constant 1 : i32
      %sub3A_140 = arith.subi %select_n3A_138, %sub3A_139 : i32
      %lt3A = arith.cmpi slt, %while3A_90, %sub3A_140 : i32
      %convert_element_type3A = arith.extui %lt3A : i1 to i32
      %cond3A = arith.constant 0 : i32
      %cond3A_141 = arith.cmpi ne, %convert_element_type3A, %cond3A : i32
      scf.if %cond3A_141 {
        %add3A_142 = arith.constant 1 : i32
        %add3A_143 = arith.addi %add3A_95, %add3A_142 : i32
        %dma_start3A_144 = arith.constant 0 : i32
        %dma_start3A_145 = tpu.memref_slice %arg12[%add3A_143, %dma_start3A_144] : memref<64x128xi32, #tpu.memory_space<vmem>> -> memref<1x128xi32, #tpu.memory_space<vmem>>
        %dma_start3A_146 = tpu.memref_squeeze %dma_start3A_145 : memref<1x128xi32, #tpu.memory_space<vmem>> -> memref<128xi32, #tpu.memory_space<vmem>>
        %dma_start3A_147 = arith.constant 0 : i32
        %dma_start3A_148 = arith.constant 0 : i32
        %dma_start3A_149 = tpu.memref_slice %arg3[%dma_start3A_147, %dma_start3A_148] : memref<10240x128xf32, #tpu.memory_space<hbm>> -> memref<10240x128xf32, #tpu.memory_space<hbm>>
        tpu.enqueue_indirect_dma source(%dma_start3A_149 : memref<10240x128xf32, #tpu.memory_space<hbm>>) target(%arg14 : memref<128x128xf32, #tpu.memory_space<vmem>>) offsets(%dma_start3A_146 : memref<128xi32, #tpu.memory_space<vmem>>) semaphore(%arg16 : memref<!tpu.dma_semaphore, #tpu.memory_space<semaphore_mem>>)
      } else {
      }
      "tpu.region"() ({
        %run_scoped3A = tpu.sem_alloc : memref<!tpu.dma_semaphore, #tpu.memory_space<semaphore_mem>>
        %dma_start3A_142 = arith.constant 0 : i32
        %dma_start3A_143 = tpu.memref_slice %arg13[%add3A_95, %dma_start3A_142] : memref<64x128xi32, #tpu.memory_space<vmem>> -> memref<1x128xi32, #tpu.memory_space<vmem>>
        %dma_start3A_144 = tpu.memref_squeeze %dma_start3A_143 : memref<1x128xi32, #tpu.memory_space<vmem>> -> memref<128xi32, #tpu.memory_space<vmem>>
        %dma_start3A_145 = arith.constant 0 : i32
        %dma_start3A_146 = arith.constant 0 : i32
        %dma_start3A_147 = tpu.memref_slice %arg11[%dma_start3A_145, %dma_start3A_146] : memref<10240x128xf32, #tpu.memory_space<vmem_shared>> -> memref<10240x128xf32, #tpu.memory_space<vmem_shared>>
        tpu.enqueue_indirect_dma source(%arg15 : memref<128x128xf32, #tpu.memory_space<vmem>>) target(%dma_start3A_147 : memref<10240x128xf32, #tpu.memory_space<vmem_shared>>) offsets(%dma_start3A_144 : memref<128xi32, #tpu.memory_space<vmem>>) semaphore(%run_scoped3A : memref<!tpu.dma_semaphore, #tpu.memory_space<semaphore_mem>>) {add = true}
        %dma_wait3A_148 = arith.constant 0 : i32
        %dma_wait3A_149 = tpu.memref_slice %arg13[%add3A_95, %dma_wait3A_148] : memref<64x128xi32, #tpu.memory_space<vmem>> -> memref<1x128xi32, #tpu.memory_space<vmem>>
        %dma_wait3A_150 = tpu.memref_squeeze %dma_wait3A_149 : memref<1x128xi32, #tpu.memory_space<vmem>> -> memref<128xi32, #tpu.memory_space<vmem>>
        %dma_wait3A_151 = arith.constant 0 : i32
        %dma_wait3A_152 = arith.constant 0 : i32
        %dma_wait3A_153 = tpu.memref_slice %arg11[%dma_wait3A_151, %dma_wait3A_152] : memref<10240x128xf32, #tpu.memory_space<vmem_shared>> -> memref<10240x128xf32, #tpu.memory_space<vmem_shared>>
        tpu.wait_indirect_dma semaphore(%run_scoped3A : memref<!tpu.dma_semaphore, #tpu.memory_space<semaphore_mem>>) src(%arg15 : memref<128x128xf32, #tpu.memory_space<vmem>>) dst(%dma_wait3A_153 : memref<10240x128xf32, #tpu.memory_space<vmem_shared>>)
        tpu.yield
      }) : () -> ()
    }
    %barrier3A_89 = arith.constant 0 : index
    tpu.barrier barrier_id(%barrier3A_89)
    "tpu.region"() ({
      %run_scoped3A = tpu.sem_alloc : memref<!tpu.dma_semaphore, #tpu.memory_space<semaphore_mem>>
      %dma_start3A_90 = arith.constant 0 : i32
      %dma_start3A_91 = tpu.memref_slice %arg10[%arg0, %mul3A_0, %dma_start3A_90] : memref<2x10240x128xf32, #tpu.memory_space<hbm>> -> memref<1x640x128xf32, #tpu.memory_space<hbm>>
      %dma_start3A_92 = tpu.memref_squeeze %dma_start3A_91 : memref<1x640x128xf32, #tpu.memory_space<hbm>> -> memref<640x128xf32, #tpu.memory_space<hbm>>
      %dma_start3A_93 = arith.constant 0 : i32
      %dma_start3A_94 = tpu.memref_slice %arg11[%mul3A_0, %dma_start3A_93] : memref<10240x128xf32, #tpu.memory_space<vmem_shared>> -> memref<640x128xf32, #tpu.memory_space<vmem_shared>>
      tpu.enqueue_dma source(%dma_start3A_94 : memref<640x128xf32, #tpu.memory_space<vmem_shared>>) target(%dma_start3A_92 : memref<640x128xf32, #tpu.memory_space<hbm>>) target_semaphore(%run_scoped3A : memref<!tpu.dma_semaphore, #tpu.memory_space<semaphore_mem>>)
      %dma_wait3A = arith.constant 0 : i32
      %dma_wait3A_95 = tpu.memref_slice %arg10[%arg0, %mul3A_0, %dma_wait3A] : memref<2x10240x128xf32, #tpu.memory_space<hbm>> -> memref<1x640x128xf32, #tpu.memory_space<hbm>>
      %dma_wait3A_96 = tpu.memref_squeeze %dma_wait3A_95 : memref<1x640x128xf32, #tpu.memory_space<hbm>> -> memref<640x128xf32, #tpu.memory_space<hbm>>
      %dma_wait3A_97 = arith.constant 0 : i32
      %dma_wait3A_98 = tpu.memref_slice %arg11[%mul3A_0, %dma_wait3A_97] : memref<10240x128xf32, #tpu.memory_space<vmem_shared>> -> memref<640x128xf32, #tpu.memory_space<vmem_shared>>
      tpu.wait_dma2 semaphore(%run_scoped3A : memref<!tpu.dma_semaphore, #tpu.memory_space<semaphore_mem>>) src(%dma_wait3A_98 : memref<640x128xf32, #tpu.memory_space<vmem_shared>>) dst(%dma_wait3A_96 : memref<640x128xf32, #tpu.memory_space<hbm>>)
      tpu.yield
    }) : () -> ()
    return
  }
}

#map = affine_map<(d0, d1) -> (0, 0)>
#map1 = affine_map<(d0, d1) -> (0, 0, 0)>
module attributes {stable_mosaic.version = 14 : i64} {
  func.func @body(%arg0: i32, %arg1: i32, %arg2: memref<1280x128xi32, #tpu.memory_space<hbm>>, %arg3: memref<1280x128xi32, #tpu.memory_space<hbm>>, %arg4: memref<640x128xf32, #tpu.memory_space<hbm>>, %arg5: memref<128x128xf32, #tpu.memory_space<hbm>>, %arg6: memref<2x10240x128xf32, #tpu.memory_space<hbm>>, %arg7: memref<2x10240x128xf32, #tpu.memory_space<hbm>>, %arg8: memref<10240x128xf32, #tpu.memory_space<vmem_shared>>, %arg9: memref<40x128xi32, #tpu.memory_space<vmem>>, %arg10: memref<128x128xf32, #tpu.memory_space<vmem>>) attributes {dimension_semantics = [#tpu.dimension_semantics<core_parallel>, #tpu.dimension_semantics<subcore_parallel>], iteration_bounds = array<i64: 2, 16>, scalar_prefetch = 0 : i64, scratch_operands = 3 : i64, tpu.core_type = #tpu.core_type<sc_vector_subcore>, window_params = [{transform_indices = #map}, {transform_indices = #map}, {transform_indices = #map}, {transform_indices = #map}, {transform_indices = #map1}, {transform_indices = #map1}]} {
    %mul3A = arith.constant 2 : i32
    %mul3A_0 = arith.muli %arg1, %mul3A : i32
    %add3A = arith.addi %mul3A_0, %arg0 : i32
    %mul3A_1 = arith.constant 640 : i32
    %mul3A_2 = arith.muli %arg1, %mul3A_1 : i32
    %mul3A_3 = arith.constant 40 : i32
    %mul3A_4 = arith.muli %add3A, %mul3A_3 : i32
    "tpu.region"() ({
      %run_scoped3A = tpu.sem_alloc : memref<!tpu.dma_semaphore, #tpu.memory_space<semaphore_mem>>
      tpu.enqueue_dma source(%arg5 : memref<128x128xf32, #tpu.memory_space<hbm>>) target(%arg10 : memref<128x128xf32, #tpu.memory_space<vmem>>) target_semaphore(%run_scoped3A : memref<!tpu.dma_semaphore, #tpu.memory_space<semaphore_mem>>)
      tpu.wait_dma2 semaphore(%run_scoped3A : memref<!tpu.dma_semaphore, #tpu.memory_space<semaphore_mem>>) src(%arg5 : memref<128x128xf32, #tpu.memory_space<hbm>>) dst(%arg10 : memref<128x128xf32, #tpu.memory_space<vmem>>)
      tpu.yield
    }) : () -> ()
    "tpu.region"() ({
      %run_scoped3A = tpu.sem_alloc : memref<!tpu.dma_semaphore, #tpu.memory_space<semaphore_mem>>
      %dma_start3A = arith.constant 0 : i32
      %dma_start3A_19 = tpu.memref_slice %arg8[%mul3A_2, %dma_start3A] : memref<10240x128xf32, #tpu.memory_space<vmem_shared>> -> memref<640x128xf32, #tpu.memory_space<vmem_shared>>
      tpu.enqueue_dma source(%arg4 : memref<640x128xf32, #tpu.memory_space<hbm>>) target(%dma_start3A_19 : memref<640x128xf32, #tpu.memory_space<vmem_shared>>) target_semaphore(%run_scoped3A : memref<!tpu.dma_semaphore, #tpu.memory_space<semaphore_mem>>)
      %dma_wait3A = arith.constant 0 : i32
      %dma_wait3A_20 = tpu.memref_slice %arg8[%mul3A_2, %dma_wait3A] : memref<10240x128xf32, #tpu.memory_space<vmem_shared>> -> memref<640x128xf32, #tpu.memory_space<vmem_shared>>
      tpu.wait_dma2 semaphore(%run_scoped3A : memref<!tpu.dma_semaphore, #tpu.memory_space<semaphore_mem>>) src(%arg4 : memref<640x128xf32, #tpu.memory_space<hbm>>) dst(%dma_wait3A_20 : memref<640x128xf32, #tpu.memory_space<vmem_shared>>)
      tpu.yield
    }) : () -> ()
    %barrier3A = arith.constant 0 : index
    tpu.barrier barrier_id(%barrier3A)
    "tpu.region"() ({
      %run_scoped3A = tpu.sem_alloc : memref<!tpu.dma_semaphore, #tpu.memory_space<semaphore_mem>>
      %dma_start3A = arith.constant 0 : i32
      %dma_start3A_19 = tpu.memref_slice %arg2[%mul3A_4, %dma_start3A] : memref<1280x128xi32, #tpu.memory_space<hbm>> -> memref<40x128xi32, #tpu.memory_space<hbm>>
      %dma_start3A_20 = arith.constant 0 : i32
      %dma_start3A_21 = tpu.memref_slice %arg2[%mul3A_4, %dma_start3A_20] : memref<1280x128xi32, #tpu.memory_space<hbm>> -> memref<40x128xi32, #tpu.memory_space<hbm>>
      tpu.enqueue_dma source(%dma_start3A_21 : memref<40x128xi32, #tpu.memory_space<hbm>>) target(%arg9 : memref<40x128xi32, #tpu.memory_space<vmem>>) target_semaphore(%run_scoped3A : memref<!tpu.dma_semaphore, #tpu.memory_space<semaphore_mem>>)
      %dma_wait3A = arith.constant 0 : i32
      %dma_wait3A_22 = tpu.memref_slice %arg2[%mul3A_4, %dma_wait3A] : memref<1280x128xi32, #tpu.memory_space<hbm>> -> memref<40x128xi32, #tpu.memory_space<hbm>>
      %dma_wait3A_23 = arith.constant 0 : i32
      %dma_wait3A_24 = tpu.memref_slice %arg2[%mul3A_4, %dma_wait3A_23] : memref<1280x128xi32, #tpu.memory_space<hbm>> -> memref<40x128xi32, #tpu.memory_space<hbm>>
      tpu.wait_dma2 semaphore(%run_scoped3A : memref<!tpu.dma_semaphore, #tpu.memory_space<semaphore_mem>>) src(%dma_wait3A_24 : memref<40x128xi32, #tpu.memory_space<hbm>>) dst(%arg9 : memref<40x128xi32, #tpu.memory_space<vmem>>)
      tpu.yield
    }) : () -> ()
    %scan3A = arith.constant 0 : i32
    %scan3A_5 = arith.constant 0 : i32
    %scan3A_6 = arith.constant 40 : i32
    %scan3A_7 = arith.addi %scan3A_5, %scan3A_6 : i32
    %scan3A_8 = arith.constant 1 : i32
    scf.for %scan3A_19 = %scan3A_5 to %scan3A_7 step %scan3A_8  : i32 {
      "tpu.region"() ({
        %run_scoped3A = tpu.sem_alloc : memref<!tpu.dma_semaphore, #tpu.memory_space<semaphore_mem>>
        %dma_start3A = arith.constant 0 : i32
        %dma_start3A_20 = tpu.memref_slice %arg9[%scan3A_19, %dma_start3A] : memref<40x128xi32, #tpu.memory_space<vmem>> -> memref<1x128xi32, #tpu.memory_space<vmem>>
        %dma_start3A_21 = tpu.memref_squeeze %dma_start3A_20 : memref<1x128xi32, #tpu.memory_space<vmem>> -> memref<128xi32, #tpu.memory_space<vmem>>
        %dma_start3A_22 = arith.constant 0 : i32
        %dma_start3A_23 = arith.constant 0 : i32
        %dma_start3A_24 = tpu.memref_slice %arg8[%dma_start3A_22, %dma_start3A_23] : memref<10240x128xf32, #tpu.memory_space<vmem_shared>> -> memref<10240x128xf32, #tpu.memory_space<vmem_shared>>
        tpu.enqueue_indirect_dma source(%arg10 : memref<128x128xf32, #tpu.memory_space<vmem>>) target(%dma_start3A_24 : memref<10240x128xf32, #tpu.memory_space<vmem_shared>>) offsets(%dma_start3A_21 : memref<128xi32, #tpu.memory_space<vmem>>) semaphore(%run_scoped3A : memref<!tpu.dma_semaphore, #tpu.memory_space<semaphore_mem>>) {add = true}
        %dma_wait3A = arith.constant 0 : i32
        %dma_wait3A_25 = tpu.memref_slice %arg9[%scan3A_19, %dma_wait3A] : memref<40x128xi32, #tpu.memory_space<vmem>> -> memref<1x128xi32, #tpu.memory_space<vmem>>
        %dma_wait3A_26 = tpu.memref_squeeze %dma_wait3A_25 : memref<1x128xi32, #tpu.memory_space<vmem>> -> memref<128xi32, #tpu.memory_space<vmem>>
        %dma_wait3A_27 = arith.constant 0 : i32
        %dma_wait3A_28 = arith.constant 0 : i32
        %dma_wait3A_29 = tpu.memref_slice %arg8[%dma_wait3A_27, %dma_wait3A_28] : memref<10240x128xf32, #tpu.memory_space<vmem_shared>> -> memref<10240x128xf32, #tpu.memory_space<vmem_shared>>
        tpu.wait_indirect_dma semaphore(%run_scoped3A : memref<!tpu.dma_semaphore, #tpu.memory_space<semaphore_mem>>) src(%arg10 : memref<128x128xf32, #tpu.memory_space<vmem>>) dst(%dma_wait3A_29 : memref<10240x128xf32, #tpu.memory_space<vmem_shared>>)
        tpu.yield
      }) : () -> ()
    }
    %scan3A_9 = arith.constant 40 : i32
    %barrier3A_10 = arith.constant 0 : index
    tpu.barrier barrier_id(%barrier3A_10)
    "tpu.region"() ({
      %run_scoped3A = tpu.sem_alloc : memref<!tpu.dma_semaphore, #tpu.memory_space<semaphore_mem>>
      %dma_start3A = arith.constant 0 : i32
      %dma_start3A_19 = tpu.memref_slice %arg6[%arg0, %mul3A_2, %dma_start3A] : memref<2x10240x128xf32, #tpu.memory_space<hbm>> -> memref<1x640x128xf32, #tpu.memory_space<hbm>>
      %dma_start3A_20 = tpu.memref_squeeze %dma_start3A_19 : memref<1x640x128xf32, #tpu.memory_space<hbm>> -> memref<640x128xf32, #tpu.memory_space<hbm>>
      %dma_start3A_21 = arith.constant 0 : i32
      %dma_start3A_22 = tpu.memref_slice %arg8[%mul3A_2, %dma_start3A_21] : memref<10240x128xf32, #tpu.memory_space<vmem_shared>> -> memref<640x128xf32, #tpu.memory_space<vmem_shared>>
      tpu.enqueue_dma source(%dma_start3A_22 : memref<640x128xf32, #tpu.memory_space<vmem_shared>>) target(%dma_start3A_20 : memref<640x128xf32, #tpu.memory_space<hbm>>) target_semaphore(%run_scoped3A : memref<!tpu.dma_semaphore, #tpu.memory_space<semaphore_mem>>)
      %dma_wait3A = arith.constant 0 : i32
      %dma_wait3A_23 = tpu.memref_slice %arg6[%arg0, %mul3A_2, %dma_wait3A] : memref<2x10240x128xf32, #tpu.memory_space<hbm>> -> memref<1x640x128xf32, #tpu.memory_space<hbm>>
      %dma_wait3A_24 = tpu.memref_squeeze %dma_wait3A_23 : memref<1x640x128xf32, #tpu.memory_space<hbm>> -> memref<640x128xf32, #tpu.memory_space<hbm>>
      %dma_wait3A_25 = arith.constant 0 : i32
      %dma_wait3A_26 = tpu.memref_slice %arg8[%mul3A_2, %dma_wait3A_25] : memref<10240x128xf32, #tpu.memory_space<vmem_shared>> -> memref<640x128xf32, #tpu.memory_space<vmem_shared>>
      tpu.wait_dma2 semaphore(%run_scoped3A : memref<!tpu.dma_semaphore, #tpu.memory_space<semaphore_mem>>) src(%dma_wait3A_26 : memref<640x128xf32, #tpu.memory_space<vmem_shared>>) dst(%dma_wait3A_24 : memref<640x128xf32, #tpu.memory_space<hbm>>)
      tpu.yield
    }) : () -> ()
    "tpu.region"() ({
      %run_scoped3A = tpu.sem_alloc : memref<!tpu.dma_semaphore, #tpu.memory_space<semaphore_mem>>
      %dma_start3A = arith.constant 0 : i32
      %dma_start3A_19 = tpu.memref_slice %arg8[%mul3A_2, %dma_start3A] : memref<10240x128xf32, #tpu.memory_space<vmem_shared>> -> memref<640x128xf32, #tpu.memory_space<vmem_shared>>
      tpu.enqueue_dma source(%arg4 : memref<640x128xf32, #tpu.memory_space<hbm>>) target(%dma_start3A_19 : memref<640x128xf32, #tpu.memory_space<vmem_shared>>) target_semaphore(%run_scoped3A : memref<!tpu.dma_semaphore, #tpu.memory_space<semaphore_mem>>)
      %dma_wait3A = arith.constant 0 : i32
      %dma_wait3A_20 = tpu.memref_slice %arg8[%mul3A_2, %dma_wait3A] : memref<10240x128xf32, #tpu.memory_space<vmem_shared>> -> memref<640x128xf32, #tpu.memory_space<vmem_shared>>
      tpu.wait_dma2 semaphore(%run_scoped3A : memref<!tpu.dma_semaphore, #tpu.memory_space<semaphore_mem>>) src(%arg4 : memref<640x128xf32, #tpu.memory_space<hbm>>) dst(%dma_wait3A_20 : memref<640x128xf32, #tpu.memory_space<vmem_shared>>)
      tpu.yield
    }) : () -> ()
    %barrier3A_11 = arith.constant 0 : index
    tpu.barrier barrier_id(%barrier3A_11)
    "tpu.region"() ({
      %run_scoped3A = tpu.sem_alloc : memref<!tpu.dma_semaphore, #tpu.memory_space<semaphore_mem>>
      %dma_start3A = arith.constant 0 : i32
      %dma_start3A_19 = tpu.memref_slice %arg3[%mul3A_4, %dma_start3A] : memref<1280x128xi32, #tpu.memory_space<hbm>> -> memref<40x128xi32, #tpu.memory_space<hbm>>
      %dma_start3A_20 = arith.constant 0 : i32
      %dma_start3A_21 = tpu.memref_slice %arg3[%mul3A_4, %dma_start3A_20] : memref<1280x128xi32, #tpu.memory_space<hbm>> -> memref<40x128xi32, #tpu.memory_space<hbm>>
      tpu.enqueue_dma source(%dma_start3A_21 : memref<40x128xi32, #tpu.memory_space<hbm>>) target(%arg9 : memref<40x128xi32, #tpu.memory_space<vmem>>) target_semaphore(%run_scoped3A : memref<!tpu.dma_semaphore, #tpu.memory_space<semaphore_mem>>)
      %dma_wait3A = arith.constant 0 : i32
      %dma_wait3A_22 = tpu.memref_slice %arg3[%mul3A_4, %dma_wait3A] : memref<1280x128xi32, #tpu.memory_space<hbm>> -> memref<40x128xi32, #tpu.memory_space<hbm>>
      %dma_wait3A_23 = arith.constant 0 : i32
      %dma_wait3A_24 = tpu.memref_slice %arg3[%mul3A_4, %dma_wait3A_23] : memref<1280x128xi32, #tpu.memory_space<hbm>> -> memref<40x128xi32, #tpu.memory_space<hbm>>
      tpu.wait_dma2 semaphore(%run_scoped3A : memref<!tpu.dma_semaphore, #tpu.memory_space<semaphore_mem>>) src(%dma_wait3A_24 : memref<40x128xi32, #tpu.memory_space<hbm>>) dst(%arg9 : memref<40x128xi32, #tpu.memory_space<vmem>>)
      tpu.yield
    }) : () -> ()
    %scan3A_12 = arith.constant 0 : i32
    %scan3A_13 = arith.constant 0 : i32
    %scan3A_14 = arith.constant 40 : i32
    %scan3A_15 = arith.addi %scan3A_13, %scan3A_14 : i32
    %scan3A_16 = arith.constant 1 : i32
    scf.for %scan3A_19 = %scan3A_13 to %scan3A_15 step %scan3A_16  : i32 {
      "tpu.region"() ({
        %run_scoped3A = tpu.sem_alloc : memref<!tpu.dma_semaphore, #tpu.memory_space<semaphore_mem>>
        %dma_start3A = arith.constant 0 : i32
        %dma_start3A_20 = tpu.memref_slice %arg9[%scan3A_19, %dma_start3A] : memref<40x128xi32, #tpu.memory_space<vmem>> -> memref<1x128xi32, #tpu.memory_space<vmem>>
        %dma_start3A_21 = tpu.memref_squeeze %dma_start3A_20 : memref<1x128xi32, #tpu.memory_space<vmem>> -> memref<128xi32, #tpu.memory_space<vmem>>
        %dma_start3A_22 = arith.constant 0 : i32
        %dma_start3A_23 = arith.constant 0 : i32
        %dma_start3A_24 = tpu.memref_slice %arg8[%dma_start3A_22, %dma_start3A_23] : memref<10240x128xf32, #tpu.memory_space<vmem_shared>> -> memref<10240x128xf32, #tpu.memory_space<vmem_shared>>
        tpu.enqueue_indirect_dma source(%arg10 : memref<128x128xf32, #tpu.memory_space<vmem>>) target(%dma_start3A_24 : memref<10240x128xf32, #tpu.memory_space<vmem_shared>>) offsets(%dma_start3A_21 : memref<128xi32, #tpu.memory_space<vmem>>) semaphore(%run_scoped3A : memref<!tpu.dma_semaphore, #tpu.memory_space<semaphore_mem>>) {add = true}
        %dma_wait3A = arith.constant 0 : i32
        %dma_wait3A_25 = tpu.memref_slice %arg9[%scan3A_19, %dma_wait3A] : memref<40x128xi32, #tpu.memory_space<vmem>> -> memref<1x128xi32, #tpu.memory_space<vmem>>
        %dma_wait3A_26 = tpu.memref_squeeze %dma_wait3A_25 : memref<1x128xi32, #tpu.memory_space<vmem>> -> memref<128xi32, #tpu.memory_space<vmem>>
        %dma_wait3A_27 = arith.constant 0 : i32
        %dma_wait3A_28 = arith.constant 0 : i32
        %dma_wait3A_29 = tpu.memref_slice %arg8[%dma_wait3A_27, %dma_wait3A_28] : memref<10240x128xf32, #tpu.memory_space<vmem_shared>> -> memref<10240x128xf32, #tpu.memory_space<vmem_shared>>
        tpu.wait_indirect_dma semaphore(%run_scoped3A : memref<!tpu.dma_semaphore, #tpu.memory_space<semaphore_mem>>) src(%arg10 : memref<128x128xf32, #tpu.memory_space<vmem>>) dst(%dma_wait3A_29 : memref<10240x128xf32, #tpu.memory_space<vmem_shared>>)
        tpu.yield
      }) : () -> ()
    }
    %scan3A_17 = arith.constant 40 : i32
    %barrier3A_18 = arith.constant 0 : index
    tpu.barrier barrier_id(%barrier3A_18)
    "tpu.region"() ({
      %run_scoped3A = tpu.sem_alloc : memref<!tpu.dma_semaphore, #tpu.memory_space<semaphore_mem>>
      %dma_start3A = arith.constant 0 : i32
      %dma_start3A_19 = tpu.memref_slice %arg7[%arg0, %mul3A_2, %dma_start3A] : memref<2x10240x128xf32, #tpu.memory_space<hbm>> -> memref<1x640x128xf32, #tpu.memory_space<hbm>>
      %dma_start3A_20 = tpu.memref_squeeze %dma_start3A_19 : memref<1x640x128xf32, #tpu.memory_space<hbm>> -> memref<640x128xf32, #tpu.memory_space<hbm>>
      %dma_start3A_21 = arith.constant 0 : i32
      %dma_start3A_22 = tpu.memref_slice %arg8[%mul3A_2, %dma_start3A_21] : memref<10240x128xf32, #tpu.memory_space<vmem_shared>> -> memref<640x128xf32, #tpu.memory_space<vmem_shared>>
      tpu.enqueue_dma source(%dma_start3A_22 : memref<640x128xf32, #tpu.memory_space<vmem_shared>>) target(%dma_start3A_20 : memref<640x128xf32, #tpu.memory_space<hbm>>) target_semaphore(%run_scoped3A : memref<!tpu.dma_semaphore, #tpu.memory_space<semaphore_mem>>)
      %dma_wait3A = arith.constant 0 : i32
      %dma_wait3A_23 = tpu.memref_slice %arg7[%arg0, %mul3A_2, %dma_wait3A] : memref<2x10240x128xf32, #tpu.memory_space<hbm>> -> memref<1x640x128xf32, #tpu.memory_space<hbm>>
      %dma_wait3A_24 = tpu.memref_squeeze %dma_wait3A_23 : memref<1x640x128xf32, #tpu.memory_space<hbm>> -> memref<640x128xf32, #tpu.memory_space<hbm>>
      %dma_wait3A_25 = arith.constant 0 : i32
      %dma_wait3A_26 = tpu.memref_slice %arg8[%mul3A_2, %dma_wait3A_25] : memref<10240x128xf32, #tpu.memory_space<vmem_shared>> -> memref<640x128xf32, #tpu.memory_space<vmem_shared>>
      tpu.wait_dma2 semaphore(%run_scoped3A : memref<!tpu.dma_semaphore, #tpu.memory_space<semaphore_mem>>) src(%dma_wait3A_26 : memref<640x128xf32, #tpu.memory_space<vmem_shared>>) dst(%dma_wait3A_24 : memref<640x128xf32, #tpu.memory_space<hbm>>)
      tpu.yield
    }) : () -> ()
    return
  }
}

#map = affine_map<(d0, d1) -> (0, 0)>
#map1 = affine_map<(d0, d1) -> (0, 0, 0)>
module attributes {stable_mosaic.version = 14 : i64} {
  func.func @body(%arg0: i32, %arg1: i32, %arg2: memref<10240x128xf32, #tpu.memory_space<hbm>>, %arg3: memref<10240x128xf32, #tpu.memory_space<hbm>>, %arg4: memref<1280x128xi32, #tpu.memory_space<hbm>>, %arg5: memref<1280x128xi32, #tpu.memory_space<hbm>>, %arg6: memref<1280x128xi32, #tpu.memory_space<hbm>>, %arg7: memref<1280x128xi32, #tpu.memory_space<hbm>>, %arg8: memref<640x128xf32, #tpu.memory_space<hbm>>, %arg9: memref<2x10240x128xf32, #tpu.memory_space<hbm>>, %arg10: memref<2x10240x128xf32, #tpu.memory_space<hbm>>, %arg11: memref<10240x128xf32, #tpu.memory_space<vmem_shared>>, %arg12: memref<64x128xi32, #tpu.memory_space<vmem>>, %arg13: memref<64x128xi32, #tpu.memory_space<vmem>>, %arg14: memref<128x128xf32, #tpu.memory_space<vmem>>, %arg15: memref<128x128xf32, #tpu.memory_space<vmem>>, %arg16: memref<!tpu.dma_semaphore, #tpu.memory_space<semaphore_mem>>) attributes {dimension_semantics = [#tpu.dimension_semantics<core_parallel>, #tpu.dimension_semantics<subcore_parallel>], iteration_bounds = array<i64: 2, 16>, scalar_prefetch = 0 : i64, scratch_operands = 6 : i64, tpu.core_type = #tpu.core_type<sc_vector_subcore>, window_params = [{transform_indices = #map}, {transform_indices = #map}, {transform_indices = #map}, {transform_indices = #map}, {transform_indices = #map}, {transform_indices = #map}, {transform_indices = #map}, {transform_indices = #map1}, {transform_indices = #map1}]} {
    %mul3A = arith.constant 640 : i32
    %mul3A_0 = arith.muli %arg1, %mul3A : i32
    %mul3A_1 = arith.constant 80 : i32
    %mul3A_2 = arith.muli %arg1, %mul3A_1 : i32
    %eq3A = arith.constant 0 : i32
    %eq3A_3 = arith.cmpi eq, %arg0, %eq3A : i32
    %jit3A = arith.constant 0 : i32
    %jit3A_4 = arith.constant 16 : i32
    %select_n3A = arith.select %eq3A_3, %jit3A, %jit3A_4 : i32
    %add3A = arith.addi %mul3A_2, %select_n3A : i32
    %eq3A_5 = arith.constant 0 : i32
    %eq3A_6 = arith.cmpi eq, %arg0, %eq3A_5 : i32
    %jit3A_7 = arith.constant 0 : i32
    %jit3A_8 = arith.constant 48 : i32
    %select_n3A_9 = arith.select %eq3A_6, %jit3A_7, %jit3A_8 : i32
    %eq3A_10 = arith.constant 0 : i32
    %eq3A_11 = arith.cmpi eq, %arg0, %eq3A_10 : i32
    %jit3A_12 = arith.constant 64 : i32
    %jit3A_13 = arith.constant 16 : i32
    %select_n3A_14 = arith.select %eq3A_11, %jit3A_12, %jit3A_13 : i32
    "tpu.region"() ({
      %run_scoped3A = tpu.sem_alloc : memref<!tpu.dma_semaphore, #tpu.memory_space<semaphore_mem>>
      %dma_start3A_90 = arith.constant 0 : i32
      %dma_start3A_91 = tpu.memref_slice %arg11[%mul3A_0, %dma_start3A_90] : memref<10240x128xf32, #tpu.memory_space<vmem_shared>> -> memref<640x128xf32, #tpu.memory_space<vmem_shared>>
      tpu.enqueue_dma source(%arg8 : memref<640x128xf32, #tpu.memory_space<hbm>>) target(%dma_start3A_91 : memref<640x128xf32, #tpu.memory_space<vmem_shared>>) target_semaphore(%run_scoped3A : memref<!tpu.dma_semaphore, #tpu.memory_space<semaphore_mem>>)
      %dma_wait3A = arith.constant 0 : i32
      %dma_wait3A_92 = tpu.memref_slice %arg11[%mul3A_0, %dma_wait3A] : memref<10240x128xf32, #tpu.memory_space<vmem_shared>> -> memref<640x128xf32, #tpu.memory_space<vmem_shared>>
      tpu.wait_dma2 semaphore(%run_scoped3A : memref<!tpu.dma_semaphore, #tpu.memory_space<semaphore_mem>>) src(%arg8 : memref<640x128xf32, #tpu.memory_space<hbm>>) dst(%dma_wait3A_92 : memref<640x128xf32, #tpu.memory_space<vmem_shared>>)
      tpu.yield
    }) : () -> ()
    %barrier3A = arith.constant 0 : index
    tpu.barrier barrier_id(%barrier3A)
    "tpu.region"() ({
      %run_scoped3A = tpu.sem_alloc : memref<!tpu.dma_semaphore, #tpu.memory_space<semaphore_mem>>
      %dma_start3A_90 = arith.constant 0 : i32
      %dma_start3A_91 = tpu.memref_slice %arg4[%add3A, %dma_start3A_90] : memref<1280x128xi32, #tpu.memory_space<hbm>> -> memref<64x128xi32, #tpu.memory_space<hbm>>
      %dma_start3A_92 = arith.constant 0 : i32
      %dma_start3A_93 = tpu.memref_slice %arg4[%add3A, %dma_start3A_92] : memref<1280x128xi32, #tpu.memory_space<hbm>> -> memref<64x128xi32, #tpu.memory_space<hbm>>
      tpu.enqueue_dma source(%dma_start3A_93 : memref<64x128xi32, #tpu.memory_space<hbm>>) target(%arg12 : memref<64x128xi32, #tpu.memory_space<vmem>>) target_semaphore(%run_scoped3A : memref<!tpu.dma_semaphore, #tpu.memory_space<semaphore_mem>>)
      %dma_wait3A = arith.constant 0 : i32
      %dma_wait3A_94 = tpu.memref_slice %arg4[%add3A, %dma_wait3A] : memref<1280x128xi32, #tpu.memory_space<hbm>> -> memref<64x128xi32, #tpu.memory_space<hbm>>
      %dma_wait3A_95 = arith.constant 0 : i32
      %dma_wait3A_96 = tpu.memref_slice %arg4[%add3A, %dma_wait3A_95] : memref<1280x128xi32, #tpu.memory_space<hbm>> -> memref<64x128xi32, #tpu.memory_space<hbm>>
      tpu.wait_dma2 semaphore(%run_scoped3A : memref<!tpu.dma_semaphore, #tpu.memory_space<semaphore_mem>>) src(%dma_wait3A_96 : memref<64x128xi32, #tpu.memory_space<hbm>>) dst(%arg12 : memref<64x128xi32, #tpu.memory_space<vmem>>)
      tpu.yield
    }) : () -> ()
    "tpu.region"() ({
      %run_scoped3A = tpu.sem_alloc : memref<!tpu.dma_semaphore, #tpu.memory_space<semaphore_mem>>
      %dma_start3A_90 = arith.constant 0 : i32
      %dma_start3A_91 = tpu.memref_slice %arg5[%add3A, %dma_start3A_90] : memref<1280x128xi32, #tpu.memory_space<hbm>> -> memref<64x128xi32, #tpu.memory_space<hbm>>
      %dma_start3A_92 = arith.constant 0 : i32
      %dma_start3A_93 = tpu.memref_slice %arg5[%add3A, %dma_start3A_92] : memref<1280x128xi32, #tpu.memory_space<hbm>> -> memref<64x128xi32, #tpu.memory_space<hbm>>
      tpu.enqueue_dma source(%dma_start3A_93 : memref<64x128xi32, #tpu.memory_space<hbm>>) target(%arg13 : memref<64x128xi32, #tpu.memory_space<vmem>>) target_semaphore(%run_scoped3A : memref<!tpu.dma_semaphore, #tpu.memory_space<semaphore_mem>>)
      %dma_wait3A = arith.constant 0 : i32
      %dma_wait3A_94 = tpu.memref_slice %arg5[%add3A, %dma_wait3A] : memref<1280x128xi32, #tpu.memory_space<hbm>> -> memref<64x128xi32, #tpu.memory_space<hbm>>
      %dma_wait3A_95 = arith.constant 0 : i32
      %dma_wait3A_96 = tpu.memref_slice %arg5[%add3A, %dma_wait3A_95] : memref<1280x128xi32, #tpu.memory_space<hbm>> -> memref<64x128xi32, #tpu.memory_space<hbm>>
      tpu.wait_dma2 semaphore(%run_scoped3A : memref<!tpu.dma_semaphore, #tpu.memory_space<semaphore_mem>>) src(%dma_wait3A_96 : memref<64x128xi32, #tpu.memory_space<hbm>>) dst(%arg13 : memref<64x128xi32, #tpu.memory_space<vmem>>)
      tpu.yield
    }) : () -> ()
    %dma_start3A = arith.constant 0 : i32
    %dma_start3A_15 = tpu.memref_slice %arg12[%select_n3A_9, %dma_start3A] : memref<64x128xi32, #tpu.memory_space<vmem>> -> memref<1x128xi32, #tpu.memory_space<vmem>>
    %dma_start3A_16 = tpu.memref_squeeze %dma_start3A_15 : memref<1x128xi32, #tpu.memory_space<vmem>> -> memref<128xi32, #tpu.memory_space<vmem>>
    %dma_start3A_17 = arith.constant 0 : i32
    %dma_start3A_18 = arith.constant 0 : i32
    %dma_start3A_19 = tpu.memref_slice %arg2[%dma_start3A_17, %dma_start3A_18] : memref<10240x128xf32, #tpu.memory_space<hbm>> -> memref<10240x128xf32, #tpu.memory_space<hbm>>
    tpu.enqueue_indirect_dma source(%dma_start3A_19 : memref<10240x128xf32, #tpu.memory_space<hbm>>) target(%arg14 : memref<128x128xf32, #tpu.memory_space<vmem>>) offsets(%dma_start3A_16 : memref<128xi32, #tpu.memory_space<vmem>>) semaphore(%arg16 : memref<!tpu.dma_semaphore, #tpu.memory_space<semaphore_mem>>)
    %jit3A_20 = arith.constant 2 : i32
    %div3A = arith.divsi %select_n3A_14, %jit3A_20 : i32
    %sign3A = arith.constant 0 : i32
    %sign3A_21 = arith.cmpi sgt, %select_n3A_14, %sign3A : i32
    %sign3A_22 = arith.extui %sign3A_21 : i1 to i32
    %sign3A_23 = arith.constant 0 : i32
    %sign3A_24 = arith.cmpi slt, %select_n3A_14, %sign3A_23 : i32
    %sign3A_25 = arith.extui %sign3A_24 : i1 to i32
    %sign3A_26 = arith.subi %sign3A_22, %sign3A_25 : i32
    %sign3A_27 = arith.constant 0 : i32
    %sign3A_28 = arith.cmpi sgt, %jit3A_20, %sign3A_27 : i32
    %sign3A_29 = arith.extui %sign3A_28 : i1 to i32
    %sign3A_30 = arith.constant 0 : i32
    %sign3A_31 = arith.cmpi slt, %jit3A_20, %sign3A_30 : i32
    %sign3A_32 = arith.extui %sign3A_31 : i1 to i32
    %sign3A_33 = arith.subi %sign3A_29, %sign3A_32 : i32
    %ne3A = arith.cmpi ne, %sign3A_26, %sign3A_33 : i32
    %rem3A = arith.remsi %select_n3A_14, %jit3A_20 : i32
    %ne3A_34 = arith.constant 0 : i32
    %ne3A_35 = arith.cmpi ne, %rem3A, %ne3A_34 : i32
    %and3A = arith.andi %ne3A, %ne3A_35 : i1
    %sub3A = arith.constant 1 : i32
    %sub3A_36 = arith.subi %div3A, %sub3A : i32
    %select_n3A_37 = arith.select %and3A, %sub3A_36, %div3A : i32
    %while3A = arith.constant 0 : i32
    %while3A_38 = arith.constant 0 : i32
    %while3A_39 = arith.subi %select_n3A_37, %while3A_38 : i32
    %while3A_40 = arith.addi %while3A_38, %while3A_39 : i32
    %while3A_41 = arith.constant 1 : i32
    %while3A_42 = arith.divsi %while3A_39, %while3A_41 : i32
    %while3A_43 = arith.muli %while3A_42, %while3A_41 : i32
    %while3A_44 = arith.addi %while3A_38, %while3A_43 : i32
    %while3A_45 = arith.constant 1 : i32
    scf.for %while3A_90 = %while3A_38 to %while3A_44 step %while3A_45  : i32 {
      %mul3A_91 = arith.constant 2 : i32
      %mul3A_92 = arith.muli %mul3A_91, %while3A_90 : i32
      %add3A_93 = arith.addi %select_n3A_9, %mul3A_92 : i32
      %add3A_94 = arith.constant 1 : i32
      %add3A_95 = arith.addi %add3A_93, %add3A_94 : i32
      %dma_wait3A = arith.constant 0 : i32
      %dma_wait3A_96 = arith.constant 0 : i32
      %dma_wait3A_97 = tpu.memref_slice %arg12[%dma_wait3A, %dma_wait3A_96] : memref<64x128xi32, #tpu.memory_space<vmem>> -> memref<1x128xi32, #tpu.memory_space<vmem>>
      %dma_wait3A_98 = tpu.memref_squeeze %dma_wait3A_97 : memref<1x128xi32, #tpu.memory_space<vmem>> -> memref<128xi32, #tpu.memory_space<vmem>>
      %dma_wait3A_99 = arith.constant 0 : i32
      %dma_wait3A_100 = arith.constant 0 : i32
      %dma_wait3A_101 = tpu.memref_slice %arg2[%dma_wait3A_99, %dma_wait3A_100] : memref<10240x128xf32, #tpu.memory_space<hbm>> -> memref<10240x128xf32, #tpu.memory_space<hbm>>
      tpu.wait_indirect_dma semaphore(%arg16 : memref<!tpu.dma_semaphore, #tpu.memory_space<semaphore_mem>>) src(%dma_wait3A_101 : memref<10240x128xf32, #tpu.memory_space<hbm>>) dst(%arg14 : memref<128x128xf32, #tpu.memory_space<vmem>>)
      %dma_start3A_102 = arith.constant 0 : i32
      %dma_start3A_103 = tpu.memref_slice %arg12[%add3A_95, %dma_start3A_102] : memref<64x128xi32, #tpu.memory_space<vmem>> -> memref<1x128xi32, #tpu.memory_space<vmem>>
      %dma_start3A_104 = tpu.memref_squeeze %dma_start3A_103 : memref<1x128xi32, #tpu.memory_space<vmem>> -> memref<128xi32, #tpu.memory_space<vmem>>
      %dma_start3A_105 = arith.constant 0 : i32
      %dma_start3A_106 = arith.constant 0 : i32
      %dma_start3A_107 = tpu.memref_slice %arg2[%dma_start3A_105, %dma_start3A_106] : memref<10240x128xf32, #tpu.memory_space<hbm>> -> memref<10240x128xf32, #tpu.memory_space<hbm>>
      tpu.enqueue_indirect_dma source(%dma_start3A_107 : memref<10240x128xf32, #tpu.memory_space<hbm>>) target(%arg15 : memref<128x128xf32, #tpu.memory_space<vmem>>) offsets(%dma_start3A_104 : memref<128xi32, #tpu.memory_space<vmem>>) semaphore(%arg16 : memref<!tpu.dma_semaphore, #tpu.memory_space<semaphore_mem>>)
      "tpu.region"() ({
        %run_scoped3A = tpu.sem_alloc : memref<!tpu.dma_semaphore, #tpu.memory_space<semaphore_mem>>
        %dma_start3A_142 = arith.constant 0 : i32
        %dma_start3A_143 = tpu.memref_slice %arg13[%add3A_93, %dma_start3A_142] : memref<64x128xi32, #tpu.memory_space<vmem>> -> memref<1x128xi32, #tpu.memory_space<vmem>>
        %dma_start3A_144 = tpu.memref_squeeze %dma_start3A_143 : memref<1x128xi32, #tpu.memory_space<vmem>> -> memref<128xi32, #tpu.memory_space<vmem>>
        %dma_start3A_145 = arith.constant 0 : i32
        %dma_start3A_146 = arith.constant 0 : i32
        %dma_start3A_147 = tpu.memref_slice %arg11[%dma_start3A_145, %dma_start3A_146] : memref<10240x128xf32, #tpu.memory_space<vmem_shared>> -> memref<10240x128xf32, #tpu.memory_space<vmem_shared>>
        tpu.enqueue_indirect_dma source(%arg14 : memref<128x128xf32, #tpu.memory_space<vmem>>) target(%dma_start3A_147 : memref<10240x128xf32, #tpu.memory_space<vmem_shared>>) offsets(%dma_start3A_144 : memref<128xi32, #tpu.memory_space<vmem>>) semaphore(%run_scoped3A : memref<!tpu.dma_semaphore, #tpu.memory_space<semaphore_mem>>) {add = true}
        %dma_wait3A_148 = arith.constant 0 : i32
        %dma_wait3A_149 = tpu.memref_slice %arg13[%add3A_93, %dma_wait3A_148] : memref<64x128xi32, #tpu.memory_space<vmem>> -> memref<1x128xi32, #tpu.memory_space<vmem>>
        %dma_wait3A_150 = tpu.memref_squeeze %dma_wait3A_149 : memref<1x128xi32, #tpu.memory_space<vmem>> -> memref<128xi32, #tpu.memory_space<vmem>>
        %dma_wait3A_151 = arith.constant 0 : i32
        %dma_wait3A_152 = arith.constant 0 : i32
        %dma_wait3A_153 = tpu.memref_slice %arg11[%dma_wait3A_151, %dma_wait3A_152] : memref<10240x128xf32, #tpu.memory_space<vmem_shared>> -> memref<10240x128xf32, #tpu.memory_space<vmem_shared>>
        tpu.wait_indirect_dma semaphore(%run_scoped3A : memref<!tpu.dma_semaphore, #tpu.memory_space<semaphore_mem>>) src(%arg14 : memref<128x128xf32, #tpu.memory_space<vmem>>) dst(%dma_wait3A_153 : memref<10240x128xf32, #tpu.memory_space<vmem_shared>>)
        tpu.yield
      }) : () -> ()
      %dma_wait3A_108 = arith.constant 0 : i32
      %dma_wait3A_109 = arith.constant 0 : i32
      %dma_wait3A_110 = tpu.memref_slice %arg12[%dma_wait3A_108, %dma_wait3A_109] : memref<64x128xi32, #tpu.memory_space<vmem>> -> memref<1x128xi32, #tpu.memory_space<vmem>>
      %dma_wait3A_111 = tpu.memref_squeeze %dma_wait3A_110 : memref<1x128xi32, #tpu.memory_space<vmem>> -> memref<128xi32, #tpu.memory_space<vmem>>
      %dma_wait3A_112 = arith.constant 0 : i32
      %dma_wait3A_113 = arith.constant 0 : i32
      %dma_wait3A_114 = tpu.memref_slice %arg2[%dma_wait3A_112, %dma_wait3A_113] : memref<10240x128xf32, #tpu.memory_space<hbm>> -> memref<10240x128xf32, #tpu.memory_space<hbm>>
      tpu.wait_indirect_dma semaphore(%arg16 : memref<!tpu.dma_semaphore, #tpu.memory_space<semaphore_mem>>) src(%dma_wait3A_114 : memref<10240x128xf32, #tpu.memory_space<hbm>>) dst(%arg15 : memref<128x128xf32, #tpu.memory_space<vmem>>)
      %jit3A_115 = arith.constant 2 : i32
      %div3A_116 = arith.divsi %select_n3A_14, %jit3A_115 : i32
      %sign3A_117 = arith.constant 0 : i32
      %sign3A_118 = arith.cmpi sgt, %select_n3A_14, %sign3A_117 : i32
      %sign3A_119 = arith.extui %sign3A_118 : i1 to i32
      %sign3A_120 = arith.constant 0 : i32
      %sign3A_121 = arith.cmpi slt, %select_n3A_14, %sign3A_120 : i32
      %sign3A_122 = arith.extui %sign3A_121 : i1 to i32
      %sign3A_123 = arith.subi %sign3A_119, %sign3A_122 : i32
      %sign3A_124 = arith.constant 0 : i32
      %sign3A_125 = arith.cmpi sgt, %jit3A_115, %sign3A_124 : i32
      %sign3A_126 = arith.extui %sign3A_125 : i1 to i32
      %sign3A_127 = arith.constant 0 : i32
      %sign3A_128 = arith.cmpi slt, %jit3A_115, %sign3A_127 : i32
      %sign3A_129 = arith.extui %sign3A_128 : i1 to i32
      %sign3A_130 = arith.subi %sign3A_126, %sign3A_129 : i32
      %ne3A_131 = arith.cmpi ne, %sign3A_123, %sign3A_130 : i32
      %rem3A_132 = arith.remsi %select_n3A_14, %jit3A_115 : i32
      %ne3A_133 = arith.constant 0 : i32
      %ne3A_134 = arith.cmpi ne, %rem3A_132, %ne3A_133 : i32
      %and3A_135 = arith.andi %ne3A_131, %ne3A_134 : i1
      %sub3A_136 = arith.constant 1 : i32
      %sub3A_137 = arith.subi %div3A_116, %sub3A_136 : i32
      %select_n3A_138 = arith.select %and3A_135, %sub3A_137, %div3A_116 : i32
      %sub3A_139 = arith.constant 1 : i32
      %sub3A_140 = arith.subi %select_n3A_138, %sub3A_139 : i32
      %lt3A = arith.cmpi slt, %while3A_90, %sub3A_140 : i32
      %convert_element_type3A = arith.extui %lt3A : i1 to i32
      %cond3A = arith.constant 0 : i32
      %cond3A_141 = arith.cmpi ne, %convert_element_type3A, %cond3A : i32
      scf.if %cond3A_141 {
        %add3A_142 = arith.constant 1 : i32
        %add3A_143 = arith.addi %add3A_95, %add3A_142 : i32
        %dma_start3A_144 = arith.constant 0 : i32
        %dma_start3A_145 = tpu.memref_slice %arg12[%add3A_143, %dma_start3A_144] : memref<64x128xi32, #tpu.memory_space<vmem>> -> memref<1x128xi32, #tpu.memory_space<vmem>>
        %dma_start3A_146 = tpu.memref_squeeze %dma_start3A_145 : memref<1x128xi32, #tpu.memory_space<vmem>> -> memref<128xi32, #tpu.memory_space<vmem>>
        %dma_start3A_147 = arith.constant 0 : i32
        %dma_start3A_148 = arith.constant 0 : i32
        %dma_start3A_149 = tpu.memref_slice %arg2[%dma_start3A_147, %dma_start3A_148] : memref<10240x128xf32, #tpu.memory_space<hbm>> -> memref<10240x128xf32, #tpu.memory_space<hbm>>
        tpu.enqueue_indirect_dma source(%dma_start3A_149 : memref<10240x128xf32, #tpu.memory_space<hbm>>) target(%arg14 : memref<128x128xf32, #tpu.memory_space<vmem>>) offsets(%dma_start3A_146 : memref<128xi32, #tpu.memory_space<vmem>>) semaphore(%arg16 : memref<!tpu.dma_semaphore, #tpu.memory_space<semaphore_mem>>)
      } else {
      }
      "tpu.region"() ({
        %run_scoped3A = tpu.sem_alloc : memref<!tpu.dma_semaphore, #tpu.memory_space<semaphore_mem>>
        %dma_start3A_142 = arith.constant 0 : i32
        %dma_start3A_143 = tpu.memref_slice %arg13[%add3A_95, %dma_start3A_142] : memref<64x128xi32, #tpu.memory_space<vmem>> -> memref<1x128xi32, #tpu.memory_space<vmem>>
        %dma_start3A_144 = tpu.memref_squeeze %dma_start3A_143 : memref<1x128xi32, #tpu.memory_space<vmem>> -> memref<128xi32, #tpu.memory_space<vmem>>
        %dma_start3A_145 = arith.constant 0 : i32
        %dma_start3A_146 = arith.constant 0 : i32
        %dma_start3A_147 = tpu.memref_slice %arg11[%dma_start3A_145, %dma_start3A_146] : memref<10240x128xf32, #tpu.memory_space<vmem_shared>> -> memref<10240x128xf32, #tpu.memory_space<vmem_shared>>
        tpu.enqueue_indirect_dma source(%arg15 : memref<128x128xf32, #tpu.memory_space<vmem>>) target(%dma_start3A_147 : memref<10240x128xf32, #tpu.memory_space<vmem_shared>>) offsets(%dma_start3A_144 : memref<128xi32, #tpu.memory_space<vmem>>) semaphore(%run_scoped3A : memref<!tpu.dma_semaphore, #tpu.memory_space<semaphore_mem>>) {add = true}
        %dma_wait3A_148 = arith.constant 0 : i32
        %dma_wait3A_149 = tpu.memref_slice %arg13[%add3A_95, %dma_wait3A_148] : memref<64x128xi32, #tpu.memory_space<vmem>> -> memref<1x128xi32, #tpu.memory_space<vmem>>
        %dma_wait3A_150 = tpu.memref_squeeze %dma_wait3A_149 : memref<1x128xi32, #tpu.memory_space<vmem>> -> memref<128xi32, #tpu.memory_space<vmem>>
        %dma_wait3A_151 = arith.constant 0 : i32
        %dma_wait3A_152 = arith.constant 0 : i32
        %dma_wait3A_153 = tpu.memref_slice %arg11[%dma_wait3A_151, %dma_wait3A_152] : memref<10240x128xf32, #tpu.memory_space<vmem_shared>> -> memref<10240x128xf32, #tpu.memory_space<vmem_shared>>
        tpu.wait_indirect_dma semaphore(%run_scoped3A : memref<!tpu.dma_semaphore, #tpu.memory_space<semaphore_mem>>) src(%arg15 : memref<128x128xf32, #tpu.memory_space<vmem>>) dst(%dma_wait3A_153 : memref<10240x128xf32, #tpu.memory_space<vmem_shared>>)
        tpu.yield
      }) : () -> ()
    }
    %while3A_46 = arith.constant 1 : i32
    scf.for %while3A_90 = %while3A_44 to %while3A_40 step %while3A_46  : i32 {
      %mul3A_91 = arith.constant 2 : i32
      %mul3A_92 = arith.muli %mul3A_91, %while3A_90 : i32
      %add3A_93 = arith.addi %select_n3A_9, %mul3A_92 : i32
      %add3A_94 = arith.constant 1 : i32
      %add3A_95 = arith.addi %add3A_93, %add3A_94 : i32
      %dma_wait3A = arith.constant 0 : i32
      %dma_wait3A_96 = arith.constant 0 : i32
      %dma_wait3A_97 = tpu.memref_slice %arg12[%dma_wait3A, %dma_wait3A_96] : memref<64x128xi32, #tpu.memory_space<vmem>> -> memref<1x128xi32, #tpu.memory_space<vmem>>
      %dma_wait3A_98 = tpu.memref_squeeze %dma_wait3A_97 : memref<1x128xi32, #tpu.memory_space<vmem>> -> memref<128xi32, #tpu.memory_space<vmem>>
      %dma_wait3A_99 = arith.constant 0 : i32
      %dma_wait3A_100 = arith.constant 0 : i32
      %dma_wait3A_101 = tpu.memref_slice %arg2[%dma_wait3A_99, %dma_wait3A_100] : memref<10240x128xf32, #tpu.memory_space<hbm>> -> memref<10240x128xf32, #tpu.memory_space<hbm>>
      tpu.wait_indirect_dma semaphore(%arg16 : memref<!tpu.dma_semaphore, #tpu.memory_space<semaphore_mem>>) src(%dma_wait3A_101 : memref<10240x128xf32, #tpu.memory_space<hbm>>) dst(%arg14 : memref<128x128xf32, #tpu.memory_space<vmem>>)
      %dma_start3A_102 = arith.constant 0 : i32
      %dma_start3A_103 = tpu.memref_slice %arg12[%add3A_95, %dma_start3A_102] : memref<64x128xi32, #tpu.memory_space<vmem>> -> memref<1x128xi32, #tpu.memory_space<vmem>>
      %dma_start3A_104 = tpu.memref_squeeze %dma_start3A_103 : memref<1x128xi32, #tpu.memory_space<vmem>> -> memref<128xi32, #tpu.memory_space<vmem>>
      %dma_start3A_105 = arith.constant 0 : i32
      %dma_start3A_106 = arith.constant 0 : i32
      %dma_start3A_107 = tpu.memref_slice %arg2[%dma_start3A_105, %dma_start3A_106] : memref<10240x128xf32, #tpu.memory_space<hbm>> -> memref<10240x128xf32, #tpu.memory_space<hbm>>
      tpu.enqueue_indirect_dma source(%dma_start3A_107 : memref<10240x128xf32, #tpu.memory_space<hbm>>) target(%arg15 : memref<128x128xf32, #tpu.memory_space<vmem>>) offsets(%dma_start3A_104 : memref<128xi32, #tpu.memory_space<vmem>>) semaphore(%arg16 : memref<!tpu.dma_semaphore, #tpu.memory_space<semaphore_mem>>)
      "tpu.region"() ({
        %run_scoped3A = tpu.sem_alloc : memref<!tpu.dma_semaphore, #tpu.memory_space<semaphore_mem>>
        %dma_start3A_142 = arith.constant 0 : i32
        %dma_start3A_143 = tpu.memref_slice %arg13[%add3A_93, %dma_start3A_142] : memref<64x128xi32, #tpu.memory_space<vmem>> -> memref<1x128xi32, #tpu.memory_space<vmem>>
        %dma_start3A_144 = tpu.memref_squeeze %dma_start3A_143 : memref<1x128xi32, #tpu.memory_space<vmem>> -> memref<128xi32, #tpu.memory_space<vmem>>
        %dma_start3A_145 = arith.constant 0 : i32
        %dma_start3A_146 = arith.constant 0 : i32
        %dma_start3A_147 = tpu.memref_slice %arg11[%dma_start3A_145, %dma_start3A_146] : memref<10240x128xf32, #tpu.memory_space<vmem_shared>> -> memref<10240x128xf32, #tpu.memory_space<vmem_shared>>
        tpu.enqueue_indirect_dma source(%arg14 : memref<128x128xf32, #tpu.memory_space<vmem>>) target(%dma_start3A_147 : memref<10240x128xf32, #tpu.memory_space<vmem_shared>>) offsets(%dma_start3A_144 : memref<128xi32, #tpu.memory_space<vmem>>) semaphore(%run_scoped3A : memref<!tpu.dma_semaphore, #tpu.memory_space<semaphore_mem>>) {add = true}
        %dma_wait3A_148 = arith.constant 0 : i32
        %dma_wait3A_149 = tpu.memref_slice %arg13[%add3A_93, %dma_wait3A_148] : memref<64x128xi32, #tpu.memory_space<vmem>> -> memref<1x128xi32, #tpu.memory_space<vmem>>
        %dma_wait3A_150 = tpu.memref_squeeze %dma_wait3A_149 : memref<1x128xi32, #tpu.memory_space<vmem>> -> memref<128xi32, #tpu.memory_space<vmem>>
        %dma_wait3A_151 = arith.constant 0 : i32
        %dma_wait3A_152 = arith.constant 0 : i32
        %dma_wait3A_153 = tpu.memref_slice %arg11[%dma_wait3A_151, %dma_wait3A_152] : memref<10240x128xf32, #tpu.memory_space<vmem_shared>> -> memref<10240x128xf32, #tpu.memory_space<vmem_shared>>
        tpu.wait_indirect_dma semaphore(%run_scoped3A : memref<!tpu.dma_semaphore, #tpu.memory_space<semaphore_mem>>) src(%arg14 : memref<128x128xf32, #tpu.memory_space<vmem>>) dst(%dma_wait3A_153 : memref<10240x128xf32, #tpu.memory_space<vmem_shared>>)
        tpu.yield
      }) : () -> ()
      %dma_wait3A_108 = arith.constant 0 : i32
      %dma_wait3A_109 = arith.constant 0 : i32
      %dma_wait3A_110 = tpu.memref_slice %arg12[%dma_wait3A_108, %dma_wait3A_109] : memref<64x128xi32, #tpu.memory_space<vmem>> -> memref<1x128xi32, #tpu.memory_space<vmem>>
      %dma_wait3A_111 = tpu.memref_squeeze %dma_wait3A_110 : memref<1x128xi32, #tpu.memory_space<vmem>> -> memref<128xi32, #tpu.memory_space<vmem>>
      %dma_wait3A_112 = arith.constant 0 : i32
      %dma_wait3A_113 = arith.constant 0 : i32
      %dma_wait3A_114 = tpu.memref_slice %arg2[%dma_wait3A_112, %dma_wait3A_113] : memref<10240x128xf32, #tpu.memory_space<hbm>> -> memref<10240x128xf32, #tpu.memory_space<hbm>>
      tpu.wait_indirect_dma semaphore(%arg16 : memref<!tpu.dma_semaphore, #tpu.memory_space<semaphore_mem>>) src(%dma_wait3A_114 : memref<10240x128xf32, #tpu.memory_space<hbm>>) dst(%arg15 : memref<128x128xf32, #tpu.memory_space<vmem>>)
      %jit3A_115 = arith.constant 2 : i32
      %div3A_116 = arith.divsi %select_n3A_14, %jit3A_115 : i32
      %sign3A_117 = arith.constant 0 : i32
      %sign3A_118 = arith.cmpi sgt, %select_n3A_14, %sign3A_117 : i32
      %sign3A_119 = arith.extui %sign3A_118 : i1 to i32
      %sign3A_120 = arith.constant 0 : i32
      %sign3A_121 = arith.cmpi slt, %select_n3A_14, %sign3A_120 : i32
      %sign3A_122 = arith.extui %sign3A_121 : i1 to i32
      %sign3A_123 = arith.subi %sign3A_119, %sign3A_122 : i32
      %sign3A_124 = arith.constant 0 : i32
      %sign3A_125 = arith.cmpi sgt, %jit3A_115, %sign3A_124 : i32
      %sign3A_126 = arith.extui %sign3A_125 : i1 to i32
      %sign3A_127 = arith.constant 0 : i32
      %sign3A_128 = arith.cmpi slt, %jit3A_115, %sign3A_127 : i32
      %sign3A_129 = arith.extui %sign3A_128 : i1 to i32
      %sign3A_130 = arith.subi %sign3A_126, %sign3A_129 : i32
      %ne3A_131 = arith.cmpi ne, %sign3A_123, %sign3A_130 : i32
      %rem3A_132 = arith.remsi %select_n3A_14, %jit3A_115 : i32
      %ne3A_133 = arith.constant 0 : i32
      %ne3A_134 = arith.cmpi ne, %rem3A_132, %ne3A_133 : i32
      %and3A_135 = arith.andi %ne3A_131, %ne3A_134 : i1
      %sub3A_136 = arith.constant 1 : i32
      %sub3A_137 = arith.subi %div3A_116, %sub3A_136 : i32
      %select_n3A_138 = arith.select %and3A_135, %sub3A_137, %div3A_116 : i32
      %sub3A_139 = arith.constant 1 : i32
      %sub3A_140 = arith.subi %select_n3A_138, %sub3A_139 : i32
      %lt3A = arith.cmpi slt, %while3A_90, %sub3A_140 : i32
      %convert_element_type3A = arith.extui %lt3A : i1 to i32
      %cond3A = arith.constant 0 : i32
      %cond3A_141 = arith.cmpi ne, %convert_element_type3A, %cond3A : i32
      scf.if %cond3A_141 {
        %add3A_142 = arith.constant 1 : i32
        %add3A_143 = arith.addi %add3A_95, %add3A_142 : i32
        %dma_start3A_144 = arith.constant 0 : i32
        %dma_start3A_145 = tpu.memref_slice %arg12[%add3A_143, %dma_start3A_144] : memref<64x128xi32, #tpu.memory_space<vmem>> -> memref<1x128xi32, #tpu.memory_space<vmem>>
        %dma_start3A_146 = tpu.memref_squeeze %dma_start3A_145 : memref<1x128xi32, #tpu.memory_space<vmem>> -> memref<128xi32, #tpu.memory_space<vmem>>
        %dma_start3A_147 = arith.constant 0 : i32
        %dma_start3A_148 = arith.constant 0 : i32
        %dma_start3A_149 = tpu.memref_slice %arg2[%dma_start3A_147, %dma_start3A_148] : memref<10240x128xf32, #tpu.memory_space<hbm>> -> memref<10240x128xf32, #tpu.memory_space<hbm>>
        tpu.enqueue_indirect_dma source(%dma_start3A_149 : memref<10240x128xf32, #tpu.memory_space<hbm>>) target(%arg14 : memref<128x128xf32, #tpu.memory_space<vmem>>) offsets(%dma_start3A_146 : memref<128xi32, #tpu.memory_space<vmem>>) semaphore(%arg16 : memref<!tpu.dma_semaphore, #tpu.memory_space<semaphore_mem>>)
      } else {
      }
      "tpu.region"() ({
        %run_scoped3A = tpu.sem_alloc : memref<!tpu.dma_semaphore, #tpu.memory_space<semaphore_mem>>
        %dma_start3A_142 = arith.constant 0 : i32
        %dma_start3A_143 = tpu.memref_slice %arg13[%add3A_95, %dma_start3A_142] : memref<64x128xi32, #tpu.memory_space<vmem>> -> memref<1x128xi32, #tpu.memory_space<vmem>>
        %dma_start3A_144 = tpu.memref_squeeze %dma_start3A_143 : memref<1x128xi32, #tpu.memory_space<vmem>> -> memref<128xi32, #tpu.memory_space<vmem>>
        %dma_start3A_145 = arith.constant 0 : i32
        %dma_start3A_146 = arith.constant 0 : i32
        %dma_start3A_147 = tpu.memref_slice %arg11[%dma_start3A_145, %dma_start3A_146] : memref<10240x128xf32, #tpu.memory_space<vmem_shared>> -> memref<10240x128xf32, #tpu.memory_space<vmem_shared>>
        tpu.enqueue_indirect_dma source(%arg15 : memref<128x128xf32, #tpu.memory_space<vmem>>) target(%dma_start3A_147 : memref<10240x128xf32, #tpu.memory_space<vmem_shared>>) offsets(%dma_start3A_144 : memref<128xi32, #tpu.memory_space<vmem>>) semaphore(%run_scoped3A : memref<!tpu.dma_semaphore, #tpu.memory_space<semaphore_mem>>) {add = true}
        %dma_wait3A_148 = arith.constant 0 : i32
        %dma_wait3A_149 = tpu.memref_slice %arg13[%add3A_95, %dma_wait3A_148] : memref<64x128xi32, #tpu.memory_space<vmem>> -> memref<1x128xi32, #tpu.memory_space<vmem>>
        %dma_wait3A_150 = tpu.memref_squeeze %dma_wait3A_149 : memref<1x128xi32, #tpu.memory_space<vmem>> -> memref<128xi32, #tpu.memory_space<vmem>>
        %dma_wait3A_151 = arith.constant 0 : i32
        %dma_wait3A_152 = arith.constant 0 : i32
        %dma_wait3A_153 = tpu.memref_slice %arg11[%dma_wait3A_151, %dma_wait3A_152] : memref<10240x128xf32, #tpu.memory_space<vmem_shared>> -> memref<10240x128xf32, #tpu.memory_space<vmem_shared>>
        tpu.wait_indirect_dma semaphore(%run_scoped3A : memref<!tpu.dma_semaphore, #tpu.memory_space<semaphore_mem>>) src(%arg15 : memref<128x128xf32, #tpu.memory_space<vmem>>) dst(%dma_wait3A_153 : memref<10240x128xf32, #tpu.memory_space<vmem_shared>>)
        tpu.yield
      }) : () -> ()
    }
    %barrier3A_47 = arith.constant 0 : index
    tpu.barrier barrier_id(%barrier3A_47)
    "tpu.region"() ({
      %run_scoped3A = tpu.sem_alloc : memref<!tpu.dma_semaphore, #tpu.memory_space<semaphore_mem>>
      %dma_start3A_90 = arith.constant 0 : i32
      %dma_start3A_91 = tpu.memref_slice %arg9[%arg0, %mul3A_0, %dma_start3A_90] : memref<2x10240x128xf32, #tpu.memory_space<hbm>> -> memref<1x640x128xf32, #tpu.memory_space<hbm>>
      %dma_start3A_92 = tpu.memref_squeeze %dma_start3A_91 : memref<1x640x128xf32, #tpu.memory_space<hbm>> -> memref<640x128xf32, #tpu.memory_space<hbm>>
      %dma_start3A_93 = arith.constant 0 : i32
      %dma_start3A_94 = tpu.memref_slice %arg11[%mul3A_0, %dma_start3A_93] : memref<10240x128xf32, #tpu.memory_space<vmem_shared>> -> memref<640x128xf32, #tpu.memory_space<vmem_shared>>
      tpu.enqueue_dma source(%dma_start3A_94 : memref<640x128xf32, #tpu.memory_space<vmem_shared>>) target(%dma_start3A_92 : memref<640x128xf32, #tpu.memory_space<hbm>>) target_semaphore(%run_scoped3A : memref<!tpu.dma_semaphore, #tpu.memory_space<semaphore_mem>>)
      %dma_wait3A = arith.constant 0 : i32
      %dma_wait3A_95 = tpu.memref_slice %arg9[%arg0, %mul3A_0, %dma_wait3A] : memref<2x10240x128xf32, #tpu.memory_space<hbm>> -> memref<1x640x128xf32, #tpu.memory_space<hbm>>
      %dma_wait3A_96 = tpu.memref_squeeze %dma_wait3A_95 : memref<1x640x128xf32, #tpu.memory_space<hbm>> -> memref<640x128xf32, #tpu.memory_space<hbm>>
      %dma_wait3A_97 = arith.constant 0 : i32
      %dma_wait3A_98 = tpu.memref_slice %arg11[%mul3A_0, %dma_wait3A_97] : memref<10240x128xf32, #tpu.memory_space<vmem_shared>> -> memref<640x128xf32, #tpu.memory_space<vmem_shared>>
      tpu.wait_dma2 semaphore(%run_scoped3A : memref<!tpu.dma_semaphore, #tpu.memory_space<semaphore_mem>>) src(%dma_wait3A_98 : memref<640x128xf32, #tpu.memory_space<vmem_shared>>) dst(%dma_wait3A_96 : memref<640x128xf32, #tpu.memory_space<hbm>>)
      tpu.yield
    }) : () -> ()
    "tpu.region"() ({
      %run_scoped3A = tpu.sem_alloc : memref<!tpu.dma_semaphore, #tpu.memory_space<semaphore_mem>>
      %dma_start3A_90 = arith.constant 0 : i32
      %dma_start3A_91 = tpu.memref_slice %arg11[%mul3A_0, %dma_start3A_90] : memref<10240x128xf32, #tpu.memory_space<vmem_shared>> -> memref<640x128xf32, #tpu.memory_space<vmem_shared>>
      tpu.enqueue_dma source(%arg8 : memref<640x128xf32, #tpu.memory_space<hbm>>) target(%dma_start3A_91 : memref<640x128xf32, #tpu.memory_space<vmem_shared>>) target_semaphore(%run_scoped3A : memref<!tpu.dma_semaphore, #tpu.memory_space<semaphore_mem>>)
      %dma_wait3A = arith.constant 0 : i32
      %dma_wait3A_92 = tpu.memref_slice %arg11[%mul3A_0, %dma_wait3A] : memref<10240x128xf32, #tpu.memory_space<vmem_shared>> -> memref<640x128xf32, #tpu.memory_space<vmem_shared>>
      tpu.wait_dma2 semaphore(%run_scoped3A : memref<!tpu.dma_semaphore, #tpu.memory_space<semaphore_mem>>) src(%arg8 : memref<640x128xf32, #tpu.memory_space<hbm>>) dst(%dma_wait3A_92 : memref<640x128xf32, #tpu.memory_space<vmem_shared>>)
      tpu.yield
    }) : () -> ()
    %barrier3A_48 = arith.constant 0 : index
    tpu.barrier barrier_id(%barrier3A_48)
    "tpu.region"() ({
      %run_scoped3A = tpu.sem_alloc : memref<!tpu.dma_semaphore, #tpu.memory_space<semaphore_mem>>
      %dma_start3A_90 = arith.constant 0 : i32
      %dma_start3A_91 = tpu.memref_slice %arg6[%add3A, %dma_start3A_90] : memref<1280x128xi32, #tpu.memory_space<hbm>> -> memref<64x128xi32, #tpu.memory_space<hbm>>
      %dma_start3A_92 = arith.constant 0 : i32
      %dma_start3A_93 = tpu.memref_slice %arg6[%add3A, %dma_start3A_92] : memref<1280x128xi32, #tpu.memory_space<hbm>> -> memref<64x128xi32, #tpu.memory_space<hbm>>
      tpu.enqueue_dma source(%dma_start3A_93 : memref<64x128xi32, #tpu.memory_space<hbm>>) target(%arg12 : memref<64x128xi32, #tpu.memory_space<vmem>>) target_semaphore(%run_scoped3A : memref<!tpu.dma_semaphore, #tpu.memory_space<semaphore_mem>>)
      %dma_wait3A = arith.constant 0 : i32
      %dma_wait3A_94 = tpu.memref_slice %arg6[%add3A, %dma_wait3A] : memref<1280x128xi32, #tpu.memory_space<hbm>> -> memref<64x128xi32, #tpu.memory_space<hbm>>
      %dma_wait3A_95 = arith.constant 0 : i32
      %dma_wait3A_96 = tpu.memref_slice %arg6[%add3A, %dma_wait3A_95] : memref<1280x128xi32, #tpu.memory_space<hbm>> -> memref<64x128xi32, #tpu.memory_space<hbm>>
      tpu.wait_dma2 semaphore(%run_scoped3A : memref<!tpu.dma_semaphore, #tpu.memory_space<semaphore_mem>>) src(%dma_wait3A_96 : memref<64x128xi32, #tpu.memory_space<hbm>>) dst(%arg12 : memref<64x128xi32, #tpu.memory_space<vmem>>)
      tpu.yield
    }) : () -> ()
    "tpu.region"() ({
      %run_scoped3A = tpu.sem_alloc : memref<!tpu.dma_semaphore, #tpu.memory_space<semaphore_mem>>
      %dma_start3A_90 = arith.constant 0 : i32
      %dma_start3A_91 = tpu.memref_slice %arg7[%add3A, %dma_start3A_90] : memref<1280x128xi32, #tpu.memory_space<hbm>> -> memref<64x128xi32, #tpu.memory_space<hbm>>
      %dma_start3A_92 = arith.constant 0 : i32
      %dma_start3A_93 = tpu.memref_slice %arg7[%add3A, %dma_start3A_92] : memref<1280x128xi32, #tpu.memory_space<hbm>> -> memref<64x128xi32, #tpu.memory_space<hbm>>
      tpu.enqueue_dma source(%dma_start3A_93 : memref<64x128xi32, #tpu.memory_space<hbm>>) target(%arg13 : memref<64x128xi32, #tpu.memory_space<vmem>>) target_semaphore(%run_scoped3A : memref<!tpu.dma_semaphore, #tpu.memory_space<semaphore_mem>>)
      %dma_wait3A = arith.constant 0 : i32
      %dma_wait3A_94 = tpu.memref_slice %arg7[%add3A, %dma_wait3A] : memref<1280x128xi32, #tpu.memory_space<hbm>> -> memref<64x128xi32, #tpu.memory_space<hbm>>
      %dma_wait3A_95 = arith.constant 0 : i32
      %dma_wait3A_96 = tpu.memref_slice %arg7[%add3A, %dma_wait3A_95] : memref<1280x128xi32, #tpu.memory_space<hbm>> -> memref<64x128xi32, #tpu.memory_space<hbm>>
      tpu.wait_dma2 semaphore(%run_scoped3A : memref<!tpu.dma_semaphore, #tpu.memory_space<semaphore_mem>>) src(%dma_wait3A_96 : memref<64x128xi32, #tpu.memory_space<hbm>>) dst(%arg13 : memref<64x128xi32, #tpu.memory_space<vmem>>)
      tpu.yield
    }) : () -> ()
    %dma_start3A_49 = arith.constant 0 : i32
    %dma_start3A_50 = tpu.memref_slice %arg12[%select_n3A_9, %dma_start3A_49] : memref<64x128xi32, #tpu.memory_space<vmem>> -> memref<1x128xi32, #tpu.memory_space<vmem>>
    %dma_start3A_51 = tpu.memref_squeeze %dma_start3A_50 : memref<1x128xi32, #tpu.memory_space<vmem>> -> memref<128xi32, #tpu.memory_space<vmem>>
    %dma_start3A_52 = arith.constant 0 : i32
    %dma_start3A_53 = arith.constant 0 : i32
    %dma_start3A_54 = tpu.memref_slice %arg3[%dma_start3A_52, %dma_start3A_53] : memref<10240x128xf32, #tpu.memory_space<hbm>> -> memref<10240x128xf32, #tpu.memory_space<hbm>>
    tpu.enqueue_indirect_dma source(%dma_start3A_54 : memref<10240x128xf32, #tpu.memory_space<hbm>>) target(%arg14 : memref<128x128xf32, #tpu.memory_space<vmem>>) offsets(%dma_start3A_51 : memref<128xi32, #tpu.memory_space<vmem>>) semaphore(%arg16 : memref<!tpu.dma_semaphore, #tpu.memory_space<semaphore_mem>>)
    %jit3A_55 = arith.constant 2 : i32
    %div3A_56 = arith.divsi %select_n3A_14, %jit3A_55 : i32
    %sign3A_57 = arith.constant 0 : i32
    %sign3A_58 = arith.cmpi sgt, %select_n3A_14, %sign3A_57 : i32
    %sign3A_59 = arith.extui %sign3A_58 : i1 to i32
    %sign3A_60 = arith.constant 0 : i32
    %sign3A_61 = arith.cmpi slt, %select_n3A_14, %sign3A_60 : i32
    %sign3A_62 = arith.extui %sign3A_61 : i1 to i32
    %sign3A_63 = arith.subi %sign3A_59, %sign3A_62 : i32
    %sign3A_64 = arith.constant 0 : i32
    %sign3A_65 = arith.cmpi sgt, %jit3A_55, %sign3A_64 : i32
    %sign3A_66 = arith.extui %sign3A_65 : i1 to i32
    %sign3A_67 = arith.constant 0 : i32
    %sign3A_68 = arith.cmpi slt, %jit3A_55, %sign3A_67 : i32
    %sign3A_69 = arith.extui %sign3A_68 : i1 to i32
    %sign3A_70 = arith.subi %sign3A_66, %sign3A_69 : i32
    %ne3A_71 = arith.cmpi ne, %sign3A_63, %sign3A_70 : i32
    %rem3A_72 = arith.remsi %select_n3A_14, %jit3A_55 : i32
    %ne3A_73 = arith.constant 0 : i32
    %ne3A_74 = arith.cmpi ne, %rem3A_72, %ne3A_73 : i32
    %and3A_75 = arith.andi %ne3A_71, %ne3A_74 : i1
    %sub3A_76 = arith.constant 1 : i32
    %sub3A_77 = arith.subi %div3A_56, %sub3A_76 : i32
    %select_n3A_78 = arith.select %and3A_75, %sub3A_77, %div3A_56 : i32
    %while3A_79 = arith.constant 0 : i32
    %while3A_80 = arith.constant 0 : i32
    %while3A_81 = arith.subi %select_n3A_78, %while3A_80 : i32
    %while3A_82 = arith.addi %while3A_80, %while3A_81 : i32
    %while3A_83 = arith.constant 1 : i32
    %while3A_84 = arith.divsi %while3A_81, %while3A_83 : i32
    %while3A_85 = arith.muli %while3A_84, %while3A_83 : i32
    %while3A_86 = arith.addi %while3A_80, %while3A_85 : i32
    %while3A_87 = arith.constant 1 : i32
    scf.for %while3A_90 = %while3A_80 to %while3A_86 step %while3A_87  : i32 {
      %mul3A_91 = arith.constant 2 : i32
      %mul3A_92 = arith.muli %mul3A_91, %while3A_90 : i32
      %add3A_93 = arith.addi %select_n3A_9, %mul3A_92 : i32
      %add3A_94 = arith.constant 1 : i32
      %add3A_95 = arith.addi %add3A_93, %add3A_94 : i32
      %dma_wait3A = arith.constant 0 : i32
      %dma_wait3A_96 = arith.constant 0 : i32
      %dma_wait3A_97 = tpu.memref_slice %arg12[%dma_wait3A, %dma_wait3A_96] : memref<64x128xi32, #tpu.memory_space<vmem>> -> memref<1x128xi32, #tpu.memory_space<vmem>>
      %dma_wait3A_98 = tpu.memref_squeeze %dma_wait3A_97 : memref<1x128xi32, #tpu.memory_space<vmem>> -> memref<128xi32, #tpu.memory_space<vmem>>
      %dma_wait3A_99 = arith.constant 0 : i32
      %dma_wait3A_100 = arith.constant 0 : i32
      %dma_wait3A_101 = tpu.memref_slice %arg3[%dma_wait3A_99, %dma_wait3A_100] : memref<10240x128xf32, #tpu.memory_space<hbm>> -> memref<10240x128xf32, #tpu.memory_space<hbm>>
      tpu.wait_indirect_dma semaphore(%arg16 : memref<!tpu.dma_semaphore, #tpu.memory_space<semaphore_mem>>) src(%dma_wait3A_101 : memref<10240x128xf32, #tpu.memory_space<hbm>>) dst(%arg14 : memref<128x128xf32, #tpu.memory_space<vmem>>)
      %dma_start3A_102 = arith.constant 0 : i32
      %dma_start3A_103 = tpu.memref_slice %arg12[%add3A_95, %dma_start3A_102] : memref<64x128xi32, #tpu.memory_space<vmem>> -> memref<1x128xi32, #tpu.memory_space<vmem>>
      %dma_start3A_104 = tpu.memref_squeeze %dma_start3A_103 : memref<1x128xi32, #tpu.memory_space<vmem>> -> memref<128xi32, #tpu.memory_space<vmem>>
      %dma_start3A_105 = arith.constant 0 : i32
      %dma_start3A_106 = arith.constant 0 : i32
      %dma_start3A_107 = tpu.memref_slice %arg3[%dma_start3A_105, %dma_start3A_106] : memref<10240x128xf32, #tpu.memory_space<hbm>> -> memref<10240x128xf32, #tpu.memory_space<hbm>>
      tpu.enqueue_indirect_dma source(%dma_start3A_107 : memref<10240x128xf32, #tpu.memory_space<hbm>>) target(%arg15 : memref<128x128xf32, #tpu.memory_space<vmem>>) offsets(%dma_start3A_104 : memref<128xi32, #tpu.memory_space<vmem>>) semaphore(%arg16 : memref<!tpu.dma_semaphore, #tpu.memory_space<semaphore_mem>>)
      "tpu.region"() ({
        %run_scoped3A = tpu.sem_alloc : memref<!tpu.dma_semaphore, #tpu.memory_space<semaphore_mem>>
        %dma_start3A_142 = arith.constant 0 : i32
        %dma_start3A_143 = tpu.memref_slice %arg13[%add3A_93, %dma_start3A_142] : memref<64x128xi32, #tpu.memory_space<vmem>> -> memref<1x128xi32, #tpu.memory_space<vmem>>
        %dma_start3A_144 = tpu.memref_squeeze %dma_start3A_143 : memref<1x128xi32, #tpu.memory_space<vmem>> -> memref<128xi32, #tpu.memory_space<vmem>>
        %dma_start3A_145 = arith.constant 0 : i32
        %dma_start3A_146 = arith.constant 0 : i32
        %dma_start3A_147 = tpu.memref_slice %arg11[%dma_start3A_145, %dma_start3A_146] : memref<10240x128xf32, #tpu.memory_space<vmem_shared>> -> memref<10240x128xf32, #tpu.memory_space<vmem_shared>>
        tpu.enqueue_indirect_dma source(%arg14 : memref<128x128xf32, #tpu.memory_space<vmem>>) target(%dma_start3A_147 : memref<10240x128xf32, #tpu.memory_space<vmem_shared>>) offsets(%dma_start3A_144 : memref<128xi32, #tpu.memory_space<vmem>>) semaphore(%run_scoped3A : memref<!tpu.dma_semaphore, #tpu.memory_space<semaphore_mem>>) {add = true}
        %dma_wait3A_148 = arith.constant 0 : i32
        %dma_wait3A_149 = tpu.memref_slice %arg13[%add3A_93, %dma_wait3A_148] : memref<64x128xi32, #tpu.memory_space<vmem>> -> memref<1x128xi32, #tpu.memory_space<vmem>>
        %dma_wait3A_150 = tpu.memref_squeeze %dma_wait3A_149 : memref<1x128xi32, #tpu.memory_space<vmem>> -> memref<128xi32, #tpu.memory_space<vmem>>
        %dma_wait3A_151 = arith.constant 0 : i32
        %dma_wait3A_152 = arith.constant 0 : i32
        %dma_wait3A_153 = tpu.memref_slice %arg11[%dma_wait3A_151, %dma_wait3A_152] : memref<10240x128xf32, #tpu.memory_space<vmem_shared>> -> memref<10240x128xf32, #tpu.memory_space<vmem_shared>>
        tpu.wait_indirect_dma semaphore(%run_scoped3A : memref<!tpu.dma_semaphore, #tpu.memory_space<semaphore_mem>>) src(%arg14 : memref<128x128xf32, #tpu.memory_space<vmem>>) dst(%dma_wait3A_153 : memref<10240x128xf32, #tpu.memory_space<vmem_shared>>)
        tpu.yield
      }) : () -> ()
      %dma_wait3A_108 = arith.constant 0 : i32
      %dma_wait3A_109 = arith.constant 0 : i32
      %dma_wait3A_110 = tpu.memref_slice %arg12[%dma_wait3A_108, %dma_wait3A_109] : memref<64x128xi32, #tpu.memory_space<vmem>> -> memref<1x128xi32, #tpu.memory_space<vmem>>
      %dma_wait3A_111 = tpu.memref_squeeze %dma_wait3A_110 : memref<1x128xi32, #tpu.memory_space<vmem>> -> memref<128xi32, #tpu.memory_space<vmem>>
      %dma_wait3A_112 = arith.constant 0 : i32
      %dma_wait3A_113 = arith.constant 0 : i32
      %dma_wait3A_114 = tpu.memref_slice %arg3[%dma_wait3A_112, %dma_wait3A_113] : memref<10240x128xf32, #tpu.memory_space<hbm>> -> memref<10240x128xf32, #tpu.memory_space<hbm>>
      tpu.wait_indirect_dma semaphore(%arg16 : memref<!tpu.dma_semaphore, #tpu.memory_space<semaphore_mem>>) src(%dma_wait3A_114 : memref<10240x128xf32, #tpu.memory_space<hbm>>) dst(%arg15 : memref<128x128xf32, #tpu.memory_space<vmem>>)
      %jit3A_115 = arith.constant 2 : i32
      %div3A_116 = arith.divsi %select_n3A_14, %jit3A_115 : i32
      %sign3A_117 = arith.constant 0 : i32
      %sign3A_118 = arith.cmpi sgt, %select_n3A_14, %sign3A_117 : i32
      %sign3A_119 = arith.extui %sign3A_118 : i1 to i32
      %sign3A_120 = arith.constant 0 : i32
      %sign3A_121 = arith.cmpi slt, %select_n3A_14, %sign3A_120 : i32
      %sign3A_122 = arith.extui %sign3A_121 : i1 to i32
      %sign3A_123 = arith.subi %sign3A_119, %sign3A_122 : i32
      %sign3A_124 = arith.constant 0 : i32
      %sign3A_125 = arith.cmpi sgt, %jit3A_115, %sign3A_124 : i32
      %sign3A_126 = arith.extui %sign3A_125 : i1 to i32
      %sign3A_127 = arith.constant 0 : i32
      %sign3A_128 = arith.cmpi slt, %jit3A_115, %sign3A_127 : i32
      %sign3A_129 = arith.extui %sign3A_128 : i1 to i32
      %sign3A_130 = arith.subi %sign3A_126, %sign3A_129 : i32
      %ne3A_131 = arith.cmpi ne, %sign3A_123, %sign3A_130 : i32
      %rem3A_132 = arith.remsi %select_n3A_14, %jit3A_115 : i32
      %ne3A_133 = arith.constant 0 : i32
      %ne3A_134 = arith.cmpi ne, %rem3A_132, %ne3A_133 : i32
      %and3A_135 = arith.andi %ne3A_131, %ne3A_134 : i1
      %sub3A_136 = arith.constant 1 : i32
      %sub3A_137 = arith.subi %div3A_116, %sub3A_136 : i32
      %select_n3A_138 = arith.select %and3A_135, %sub3A_137, %div3A_116 : i32
      %sub3A_139 = arith.constant 1 : i32
      %sub3A_140 = arith.subi %select_n3A_138, %sub3A_139 : i32
      %lt3A = arith.cmpi slt, %while3A_90, %sub3A_140 : i32
      %convert_element_type3A = arith.extui %lt3A : i1 to i32
      %cond3A = arith.constant 0 : i32
      %cond3A_141 = arith.cmpi ne, %convert_element_type3A, %cond3A : i32
      scf.if %cond3A_141 {
        %add3A_142 = arith.constant 1 : i32
        %add3A_143 = arith.addi %add3A_95, %add3A_142 : i32
        %dma_start3A_144 = arith.constant 0 : i32
        %dma_start3A_145 = tpu.memref_slice %arg12[%add3A_143, %dma_start3A_144] : memref<64x128xi32, #tpu.memory_space<vmem>> -> memref<1x128xi32, #tpu.memory_space<vmem>>
        %dma_start3A_146 = tpu.memref_squeeze %dma_start3A_145 : memref<1x128xi32, #tpu.memory_space<vmem>> -> memref<128xi32, #tpu.memory_space<vmem>>
        %dma_start3A_147 = arith.constant 0 : i32
        %dma_start3A_148 = arith.constant 0 : i32
        %dma_start3A_149 = tpu.memref_slice %arg3[%dma_start3A_147, %dma_start3A_148] : memref<10240x128xf32, #tpu.memory_space<hbm>> -> memref<10240x128xf32, #tpu.memory_space<hbm>>
        tpu.enqueue_indirect_dma source(%dma_start3A_149 : memref<10240x128xf32, #tpu.memory_space<hbm>>) target(%arg14 : memref<128x128xf32, #tpu.memory_space<vmem>>) offsets(%dma_start3A_146 : memref<128xi32, #tpu.memory_space<vmem>>) semaphore(%arg16 : memref<!tpu.dma_semaphore, #tpu.memory_space<semaphore_mem>>)
      } else {
      }
      "tpu.region"() ({
        %run_scoped3A = tpu.sem_alloc : memref<!tpu.dma_semaphore, #tpu.memory_space<semaphore_mem>>
        %dma_start3A_142 = arith.constant 0 : i32
        %dma_start3A_143 = tpu.memref_slice %arg13[%add3A_95, %dma_start3A_142] : memref<64x128xi32, #tpu.memory_space<vmem>> -> memref<1x128xi32, #tpu.memory_space<vmem>>
        %dma_start3A_144 = tpu.memref_squeeze %dma_start3A_143 : memref<1x128xi32, #tpu.memory_space<vmem>> -> memref<128xi32, #tpu.memory_space<vmem>>
        %dma_start3A_145 = arith.constant 0 : i32
        %dma_start3A_146 = arith.constant 0 : i32
        %dma_start3A_147 = tpu.memref_slice %arg11[%dma_start3A_145, %dma_start3A_146] : memref<10240x128xf32, #tpu.memory_space<vmem_shared>> -> memref<10240x128xf32, #tpu.memory_space<vmem_shared>>
        tpu.enqueue_indirect_dma source(%arg15 : memref<128x128xf32, #tpu.memory_space<vmem>>) target(%dma_start3A_147 : memref<10240x128xf32, #tpu.memory_space<vmem_shared>>) offsets(%dma_start3A_144 : memref<128xi32, #tpu.memory_space<vmem>>) semaphore(%run_scoped3A : memref<!tpu.dma_semaphore, #tpu.memory_space<semaphore_mem>>) {add = true}
        %dma_wait3A_148 = arith.constant 0 : i32
        %dma_wait3A_149 = tpu.memref_slice %arg13[%add3A_95, %dma_wait3A_148] : memref<64x128xi32, #tpu.memory_space<vmem>> -> memref<1x128xi32, #tpu.memory_space<vmem>>
        %dma_wait3A_150 = tpu.memref_squeeze %dma_wait3A_149 : memref<1x128xi32, #tpu.memory_space<vmem>> -> memref<128xi32, #tpu.memory_space<vmem>>
        %dma_wait3A_151 = arith.constant 0 : i32
        %dma_wait3A_152 = arith.constant 0 : i32
        %dma_wait3A_153 = tpu.memref_slice %arg11[%dma_wait3A_151, %dma_wait3A_152] : memref<10240x128xf32, #tpu.memory_space<vmem_shared>> -> memref<10240x128xf32, #tpu.memory_space<vmem_shared>>
        tpu.wait_indirect_dma semaphore(%run_scoped3A : memref<!tpu.dma_semaphore, #tpu.memory_space<semaphore_mem>>) src(%arg15 : memref<128x128xf32, #tpu.memory_space<vmem>>) dst(%dma_wait3A_153 : memref<10240x128xf32, #tpu.memory_space<vmem_shared>>)
        tpu.yield
      }) : () -> ()
    }
    %while3A_88 = arith.constant 1 : i32
    scf.for %while3A_90 = %while3A_86 to %while3A_82 step %while3A_88  : i32 {
      %mul3A_91 = arith.constant 2 : i32
      %mul3A_92 = arith.muli %mul3A_91, %while3A_90 : i32
      %add3A_93 = arith.addi %select_n3A_9, %mul3A_92 : i32
      %add3A_94 = arith.constant 1 : i32
      %add3A_95 = arith.addi %add3A_93, %add3A_94 : i32
      %dma_wait3A = arith.constant 0 : i32
      %dma_wait3A_96 = arith.constant 0 : i32
      %dma_wait3A_97 = tpu.memref_slice %arg12[%dma_wait3A, %dma_wait3A_96] : memref<64x128xi32, #tpu.memory_space<vmem>> -> memref<1x128xi32, #tpu.memory_space<vmem>>
      %dma_wait3A_98 = tpu.memref_squeeze %dma_wait3A_97 : memref<1x128xi32, #tpu.memory_space<vmem>> -> memref<128xi32, #tpu.memory_space<vmem>>
      %dma_wait3A_99 = arith.constant 0 : i32
      %dma_wait3A_100 = arith.constant 0 : i32
      %dma_wait3A_101 = tpu.memref_slice %arg3[%dma_wait3A_99, %dma_wait3A_100] : memref<10240x128xf32, #tpu.memory_space<hbm>> -> memref<10240x128xf32, #tpu.memory_space<hbm>>
      tpu.wait_indirect_dma semaphore(%arg16 : memref<!tpu.dma_semaphore, #tpu.memory_space<semaphore_mem>>) src(%dma_wait3A_101 : memref<10240x128xf32, #tpu.memory_space<hbm>>) dst(%arg14 : memref<128x128xf32, #tpu.memory_space<vmem>>)
      %dma_start3A_102 = arith.constant 0 : i32
      %dma_start3A_103 = tpu.memref_slice %arg12[%add3A_95, %dma_start3A_102] : memref<64x128xi32, #tpu.memory_space<vmem>> -> memref<1x128xi32, #tpu.memory_space<vmem>>
      %dma_start3A_104 = tpu.memref_squeeze %dma_start3A_103 : memref<1x128xi32, #tpu.memory_space<vmem>> -> memref<128xi32, #tpu.memory_space<vmem>>
      %dma_start3A_105 = arith.constant 0 : i32
      %dma_start3A_106 = arith.constant 0 : i32
      %dma_start3A_107 = tpu.memref_slice %arg3[%dma_start3A_105, %dma_start3A_106] : memref<10240x128xf32, #tpu.memory_space<hbm>> -> memref<10240x128xf32, #tpu.memory_space<hbm>>
      tpu.enqueue_indirect_dma source(%dma_start3A_107 : memref<10240x128xf32, #tpu.memory_space<hbm>>) target(%arg15 : memref<128x128xf32, #tpu.memory_space<vmem>>) offsets(%dma_start3A_104 : memref<128xi32, #tpu.memory_space<vmem>>) semaphore(%arg16 : memref<!tpu.dma_semaphore, #tpu.memory_space<semaphore_mem>>)
      "tpu.region"() ({
        %run_scoped3A = tpu.sem_alloc : memref<!tpu.dma_semaphore, #tpu.memory_space<semaphore_mem>>
        %dma_start3A_142 = arith.constant 0 : i32
        %dma_start3A_143 = tpu.memref_slice %arg13[%add3A_93, %dma_start3A_142] : memref<64x128xi32, #tpu.memory_space<vmem>> -> memref<1x128xi32, #tpu.memory_space<vmem>>
        %dma_start3A_144 = tpu.memref_squeeze %dma_start3A_143 : memref<1x128xi32, #tpu.memory_space<vmem>> -> memref<128xi32, #tpu.memory_space<vmem>>
        %dma_start3A_145 = arith.constant 0 : i32
        %dma_start3A_146 = arith.constant 0 : i32
        %dma_start3A_147 = tpu.memref_slice %arg11[%dma_start3A_145, %dma_start3A_146] : memref<10240x128xf32, #tpu.memory_space<vmem_shared>> -> memref<10240x128xf32, #tpu.memory_space<vmem_shared>>
        tpu.enqueue_indirect_dma source(%arg14 : memref<128x128xf32, #tpu.memory_space<vmem>>) target(%dma_start3A_147 : memref<10240x128xf32, #tpu.memory_space<vmem_shared>>) offsets(%dma_start3A_144 : memref<128xi32, #tpu.memory_space<vmem>>) semaphore(%run_scoped3A : memref<!tpu.dma_semaphore, #tpu.memory_space<semaphore_mem>>) {add = true}
        %dma_wait3A_148 = arith.constant 0 : i32
        %dma_wait3A_149 = tpu.memref_slice %arg13[%add3A_93, %dma_wait3A_148] : memref<64x128xi32, #tpu.memory_space<vmem>> -> memref<1x128xi32, #tpu.memory_space<vmem>>
        %dma_wait3A_150 = tpu.memref_squeeze %dma_wait3A_149 : memref<1x128xi32, #tpu.memory_space<vmem>> -> memref<128xi32, #tpu.memory_space<vmem>>
        %dma_wait3A_151 = arith.constant 0 : i32
        %dma_wait3A_152 = arith.constant 0 : i32
        %dma_wait3A_153 = tpu.memref_slice %arg11[%dma_wait3A_151, %dma_wait3A_152] : memref<10240x128xf32, #tpu.memory_space<vmem_shared>> -> memref<10240x128xf32, #tpu.memory_space<vmem_shared>>
        tpu.wait_indirect_dma semaphore(%run_scoped3A : memref<!tpu.dma_semaphore, #tpu.memory_space<semaphore_mem>>) src(%arg14 : memref<128x128xf32, #tpu.memory_space<vmem>>) dst(%dma_wait3A_153 : memref<10240x128xf32, #tpu.memory_space<vmem_shared>>)
        tpu.yield
      }) : () -> ()
      %dma_wait3A_108 = arith.constant 0 : i32
      %dma_wait3A_109 = arith.constant 0 : i32
      %dma_wait3A_110 = tpu.memref_slice %arg12[%dma_wait3A_108, %dma_wait3A_109] : memref<64x128xi32, #tpu.memory_space<vmem>> -> memref<1x128xi32, #tpu.memory_space<vmem>>
      %dma_wait3A_111 = tpu.memref_squeeze %dma_wait3A_110 : memref<1x128xi32, #tpu.memory_space<vmem>> -> memref<128xi32, #tpu.memory_space<vmem>>
      %dma_wait3A_112 = arith.constant 0 : i32
      %dma_wait3A_113 = arith.constant 0 : i32
      %dma_wait3A_114 = tpu.memref_slice %arg3[%dma_wait3A_112, %dma_wait3A_113] : memref<10240x128xf32, #tpu.memory_space<hbm>> -> memref<10240x128xf32, #tpu.memory_space<hbm>>
      tpu.wait_indirect_dma semaphore(%arg16 : memref<!tpu.dma_semaphore, #tpu.memory_space<semaphore_mem>>) src(%dma_wait3A_114 : memref<10240x128xf32, #tpu.memory_space<hbm>>) dst(%arg15 : memref<128x128xf32, #tpu.memory_space<vmem>>)
      %jit3A_115 = arith.constant 2 : i32
      %div3A_116 = arith.divsi %select_n3A_14, %jit3A_115 : i32
      %sign3A_117 = arith.constant 0 : i32
      %sign3A_118 = arith.cmpi sgt, %select_n3A_14, %sign3A_117 : i32
      %sign3A_119 = arith.extui %sign3A_118 : i1 to i32
      %sign3A_120 = arith.constant 0 : i32
      %sign3A_121 = arith.cmpi slt, %select_n3A_14, %sign3A_120 : i32
      %sign3A_122 = arith.extui %sign3A_121 : i1 to i32
      %sign3A_123 = arith.subi %sign3A_119, %sign3A_122 : i32
      %sign3A_124 = arith.constant 0 : i32
      %sign3A_125 = arith.cmpi sgt, %jit3A_115, %sign3A_124 : i32
      %sign3A_126 = arith.extui %sign3A_125 : i1 to i32
      %sign3A_127 = arith.constant 0 : i32
      %sign3A_128 = arith.cmpi slt, %jit3A_115, %sign3A_127 : i32
      %sign3A_129 = arith.extui %sign3A_128 : i1 to i32
      %sign3A_130 = arith.subi %sign3A_126, %sign3A_129 : i32
      %ne3A_131 = arith.cmpi ne, %sign3A_123, %sign3A_130 : i32
      %rem3A_132 = arith.remsi %select_n3A_14, %jit3A_115 : i32
      %ne3A_133 = arith.constant 0 : i32
      %ne3A_134 = arith.cmpi ne, %rem3A_132, %ne3A_133 : i32
      %and3A_135 = arith.andi %ne3A_131, %ne3A_134 : i1
      %sub3A_136 = arith.constant 1 : i32
      %sub3A_137 = arith.subi %div3A_116, %sub3A_136 : i32
      %select_n3A_138 = arith.select %and3A_135, %sub3A_137, %div3A_116 : i32
      %sub3A_139 = arith.constant 1 : i32
      %sub3A_140 = arith.subi %select_n3A_138, %sub3A_139 : i32
      %lt3A = arith.cmpi slt, %while3A_90, %sub3A_140 : i32
      %convert_element_type3A = arith.extui %lt3A : i1 to i32
      %cond3A = arith.constant 0 : i32
      %cond3A_141 = arith.cmpi ne, %convert_element_type3A, %cond3A : i32
      scf.if %cond3A_141 {
        %add3A_142 = arith.constant 1 : i32
        %add3A_143 = arith.addi %add3A_95, %add3A_142 : i32
        %dma_start3A_144 = arith.constant 0 : i32
        %dma_start3A_145 = tpu.memref_slice %arg12[%add3A_143, %dma_start3A_144] : memref<64x128xi32, #tpu.memory_space<vmem>> -> memref<1x128xi32, #tpu.memory_space<vmem>>
        %dma_start3A_146 = tpu.memref_squeeze %dma_start3A_145 : memref<1x128xi32, #tpu.memory_space<vmem>> -> memref<128xi32, #tpu.memory_space<vmem>>
        %dma_start3A_147 = arith.constant 0 : i32
        %dma_start3A_148 = arith.constant 0 : i32
        %dma_start3A_149 = tpu.memref_slice %arg3[%dma_start3A_147, %dma_start3A_148] : memref<10240x128xf32, #tpu.memory_space<hbm>> -> memref<10240x128xf32, #tpu.memory_space<hbm>>
        tpu.enqueue_indirect_dma source(%dma_start3A_149 : memref<10240x128xf32, #tpu.memory_space<hbm>>) target(%arg14 : memref<128x128xf32, #tpu.memory_space<vmem>>) offsets(%dma_start3A_146 : memref<128xi32, #tpu.memory_space<vmem>>) semaphore(%arg16 : memref<!tpu.dma_semaphore, #tpu.memory_space<semaphore_mem>>)
      } else {
      }
      "tpu.region"() ({
        %run_scoped3A = tpu.sem_alloc : memref<!tpu.dma_semaphore, #tpu.memory_space<semaphore_mem>>
        %dma_start3A_142 = arith.constant 0 : i32
        %dma_start3A_143 = tpu.memref_slice %arg13[%add3A_95, %dma_start3A_142] : memref<64x128xi32, #tpu.memory_space<vmem>> -> memref<1x128xi32, #tpu.memory_space<vmem>>
        %dma_start3A_144 = tpu.memref_squeeze %dma_start3A_143 : memref<1x128xi32, #tpu.memory_space<vmem>> -> memref<128xi32, #tpu.memory_space<vmem>>
        %dma_start3A_145 = arith.constant 0 : i32
        %dma_start3A_146 = arith.constant 0 : i32
        %dma_start3A_147 = tpu.memref_slice %arg11[%dma_start3A_145, %dma_start3A_146] : memref<10240x128xf32, #tpu.memory_space<vmem_shared>> -> memref<10240x128xf32, #tpu.memory_space<vmem_shared>>
        tpu.enqueue_indirect_dma source(%arg15 : memref<128x128xf32, #tpu.memory_space<vmem>>) target(%dma_start3A_147 : memref<10240x128xf32, #tpu.memory_space<vmem_shared>>) offsets(%dma_start3A_144 : memref<128xi32, #tpu.memory_space<vmem>>) semaphore(%run_scoped3A : memref<!tpu.dma_semaphore, #tpu.memory_space<semaphore_mem>>) {add = true}
        %dma_wait3A_148 = arith.constant 0 : i32
        %dma_wait3A_149 = tpu.memref_slice %arg13[%add3A_95, %dma_wait3A_148] : memref<64x128xi32, #tpu.memory_space<vmem>> -> memref<1x128xi32, #tpu.memory_space<vmem>>
        %dma_wait3A_150 = tpu.memref_squeeze %dma_wait3A_149 : memref<1x128xi32, #tpu.memory_space<vmem>> -> memref<128xi32, #tpu.memory_space<vmem>>
        %dma_wait3A_151 = arith.constant 0 : i32
        %dma_wait3A_152 = arith.constant 0 : i32
        %dma_wait3A_153 = tpu.memref_slice %arg11[%dma_wait3A_151, %dma_wait3A_152] : memref<10240x128xf32, #tpu.memory_space<vmem_shared>> -> memref<10240x128xf32, #tpu.memory_space<vmem_shared>>
        tpu.wait_indirect_dma semaphore(%run_scoped3A : memref<!tpu.dma_semaphore, #tpu.memory_space<semaphore_mem>>) src(%arg15 : memref<128x128xf32, #tpu.memory_space<vmem>>) dst(%dma_wait3A_153 : memref<10240x128xf32, #tpu.memory_space<vmem_shared>>)
        tpu.yield
      }) : () -> ()
    }
    %barrier3A_89 = arith.constant 0 : index
    tpu.barrier barrier_id(%barrier3A_89)
    "tpu.region"() ({
      %run_scoped3A = tpu.sem_alloc : memref<!tpu.dma_semaphore, #tpu.memory_space<semaphore_mem>>
      %dma_start3A_90 = arith.constant 0 : i32
      %dma_start3A_91 = tpu.memref_slice %arg10[%arg0, %mul3A_0, %dma_start3A_90] : memref<2x10240x128xf32, #tpu.memory_space<hbm>> -> memref<1x640x128xf32, #tpu.memory_space<hbm>>
      %dma_start3A_92 = tpu.memref_squeeze %dma_start3A_91 : memref<1x640x128xf32, #tpu.memory_space<hbm>> -> memref<640x128xf32, #tpu.memory_space<hbm>>
      %dma_start3A_93 = arith.constant 0 : i32
      %dma_start3A_94 = tpu.memref_slice %arg11[%mul3A_0, %dma_start3A_93] : memref<10240x128xf32, #tpu.memory_space<vmem_shared>> -> memref<640x128xf32, #tpu.memory_space<vmem_shared>>
      tpu.enqueue_dma source(%dma_start3A_94 : memref<640x128xf32, #tpu.memory_space<vmem_shared>>) target(%dma_start3A_92 : memref<640x128xf32, #tpu.memory_space<hbm>>) target_semaphore(%run_scoped3A : memref<!tpu.dma_semaphore, #tpu.memory_space<semaphore_mem>>)
      %dma_wait3A = arith.constant 0 : i32
      %dma_wait3A_95 = tpu.memref_slice %arg10[%arg0, %mul3A_0, %dma_wait3A] : memref<2x10240x128xf32, #tpu.memory_space<hbm>> -> memref<1x640x128xf32, #tpu.memory_space<hbm>>
      %dma_wait3A_96 = tpu.memref_squeeze %dma_wait3A_95 : memref<1x640x128xf32, #tpu.memory_space<hbm>> -> memref<640x128xf32, #tpu.memory_space<hbm>>
      %dma_wait3A_97 = arith.constant 0 : i32
      %dma_wait3A_98 = tpu.memref_slice %arg11[%mul3A_0, %dma_wait3A_97] : memref<10240x128xf32, #tpu.memory_space<vmem_shared>> -> memref<640x128xf32, #tpu.memory_space<vmem_shared>>
      tpu.wait_dma2 semaphore(%run_scoped3A : memref<!tpu.dma_semaphore, #tpu.memory_space<semaphore_mem>>) src(%dma_wait3A_98 : memref<640x128xf32, #tpu.memory_space<vmem_shared>>) dst(%dma_wait3A_96 : memref<640x128xf32, #tpu.memory_space<hbm>>)
      tpu.yield
    }) : () -> ()
    return
  }
}

#map = affine_map<(d0, d1) -> (0, 0)>
#map1 = affine_map<(d0, d1) -> (0, 0, 0)>
module attributes {stable_mosaic.version = 14 : i64} {
  func.func @body(%arg0: i32, %arg1: i32, %arg2: memref<10240x128xf32, #tpu.memory_space<hbm>>, %arg3: memref<10240x128xf32, #tpu.memory_space<hbm>>, %arg4: memref<1280x128xi32, #tpu.memory_space<hbm>>, %arg5: memref<1280x128xi32, #tpu.memory_space<hbm>>, %arg6: memref<1280x128xi32, #tpu.memory_space<hbm>>, %arg7: memref<1280x128xi32, #tpu.memory_space<hbm>>, %arg8: memref<640x128xf32, #tpu.memory_space<hbm>>, %arg9: memref<2x10240x128xf32, #tpu.memory_space<hbm>>, %arg10: memref<2x10240x128xf32, #tpu.memory_space<hbm>>, %arg11: memref<10240x128xf32, #tpu.memory_space<vmem_shared>>, %arg12: memref<64x128xi32, #tpu.memory_space<vmem>>, %arg13: memref<64x128xi32, #tpu.memory_space<vmem>>, %arg14: memref<128x128xf32, #tpu.memory_space<vmem>>, %arg15: memref<128x128xf32, #tpu.memory_space<vmem>>, %arg16: memref<!tpu.dma_semaphore, #tpu.memory_space<semaphore_mem>>) attributes {dimension_semantics = [#tpu.dimension_semantics<core_parallel>, #tpu.dimension_semantics<subcore_parallel>], iteration_bounds = array<i64: 2, 16>, scalar_prefetch = 0 : i64, scratch_operands = 6 : i64, tpu.core_type = #tpu.core_type<sc_vector_subcore>, window_params = [{transform_indices = #map}, {transform_indices = #map}, {transform_indices = #map}, {transform_indices = #map}, {transform_indices = #map}, {transform_indices = #map}, {transform_indices = #map}, {transform_indices = #map1}, {transform_indices = #map1}]} {
    %mul3A = arith.constant 640 : i32
    %mul3A_0 = arith.muli %arg1, %mul3A : i32
    %mul3A_1 = arith.constant 80 : i32
    %mul3A_2 = arith.muli %arg1, %mul3A_1 : i32
    %eq3A = arith.constant 0 : i32
    %eq3A_3 = arith.cmpi eq, %arg0, %eq3A : i32
    %jit3A = arith.constant 0 : i32
    %jit3A_4 = arith.constant 16 : i32
    %select_n3A = arith.select %eq3A_3, %jit3A, %jit3A_4 : i32
    %add3A = arith.addi %mul3A_2, %select_n3A : i32
    %eq3A_5 = arith.constant 0 : i32
    %eq3A_6 = arith.cmpi eq, %arg0, %eq3A_5 : i32
    %jit3A_7 = arith.constant 0 : i32
    %jit3A_8 = arith.constant 48 : i32
    %select_n3A_9 = arith.select %eq3A_6, %jit3A_7, %jit3A_8 : i32
    %eq3A_10 = arith.constant 0 : i32
    %eq3A_11 = arith.cmpi eq, %arg0, %eq3A_10 : i32
    %jit3A_12 = arith.constant 64 : i32
    %jit3A_13 = arith.constant 16 : i32
    %select_n3A_14 = arith.select %eq3A_11, %jit3A_12, %jit3A_13 : i32
    "tpu.region"() ({
      %run_scoped3A = tpu.sem_alloc : memref<!tpu.dma_semaphore, #tpu.memory_space<semaphore_mem>>
      %dma_start3A_90 = arith.constant 0 : i32
      %dma_start3A_91 = tpu.memref_slice %arg11[%mul3A_0, %dma_start3A_90] : memref<10240x128xf32, #tpu.memory_space<vmem_shared>> -> memref<640x128xf32, #tpu.memory_space<vmem_shared>>
      tpu.enqueue_dma source(%arg8 : memref<640x128xf32, #tpu.memory_space<hbm>>) target(%dma_start3A_91 : memref<640x128xf32, #tpu.memory_space<vmem_shared>>) target_semaphore(%run_scoped3A : memref<!tpu.dma_semaphore, #tpu.memory_space<semaphore_mem>>)
      %dma_wait3A = arith.constant 0 : i32
      %dma_wait3A_92 = tpu.memref_slice %arg11[%mul3A_0, %dma_wait3A] : memref<10240x128xf32, #tpu.memory_space<vmem_shared>> -> memref<640x128xf32, #tpu.memory_space<vmem_shared>>
      tpu.wait_dma2 semaphore(%run_scoped3A : memref<!tpu.dma_semaphore, #tpu.memory_space<semaphore_mem>>) src(%arg8 : memref<640x128xf32, #tpu.memory_space<hbm>>) dst(%dma_wait3A_92 : memref<640x128xf32, #tpu.memory_space<vmem_shared>>)
      tpu.yield
    }) : () -> ()
    %barrier3A = arith.constant 0 : index
    tpu.barrier barrier_id(%barrier3A)
    "tpu.region"() ({
      %run_scoped3A = tpu.sem_alloc : memref<!tpu.dma_semaphore, #tpu.memory_space<semaphore_mem>>
      %dma_start3A_90 = arith.constant 0 : i32
      %dma_start3A_91 = tpu.memref_slice %arg4[%add3A, %dma_start3A_90] : memref<1280x128xi32, #tpu.memory_space<hbm>> -> memref<64x128xi32, #tpu.memory_space<hbm>>
      %dma_start3A_92 = arith.constant 0 : i32
      %dma_start3A_93 = tpu.memref_slice %arg4[%add3A, %dma_start3A_92] : memref<1280x128xi32, #tpu.memory_space<hbm>> -> memref<64x128xi32, #tpu.memory_space<hbm>>
      tpu.enqueue_dma source(%dma_start3A_93 : memref<64x128xi32, #tpu.memory_space<hbm>>) target(%arg12 : memref<64x128xi32, #tpu.memory_space<vmem>>) target_semaphore(%run_scoped3A : memref<!tpu.dma_semaphore, #tpu.memory_space<semaphore_mem>>)
      %dma_wait3A = arith.constant 0 : i32
      %dma_wait3A_94 = tpu.memref_slice %arg4[%add3A, %dma_wait3A] : memref<1280x128xi32, #tpu.memory_space<hbm>> -> memref<64x128xi32, #tpu.memory_space<hbm>>
      %dma_wait3A_95 = arith.constant 0 : i32
      %dma_wait3A_96 = tpu.memref_slice %arg4[%add3A, %dma_wait3A_95] : memref<1280x128xi32, #tpu.memory_space<hbm>> -> memref<64x128xi32, #tpu.memory_space<hbm>>
      tpu.wait_dma2 semaphore(%run_scoped3A : memref<!tpu.dma_semaphore, #tpu.memory_space<semaphore_mem>>) src(%dma_wait3A_96 : memref<64x128xi32, #tpu.memory_space<hbm>>) dst(%arg12 : memref<64x128xi32, #tpu.memory_space<vmem>>)
      tpu.yield
    }) : () -> ()
    "tpu.region"() ({
      %run_scoped3A = tpu.sem_alloc : memref<!tpu.dma_semaphore, #tpu.memory_space<semaphore_mem>>
      %dma_start3A_90 = arith.constant 0 : i32
      %dma_start3A_91 = tpu.memref_slice %arg5[%add3A, %dma_start3A_90] : memref<1280x128xi32, #tpu.memory_space<hbm>> -> memref<64x128xi32, #tpu.memory_space<hbm>>
      %dma_start3A_92 = arith.constant 0 : i32
      %dma_start3A_93 = tpu.memref_slice %arg5[%add3A, %dma_start3A_92] : memref<1280x128xi32, #tpu.memory_space<hbm>> -> memref<64x128xi32, #tpu.memory_space<hbm>>
      tpu.enqueue_dma source(%dma_start3A_93 : memref<64x128xi32, #tpu.memory_space<hbm>>) target(%arg13 : memref<64x128xi32, #tpu.memory_space<vmem>>) target_semaphore(%run_scoped3A : memref<!tpu.dma_semaphore, #tpu.memory_space<semaphore_mem>>)
      %dma_wait3A = arith.constant 0 : i32
      %dma_wait3A_94 = tpu.memref_slice %arg5[%add3A, %dma_wait3A] : memref<1280x128xi32, #tpu.memory_space<hbm>> -> memref<64x128xi32, #tpu.memory_space<hbm>>
      %dma_wait3A_95 = arith.constant 0 : i32
      %dma_wait3A_96 = tpu.memref_slice %arg5[%add3A, %dma_wait3A_95] : memref<1280x128xi32, #tpu.memory_space<hbm>> -> memref<64x128xi32, #tpu.memory_space<hbm>>
      tpu.wait_dma2 semaphore(%run_scoped3A : memref<!tpu.dma_semaphore, #tpu.memory_space<semaphore_mem>>) src(%dma_wait3A_96 : memref<64x128xi32, #tpu.memory_space<hbm>>) dst(%arg13 : memref<64x128xi32, #tpu.memory_space<vmem>>)
      tpu.yield
    }) : () -> ()
    %dma_start3A = arith.constant 0 : i32
    %dma_start3A_15 = tpu.memref_slice %arg12[%select_n3A_9, %dma_start3A] : memref<64x128xi32, #tpu.memory_space<vmem>> -> memref<1x128xi32, #tpu.memory_space<vmem>>
    %dma_start3A_16 = tpu.memref_squeeze %dma_start3A_15 : memref<1x128xi32, #tpu.memory_space<vmem>> -> memref<128xi32, #tpu.memory_space<vmem>>
    %dma_start3A_17 = arith.constant 0 : i32
    %dma_start3A_18 = arith.constant 0 : i32
    %dma_start3A_19 = tpu.memref_slice %arg2[%dma_start3A_17, %dma_start3A_18] : memref<10240x128xf32, #tpu.memory_space<hbm>> -> memref<10240x128xf32, #tpu.memory_space<hbm>>
    tpu.enqueue_indirect_dma source(%dma_start3A_19 : memref<10240x128xf32, #tpu.memory_space<hbm>>) target(%arg14 : memref<128x128xf32, #tpu.memory_space<vmem>>) offsets(%dma_start3A_16 : memref<128xi32, #tpu.memory_space<vmem>>) semaphore(%arg16 : memref<!tpu.dma_semaphore, #tpu.memory_space<semaphore_mem>>)
    %jit3A_20 = arith.constant 2 : i32
    %div3A = arith.divsi %select_n3A_14, %jit3A_20 : i32
    %sign3A = arith.constant 0 : i32
    %sign3A_21 = arith.cmpi sgt, %select_n3A_14, %sign3A : i32
    %sign3A_22 = arith.extui %sign3A_21 : i1 to i32
    %sign3A_23 = arith.constant 0 : i32
    %sign3A_24 = arith.cmpi slt, %select_n3A_14, %sign3A_23 : i32
    %sign3A_25 = arith.extui %sign3A_24 : i1 to i32
    %sign3A_26 = arith.subi %sign3A_22, %sign3A_25 : i32
    %sign3A_27 = arith.constant 0 : i32
    %sign3A_28 = arith.cmpi sgt, %jit3A_20, %sign3A_27 : i32
    %sign3A_29 = arith.extui %sign3A_28 : i1 to i32
    %sign3A_30 = arith.constant 0 : i32
    %sign3A_31 = arith.cmpi slt, %jit3A_20, %sign3A_30 : i32
    %sign3A_32 = arith.extui %sign3A_31 : i1 to i32
    %sign3A_33 = arith.subi %sign3A_29, %sign3A_32 : i32
    %ne3A = arith.cmpi ne, %sign3A_26, %sign3A_33 : i32
    %rem3A = arith.remsi %select_n3A_14, %jit3A_20 : i32
    %ne3A_34 = arith.constant 0 : i32
    %ne3A_35 = arith.cmpi ne, %rem3A, %ne3A_34 : i32
    %and3A = arith.andi %ne3A, %ne3A_35 : i1
    %sub3A = arith.constant 1 : i32
    %sub3A_36 = arith.subi %div3A, %sub3A : i32
    %select_n3A_37 = arith.select %and3A, %sub3A_36, %div3A : i32
    %while3A = arith.constant 0 : i32
    %while3A_38 = arith.constant 0 : i32
    %while3A_39 = arith.subi %select_n3A_37, %while3A_38 : i32
    %while3A_40 = arith.addi %while3A_38, %while3A_39 : i32
    %while3A_41 = arith.constant 1 : i32
    %while3A_42 = arith.divsi %while3A_39, %while3A_41 : i32
    %while3A_43 = arith.muli %while3A_42, %while3A_41 : i32
    %while3A_44 = arith.addi %while3A_38, %while3A_43 : i32
    %while3A_45 = arith.constant 1 : i32
    scf.for %while3A_90 = %while3A_38 to %while3A_44 step %while3A_45  : i32 {
      %mul3A_91 = arith.constant 2 : i32
      %mul3A_92 = arith.muli %mul3A_91, %while3A_90 : i32
      %add3A_93 = arith.addi %select_n3A_9, %mul3A_92 : i32
      %add3A_94 = arith.constant 1 : i32
      %add3A_95 = arith.addi %add3A_93, %add3A_94 : i32
      %dma_wait3A = arith.constant 0 : i32
      %dma_wait3A_96 = arith.constant 0 : i32
      %dma_wait3A_97 = tpu.memref_slice %arg12[%dma_wait3A, %dma_wait3A_96] : memref<64x128xi32, #tpu.memory_space<vmem>> -> memref<1x128xi32, #tpu.memory_space<vmem>>
      %dma_wait3A_98 = tpu.memref_squeeze %dma_wait3A_97 : memref<1x128xi32, #tpu.memory_space<vmem>> -> memref<128xi32, #tpu.memory_space<vmem>>
      %dma_wait3A_99 = arith.constant 0 : i32
      %dma_wait3A_100 = arith.constant 0 : i32
      %dma_wait3A_101 = tpu.memref_slice %arg2[%dma_wait3A_99, %dma_wait3A_100] : memref<10240x128xf32, #tpu.memory_space<hbm>> -> memref<10240x128xf32, #tpu.memory_space<hbm>>
      tpu.wait_indirect_dma semaphore(%arg16 : memref<!tpu.dma_semaphore, #tpu.memory_space<semaphore_mem>>) src(%dma_wait3A_101 : memref<10240x128xf32, #tpu.memory_space<hbm>>) dst(%arg14 : memref<128x128xf32, #tpu.memory_space<vmem>>)
      %dma_start3A_102 = arith.constant 0 : i32
      %dma_start3A_103 = tpu.memref_slice %arg12[%add3A_95, %dma_start3A_102] : memref<64x128xi32, #tpu.memory_space<vmem>> -> memref<1x128xi32, #tpu.memory_space<vmem>>
      %dma_start3A_104 = tpu.memref_squeeze %dma_start3A_103 : memref<1x128xi32, #tpu.memory_space<vmem>> -> memref<128xi32, #tpu.memory_space<vmem>>
      %dma_start3A_105 = arith.constant 0 : i32
      %dma_start3A_106 = arith.constant 0 : i32
      %dma_start3A_107 = tpu.memref_slice %arg2[%dma_start3A_105, %dma_start3A_106] : memref<10240x128xf32, #tpu.memory_space<hbm>> -> memref<10240x128xf32, #tpu.memory_space<hbm>>
      tpu.enqueue_indirect_dma source(%dma_start3A_107 : memref<10240x128xf32, #tpu.memory_space<hbm>>) target(%arg15 : memref<128x128xf32, #tpu.memory_space<vmem>>) offsets(%dma_start3A_104 : memref<128xi32, #tpu.memory_space<vmem>>) semaphore(%arg16 : memref<!tpu.dma_semaphore, #tpu.memory_space<semaphore_mem>>)
      "tpu.region"() ({
        %run_scoped3A = tpu.sem_alloc : memref<!tpu.dma_semaphore, #tpu.memory_space<semaphore_mem>>
        %dma_start3A_142 = arith.constant 0 : i32
        %dma_start3A_143 = tpu.memref_slice %arg13[%add3A_93, %dma_start3A_142] : memref<64x128xi32, #tpu.memory_space<vmem>> -> memref<1x128xi32, #tpu.memory_space<vmem>>
        %dma_start3A_144 = tpu.memref_squeeze %dma_start3A_143 : memref<1x128xi32, #tpu.memory_space<vmem>> -> memref<128xi32, #tpu.memory_space<vmem>>
        %dma_start3A_145 = arith.constant 0 : i32
        %dma_start3A_146 = arith.constant 0 : i32
        %dma_start3A_147 = tpu.memref_slice %arg11[%dma_start3A_145, %dma_start3A_146] : memref<10240x128xf32, #tpu.memory_space<vmem_shared>> -> memref<10240x128xf32, #tpu.memory_space<vmem_shared>>
        tpu.enqueue_indirect_dma source(%arg14 : memref<128x128xf32, #tpu.memory_space<vmem>>) target(%dma_start3A_147 : memref<10240x128xf32, #tpu.memory_space<vmem_shared>>) offsets(%dma_start3A_144 : memref<128xi32, #tpu.memory_space<vmem>>) semaphore(%run_scoped3A : memref<!tpu.dma_semaphore, #tpu.memory_space<semaphore_mem>>) {add = true}
        %dma_wait3A_148 = arith.constant 0 : i32
        %dma_wait3A_149 = tpu.memref_slice %arg13[%add3A_93, %dma_wait3A_148] : memref<64x128xi32, #tpu.memory_space<vmem>> -> memref<1x128xi32, #tpu.memory_space<vmem>>
        %dma_wait3A_150 = tpu.memref_squeeze %dma_wait3A_149 : memref<1x128xi32, #tpu.memory_space<vmem>> -> memref<128xi32, #tpu.memory_space<vmem>>
        %dma_wait3A_151 = arith.constant 0 : i32
        %dma_wait3A_152 = arith.constant 0 : i32
        %dma_wait3A_153 = tpu.memref_slice %arg11[%dma_wait3A_151, %dma_wait3A_152] : memref<10240x128xf32, #tpu.memory_space<vmem_shared>> -> memref<10240x128xf32, #tpu.memory_space<vmem_shared>>
        tpu.wait_indirect_dma semaphore(%run_scoped3A : memref<!tpu.dma_semaphore, #tpu.memory_space<semaphore_mem>>) src(%arg14 : memref<128x128xf32, #tpu.memory_space<vmem>>) dst(%dma_wait3A_153 : memref<10240x128xf32, #tpu.memory_space<vmem_shared>>)
        tpu.yield
      }) : () -> ()
      %dma_wait3A_108 = arith.constant 0 : i32
      %dma_wait3A_109 = arith.constant 0 : i32
      %dma_wait3A_110 = tpu.memref_slice %arg12[%dma_wait3A_108, %dma_wait3A_109] : memref<64x128xi32, #tpu.memory_space<vmem>> -> memref<1x128xi32, #tpu.memory_space<vmem>>
      %dma_wait3A_111 = tpu.memref_squeeze %dma_wait3A_110 : memref<1x128xi32, #tpu.memory_space<vmem>> -> memref<128xi32, #tpu.memory_space<vmem>>
      %dma_wait3A_112 = arith.constant 0 : i32
      %dma_wait3A_113 = arith.constant 0 : i32
      %dma_wait3A_114 = tpu.memref_slice %arg2[%dma_wait3A_112, %dma_wait3A_113] : memref<10240x128xf32, #tpu.memory_space<hbm>> -> memref<10240x128xf32, #tpu.memory_space<hbm>>
      tpu.wait_indirect_dma semaphore(%arg16 : memref<!tpu.dma_semaphore, #tpu.memory_space<semaphore_mem>>) src(%dma_wait3A_114 : memref<10240x128xf32, #tpu.memory_space<hbm>>) dst(%arg15 : memref<128x128xf32, #tpu.memory_space<vmem>>)
      %jit3A_115 = arith.constant 2 : i32
      %div3A_116 = arith.divsi %select_n3A_14, %jit3A_115 : i32
      %sign3A_117 = arith.constant 0 : i32
      %sign3A_118 = arith.cmpi sgt, %select_n3A_14, %sign3A_117 : i32
      %sign3A_119 = arith.extui %sign3A_118 : i1 to i32
      %sign3A_120 = arith.constant 0 : i32
      %sign3A_121 = arith.cmpi slt, %select_n3A_14, %sign3A_120 : i32
      %sign3A_122 = arith.extui %sign3A_121 : i1 to i32
      %sign3A_123 = arith.subi %sign3A_119, %sign3A_122 : i32
      %sign3A_124 = arith.constant 0 : i32
      %sign3A_125 = arith.cmpi sgt, %jit3A_115, %sign3A_124 : i32
      %sign3A_126 = arith.extui %sign3A_125 : i1 to i32
      %sign3A_127 = arith.constant 0 : i32
      %sign3A_128 = arith.cmpi slt, %jit3A_115, %sign3A_127 : i32
      %sign3A_129 = arith.extui %sign3A_128 : i1 to i32
      %sign3A_130 = arith.subi %sign3A_126, %sign3A_129 : i32
      %ne3A_131 = arith.cmpi ne, %sign3A_123, %sign3A_130 : i32
      %rem3A_132 = arith.remsi %select_n3A_14, %jit3A_115 : i32
      %ne3A_133 = arith.constant 0 : i32
      %ne3A_134 = arith.cmpi ne, %rem3A_132, %ne3A_133 : i32
      %and3A_135 = arith.andi %ne3A_131, %ne3A_134 : i1
      %sub3A_136 = arith.constant 1 : i32
      %sub3A_137 = arith.subi %div3A_116, %sub3A_136 : i32
      %select_n3A_138 = arith.select %and3A_135, %sub3A_137, %div3A_116 : i32
      %sub3A_139 = arith.constant 1 : i32
      %sub3A_140 = arith.subi %select_n3A_138, %sub3A_139 : i32
      %lt3A = arith.cmpi slt, %while3A_90, %sub3A_140 : i32
      %convert_element_type3A = arith.extui %lt3A : i1 to i32
      %cond3A = arith.constant 0 : i32
      %cond3A_141 = arith.cmpi ne, %convert_element_type3A, %cond3A : i32
      scf.if %cond3A_141 {
        %add3A_142 = arith.constant 1 : i32
        %add3A_143 = arith.addi %add3A_95, %add3A_142 : i32
        %dma_start3A_144 = arith.constant 0 : i32
        %dma_start3A_145 = tpu.memref_slice %arg12[%add3A_143, %dma_start3A_144] : memref<64x128xi32, #tpu.memory_space<vmem>> -> memref<1x128xi32, #tpu.memory_space<vmem>>
        %dma_start3A_146 = tpu.memref_squeeze %dma_start3A_145 : memref<1x128xi32, #tpu.memory_space<vmem>> -> memref<128xi32, #tpu.memory_space<vmem>>
        %dma_start3A_147 = arith.constant 0 : i32
        %dma_start3A_148 = arith.constant 0 : i32
        %dma_start3A_149 = tpu.memref_slice %arg2[%dma_start3A_147, %dma_start3A_148] : memref<10240x128xf32, #tpu.memory_space<hbm>> -> memref<10240x128xf32, #tpu.memory_space<hbm>>
        tpu.enqueue_indirect_dma source(%dma_start3A_149 : memref<10240x128xf32, #tpu.memory_space<hbm>>) target(%arg14 : memref<128x128xf32, #tpu.memory_space<vmem>>) offsets(%dma_start3A_146 : memref<128xi32, #tpu.memory_space<vmem>>) semaphore(%arg16 : memref<!tpu.dma_semaphore, #tpu.memory_space<semaphore_mem>>)
      } else {
      }
      "tpu.region"() ({
        %run_scoped3A = tpu.sem_alloc : memref<!tpu.dma_semaphore, #tpu.memory_space<semaphore_mem>>
        %dma_start3A_142 = arith.constant 0 : i32
        %dma_start3A_143 = tpu.memref_slice %arg13[%add3A_95, %dma_start3A_142] : memref<64x128xi32, #tpu.memory_space<vmem>> -> memref<1x128xi32, #tpu.memory_space<vmem>>
        %dma_start3A_144 = tpu.memref_squeeze %dma_start3A_143 : memref<1x128xi32, #tpu.memory_space<vmem>> -> memref<128xi32, #tpu.memory_space<vmem>>
        %dma_start3A_145 = arith.constant 0 : i32
        %dma_start3A_146 = arith.constant 0 : i32
        %dma_start3A_147 = tpu.memref_slice %arg11[%dma_start3A_145, %dma_start3A_146] : memref<10240x128xf32, #tpu.memory_space<vmem_shared>> -> memref<10240x128xf32, #tpu.memory_space<vmem_shared>>
        tpu.enqueue_indirect_dma source(%arg15 : memref<128x128xf32, #tpu.memory_space<vmem>>) target(%dma_start3A_147 : memref<10240x128xf32, #tpu.memory_space<vmem_shared>>) offsets(%dma_start3A_144 : memref<128xi32, #tpu.memory_space<vmem>>) semaphore(%run_scoped3A : memref<!tpu.dma_semaphore, #tpu.memory_space<semaphore_mem>>) {add = true}
        %dma_wait3A_148 = arith.constant 0 : i32
        %dma_wait3A_149 = tpu.memref_slice %arg13[%add3A_95, %dma_wait3A_148] : memref<64x128xi32, #tpu.memory_space<vmem>> -> memref<1x128xi32, #tpu.memory_space<vmem>>
        %dma_wait3A_150 = tpu.memref_squeeze %dma_wait3A_149 : memref<1x128xi32, #tpu.memory_space<vmem>> -> memref<128xi32, #tpu.memory_space<vmem>>
        %dma_wait3A_151 = arith.constant 0 : i32
        %dma_wait3A_152 = arith.constant 0 : i32
        %dma_wait3A_153 = tpu.memref_slice %arg11[%dma_wait3A_151, %dma_wait3A_152] : memref<10240x128xf32, #tpu.memory_space<vmem_shared>> -> memref<10240x128xf32, #tpu.memory_space<vmem_shared>>
        tpu.wait_indirect_dma semaphore(%run_scoped3A : memref<!tpu.dma_semaphore, #tpu.memory_space<semaphore_mem>>) src(%arg15 : memref<128x128xf32, #tpu.memory_space<vmem>>) dst(%dma_wait3A_153 : memref<10240x128xf32, #tpu.memory_space<vmem_shared>>)
        tpu.yield
      }) : () -> ()
    }
    %while3A_46 = arith.constant 1 : i32
    scf.for %while3A_90 = %while3A_44 to %while3A_40 step %while3A_46  : i32 {
      %mul3A_91 = arith.constant 2 : i32
      %mul3A_92 = arith.muli %mul3A_91, %while3A_90 : i32
      %add3A_93 = arith.addi %select_n3A_9, %mul3A_92 : i32
      %add3A_94 = arith.constant 1 : i32
      %add3A_95 = arith.addi %add3A_93, %add3A_94 : i32
      %dma_wait3A = arith.constant 0 : i32
      %dma_wait3A_96 = arith.constant 0 : i32
      %dma_wait3A_97 = tpu.memref_slice %arg12[%dma_wait3A, %dma_wait3A_96] : memref<64x128xi32, #tpu.memory_space<vmem>> -> memref<1x128xi32, #tpu.memory_space<vmem>>
      %dma_wait3A_98 = tpu.memref_squeeze %dma_wait3A_97 : memref<1x128xi32, #tpu.memory_space<vmem>> -> memref<128xi32, #tpu.memory_space<vmem>>
      %dma_wait3A_99 = arith.constant 0 : i32
      %dma_wait3A_100 = arith.constant 0 : i32
      %dma_wait3A_101 = tpu.memref_slice %arg2[%dma_wait3A_99, %dma_wait3A_100] : memref<10240x128xf32, #tpu.memory_space<hbm>> -> memref<10240x128xf32, #tpu.memory_space<hbm>>
      tpu.wait_indirect_dma semaphore(%arg16 : memref<!tpu.dma_semaphore, #tpu.memory_space<semaphore_mem>>) src(%dma_wait3A_101 : memref<10240x128xf32, #tpu.memory_space<hbm>>) dst(%arg14 : memref<128x128xf32, #tpu.memory_space<vmem>>)
      %dma_start3A_102 = arith.constant 0 : i32
      %dma_start3A_103 = tpu.memref_slice %arg12[%add3A_95, %dma_start3A_102] : memref<64x128xi32, #tpu.memory_space<vmem>> -> memref<1x128xi32, #tpu.memory_space<vmem>>
      %dma_start3A_104 = tpu.memref_squeeze %dma_start3A_103 : memref<1x128xi32, #tpu.memory_space<vmem>> -> memref<128xi32, #tpu.memory_space<vmem>>
      %dma_start3A_105 = arith.constant 0 : i32
      %dma_start3A_106 = arith.constant 0 : i32
      %dma_start3A_107 = tpu.memref_slice %arg2[%dma_start3A_105, %dma_start3A_106] : memref<10240x128xf32, #tpu.memory_space<hbm>> -> memref<10240x128xf32, #tpu.memory_space<hbm>>
      tpu.enqueue_indirect_dma source(%dma_start3A_107 : memref<10240x128xf32, #tpu.memory_space<hbm>>) target(%arg15 : memref<128x128xf32, #tpu.memory_space<vmem>>) offsets(%dma_start3A_104 : memref<128xi32, #tpu.memory_space<vmem>>) semaphore(%arg16 : memref<!tpu.dma_semaphore, #tpu.memory_space<semaphore_mem>>)
      "tpu.region"() ({
        %run_scoped3A = tpu.sem_alloc : memref<!tpu.dma_semaphore, #tpu.memory_space<semaphore_mem>>
        %dma_start3A_142 = arith.constant 0 : i32
        %dma_start3A_143 = tpu.memref_slice %arg13[%add3A_93, %dma_start3A_142] : memref<64x128xi32, #tpu.memory_space<vmem>> -> memref<1x128xi32, #tpu.memory_space<vmem>>
        %dma_start3A_144 = tpu.memref_squeeze %dma_start3A_143 : memref<1x128xi32, #tpu.memory_space<vmem>> -> memref<128xi32, #tpu.memory_space<vmem>>
        %dma_start3A_145 = arith.constant 0 : i32
        %dma_start3A_146 = arith.constant 0 : i32
        %dma_start3A_147 = tpu.memref_slice %arg11[%dma_start3A_145, %dma_start3A_146] : memref<10240x128xf32, #tpu.memory_space<vmem_shared>> -> memref<10240x128xf32, #tpu.memory_space<vmem_shared>>
        tpu.enqueue_indirect_dma source(%arg14 : memref<128x128xf32, #tpu.memory_space<vmem>>) target(%dma_start3A_147 : memref<10240x128xf32, #tpu.memory_space<vmem_shared>>) offsets(%dma_start3A_144 : memref<128xi32, #tpu.memory_space<vmem>>) semaphore(%run_scoped3A : memref<!tpu.dma_semaphore, #tpu.memory_space<semaphore_mem>>) {add = true}
        %dma_wait3A_148 = arith.constant 0 : i32
        %dma_wait3A_149 = tpu.memref_slice %arg13[%add3A_93, %dma_wait3A_148] : memref<64x128xi32, #tpu.memory_space<vmem>> -> memref<1x128xi32, #tpu.memory_space<vmem>>
        %dma_wait3A_150 = tpu.memref_squeeze %dma_wait3A_149 : memref<1x128xi32, #tpu.memory_space<vmem>> -> memref<128xi32, #tpu.memory_space<vmem>>
        %dma_wait3A_151 = arith.constant 0 : i32
        %dma_wait3A_152 = arith.constant 0 : i32
        %dma_wait3A_153 = tpu.memref_slice %arg11[%dma_wait3A_151, %dma_wait3A_152] : memref<10240x128xf32, #tpu.memory_space<vmem_shared>> -> memref<10240x128xf32, #tpu.memory_space<vmem_shared>>
        tpu.wait_indirect_dma semaphore(%run_scoped3A : memref<!tpu.dma_semaphore, #tpu.memory_space<semaphore_mem>>) src(%arg14 : memref<128x128xf32, #tpu.memory_space<vmem>>) dst(%dma_wait3A_153 : memref<10240x128xf32, #tpu.memory_space<vmem_shared>>)
        tpu.yield
      }) : () -> ()
      %dma_wait3A_108 = arith.constant 0 : i32
      %dma_wait3A_109 = arith.constant 0 : i32
      %dma_wait3A_110 = tpu.memref_slice %arg12[%dma_wait3A_108, %dma_wait3A_109] : memref<64x128xi32, #tpu.memory_space<vmem>> -> memref<1x128xi32, #tpu.memory_space<vmem>>
      %dma_wait3A_111 = tpu.memref_squeeze %dma_wait3A_110 : memref<1x128xi32, #tpu.memory_space<vmem>> -> memref<128xi32, #tpu.memory_space<vmem>>
      %dma_wait3A_112 = arith.constant 0 : i32
      %dma_wait3A_113 = arith.constant 0 : i32
      %dma_wait3A_114 = tpu.memref_slice %arg2[%dma_wait3A_112, %dma_wait3A_113] : memref<10240x128xf32, #tpu.memory_space<hbm>> -> memref<10240x128xf32, #tpu.memory_space<hbm>>
      tpu.wait_indirect_dma semaphore(%arg16 : memref<!tpu.dma_semaphore, #tpu.memory_space<semaphore_mem>>) src(%dma_wait3A_114 : memref<10240x128xf32, #tpu.memory_space<hbm>>) dst(%arg15 : memref<128x128xf32, #tpu.memory_space<vmem>>)
      %jit3A_115 = arith.constant 2 : i32
      %div3A_116 = arith.divsi %select_n3A_14, %jit3A_115 : i32
      %sign3A_117 = arith.constant 0 : i32
      %sign3A_118 = arith.cmpi sgt, %select_n3A_14, %sign3A_117 : i32
      %sign3A_119 = arith.extui %sign3A_118 : i1 to i32
      %sign3A_120 = arith.constant 0 : i32
      %sign3A_121 = arith.cmpi slt, %select_n3A_14, %sign3A_120 : i32
      %sign3A_122 = arith.extui %sign3A_121 : i1 to i32
      %sign3A_123 = arith.subi %sign3A_119, %sign3A_122 : i32
      %sign3A_124 = arith.constant 0 : i32
      %sign3A_125 = arith.cmpi sgt, %jit3A_115, %sign3A_124 : i32
      %sign3A_126 = arith.extui %sign3A_125 : i1 to i32
      %sign3A_127 = arith.constant 0 : i32
      %sign3A_128 = arith.cmpi slt, %jit3A_115, %sign3A_127 : i32
      %sign3A_129 = arith.extui %sign3A_128 : i1 to i32
      %sign3A_130 = arith.subi %sign3A_126, %sign3A_129 : i32
      %ne3A_131 = arith.cmpi ne, %sign3A_123, %sign3A_130 : i32
      %rem3A_132 = arith.remsi %select_n3A_14, %jit3A_115 : i32
      %ne3A_133 = arith.constant 0 : i32
      %ne3A_134 = arith.cmpi ne, %rem3A_132, %ne3A_133 : i32
      %and3A_135 = arith.andi %ne3A_131, %ne3A_134 : i1
      %sub3A_136 = arith.constant 1 : i32
      %sub3A_137 = arith.subi %div3A_116, %sub3A_136 : i32
      %select_n3A_138 = arith.select %and3A_135, %sub3A_137, %div3A_116 : i32
      %sub3A_139 = arith.constant 1 : i32
      %sub3A_140 = arith.subi %select_n3A_138, %sub3A_139 : i32
      %lt3A = arith.cmpi slt, %while3A_90, %sub3A_140 : i32
      %convert_element_type3A = arith.extui %lt3A : i1 to i32
      %cond3A = arith.constant 0 : i32
      %cond3A_141 = arith.cmpi ne, %convert_element_type3A, %cond3A : i32
      scf.if %cond3A_141 {
        %add3A_142 = arith.constant 1 : i32
        %add3A_143 = arith.addi %add3A_95, %add3A_142 : i32
        %dma_start3A_144 = arith.constant 0 : i32
        %dma_start3A_145 = tpu.memref_slice %arg12[%add3A_143, %dma_start3A_144] : memref<64x128xi32, #tpu.memory_space<vmem>> -> memref<1x128xi32, #tpu.memory_space<vmem>>
        %dma_start3A_146 = tpu.memref_squeeze %dma_start3A_145 : memref<1x128xi32, #tpu.memory_space<vmem>> -> memref<128xi32, #tpu.memory_space<vmem>>
        %dma_start3A_147 = arith.constant 0 : i32
        %dma_start3A_148 = arith.constant 0 : i32
        %dma_start3A_149 = tpu.memref_slice %arg2[%dma_start3A_147, %dma_start3A_148] : memref<10240x128xf32, #tpu.memory_space<hbm>> -> memref<10240x128xf32, #tpu.memory_space<hbm>>
        tpu.enqueue_indirect_dma source(%dma_start3A_149 : memref<10240x128xf32, #tpu.memory_space<hbm>>) target(%arg14 : memref<128x128xf32, #tpu.memory_space<vmem>>) offsets(%dma_start3A_146 : memref<128xi32, #tpu.memory_space<vmem>>) semaphore(%arg16 : memref<!tpu.dma_semaphore, #tpu.memory_space<semaphore_mem>>)
      } else {
      }
      "tpu.region"() ({
        %run_scoped3A = tpu.sem_alloc : memref<!tpu.dma_semaphore, #tpu.memory_space<semaphore_mem>>
        %dma_start3A_142 = arith.constant 0 : i32
        %dma_start3A_143 = tpu.memref_slice %arg13[%add3A_95, %dma_start3A_142] : memref<64x128xi32, #tpu.memory_space<vmem>> -> memref<1x128xi32, #tpu.memory_space<vmem>>
        %dma_start3A_144 = tpu.memref_squeeze %dma_start3A_143 : memref<1x128xi32, #tpu.memory_space<vmem>> -> memref<128xi32, #tpu.memory_space<vmem>>
        %dma_start3A_145 = arith.constant 0 : i32
        %dma_start3A_146 = arith.constant 0 : i32
        %dma_start3A_147 = tpu.memref_slice %arg11[%dma_start3A_145, %dma_start3A_146] : memref<10240x128xf32, #tpu.memory_space<vmem_shared>> -> memref<10240x128xf32, #tpu.memory_space<vmem_shared>>
        tpu.enqueue_indirect_dma source(%arg15 : memref<128x128xf32, #tpu.memory_space<vmem>>) target(%dma_start3A_147 : memref<10240x128xf32, #tpu.memory_space<vmem_shared>>) offsets(%dma_start3A_144 : memref<128xi32, #tpu.memory_space<vmem>>) semaphore(%run_scoped3A : memref<!tpu.dma_semaphore, #tpu.memory_space<semaphore_mem>>) {add = true}
        %dma_wait3A_148 = arith.constant 0 : i32
        %dma_wait3A_149 = tpu.memref_slice %arg13[%add3A_95, %dma_wait3A_148] : memref<64x128xi32, #tpu.memory_space<vmem>> -> memref<1x128xi32, #tpu.memory_space<vmem>>
        %dma_wait3A_150 = tpu.memref_squeeze %dma_wait3A_149 : memref<1x128xi32, #tpu.memory_space<vmem>> -> memref<128xi32, #tpu.memory_space<vmem>>
        %dma_wait3A_151 = arith.constant 0 : i32
        %dma_wait3A_152 = arith.constant 0 : i32
        %dma_wait3A_153 = tpu.memref_slice %arg11[%dma_wait3A_151, %dma_wait3A_152] : memref<10240x128xf32, #tpu.memory_space<vmem_shared>> -> memref<10240x128xf32, #tpu.memory_space<vmem_shared>>
        tpu.wait_indirect_dma semaphore(%run_scoped3A : memref<!tpu.dma_semaphore, #tpu.memory_space<semaphore_mem>>) src(%arg15 : memref<128x128xf32, #tpu.memory_space<vmem>>) dst(%dma_wait3A_153 : memref<10240x128xf32, #tpu.memory_space<vmem_shared>>)
        tpu.yield
      }) : () -> ()
    }
    %barrier3A_47 = arith.constant 0 : index
    tpu.barrier barrier_id(%barrier3A_47)
    "tpu.region"() ({
      %run_scoped3A = tpu.sem_alloc : memref<!tpu.dma_semaphore, #tpu.memory_space<semaphore_mem>>
      %dma_start3A_90 = arith.constant 0 : i32
      %dma_start3A_91 = tpu.memref_slice %arg9[%arg0, %mul3A_0, %dma_start3A_90] : memref<2x10240x128xf32, #tpu.memory_space<hbm>> -> memref<1x640x128xf32, #tpu.memory_space<hbm>>
      %dma_start3A_92 = tpu.memref_squeeze %dma_start3A_91 : memref<1x640x128xf32, #tpu.memory_space<hbm>> -> memref<640x128xf32, #tpu.memory_space<hbm>>
      %dma_start3A_93 = arith.constant 0 : i32
      %dma_start3A_94 = tpu.memref_slice %arg11[%mul3A_0, %dma_start3A_93] : memref<10240x128xf32, #tpu.memory_space<vmem_shared>> -> memref<640x128xf32, #tpu.memory_space<vmem_shared>>
      tpu.enqueue_dma source(%dma_start3A_94 : memref<640x128xf32, #tpu.memory_space<vmem_shared>>) target(%dma_start3A_92 : memref<640x128xf32, #tpu.memory_space<hbm>>) target_semaphore(%run_scoped3A : memref<!tpu.dma_semaphore, #tpu.memory_space<semaphore_mem>>)
      %dma_wait3A = arith.constant 0 : i32
      %dma_wait3A_95 = tpu.memref_slice %arg9[%arg0, %mul3A_0, %dma_wait3A] : memref<2x10240x128xf32, #tpu.memory_space<hbm>> -> memref<1x640x128xf32, #tpu.memory_space<hbm>>
      %dma_wait3A_96 = tpu.memref_squeeze %dma_wait3A_95 : memref<1x640x128xf32, #tpu.memory_space<hbm>> -> memref<640x128xf32, #tpu.memory_space<hbm>>
      %dma_wait3A_97 = arith.constant 0 : i32
      %dma_wait3A_98 = tpu.memref_slice %arg11[%mul3A_0, %dma_wait3A_97] : memref<10240x128xf32, #tpu.memory_space<vmem_shared>> -> memref<640x128xf32, #tpu.memory_space<vmem_shared>>
      tpu.wait_dma2 semaphore(%run_scoped3A : memref<!tpu.dma_semaphore, #tpu.memory_space<semaphore_mem>>) src(%dma_wait3A_98 : memref<640x128xf32, #tpu.memory_space<vmem_shared>>) dst(%dma_wait3A_96 : memref<640x128xf32, #tpu.memory_space<hbm>>)
      tpu.yield
    }) : () -> ()
    "tpu.region"() ({
      %run_scoped3A = tpu.sem_alloc : memref<!tpu.dma_semaphore, #tpu.memory_space<semaphore_mem>>
      %dma_start3A_90 = arith.constant 0 : i32
      %dma_start3A_91 = tpu.memref_slice %arg11[%mul3A_0, %dma_start3A_90] : memref<10240x128xf32, #tpu.memory_space<vmem_shared>> -> memref<640x128xf32, #tpu.memory_space<vmem_shared>>
      tpu.enqueue_dma source(%arg8 : memref<640x128xf32, #tpu.memory_space<hbm>>) target(%dma_start3A_91 : memref<640x128xf32, #tpu.memory_space<vmem_shared>>) target_semaphore(%run_scoped3A : memref<!tpu.dma_semaphore, #tpu.memory_space<semaphore_mem>>)
      %dma_wait3A = arith.constant 0 : i32
      %dma_wait3A_92 = tpu.memref_slice %arg11[%mul3A_0, %dma_wait3A] : memref<10240x128xf32, #tpu.memory_space<vmem_shared>> -> memref<640x128xf32, #tpu.memory_space<vmem_shared>>
      tpu.wait_dma2 semaphore(%run_scoped3A : memref<!tpu.dma_semaphore, #tpu.memory_space<semaphore_mem>>) src(%arg8 : memref<640x128xf32, #tpu.memory_space<hbm>>) dst(%dma_wait3A_92 : memref<640x128xf32, #tpu.memory_space<vmem_shared>>)
      tpu.yield
    }) : () -> ()
    %barrier3A_48 = arith.constant 0 : index
    tpu.barrier barrier_id(%barrier3A_48)
    "tpu.region"() ({
      %run_scoped3A = tpu.sem_alloc : memref<!tpu.dma_semaphore, #tpu.memory_space<semaphore_mem>>
      %dma_start3A_90 = arith.constant 0 : i32
      %dma_start3A_91 = tpu.memref_slice %arg6[%add3A, %dma_start3A_90] : memref<1280x128xi32, #tpu.memory_space<hbm>> -> memref<64x128xi32, #tpu.memory_space<hbm>>
      %dma_start3A_92 = arith.constant 0 : i32
      %dma_start3A_93 = tpu.memref_slice %arg6[%add3A, %dma_start3A_92] : memref<1280x128xi32, #tpu.memory_space<hbm>> -> memref<64x128xi32, #tpu.memory_space<hbm>>
      tpu.enqueue_dma source(%dma_start3A_93 : memref<64x128xi32, #tpu.memory_space<hbm>>) target(%arg12 : memref<64x128xi32, #tpu.memory_space<vmem>>) target_semaphore(%run_scoped3A : memref<!tpu.dma_semaphore, #tpu.memory_space<semaphore_mem>>)
      %dma_wait3A = arith.constant 0 : i32
      %dma_wait3A_94 = tpu.memref_slice %arg6[%add3A, %dma_wait3A] : memref<1280x128xi32, #tpu.memory_space<hbm>> -> memref<64x128xi32, #tpu.memory_space<hbm>>
      %dma_wait3A_95 = arith.constant 0 : i32
      %dma_wait3A_96 = tpu.memref_slice %arg6[%add3A, %dma_wait3A_95] : memref<1280x128xi32, #tpu.memory_space<hbm>> -> memref<64x128xi32, #tpu.memory_space<hbm>>
      tpu.wait_dma2 semaphore(%run_scoped3A : memref<!tpu.dma_semaphore, #tpu.memory_space<semaphore_mem>>) src(%dma_wait3A_96 : memref<64x128xi32, #tpu.memory_space<hbm>>) dst(%arg12 : memref<64x128xi32, #tpu.memory_space<vmem>>)
      tpu.yield
    }) : () -> ()
    "tpu.region"() ({
      %run_scoped3A = tpu.sem_alloc : memref<!tpu.dma_semaphore, #tpu.memory_space<semaphore_mem>>
      %dma_start3A_90 = arith.constant 0 : i32
      %dma_start3A_91 = tpu.memref_slice %arg7[%add3A, %dma_start3A_90] : memref<1280x128xi32, #tpu.memory_space<hbm>> -> memref<64x128xi32, #tpu.memory_space<hbm>>
      %dma_start3A_92 = arith.constant 0 : i32
      %dma_start3A_93 = tpu.memref_slice %arg7[%add3A, %dma_start3A_92] : memref<1280x128xi32, #tpu.memory_space<hbm>> -> memref<64x128xi32, #tpu.memory_space<hbm>>
      tpu.enqueue_dma source(%dma_start3A_93 : memref<64x128xi32, #tpu.memory_space<hbm>>) target(%arg13 : memref<64x128xi32, #tpu.memory_space<vmem>>) target_semaphore(%run_scoped3A : memref<!tpu.dma_semaphore, #tpu.memory_space<semaphore_mem>>)
      %dma_wait3A = arith.constant 0 : i32
      %dma_wait3A_94 = tpu.memref_slice %arg7[%add3A, %dma_wait3A] : memref<1280x128xi32, #tpu.memory_space<hbm>> -> memref<64x128xi32, #tpu.memory_space<hbm>>
      %dma_wait3A_95 = arith.constant 0 : i32
      %dma_wait3A_96 = tpu.memref_slice %arg7[%add3A, %dma_wait3A_95] : memref<1280x128xi32, #tpu.memory_space<hbm>> -> memref<64x128xi32, #tpu.memory_space<hbm>>
      tpu.wait_dma2 semaphore(%run_scoped3A : memref<!tpu.dma_semaphore, #tpu.memory_space<semaphore_mem>>) src(%dma_wait3A_96 : memref<64x128xi32, #tpu.memory_space<hbm>>) dst(%arg13 : memref<64x128xi32, #tpu.memory_space<vmem>>)
      tpu.yield
    }) : () -> ()
    %dma_start3A_49 = arith.constant 0 : i32
    %dma_start3A_50 = tpu.memref_slice %arg12[%select_n3A_9, %dma_start3A_49] : memref<64x128xi32, #tpu.memory_space<vmem>> -> memref<1x128xi32, #tpu.memory_space<vmem>>
    %dma_start3A_51 = tpu.memref_squeeze %dma_start3A_50 : memref<1x128xi32, #tpu.memory_space<vmem>> -> memref<128xi32, #tpu.memory_space<vmem>>
    %dma_start3A_52 = arith.constant 0 : i32
    %dma_start3A_53 = arith.constant 0 : i32
    %dma_start3A_54 = tpu.memref_slice %arg3[%dma_start3A_52, %dma_start3A_53] : memref<10240x128xf32, #tpu.memory_space<hbm>> -> memref<10240x128xf32, #tpu.memory_space<hbm>>
    tpu.enqueue_indirect_dma source(%dma_start3A_54 : memref<10240x128xf32, #tpu.memory_space<hbm>>) target(%arg14 : memref<128x128xf32, #tpu.memory_space<vmem>>) offsets(%dma_start3A_51 : memref<128xi32, #tpu.memory_space<vmem>>) semaphore(%arg16 : memref<!tpu.dma_semaphore, #tpu.memory_space<semaphore_mem>>)
    %jit3A_55 = arith.constant 2 : i32
    %div3A_56 = arith.divsi %select_n3A_14, %jit3A_55 : i32
    %sign3A_57 = arith.constant 0 : i32
    %sign3A_58 = arith.cmpi sgt, %select_n3A_14, %sign3A_57 : i32
    %sign3A_59 = arith.extui %sign3A_58 : i1 to i32
    %sign3A_60 = arith.constant 0 : i32
    %sign3A_61 = arith.cmpi slt, %select_n3A_14, %sign3A_60 : i32
    %sign3A_62 = arith.extui %sign3A_61 : i1 to i32
    %sign3A_63 = arith.subi %sign3A_59, %sign3A_62 : i32
    %sign3A_64 = arith.constant 0 : i32
    %sign3A_65 = arith.cmpi sgt, %jit3A_55, %sign3A_64 : i32
    %sign3A_66 = arith.extui %sign3A_65 : i1 to i32
    %sign3A_67 = arith.constant 0 : i32
    %sign3A_68 = arith.cmpi slt, %jit3A_55, %sign3A_67 : i32
    %sign3A_69 = arith.extui %sign3A_68 : i1 to i32
    %sign3A_70 = arith.subi %sign3A_66, %sign3A_69 : i32
    %ne3A_71 = arith.cmpi ne, %sign3A_63, %sign3A_70 : i32
    %rem3A_72 = arith.remsi %select_n3A_14, %jit3A_55 : i32
    %ne3A_73 = arith.constant 0 : i32
    %ne3A_74 = arith.cmpi ne, %rem3A_72, %ne3A_73 : i32
    %and3A_75 = arith.andi %ne3A_71, %ne3A_74 : i1
    %sub3A_76 = arith.constant 1 : i32
    %sub3A_77 = arith.subi %div3A_56, %sub3A_76 : i32
    %select_n3A_78 = arith.select %and3A_75, %sub3A_77, %div3A_56 : i32
    %while3A_79 = arith.constant 0 : i32
    %while3A_80 = arith.constant 0 : i32
    %while3A_81 = arith.subi %select_n3A_78, %while3A_80 : i32
    %while3A_82 = arith.addi %while3A_80, %while3A_81 : i32
    %while3A_83 = arith.constant 1 : i32
    %while3A_84 = arith.divsi %while3A_81, %while3A_83 : i32
    %while3A_85 = arith.muli %while3A_84, %while3A_83 : i32
    %while3A_86 = arith.addi %while3A_80, %while3A_85 : i32
    %while3A_87 = arith.constant 1 : i32
    scf.for %while3A_90 = %while3A_80 to %while3A_86 step %while3A_87  : i32 {
      %mul3A_91 = arith.constant 2 : i32
      %mul3A_92 = arith.muli %mul3A_91, %while3A_90 : i32
      %add3A_93 = arith.addi %select_n3A_9, %mul3A_92 : i32
      %add3A_94 = arith.constant 1 : i32
      %add3A_95 = arith.addi %add3A_93, %add3A_94 : i32
      %dma_wait3A = arith.constant 0 : i32
      %dma_wait3A_96 = arith.constant 0 : i32
      %dma_wait3A_97 = tpu.memref_slice %arg12[%dma_wait3A, %dma_wait3A_96] : memref<64x128xi32, #tpu.memory_space<vmem>> -> memref<1x128xi32, #tpu.memory_space<vmem>>
      %dma_wait3A_98 = tpu.memref_squeeze %dma_wait3A_97 : memref<1x128xi32, #tpu.memory_space<vmem>> -> memref<128xi32, #tpu.memory_space<vmem>>
      %dma_wait3A_99 = arith.constant 0 : i32
      %dma_wait3A_100 = arith.constant 0 : i32
      %dma_wait3A_101 = tpu.memref_slice %arg3[%dma_wait3A_99, %dma_wait3A_100] : memref<10240x128xf32, #tpu.memory_space<hbm>> -> memref<10240x128xf32, #tpu.memory_space<hbm>>
      tpu.wait_indirect_dma semaphore(%arg16 : memref<!tpu.dma_semaphore, #tpu.memory_space<semaphore_mem>>) src(%dma_wait3A_101 : memref<10240x128xf32, #tpu.memory_space<hbm>>) dst(%arg14 : memref<128x128xf32, #tpu.memory_space<vmem>>)
      %dma_start3A_102 = arith.constant 0 : i32
      %dma_start3A_103 = tpu.memref_slice %arg12[%add3A_95, %dma_start3A_102] : memref<64x128xi32, #tpu.memory_space<vmem>> -> memref<1x128xi32, #tpu.memory_space<vmem>>
      %dma_start3A_104 = tpu.memref_squeeze %dma_start3A_103 : memref<1x128xi32, #tpu.memory_space<vmem>> -> memref<128xi32, #tpu.memory_space<vmem>>
      %dma_start3A_105 = arith.constant 0 : i32
      %dma_start3A_106 = arith.constant 0 : i32
      %dma_start3A_107 = tpu.memref_slice %arg3[%dma_start3A_105, %dma_start3A_106] : memref<10240x128xf32, #tpu.memory_space<hbm>> -> memref<10240x128xf32, #tpu.memory_space<hbm>>
      tpu.enqueue_indirect_dma source(%dma_start3A_107 : memref<10240x128xf32, #tpu.memory_space<hbm>>) target(%arg15 : memref<128x128xf32, #tpu.memory_space<vmem>>) offsets(%dma_start3A_104 : memref<128xi32, #tpu.memory_space<vmem>>) semaphore(%arg16 : memref<!tpu.dma_semaphore, #tpu.memory_space<semaphore_mem>>)
      "tpu.region"() ({
        %run_scoped3A = tpu.sem_alloc : memref<!tpu.dma_semaphore, #tpu.memory_space<semaphore_mem>>
        %dma_start3A_142 = arith.constant 0 : i32
        %dma_start3A_143 = tpu.memref_slice %arg13[%add3A_93, %dma_start3A_142] : memref<64x128xi32, #tpu.memory_space<vmem>> -> memref<1x128xi32, #tpu.memory_space<vmem>>
        %dma_start3A_144 = tpu.memref_squeeze %dma_start3A_143 : memref<1x128xi32, #tpu.memory_space<vmem>> -> memref<128xi32, #tpu.memory_space<vmem>>
        %dma_start3A_145 = arith.constant 0 : i32
        %dma_start3A_146 = arith.constant 0 : i32
        %dma_start3A_147 = tpu.memref_slice %arg11[%dma_start3A_145, %dma_start3A_146] : memref<10240x128xf32, #tpu.memory_space<vmem_shared>> -> memref<10240x128xf32, #tpu.memory_space<vmem_shared>>
        tpu.enqueue_indirect_dma source(%arg14 : memref<128x128xf32, #tpu.memory_space<vmem>>) target(%dma_start3A_147 : memref<10240x128xf32, #tpu.memory_space<vmem_shared>>) offsets(%dma_start3A_144 : memref<128xi32, #tpu.memory_space<vmem>>) semaphore(%run_scoped3A : memref<!tpu.dma_semaphore, #tpu.memory_space<semaphore_mem>>) {add = true}
        %dma_wait3A_148 = arith.constant 0 : i32
        %dma_wait3A_149 = tpu.memref_slice %arg13[%add3A_93, %dma_wait3A_148] : memref<64x128xi32, #tpu.memory_space<vmem>> -> memref<1x128xi32, #tpu.memory_space<vmem>>
        %dma_wait3A_150 = tpu.memref_squeeze %dma_wait3A_149 : memref<1x128xi32, #tpu.memory_space<vmem>> -> memref<128xi32, #tpu.memory_space<vmem>>
        %dma_wait3A_151 = arith.constant 0 : i32
        %dma_wait3A_152 = arith.constant 0 : i32
        %dma_wait3A_153 = tpu.memref_slice %arg11[%dma_wait3A_151, %dma_wait3A_152] : memref<10240x128xf32, #tpu.memory_space<vmem_shared>> -> memref<10240x128xf32, #tpu.memory_space<vmem_shared>>
        tpu.wait_indirect_dma semaphore(%run_scoped3A : memref<!tpu.dma_semaphore, #tpu.memory_space<semaphore_mem>>) src(%arg14 : memref<128x128xf32, #tpu.memory_space<vmem>>) dst(%dma_wait3A_153 : memref<10240x128xf32, #tpu.memory_space<vmem_shared>>)
        tpu.yield
      }) : () -> ()
      %dma_wait3A_108 = arith.constant 0 : i32
      %dma_wait3A_109 = arith.constant 0 : i32
      %dma_wait3A_110 = tpu.memref_slice %arg12[%dma_wait3A_108, %dma_wait3A_109] : memref<64x128xi32, #tpu.memory_space<vmem>> -> memref<1x128xi32, #tpu.memory_space<vmem>>
      %dma_wait3A_111 = tpu.memref_squeeze %dma_wait3A_110 : memref<1x128xi32, #tpu.memory_space<vmem>> -> memref<128xi32, #tpu.memory_space<vmem>>
      %dma_wait3A_112 = arith.constant 0 : i32
      %dma_wait3A_113 = arith.constant 0 : i32
      %dma_wait3A_114 = tpu.memref_slice %arg3[%dma_wait3A_112, %dma_wait3A_113] : memref<10240x128xf32, #tpu.memory_space<hbm>> -> memref<10240x128xf32, #tpu.memory_space<hbm>>
      tpu.wait_indirect_dma semaphore(%arg16 : memref<!tpu.dma_semaphore, #tpu.memory_space<semaphore_mem>>) src(%dma_wait3A_114 : memref<10240x128xf32, #tpu.memory_space<hbm>>) dst(%arg15 : memref<128x128xf32, #tpu.memory_space<vmem>>)
      %jit3A_115 = arith.constant 2 : i32
      %div3A_116 = arith.divsi %select_n3A_14, %jit3A_115 : i32
      %sign3A_117 = arith.constant 0 : i32
      %sign3A_118 = arith.cmpi sgt, %select_n3A_14, %sign3A_117 : i32
      %sign3A_119 = arith.extui %sign3A_118 : i1 to i32
      %sign3A_120 = arith.constant 0 : i32
      %sign3A_121 = arith.cmpi slt, %select_n3A_14, %sign3A_120 : i32
      %sign3A_122 = arith.extui %sign3A_121 : i1 to i32
      %sign3A_123 = arith.subi %sign3A_119, %sign3A_122 : i32
      %sign3A_124 = arith.constant 0 : i32
      %sign3A_125 = arith.cmpi sgt, %jit3A_115, %sign3A_124 : i32
      %sign3A_126 = arith.extui %sign3A_125 : i1 to i32
      %sign3A_127 = arith.constant 0 : i32
      %sign3A_128 = arith.cmpi slt, %jit3A_115, %sign3A_127 : i32
      %sign3A_129 = arith.extui %sign3A_128 : i1 to i32
      %sign3A_130 = arith.subi %sign3A_126, %sign3A_129 : i32
      %ne3A_131 = arith.cmpi ne, %sign3A_123, %sign3A_130 : i32
      %rem3A_132 = arith.remsi %select_n3A_14, %jit3A_115 : i32
      %ne3A_133 = arith.constant 0 : i32
      %ne3A_134 = arith.cmpi ne, %rem3A_132, %ne3A_133 : i32
      %and3A_135 = arith.andi %ne3A_131, %ne3A_134 : i1
      %sub3A_136 = arith.constant 1 : i32
      %sub3A_137 = arith.subi %div3A_116, %sub3A_136 : i32
      %select_n3A_138 = arith.select %and3A_135, %sub3A_137, %div3A_116 : i32
      %sub3A_139 = arith.constant 1 : i32
      %sub3A_140 = arith.subi %select_n3A_138, %sub3A_139 : i32
      %lt3A = arith.cmpi slt, %while3A_90, %sub3A_140 : i32
      %convert_element_type3A = arith.extui %lt3A : i1 to i32
      %cond3A = arith.constant 0 : i32
      %cond3A_141 = arith.cmpi ne, %convert_element_type3A, %cond3A : i32
      scf.if %cond3A_141 {
        %add3A_142 = arith.constant 1 : i32
        %add3A_143 = arith.addi %add3A_95, %add3A_142 : i32
        %dma_start3A_144 = arith.constant 0 : i32
        %dma_start3A_145 = tpu.memref_slice %arg12[%add3A_143, %dma_start3A_144] : memref<64x128xi32, #tpu.memory_space<vmem>> -> memref<1x128xi32, #tpu.memory_space<vmem>>
        %dma_start3A_146 = tpu.memref_squeeze %dma_start3A_145 : memref<1x128xi32, #tpu.memory_space<vmem>> -> memref<128xi32, #tpu.memory_space<vmem>>
        %dma_start3A_147 = arith.constant 0 : i32
        %dma_start3A_148 = arith.constant 0 : i32
        %dma_start3A_149 = tpu.memref_slice %arg3[%dma_start3A_147, %dma_start3A_148] : memref<10240x128xf32, #tpu.memory_space<hbm>> -> memref<10240x128xf32, #tpu.memory_space<hbm>>
        tpu.enqueue_indirect_dma source(%dma_start3A_149 : memref<10240x128xf32, #tpu.memory_space<hbm>>) target(%arg14 : memref<128x128xf32, #tpu.memory_space<vmem>>) offsets(%dma_start3A_146 : memref<128xi32, #tpu.memory_space<vmem>>) semaphore(%arg16 : memref<!tpu.dma_semaphore, #tpu.memory_space<semaphore_mem>>)
      } else {
      }
      "tpu.region"() ({
        %run_scoped3A = tpu.sem_alloc : memref<!tpu.dma_semaphore, #tpu.memory_space<semaphore_mem>>
        %dma_start3A_142 = arith.constant 0 : i32
        %dma_start3A_143 = tpu.memref_slice %arg13[%add3A_95, %dma_start3A_142] : memref<64x128xi32, #tpu.memory_space<vmem>> -> memref<1x128xi32, #tpu.memory_space<vmem>>
        %dma_start3A_144 = tpu.memref_squeeze %dma_start3A_143 : memref<1x128xi32, #tpu.memory_space<vmem>> -> memref<128xi32, #tpu.memory_space<vmem>>
        %dma_start3A_145 = arith.constant 0 : i32
        %dma_start3A_146 = arith.constant 0 : i32
        %dma_start3A_147 = tpu.memref_slice %arg11[%dma_start3A_145, %dma_start3A_146] : memref<10240x128xf32, #tpu.memory_space<vmem_shared>> -> memref<10240x128xf32, #tpu.memory_space<vmem_shared>>
        tpu.enqueue_indirect_dma source(%arg15 : memref<128x128xf32, #tpu.memory_space<vmem>>) target(%dma_start3A_147 : memref<10240x128xf32, #tpu.memory_space<vmem_shared>>) offsets(%dma_start3A_144 : memref<128xi32, #tpu.memory_space<vmem>>) semaphore(%run_scoped3A : memref<!tpu.dma_semaphore, #tpu.memory_space<semaphore_mem>>) {add = true}
        %dma_wait3A_148 = arith.constant 0 : i32
        %dma_wait3A_149 = tpu.memref_slice %arg13[%add3A_95, %dma_wait3A_148] : memref<64x128xi32, #tpu.memory_space<vmem>> -> memref<1x128xi32, #tpu.memory_space<vmem>>
        %dma_wait3A_150 = tpu.memref_squeeze %dma_wait3A_149 : memref<1x128xi32, #tpu.memory_space<vmem>> -> memref<128xi32, #tpu.memory_space<vmem>>
        %dma_wait3A_151 = arith.constant 0 : i32
        %dma_wait3A_152 = arith.constant 0 : i32
        %dma_wait3A_153 = tpu.memref_slice %arg11[%dma_wait3A_151, %dma_wait3A_152] : memref<10240x128xf32, #tpu.memory_space<vmem_shared>> -> memref<10240x128xf32, #tpu.memory_space<vmem_shared>>
        tpu.wait_indirect_dma semaphore(%run_scoped3A : memref<!tpu.dma_semaphore, #tpu.memory_space<semaphore_mem>>) src(%arg15 : memref<128x128xf32, #tpu.memory_space<vmem>>) dst(%dma_wait3A_153 : memref<10240x128xf32, #tpu.memory_space<vmem_shared>>)
        tpu.yield
      }) : () -> ()
    }
    %while3A_88 = arith.constant 1 : i32
    scf.for %while3A_90 = %while3A_86 to %while3A_82 step %while3A_88  : i32 {
      %mul3A_91 = arith.constant 2 : i32
      %mul3A_92 = arith.muli %mul3A_91, %while3A_90 : i32
      %add3A_93 = arith.addi %select_n3A_9, %mul3A_92 : i32
      %add3A_94 = arith.constant 1 : i32
      %add3A_95 = arith.addi %add3A_93, %add3A_94 : i32
      %dma_wait3A = arith.constant 0 : i32
      %dma_wait3A_96 = arith.constant 0 : i32
      %dma_wait3A_97 = tpu.memref_slice %arg12[%dma_wait3A, %dma_wait3A_96] : memref<64x128xi32, #tpu.memory_space<vmem>> -> memref<1x128xi32, #tpu.memory_space<vmem>>
      %dma_wait3A_98 = tpu.memref_squeeze %dma_wait3A_97 : memref<1x128xi32, #tpu.memory_space<vmem>> -> memref<128xi32, #tpu.memory_space<vmem>>
      %dma_wait3A_99 = arith.constant 0 : i32
      %dma_wait3A_100 = arith.constant 0 : i32
      %dma_wait3A_101 = tpu.memref_slice %arg3[%dma_wait3A_99, %dma_wait3A_100] : memref<10240x128xf32, #tpu.memory_space<hbm>> -> memref<10240x128xf32, #tpu.memory_space<hbm>>
      tpu.wait_indirect_dma semaphore(%arg16 : memref<!tpu.dma_semaphore, #tpu.memory_space<semaphore_mem>>) src(%dma_wait3A_101 : memref<10240x128xf32, #tpu.memory_space<hbm>>) dst(%arg14 : memref<128x128xf32, #tpu.memory_space<vmem>>)
      %dma_start3A_102 = arith.constant 0 : i32
      %dma_start3A_103 = tpu.memref_slice %arg12[%add3A_95, %dma_start3A_102] : memref<64x128xi32, #tpu.memory_space<vmem>> -> memref<1x128xi32, #tpu.memory_space<vmem>>
      %dma_start3A_104 = tpu.memref_squeeze %dma_start3A_103 : memref<1x128xi32, #tpu.memory_space<vmem>> -> memref<128xi32, #tpu.memory_space<vmem>>
      %dma_start3A_105 = arith.constant 0 : i32
      %dma_start3A_106 = arith.constant 0 : i32
      %dma_start3A_107 = tpu.memref_slice %arg3[%dma_start3A_105, %dma_start3A_106] : memref<10240x128xf32, #tpu.memory_space<hbm>> -> memref<10240x128xf32, #tpu.memory_space<hbm>>
      tpu.enqueue_indirect_dma source(%dma_start3A_107 : memref<10240x128xf32, #tpu.memory_space<hbm>>) target(%arg15 : memref<128x128xf32, #tpu.memory_space<vmem>>) offsets(%dma_start3A_104 : memref<128xi32, #tpu.memory_space<vmem>>) semaphore(%arg16 : memref<!tpu.dma_semaphore, #tpu.memory_space<semaphore_mem>>)
      "tpu.region"() ({
        %run_scoped3A = tpu.sem_alloc : memref<!tpu.dma_semaphore, #tpu.memory_space<semaphore_mem>>
        %dma_start3A_142 = arith.constant 0 : i32
        %dma_start3A_143 = tpu.memref_slice %arg13[%add3A_93, %dma_start3A_142] : memref<64x128xi32, #tpu.memory_space<vmem>> -> memref<1x128xi32, #tpu.memory_space<vmem>>
        %dma_start3A_144 = tpu.memref_squeeze %dma_start3A_143 : memref<1x128xi32, #tpu.memory_space<vmem>> -> memref<128xi32, #tpu.memory_space<vmem>>
        %dma_start3A_145 = arith.constant 0 : i32
        %dma_start3A_146 = arith.constant 0 : i32
        %dma_start3A_147 = tpu.memref_slice %arg11[%dma_start3A_145, %dma_start3A_146] : memref<10240x128xf32, #tpu.memory_space<vmem_shared>> -> memref<10240x128xf32, #tpu.memory_space<vmem_shared>>
        tpu.enqueue_indirect_dma source(%arg14 : memref<128x128xf32, #tpu.memory_space<vmem>>) target(%dma_start3A_147 : memref<10240x128xf32, #tpu.memory_space<vmem_shared>>) offsets(%dma_start3A_144 : memref<128xi32, #tpu.memory_space<vmem>>) semaphore(%run_scoped3A : memref<!tpu.dma_semaphore, #tpu.memory_space<semaphore_mem>>) {add = true}
        %dma_wait3A_148 = arith.constant 0 : i32
        %dma_wait3A_149 = tpu.memref_slice %arg13[%add3A_93, %dma_wait3A_148] : memref<64x128xi32, #tpu.memory_space<vmem>> -> memref<1x128xi32, #tpu.memory_space<vmem>>
        %dma_wait3A_150 = tpu.memref_squeeze %dma_wait3A_149 : memref<1x128xi32, #tpu.memory_space<vmem>> -> memref<128xi32, #tpu.memory_space<vmem>>
        %dma_wait3A_151 = arith.constant 0 : i32
        %dma_wait3A_152 = arith.constant 0 : i32
        %dma_wait3A_153 = tpu.memref_slice %arg11[%dma_wait3A_151, %dma_wait3A_152] : memref<10240x128xf32, #tpu.memory_space<vmem_shared>> -> memref<10240x128xf32, #tpu.memory_space<vmem_shared>>
        tpu.wait_indirect_dma semaphore(%run_scoped3A : memref<!tpu.dma_semaphore, #tpu.memory_space<semaphore_mem>>) src(%arg14 : memref<128x128xf32, #tpu.memory_space<vmem>>) dst(%dma_wait3A_153 : memref<10240x128xf32, #tpu.memory_space<vmem_shared>>)
        tpu.yield
      }) : () -> ()
      %dma_wait3A_108 = arith.constant 0 : i32
      %dma_wait3A_109 = arith.constant 0 : i32
      %dma_wait3A_110 = tpu.memref_slice %arg12[%dma_wait3A_108, %dma_wait3A_109] : memref<64x128xi32, #tpu.memory_space<vmem>> -> memref<1x128xi32, #tpu.memory_space<vmem>>
      %dma_wait3A_111 = tpu.memref_squeeze %dma_wait3A_110 : memref<1x128xi32, #tpu.memory_space<vmem>> -> memref<128xi32, #tpu.memory_space<vmem>>
      %dma_wait3A_112 = arith.constant 0 : i32
      %dma_wait3A_113 = arith.constant 0 : i32
      %dma_wait3A_114 = tpu.memref_slice %arg3[%dma_wait3A_112, %dma_wait3A_113] : memref<10240x128xf32, #tpu.memory_space<hbm>> -> memref<10240x128xf32, #tpu.memory_space<hbm>>
      tpu.wait_indirect_dma semaphore(%arg16 : memref<!tpu.dma_semaphore, #tpu.memory_space<semaphore_mem>>) src(%dma_wait3A_114 : memref<10240x128xf32, #tpu.memory_space<hbm>>) dst(%arg15 : memref<128x128xf32, #tpu.memory_space<vmem>>)
      %jit3A_115 = arith.constant 2 : i32
      %div3A_116 = arith.divsi %select_n3A_14, %jit3A_115 : i32
      %sign3A_117 = arith.constant 0 : i32
      %sign3A_118 = arith.cmpi sgt, %select_n3A_14, %sign3A_117 : i32
      %sign3A_119 = arith.extui %sign3A_118 : i1 to i32
      %sign3A_120 = arith.constant 0 : i32
      %sign3A_121 = arith.cmpi slt, %select_n3A_14, %sign3A_120 : i32
      %sign3A_122 = arith.extui %sign3A_121 : i1 to i32
      %sign3A_123 = arith.subi %sign3A_119, %sign3A_122 : i32
      %sign3A_124 = arith.constant 0 : i32
      %sign3A_125 = arith.cmpi sgt, %jit3A_115, %sign3A_124 : i32
      %sign3A_126 = arith.extui %sign3A_125 : i1 to i32
      %sign3A_127 = arith.constant 0 : i32
      %sign3A_128 = arith.cmpi slt, %jit3A_115, %sign3A_127 : i32
      %sign3A_129 = arith.extui %sign3A_128 : i1 to i32
      %sign3A_130 = arith.subi %sign3A_126, %sign3A_129 : i32
      %ne3A_131 = arith.cmpi ne, %sign3A_123, %sign3A_130 : i32
      %rem3A_132 = arith.remsi %select_n3A_14, %jit3A_115 : i32
      %ne3A_133 = arith.constant 0 : i32
      %ne3A_134 = arith.cmpi ne, %rem3A_132, %ne3A_133 : i32
      %and3A_135 = arith.andi %ne3A_131, %ne3A_134 : i1
      %sub3A_136 = arith.constant 1 : i32
      %sub3A_137 = arith.subi %div3A_116, %sub3A_136 : i32
      %select_n3A_138 = arith.select %and3A_135, %sub3A_137, %div3A_116 : i32
      %sub3A_139 = arith.constant 1 : i32
      %sub3A_140 = arith.subi %select_n3A_138, %sub3A_139 : i32
      %lt3A = arith.cmpi slt, %while3A_90, %sub3A_140 : i32
      %convert_element_type3A = arith.extui %lt3A : i1 to i32
      %cond3A = arith.constant 0 : i32
      %cond3A_141 = arith.cmpi ne, %convert_element_type3A, %cond3A : i32
      scf.if %cond3A_141 {
        %add3A_142 = arith.constant 1 : i32
        %add3A_143 = arith.addi %add3A_95, %add3A_142 : i32
        %dma_start3A_144 = arith.constant 0 : i32
        %dma_start3A_145 = tpu.memref_slice %arg12[%add3A_143, %dma_start3A_144] : memref<64x128xi32, #tpu.memory_space<vmem>> -> memref<1x128xi32, #tpu.memory_space<vmem>>
        %dma_start3A_146 = tpu.memref_squeeze %dma_start3A_145 : memref<1x128xi32, #tpu.memory_space<vmem>> -> memref<128xi32, #tpu.memory_space<vmem>>
        %dma_start3A_147 = arith.constant 0 : i32
        %dma_start3A_148 = arith.constant 0 : i32
        %dma_start3A_149 = tpu.memref_slice %arg3[%dma_start3A_147, %dma_start3A_148] : memref<10240x128xf32, #tpu.memory_space<hbm>> -> memref<10240x128xf32, #tpu.memory_space<hbm>>
        tpu.enqueue_indirect_dma source(%dma_start3A_149 : memref<10240x128xf32, #tpu.memory_space<hbm>>) target(%arg14 : memref<128x128xf32, #tpu.memory_space<vmem>>) offsets(%dma_start3A_146 : memref<128xi32, #tpu.memory_space<vmem>>) semaphore(%arg16 : memref<!tpu.dma_semaphore, #tpu.memory_space<semaphore_mem>>)
      } else {
      }
      "tpu.region"() ({
        %run_scoped3A = tpu.sem_alloc : memref<!tpu.dma_semaphore, #tpu.memory_space<semaphore_mem>>
        %dma_start3A_142 = arith.constant 0 : i32
        %dma_start3A_143 = tpu.memref_slice %arg13[%add3A_95, %dma_start3A_142] : memref<64x128xi32, #tpu.memory_space<vmem>> -> memref<1x128xi32, #tpu.memory_space<vmem>>
        %dma_start3A_144 = tpu.memref_squeeze %dma_start3A_143 : memref<1x128xi32, #tpu.memory_space<vmem>> -> memref<128xi32, #tpu.memory_space<vmem>>
        %dma_start3A_145 = arith.constant 0 : i32
        %dma_start3A_146 = arith.constant 0 : i32
        %dma_start3A_147 = tpu.memref_slice %arg11[%dma_start3A_145, %dma_start3A_146] : memref<10240x128xf32, #tpu.memory_space<vmem_shared>> -> memref<10240x128xf32, #tpu.memory_space<vmem_shared>>
        tpu.enqueue_indirect_dma source(%arg15 : memref<128x128xf32, #tpu.memory_space<vmem>>) target(%dma_start3A_147 : memref<10240x128xf32, #tpu.memory_space<vmem_shared>>) offsets(%dma_start3A_144 : memref<128xi32, #tpu.memory_space<vmem>>) semaphore(%run_scoped3A : memref<!tpu.dma_semaphore, #tpu.memory_space<semaphore_mem>>) {add = true}
        %dma_wait3A_148 = arith.constant 0 : i32
        %dma_wait3A_149 = tpu.memref_slice %arg13[%add3A_95, %dma_wait3A_148] : memref<64x128xi32, #tpu.memory_space<vmem>> -> memref<1x128xi32, #tpu.memory_space<vmem>>
        %dma_wait3A_150 = tpu.memref_squeeze %dma_wait3A_149 : memref<1x128xi32, #tpu.memory_space<vmem>> -> memref<128xi32, #tpu.memory_space<vmem>>
        %dma_wait3A_151 = arith.constant 0 : i32
        %dma_wait3A_152 = arith.constant 0 : i32
        %dma_wait3A_153 = tpu.memref_slice %arg11[%dma_wait3A_151, %dma_wait3A_152] : memref<10240x128xf32, #tpu.memory_space<vmem_shared>> -> memref<10240x128xf32, #tpu.memory_space<vmem_shared>>
        tpu.wait_indirect_dma semaphore(%run_scoped3A : memref<!tpu.dma_semaphore, #tpu.memory_space<semaphore_mem>>) src(%arg15 : memref<128x128xf32, #tpu.memory_space<vmem>>) dst(%dma_wait3A_153 : memref<10240x128xf32, #tpu.memory_space<vmem_shared>>)
        tpu.yield
      }) : () -> ()
    }
    %barrier3A_89 = arith.constant 0 : index
    tpu.barrier barrier_id(%barrier3A_89)
    "tpu.region"() ({
      %run_scoped3A = tpu.sem_alloc : memref<!tpu.dma_semaphore, #tpu.memory_space<semaphore_mem>>
      %dma_start3A_90 = arith.constant 0 : i32
      %dma_start3A_91 = tpu.memref_slice %arg10[%arg0, %mul3A_0, %dma_start3A_90] : memref<2x10240x128xf32, #tpu.memory_space<hbm>> -> memref<1x640x128xf32, #tpu.memory_space<hbm>>
      %dma_start3A_92 = tpu.memref_squeeze %dma_start3A_91 : memref<1x640x128xf32, #tpu.memory_space<hbm>> -> memref<640x128xf32, #tpu.memory_space<hbm>>
      %dma_start3A_93 = arith.constant 0 : i32
      %dma_start3A_94 = tpu.memref_slice %arg11[%mul3A_0, %dma_start3A_93] : memref<10240x128xf32, #tpu.memory_space<vmem_shared>> -> memref<640x128xf32, #tpu.memory_space<vmem_shared>>
      tpu.enqueue_dma source(%dma_start3A_94 : memref<640x128xf32, #tpu.memory_space<vmem_shared>>) target(%dma_start3A_92 : memref<640x128xf32, #tpu.memory_space<hbm>>) target_semaphore(%run_scoped3A : memref<!tpu.dma_semaphore, #tpu.memory_space<semaphore_mem>>)
      %dma_wait3A = arith.constant 0 : i32
      %dma_wait3A_95 = tpu.memref_slice %arg10[%arg0, %mul3A_0, %dma_wait3A] : memref<2x10240x128xf32, #tpu.memory_space<hbm>> -> memref<1x640x128xf32, #tpu.memory_space<hbm>>
      %dma_wait3A_96 = tpu.memref_squeeze %dma_wait3A_95 : memref<1x640x128xf32, #tpu.memory_space<hbm>> -> memref<640x128xf32, #tpu.memory_space<hbm>>
      %dma_wait3A_97 = arith.constant 0 : i32
      %dma_wait3A_98 = tpu.memref_slice %arg11[%mul3A_0, %dma_wait3A_97] : memref<10240x128xf32, #tpu.memory_space<vmem_shared>> -> memref<640x128xf32, #tpu.memory_space<vmem_shared>>
      tpu.wait_dma2 semaphore(%run_scoped3A : memref<!tpu.dma_semaphore, #tpu.memory_space<semaphore_mem>>) src(%dma_wait3A_98 : memref<640x128xf32, #tpu.memory_space<vmem_shared>>) dst(%dma_wait3A_96 : memref<640x128xf32, #tpu.memory_space<hbm>>)
      tpu.yield
    }) : () -> ()
    return
  }
}

module attributes {stable_mosaic.version = 14 : i64} {
  func.func @_mm_body(%arg0: i32, %arg1: memref<640x128xf32, #tpu.memory_space<vmem>>, %arg2: memref<128x128xf32, #tpu.memory_space<vmem>>, %arg3: memref<1x128xf32, #tpu.memory_space<vmem>>, %arg4: memref<128x128xf32, #tpu.memory_space<vmem>>, %arg5: memref<1x128xf32, #tpu.memory_space<vmem>>, %arg6: memref<640x128xf32, #tpu.memory_space<vmem>>, %arg7: memref<640x128xf32, #tpu.memory_space<vmem>>) attributes {dimension_semantics = [#tpu.dimension_semantics<arbitrary>], iteration_bounds = array<i64: 16>, scalar_prefetch = 0 : i64, scratch_operands = 0 : i64, tpu.core_type = #tpu.core_type<tc>, window_params = [{transform_indices = @transform_0, window_bounds = array<i64: 640, 128>}, {pipeline_mode = #tpu.pipeline_mode<synchronous>, transform_indices = @transform_1, window_bounds = array<i64: 128, 128>}, {pipeline_mode = #tpu.pipeline_mode<synchronous>, transform_indices = @transform_2, window_bounds = array<i64: 1, 128>}, {pipeline_mode = #tpu.pipeline_mode<synchronous>, transform_indices = @transform_3, window_bounds = array<i64: 128, 128>}, {pipeline_mode = #tpu.pipeline_mode<synchronous>, transform_indices = @transform_4, window_bounds = array<i64: 1, 128>}, {transform_indices = @transform_5, window_bounds = array<i64: 640, 128>}, {transform_indices = @transform_6, window_bounds = array<i64: 640, 128>}]} {
    %get3A = arith.constant 0 : index
    %get3A_0 = arith.constant 0 : index
    %get3A_1 = vector.load %arg1[%get3A, %get3A_0] : memref<640x128xf32, #tpu.memory_space<vmem>>, vector<640x128xf32>
    %get3A_2 = arith.constant 0 : index
    %get3A_3 = arith.constant 0 : index
    %get3A_4 = vector.load %arg2[%get3A_2, %get3A_3] : memref<128x128xf32, #tpu.memory_space<vmem>>, vector<128x128xf32>
    %dot_general3A = arith.constant dense<0.000000e+00> : vector<640x128xf32>
    %dot_general3A_5 = tpu.matmul %get3A_1, %get3A_4, %dot_general3A {dimension_numbers = #tpu.dot_dimension_numbers<[1], [0], [0], [1], [0, 0, 1, 1], [], []>, transpose_lhs_hint = false} : vector<640x128xf32>, vector<128x128xf32>, vector<640x128xf32> -> vector<640x128xf32>
    %get3A_6 = arith.constant 0 : index
    %get3A_7 = arith.constant 0 : index
    %get3A_8 = vector.load %arg3[%get3A_6, %get3A_7] : memref<1x128xf32, #tpu.memory_space<vmem>>, vector<1x128xf32>
    %add3A = vector.broadcast %get3A_8 : vector<1x128xf32> to vector<640x128xf32>
    %add3A_9 = arith.addf %dot_general3A_5, %add3A : vector<640x128xf32>
    %swap3A = arith.constant 0 : index
    %swap3A_10 = arith.constant 0 : index
    %swap3A_11 = vector.load %arg6[%swap3A, %swap3A_10] : memref<640x128xf32, #tpu.memory_space<vmem>>, vector<640x128xf32>
    tpu.vector_store %arg6[%swap3A, %swap3A_10], %add3A_9 {strides = array<i32>} : memref<640x128xf32, #tpu.memory_space<vmem>>, vector<640x128xf32>,
    %get3A_12 = arith.constant 0 : index
    %get3A_13 = arith.constant 0 : index
    %get3A_14 = vector.load %arg4[%get3A_12, %get3A_13] : memref<128x128xf32, #tpu.memory_space<vmem>>, vector<128x128xf32>
    %dot_general3A_15 = arith.constant dense<0.000000e+00> : vector<640x128xf32>
    %dot_general3A_16 = tpu.matmul %get3A_1, %get3A_14, %dot_general3A_15 {dimension_numbers = #tpu.dot_dimension_numbers<[1], [0], [0], [1], [0, 0, 1, 1], [], []>, transpose_lhs_hint = false} : vector<640x128xf32>, vector<128x128xf32>, vector<640x128xf32> -> vector<640x128xf32>
    %get3A_17 = arith.constant 0 : index
    %get3A_18 = arith.constant 0 : index
    %get3A_19 = vector.load %arg5[%get3A_17, %get3A_18] : memref<1x128xf32, #tpu.memory_space<vmem>>, vector<1x128xf32>
    %add3A_20 = vector.broadcast %get3A_19 : vector<1x128xf32> to vector<640x128xf32>
    %add3A_21 = arith.addf %dot_general3A_16, %add3A_20 : vector<640x128xf32>
    %swap3A_22 = arith.constant 0 : index
    %swap3A_23 = arith.constant 0 : index
    %swap3A_24 = vector.load %arg7[%swap3A_22, %swap3A_23] : memref<640x128xf32, #tpu.memory_space<vmem>>, vector<640x128xf32>
    tpu.vector_store %arg7[%swap3A_22, %swap3A_23], %add3A_21 {strides = array<i32>} : memref<640x128xf32, #tpu.memory_space<vmem>>, vector<640x128xf32>,
    return
  }
  func.func @transform_0(%arg0: i32) -> (i32, i32) {
    %c0_i32 = arith.constant 0 : i32
    %c0_i32_0 = arith.constant 0 : i32
    return %arg0, %c0_i32 : i32, i32
  }
  func.func @transform_1(%arg0: i32) -> (i32, i32) {
    %c0_i32 = arith.constant 0 : i32
    %c0_i32_0 = arith.constant 0 : i32
    %c0_i32_1 = arith.constant 0 : i32
    return %c0_i32, %c0_i32_0 : i32, i32
  }
  func.func @transform_2(%arg0: i32) -> (i32, i32) {
    %c0_i32 = arith.constant 0 : i32
    %c0_i32_0 = arith.constant 0 : i32
    %c0_i32_1 = arith.constant 0 : i32
    return %c0_i32, %c0_i32_0 : i32, i32
  }
  func.func @transform_3(%arg0: i32) -> (i32, i32) {
    %c0_i32 = arith.constant 0 : i32
    %c0_i32_0 = arith.constant 0 : i32
    %c0_i32_1 = arith.constant 0 : i32
    return %c0_i32, %c0_i32_0 : i32, i32
  }
  func.func @transform_4(%arg0: i32) -> (i32, i32) {
    %c0_i32 = arith.constant 0 : i32
    %c0_i32_0 = arith.constant 0 : i32
    %c0_i32_1 = arith.constant 0 : i32
    return %c0_i32, %c0_i32_0 : i32, i32
  }
  func.func @transform_5(%arg0: i32) -> (i32, i32) {
    %c0_i32 = arith.constant 0 : i32
    %c0_i32_0 = arith.constant 0 : i32
    return %arg0, %c0_i32 : i32, i32
  }
  func.func @transform_6(%arg0: i32) -> (i32, i32) {
    %c0_i32 = arith.constant 0 : i32
    %c0_i32_0 = arith.constant 0 : i32
    return %arg0, %c0_i32 : i32, i32
  }
}

module attributes {stable_mosaic.version = 14 : i64} {
  func.func @_norm_mm_body(%arg0: i32, %arg1: memref<1x640x128xf32, #tpu.memory_space<vmem>>, %arg2: memref<1x640x128xf32, #tpu.memory_space<vmem>>, %arg3: memref<1x640x128xf32, #tpu.memory_space<vmem>>, %arg4: memref<1x640x128xf32, #tpu.memory_space<vmem>>, %arg5: memref<1x640x128xf32, #tpu.memory_space<vmem>>, %arg6: memref<1x640x128xf32, #tpu.memory_space<vmem>>, %arg7: memref<1x640x128xf32, #tpu.memory_space<vmem>>, %arg8: memref<1x640x128xf32, #tpu.memory_space<vmem>>, %arg9: memref<128x128xf32, #tpu.memory_space<vmem>>, %arg10: memref<1x128xf32, #tpu.memory_space<vmem>>, %arg11: memref<128x128xf32, #tpu.memory_space<vmem>>, %arg12: memref<1x128xf32, #tpu.memory_space<vmem>>, %arg13: memref<640x128xf32, #tpu.memory_space<vmem>>, %arg14: memref<640x128xf32, #tpu.memory_space<vmem>>) attributes {dimension_semantics = [#tpu.dimension_semantics<arbitrary>], iteration_bounds = array<i64: 16>, scalar_prefetch = 0 : i64, scratch_operands = 0 : i64, tpu.core_type = #tpu.core_type<tc>, window_params = [{transform_indices = @transform_0, window_bounds = array<i64: 1, 640, 128>}, {transform_indices = @transform_1, window_bounds = array<i64: 1, 640, 128>}, {transform_indices = @transform_2, window_bounds = array<i64: 1, 640, 128>}, {transform_indices = @transform_3, window_bounds = array<i64: 1, 640, 128>}, {transform_indices = @transform_4, window_bounds = array<i64: 1, 640, 128>}, {transform_indices = @transform_5, window_bounds = array<i64: 1, 640, 128>}, {transform_indices = @transform_6, window_bounds = array<i64: 1, 640, 128>}, {transform_indices = @transform_7, window_bounds = array<i64: 1, 640, 128>}, {pipeline_mode = #tpu.pipeline_mode<synchronous>, transform_indices = @transform_8, window_bounds = array<i64: 128, 128>}, {pipeline_mode = #tpu.pipeline_mode<synchronous>, transform_indices = @transform_9, window_bounds = array<i64: 1, 128>}, {pipeline_mode = #tpu.pipeline_mode<synchronous>, transform_indices = @transform_10, window_bounds = array<i64: 128, 128>}, {pipeline_mode = #tpu.pipeline_mode<synchronous>, transform_indices = @transform_11, window_bounds = array<i64: 1, 128>}, {transform_indices = @transform_12, window_bounds = array<i64: 640, 128>}, {transform_indices = @transform_13, window_bounds = array<i64: 640, 128>}]} {
    %get3A = arith.constant 0 : index
    %get3A_0 = arith.constant 0 : index
    %get3A_1 = arith.constant 0 : index
    %get3A_2 = vector.load %arg1[%get3A, %get3A_0, %get3A_1] : memref<1x640x128xf32, #tpu.memory_space<vmem>>, vector<1x640x128xf32>
    %get3A_3 = vector.shape_cast %get3A_2 : vector<1x640x128xf32> to vector<640x128xf32>
    %get3A_4 = arith.constant 0 : index
    %get3A_5 = arith.constant 0 : index
    %get3A_6 = arith.constant 0 : index
    %get3A_7 = vector.load %arg2[%get3A_4, %get3A_5, %get3A_6] : memref<1x640x128xf32, #tpu.memory_space<vmem>>, vector<1x640x128xf32>
    %get3A_8 = vector.shape_cast %get3A_7 : vector<1x640x128xf32> to vector<640x128xf32>
    %get3A_9 = arith.constant 0 : index
    %get3A_10 = arith.constant 0 : index
    %get3A_11 = arith.constant 0 : index
    %get3A_12 = vector.load %arg3[%get3A_9, %get3A_10, %get3A_11] : memref<1x640x128xf32, #tpu.memory_space<vmem>>, vector<1x640x128xf32>
    %get3A_13 = vector.shape_cast %get3A_12 : vector<1x640x128xf32> to vector<640x128xf32>
    %get3A_14 = arith.constant 0 : index
    %get3A_15 = arith.constant 0 : index
    %get3A_16 = arith.constant 0 : index
    %get3A_17 = vector.load %arg4[%get3A_14, %get3A_15, %get3A_16] : memref<1x640x128xf32, #tpu.memory_space<vmem>>, vector<1x640x128xf32>
    %get3A_18 = vector.shape_cast %get3A_17 : vector<1x640x128xf32> to vector<640x128xf32>
    %get3A_19 = arith.constant 0 : index
    %get3A_20 = arith.constant 0 : index
    %get3A_21 = arith.constant 0 : index
    %get3A_22 = vector.load %arg5[%get3A_19, %get3A_20, %get3A_21] : memref<1x640x128xf32, #tpu.memory_space<vmem>>, vector<1x640x128xf32>
    %get3A_23 = vector.shape_cast %get3A_22 : vector<1x640x128xf32> to vector<640x128xf32>
    %get3A_24 = arith.constant 0 : index
    %get3A_25 = arith.constant 0 : index
    %get3A_26 = arith.constant 0 : index
    %get3A_27 = vector.load %arg6[%get3A_24, %get3A_25, %get3A_26] : memref<1x640x128xf32, #tpu.memory_space<vmem>>, vector<1x640x128xf32>
    %get3A_28 = vector.shape_cast %get3A_27 : vector<1x640x128xf32> to vector<640x128xf32>
    %get3A_29 = arith.constant 0 : index
    %get3A_30 = arith.constant 0 : index
    %get3A_31 = arith.constant 0 : index
    %get3A_32 = vector.load %arg7[%get3A_29, %get3A_30, %get3A_31] : memref<1x640x128xf32, #tpu.memory_space<vmem>>, vector<1x640x128xf32>
    %get3A_33 = vector.shape_cast %get3A_32 : vector<1x640x128xf32> to vector<640x128xf32>
    %get3A_34 = arith.constant 0 : index
    %get3A_35 = arith.constant 0 : index
    %get3A_36 = arith.constant 0 : index
    %get3A_37 = vector.load %arg8[%get3A_34, %get3A_35, %get3A_36] : memref<1x640x128xf32, #tpu.memory_space<vmem>>, vector<1x640x128xf32>
    %get3A_38 = vector.shape_cast %get3A_37 : vector<1x640x128xf32> to vector<640x128xf32>
    %slice3A = vector.extract_strided_slice %get3A_23 {offsets = [0, 0], sizes = [640, 1], strides = [1, 1]} : vector<640x128xf32> to vector<640x1xf32>
    %slice3A_39 = vector.extract_strided_slice %get3A_28 {offsets = [0, 0], sizes = [640, 1], strides = [1, 1]} : vector<640x128xf32> to vector<640x1xf32>
    %add3A = arith.addf %slice3A, %slice3A_39 : vector<640x1xf32>
    %slice3A_40 = vector.extract_strided_slice %get3A_33 {offsets = [0, 0], sizes = [640, 1], strides = [1, 1]} : vector<640x128xf32> to vector<640x1xf32>
    %slice3A_41 = vector.extract_strided_slice %get3A_38 {offsets = [0, 0], sizes = [640, 1], strides = [1, 1]} : vector<640x128xf32> to vector<640x1xf32>
    %add3A_42 = arith.addf %slice3A_40, %slice3A_41 : vector<640x1xf32>
    %max3A = arith.constant 1.000000e+00 : f32
    %max3A_43 = vector.broadcast %max3A : f32 to vector<640x1xf32>
    %max3A_44 = arith.maximumf %add3A, %max3A_43 : vector<640x1xf32>
    %div3A = arith.constant 1.000000e+00 : f32
    %div3A_45 = vector.broadcast %div3A : f32 to vector<640x1xf32>
    %div3A_46 = arith.divf %div3A_45, %max3A_44 : vector<640x1xf32>
    %max3A_47 = arith.constant 1.000000e+00 : f32
    %max3A_48 = vector.broadcast %max3A_47 : f32 to vector<640x1xf32>
    %max3A_49 = arith.maximumf %add3A_42, %max3A_48 : vector<640x1xf32>
    %div3A_50 = arith.constant 1.000000e+00 : f32
    %div3A_51 = vector.broadcast %div3A_50 : f32 to vector<640x1xf32>
    %div3A_52 = arith.divf %div3A_51, %max3A_49 : vector<640x1xf32>
    %add3A_53 = arith.addf %get3A_3, %get3A_8 : vector<640x128xf32>
    %mul3A = vector.broadcast %div3A_46 : vector<640x1xf32> to vector<640x128xf32>
    %mul3A_54 = arith.mulf %add3A_53, %mul3A : vector<640x128xf32>
    %add3A_55 = arith.addf %get3A_13, %get3A_18 : vector<640x128xf32>
    %mul3A_56 = vector.broadcast %div3A_52 : vector<640x1xf32> to vector<640x128xf32>
    %mul3A_57 = arith.mulf %add3A_55, %mul3A_56 : vector<640x128xf32>
    %add3A_58 = arith.addf %mul3A_54, %mul3A_57 : vector<640x128xf32>
    %max3A_59 = arith.constant 0.000000e+00 : f32
    %max3A_60 = vector.broadcast %max3A_59 : f32 to vector<640x128xf32>
    %max3A_61 = arith.maximumf %add3A_58, %max3A_60 : vector<640x128xf32>
    %get3A_62 = arith.constant 0 : index
    %get3A_63 = arith.constant 0 : index
    %get3A_64 = vector.load %arg9[%get3A_62, %get3A_63] : memref<128x128xf32, #tpu.memory_space<vmem>>, vector<128x128xf32>
    %dot_general3A = arith.constant dense<0.000000e+00> : vector<640x128xf32>
    %dot_general3A_65 = tpu.matmul %max3A_61, %get3A_64, %dot_general3A {dimension_numbers = #tpu.dot_dimension_numbers<[1], [0], [0], [1], [0, 0, 1, 1], [], []>, transpose_lhs_hint = false} : vector<640x128xf32>, vector<128x128xf32>, vector<640x128xf32> -> vector<640x128xf32>
    %get3A_66 = arith.constant 0 : index
    %get3A_67 = arith.constant 0 : index
    %get3A_68 = vector.load %arg10[%get3A_66, %get3A_67] : memref<1x128xf32, #tpu.memory_space<vmem>>, vector<1x128xf32>
    %add3A_69 = vector.broadcast %get3A_68 : vector<1x128xf32> to vector<640x128xf32>
    %add3A_70 = arith.addf %dot_general3A_65, %add3A_69 : vector<640x128xf32>
    %swap3A = arith.constant 0 : index
    %swap3A_71 = arith.constant 0 : index
    %swap3A_72 = vector.load %arg13[%swap3A, %swap3A_71] : memref<640x128xf32, #tpu.memory_space<vmem>>, vector<640x128xf32>
    tpu.vector_store %arg13[%swap3A, %swap3A_71], %add3A_70 {strides = array<i32>} : memref<640x128xf32, #tpu.memory_space<vmem>>, vector<640x128xf32>,
    %get3A_73 = arith.constant 0 : index
    %get3A_74 = arith.constant 0 : index
    %get3A_75 = vector.load %arg11[%get3A_73, %get3A_74] : memref<128x128xf32, #tpu.memory_space<vmem>>, vector<128x128xf32>
    %dot_general3A_76 = arith.constant dense<0.000000e+00> : vector<640x128xf32>
    %dot_general3A_77 = tpu.matmul %max3A_61, %get3A_75, %dot_general3A_76 {dimension_numbers = #tpu.dot_dimension_numbers<[1], [0], [0], [1], [0, 0, 1, 1], [], []>, transpose_lhs_hint = false} : vector<640x128xf32>, vector<128x128xf32>, vector<640x128xf32> -> vector<640x128xf32>
    %get3A_78 = arith.constant 0 : index
    %get3A_79 = arith.constant 0 : index
    %get3A_80 = vector.load %arg12[%get3A_78, %get3A_79] : memref<1x128xf32, #tpu.memory_space<vmem>>, vector<1x128xf32>
    %add3A_81 = vector.broadcast %get3A_80 : vector<1x128xf32> to vector<640x128xf32>
    %add3A_82 = arith.addf %dot_general3A_77, %add3A_81 : vector<640x128xf32>
    %swap3A_83 = arith.constant 0 : index
    %swap3A_84 = arith.constant 0 : index
    %swap3A_85 = vector.load %arg14[%swap3A_83, %swap3A_84] : memref<640x128xf32, #tpu.memory_space<vmem>>, vector<640x128xf32>
    tpu.vector_store %arg14[%swap3A_83, %swap3A_84], %add3A_82 {strides = array<i32>} : memref<640x128xf32, #tpu.memory_space<vmem>>, vector<640x128xf32>,
    return
  }
  func.func @transform_0(%arg0: i32) -> (i32, i32, i32) {
    %c0_i32 = arith.constant 0 : i32
    %c0_i32_0 = arith.constant 0 : i32
    %c0_i32_1 = arith.constant 0 : i32
    return %c0_i32, %arg0, %c0_i32_0 : i32, i32, i32
  }
  func.func @transform_1(%arg0: i32) -> (i32, i32, i32) {
    %c1_i32 = arith.constant 1 : i32
    %c0_i32 = arith.constant 0 : i32
    %c0_i32_0 = arith.constant 0 : i32
    return %c1_i32, %arg0, %c0_i32 : i32, i32, i32
  }
  func.func @transform_2(%arg0: i32) -> (i32, i32, i32) {
    %c0_i32 = arith.constant 0 : i32
    %c0_i32_0 = arith.constant 0 : i32
    %c0_i32_1 = arith.constant 0 : i32
    return %c0_i32, %arg0, %c0_i32_0 : i32, i32, i32
  }
  func.func @transform_3(%arg0: i32) -> (i32, i32, i32) {
    %c1_i32 = arith.constant 1 : i32
    %c0_i32 = arith.constant 0 : i32
    %c0_i32_0 = arith.constant 0 : i32
    return %c1_i32, %arg0, %c0_i32 : i32, i32, i32
  }
  func.func @transform_4(%arg0: i32) -> (i32, i32, i32) {
    %c0_i32 = arith.constant 0 : i32
    %c0_i32_0 = arith.constant 0 : i32
    %c0_i32_1 = arith.constant 0 : i32
    return %c0_i32, %arg0, %c0_i32_0 : i32, i32, i32
  }
  func.func @transform_5(%arg0: i32) -> (i32, i32, i32) {
    %c1_i32 = arith.constant 1 : i32
    %c0_i32 = arith.constant 0 : i32
    %c0_i32_0 = arith.constant 0 : i32
    return %c1_i32, %arg0, %c0_i32 : i32, i32, i32
  }
  func.func @transform_6(%arg0: i32) -> (i32, i32, i32) {
    %c0_i32 = arith.constant 0 : i32
    %c0_i32_0 = arith.constant 0 : i32
    %c0_i32_1 = arith.constant 0 : i32
    return %c0_i32, %arg0, %c0_i32_0 : i32, i32, i32
  }
  func.func @transform_7(%arg0: i32) -> (i32, i32, i32) {
    %c1_i32 = arith.constant 1 : i32
    %c0_i32 = arith.constant 0 : i32
    %c0_i32_0 = arith.constant 0 : i32
    return %c1_i32, %arg0, %c0_i32 : i32, i32, i32
  }
  func.func @transform_8(%arg0: i32) -> (i32, i32) {
    %c0_i32 = arith.constant 0 : i32
    %c0_i32_0 = arith.constant 0 : i32
    %c0_i32_1 = arith.constant 0 : i32
    return %c0_i32, %c0_i32_0 : i32, i32
  }
  func.func @transform_9(%arg0: i32) -> (i32, i32) {
    %c0_i32 = arith.constant 0 : i32
    %c0_i32_0 = arith.constant 0 : i32
    %c0_i32_1 = arith.constant 0 : i32
    return %c0_i32, %c0_i32_0 : i32, i32
  }
  func.func @transform_10(%arg0: i32) -> (i32, i32) {
    %c0_i32 = arith.constant 0 : i32
    %c0_i32_0 = arith.constant 0 : i32
    %c0_i32_1 = arith.constant 0 : i32
    return %c0_i32, %c0_i32_0 : i32, i32
  }
  func.func @transform_11(%arg0: i32) -> (i32, i32) {
    %c0_i32 = arith.constant 0 : i32
    %c0_i32_0 = arith.constant 0 : i32
    %c0_i32_1 = arith.constant 0 : i32
    return %c0_i32, %c0_i32_0 : i32, i32
  }
  func.func @transform_12(%arg0: i32) -> (i32, i32) {
    %c0_i32 = arith.constant 0 : i32
    %c0_i32_0 = arith.constant 0 : i32
    return %arg0, %c0_i32 : i32, i32
  }
  func.func @transform_13(%arg0: i32) -> (i32, i32) {
    %c0_i32 = arith.constant 0 : i32
    %c0_i32_0 = arith.constant 0 : i32
    return %arg0, %c0_i32 : i32, i32
  }
}

module attributes {stable_mosaic.version = 14 : i64} {
  func.func @_norm_mm_body(%arg0: i32, %arg1: memref<1x640x128xf32, #tpu.memory_space<vmem>>, %arg2: memref<1x640x128xf32, #tpu.memory_space<vmem>>, %arg3: memref<1x640x128xf32, #tpu.memory_space<vmem>>, %arg4: memref<1x640x128xf32, #tpu.memory_space<vmem>>, %arg5: memref<1x640x128xf32, #tpu.memory_space<vmem>>, %arg6: memref<1x640x128xf32, #tpu.memory_space<vmem>>, %arg7: memref<1x640x128xf32, #tpu.memory_space<vmem>>, %arg8: memref<1x640x128xf32, #tpu.memory_space<vmem>>, %arg9: memref<128x128xf32, #tpu.memory_space<vmem>>, %arg10: memref<1x128xf32, #tpu.memory_space<vmem>>, %arg11: memref<128x128xf32, #tpu.memory_space<vmem>>, %arg12: memref<1x128xf32, #tpu.memory_space<vmem>>, %arg13: memref<640x128xf32, #tpu.memory_space<vmem>>, %arg14: memref<640x128xf32, #tpu.memory_space<vmem>>) attributes {dimension_semantics = [#tpu.dimension_semantics<arbitrary>], iteration_bounds = array<i64: 16>, scalar_prefetch = 0 : i64, scratch_operands = 0 : i64, tpu.core_type = #tpu.core_type<tc>, window_params = [{transform_indices = @transform_0, window_bounds = array<i64: 1, 640, 128>}, {transform_indices = @transform_1, window_bounds = array<i64: 1, 640, 128>}, {transform_indices = @transform_2, window_bounds = array<i64: 1, 640, 128>}, {transform_indices = @transform_3, window_bounds = array<i64: 1, 640, 128>}, {transform_indices = @transform_4, window_bounds = array<i64: 1, 640, 128>}, {transform_indices = @transform_5, window_bounds = array<i64: 1, 640, 128>}, {transform_indices = @transform_6, window_bounds = array<i64: 1, 640, 128>}, {transform_indices = @transform_7, window_bounds = array<i64: 1, 640, 128>}, {pipeline_mode = #tpu.pipeline_mode<synchronous>, transform_indices = @transform_8, window_bounds = array<i64: 128, 128>}, {pipeline_mode = #tpu.pipeline_mode<synchronous>, transform_indices = @transform_9, window_bounds = array<i64: 1, 128>}, {pipeline_mode = #tpu.pipeline_mode<synchronous>, transform_indices = @transform_10, window_bounds = array<i64: 128, 128>}, {pipeline_mode = #tpu.pipeline_mode<synchronous>, transform_indices = @transform_11, window_bounds = array<i64: 1, 128>}, {transform_indices = @transform_12, window_bounds = array<i64: 640, 128>}, {transform_indices = @transform_13, window_bounds = array<i64: 640, 128>}]} {
    %get3A = arith.constant 0 : index
    %get3A_0 = arith.constant 0 : index
    %get3A_1 = arith.constant 0 : index
    %get3A_2 = vector.load %arg1[%get3A, %get3A_0, %get3A_1] : memref<1x640x128xf32, #tpu.memory_space<vmem>>, vector<1x640x128xf32>
    %get3A_3 = vector.shape_cast %get3A_2 : vector<1x640x128xf32> to vector<640x128xf32>
    %get3A_4 = arith.constant 0 : index
    %get3A_5 = arith.constant 0 : index
    %get3A_6 = arith.constant 0 : index
    %get3A_7 = vector.load %arg2[%get3A_4, %get3A_5, %get3A_6] : memref<1x640x128xf32, #tpu.memory_space<vmem>>, vector<1x640x128xf32>
    %get3A_8 = vector.shape_cast %get3A_7 : vector<1x640x128xf32> to vector<640x128xf32>
    %get3A_9 = arith.constant 0 : index
    %get3A_10 = arith.constant 0 : index
    %get3A_11 = arith.constant 0 : index
    %get3A_12 = vector.load %arg3[%get3A_9, %get3A_10, %get3A_11] : memref<1x640x128xf32, #tpu.memory_space<vmem>>, vector<1x640x128xf32>
    %get3A_13 = vector.shape_cast %get3A_12 : vector<1x640x128xf32> to vector<640x128xf32>
    %get3A_14 = arith.constant 0 : index
    %get3A_15 = arith.constant 0 : index
    %get3A_16 = arith.constant 0 : index
    %get3A_17 = vector.load %arg4[%get3A_14, %get3A_15, %get3A_16] : memref<1x640x128xf32, #tpu.memory_space<vmem>>, vector<1x640x128xf32>
    %get3A_18 = vector.shape_cast %get3A_17 : vector<1x640x128xf32> to vector<640x128xf32>
    %get3A_19 = arith.constant 0 : index
    %get3A_20 = arith.constant 0 : index
    %get3A_21 = arith.constant 0 : index
    %get3A_22 = vector.load %arg5[%get3A_19, %get3A_20, %get3A_21] : memref<1x640x128xf32, #tpu.memory_space<vmem>>, vector<1x640x128xf32>
    %get3A_23 = vector.shape_cast %get3A_22 : vector<1x640x128xf32> to vector<640x128xf32>
    %get3A_24 = arith.constant 0 : index
    %get3A_25 = arith.constant 0 : index
    %get3A_26 = arith.constant 0 : index
    %get3A_27 = vector.load %arg6[%get3A_24, %get3A_25, %get3A_26] : memref<1x640x128xf32, #tpu.memory_space<vmem>>, vector<1x640x128xf32>
    %get3A_28 = vector.shape_cast %get3A_27 : vector<1x640x128xf32> to vector<640x128xf32>
    %get3A_29 = arith.constant 0 : index
    %get3A_30 = arith.constant 0 : index
    %get3A_31 = arith.constant 0 : index
    %get3A_32 = vector.load %arg7[%get3A_29, %get3A_30, %get3A_31] : memref<1x640x128xf32, #tpu.memory_space<vmem>>, vector<1x640x128xf32>
    %get3A_33 = vector.shape_cast %get3A_32 : vector<1x640x128xf32> to vector<640x128xf32>
    %get3A_34 = arith.constant 0 : index
    %get3A_35 = arith.constant 0 : index
    %get3A_36 = arith.constant 0 : index
    %get3A_37 = vector.load %arg8[%get3A_34, %get3A_35, %get3A_36] : memref<1x640x128xf32, #tpu.memory_space<vmem>>, vector<1x640x128xf32>
    %get3A_38 = vector.shape_cast %get3A_37 : vector<1x640x128xf32> to vector<640x128xf32>
    %slice3A = vector.extract_strided_slice %get3A_23 {offsets = [0, 0], sizes = [640, 1], strides = [1, 1]} : vector<640x128xf32> to vector<640x1xf32>
    %slice3A_39 = vector.extract_strided_slice %get3A_28 {offsets = [0, 0], sizes = [640, 1], strides = [1, 1]} : vector<640x128xf32> to vector<640x1xf32>
    %add3A = arith.addf %slice3A, %slice3A_39 : vector<640x1xf32>
    %slice3A_40 = vector.extract_strided_slice %get3A_33 {offsets = [0, 0], sizes = [640, 1], strides = [1, 1]} : vector<640x128xf32> to vector<640x1xf32>
    %slice3A_41 = vector.extract_strided_slice %get3A_38 {offsets = [0, 0], sizes = [640, 1], strides = [1, 1]} : vector<640x128xf32> to vector<640x1xf32>
    %add3A_42 = arith.addf %slice3A_40, %slice3A_41 : vector<640x1xf32>
    %max3A = arith.constant 1.000000e+00 : f32
    %max3A_43 = vector.broadcast %max3A : f32 to vector<640x1xf32>
    %max3A_44 = arith.maximumf %add3A, %max3A_43 : vector<640x1xf32>
    %div3A = arith.constant 1.000000e+00 : f32
    %div3A_45 = vector.broadcast %div3A : f32 to vector<640x1xf32>
    %div3A_46 = arith.divf %div3A_45, %max3A_44 : vector<640x1xf32>
    %max3A_47 = arith.constant 1.000000e+00 : f32
    %max3A_48 = vector.broadcast %max3A_47 : f32 to vector<640x1xf32>
    %max3A_49 = arith.maximumf %add3A_42, %max3A_48 : vector<640x1xf32>
    %div3A_50 = arith.constant 1.000000e+00 : f32
    %div3A_51 = vector.broadcast %div3A_50 : f32 to vector<640x1xf32>
    %div3A_52 = arith.divf %div3A_51, %max3A_49 : vector<640x1xf32>
    %add3A_53 = arith.addf %get3A_3, %get3A_8 : vector<640x128xf32>
    %mul3A = vector.broadcast %div3A_46 : vector<640x1xf32> to vector<640x128xf32>
    %mul3A_54 = arith.mulf %add3A_53, %mul3A : vector<640x128xf32>
    %add3A_55 = arith.addf %get3A_13, %get3A_18 : vector<640x128xf32>
    %mul3A_56 = vector.broadcast %div3A_52 : vector<640x1xf32> to vector<640x128xf32>
    %mul3A_57 = arith.mulf %add3A_55, %mul3A_56 : vector<640x128xf32>
    %add3A_58 = arith.addf %mul3A_54, %mul3A_57 : vector<640x128xf32>
    %get3A_59 = arith.constant 0 : index
    %get3A_60 = arith.constant 0 : index
    %get3A_61 = vector.load %arg9[%get3A_59, %get3A_60] : memref<128x128xf32, #tpu.memory_space<vmem>>, vector<128x128xf32>
    %dot_general3A = arith.constant dense<0.000000e+00> : vector<640x128xf32>
    %dot_general3A_62 = tpu.matmul %add3A_58, %get3A_61, %dot_general3A {dimension_numbers = #tpu.dot_dimension_numbers<[1], [0], [0], [1], [0, 0, 1, 1], [], []>, transpose_lhs_hint = false} : vector<640x128xf32>, vector<128x128xf32>, vector<640x128xf32> -> vector<640x128xf32>
    %get3A_63 = arith.constant 0 : index
    %get3A_64 = arith.constant 0 : index
    %get3A_65 = vector.load %arg10[%get3A_63, %get3A_64] : memref<1x128xf32, #tpu.memory_space<vmem>>, vector<1x128xf32>
    %add3A_66 = vector.broadcast %get3A_65 : vector<1x128xf32> to vector<640x128xf32>
    %add3A_67 = arith.addf %dot_general3A_62, %add3A_66 : vector<640x128xf32>
    %swap3A = arith.constant 0 : index
    %swap3A_68 = arith.constant 0 : index
    %swap3A_69 = vector.load %arg13[%swap3A, %swap3A_68] : memref<640x128xf32, #tpu.memory_space<vmem>>, vector<640x128xf32>
    tpu.vector_store %arg13[%swap3A, %swap3A_68], %add3A_67 {strides = array<i32>} : memref<640x128xf32, #tpu.memory_space<vmem>>, vector<640x128xf32>,
    %get3A_70 = arith.constant 0 : index
    %get3A_71 = arith.constant 0 : index
    %get3A_72 = vector.load %arg11[%get3A_70, %get3A_71] : memref<128x128xf32, #tpu.memory_space<vmem>>, vector<128x128xf32>
    %dot_general3A_73 = arith.constant dense<0.000000e+00> : vector<640x128xf32>
    %dot_general3A_74 = tpu.matmul %add3A_58, %get3A_72, %dot_general3A_73 {dimension_numbers = #tpu.dot_dimension_numbers<[1], [0], [0], [1], [0, 0, 1, 1], [], []>, transpose_lhs_hint = false} : vector<640x128xf32>, vector<128x128xf32>, vector<640x128xf32> -> vector<640x128xf32>
    %get3A_75 = arith.constant 0 : index
    %get3A_76 = arith.constant 0 : index
    %get3A_77 = vector.load %arg12[%get3A_75, %get3A_76] : memref<1x128xf32, #tpu.memory_space<vmem>>, vector<1x128xf32>
    %add3A_78 = vector.broadcast %get3A_77 : vector<1x128xf32> to vector<640x128xf32>
    %add3A_79 = arith.addf %dot_general3A_74, %add3A_78 : vector<640x128xf32>
    %swap3A_80 = arith.constant 0 : index
    %swap3A_81 = arith.constant 0 : index
    %swap3A_82 = vector.load %arg14[%swap3A_80, %swap3A_81] : memref<640x128xf32, #tpu.memory_space<vmem>>, vector<640x128xf32>
    tpu.vector_store %arg14[%swap3A_80, %swap3A_81], %add3A_79 {strides = array<i32>} : memref<640x128xf32, #tpu.memory_space<vmem>>, vector<640x128xf32>,
    return
  }
  func.func @transform_0(%arg0: i32) -> (i32, i32, i32) {
    %c0_i32 = arith.constant 0 : i32
    %c0_i32_0 = arith.constant 0 : i32
    %c0_i32_1 = arith.constant 0 : i32
    return %c0_i32, %arg0, %c0_i32_0 : i32, i32, i32
  }
  func.func @transform_1(%arg0: i32) -> (i32, i32, i32) {
    %c1_i32 = arith.constant 1 : i32
    %c0_i32 = arith.constant 0 : i32
    %c0_i32_0 = arith.constant 0 : i32
    return %c1_i32, %arg0, %c0_i32 : i32, i32, i32
  }
  func.func @transform_2(%arg0: i32) -> (i32, i32, i32) {
    %c0_i32 = arith.constant 0 : i32
    %c0_i32_0 = arith.constant 0 : i32
    %c0_i32_1 = arith.constant 0 : i32
    return %c0_i32, %arg0, %c0_i32_0 : i32, i32, i32
  }
  func.func @transform_3(%arg0: i32) -> (i32, i32, i32) {
    %c1_i32 = arith.constant 1 : i32
    %c0_i32 = arith.constant 0 : i32
    %c0_i32_0 = arith.constant 0 : i32
    return %c1_i32, %arg0, %c0_i32 : i32, i32, i32
  }
  func.func @transform_4(%arg0: i32) -> (i32, i32, i32) {
    %c0_i32 = arith.constant 0 : i32
    %c0_i32_0 = arith.constant 0 : i32
    %c0_i32_1 = arith.constant 0 : i32
    return %c0_i32, %arg0, %c0_i32_0 : i32, i32, i32
  }
  func.func @transform_5(%arg0: i32) -> (i32, i32, i32) {
    %c1_i32 = arith.constant 1 : i32
    %c0_i32 = arith.constant 0 : i32
    %c0_i32_0 = arith.constant 0 : i32
    return %c1_i32, %arg0, %c0_i32 : i32, i32, i32
  }
  func.func @transform_6(%arg0: i32) -> (i32, i32, i32) {
    %c0_i32 = arith.constant 0 : i32
    %c0_i32_0 = arith.constant 0 : i32
    %c0_i32_1 = arith.constant 0 : i32
    return %c0_i32, %arg0, %c0_i32_0 : i32, i32, i32
  }
  func.func @transform_7(%arg0: i32) -> (i32, i32, i32) {
    %c1_i32 = arith.constant 1 : i32
    %c0_i32 = arith.constant 0 : i32
    %c0_i32_0 = arith.constant 0 : i32
    return %c1_i32, %arg0, %c0_i32 : i32, i32, i32
  }
  func.func @transform_8(%arg0: i32) -> (i32, i32) {
    %c0_i32 = arith.constant 0 : i32
    %c0_i32_0 = arith.constant 0 : i32
    %c0_i32_1 = arith.constant 0 : i32
    return %c0_i32, %c0_i32_0 : i32, i32
  }
  func.func @transform_9(%arg0: i32) -> (i32, i32) {
    %c0_i32 = arith.constant 0 : i32
    %c0_i32_0 = arith.constant 0 : i32
    %c0_i32_1 = arith.constant 0 : i32
    return %c0_i32, %c0_i32_0 : i32, i32
  }
  func.func @transform_10(%arg0: i32) -> (i32, i32) {
    %c0_i32 = arith.constant 0 : i32
    %c0_i32_0 = arith.constant 0 : i32
    %c0_i32_1 = arith.constant 0 : i32
    return %c0_i32, %c0_i32_0 : i32, i32
  }
  func.func @transform_11(%arg0: i32) -> (i32, i32) {
    %c0_i32 = arith.constant 0 : i32
    %c0_i32_0 = arith.constant 0 : i32
    %c0_i32_1 = arith.constant 0 : i32
    return %c0_i32, %c0_i32_0 : i32, i32
  }
  func.func @transform_12(%arg0: i32) -> (i32, i32) {
    %c0_i32 = arith.constant 0 : i32
    %c0_i32_0 = arith.constant 0 : i32
    return %arg0, %c0_i32 : i32, i32
  }
  func.func @transform_13(%arg0: i32) -> (i32, i32) {
    %c0_i32 = arith.constant 0 : i32
    %c0_i32_0 = arith.constant 0 : i32
    return %arg0, %c0_i32 : i32, i32
  }
}

module attributes {stable_mosaic.version = 14 : i64} {
  func.func @_norm_final_body(%arg0: i32, %arg1: memref<1x640x128xf32, #tpu.memory_space<vmem>>, %arg2: memref<1x640x128xf32, #tpu.memory_space<vmem>>, %arg3: memref<1x640x128xf32, #tpu.memory_space<vmem>>, %arg4: memref<1x640x128xf32, #tpu.memory_space<vmem>>, %arg5: memref<1x640x128xf32, #tpu.memory_space<vmem>>, %arg6: memref<1x640x128xf32, #tpu.memory_space<vmem>>, %arg7: memref<1x640x128xf32, #tpu.memory_space<vmem>>, %arg8: memref<1x640x128xf32, #tpu.memory_space<vmem>>, %arg9: memref<640x128xf32, #tpu.memory_space<vmem>>) attributes {dimension_semantics = [#tpu.dimension_semantics<arbitrary>], iteration_bounds = array<i64: 16>, scalar_prefetch = 0 : i64, scratch_operands = 0 : i64, tpu.core_type = #tpu.core_type<tc>, window_params = [{transform_indices = @transform_0, window_bounds = array<i64: 1, 640, 128>}, {transform_indices = @transform_1, window_bounds = array<i64: 1, 640, 128>}, {transform_indices = @transform_2, window_bounds = array<i64: 1, 640, 128>}, {transform_indices = @transform_3, window_bounds = array<i64: 1, 640, 128>}, {transform_indices = @transform_4, window_bounds = array<i64: 1, 640, 128>}, {transform_indices = @transform_5, window_bounds = array<i64: 1, 640, 128>}, {transform_indices = @transform_6, window_bounds = array<i64: 1, 640, 128>}, {transform_indices = @transform_7, window_bounds = array<i64: 1, 640, 128>}, {transform_indices = @transform_8, window_bounds = array<i64: 640, 128>}]} {
    %get3A = arith.constant 0 : index
    %get3A_0 = arith.constant 0 : index
    %get3A_1 = arith.constant 0 : index
    %get3A_2 = vector.load %arg1[%get3A, %get3A_0, %get3A_1] : memref<1x640x128xf32, #tpu.memory_space<vmem>>, vector<1x640x128xf32>
    %get3A_3 = vector.shape_cast %get3A_2 : vector<1x640x128xf32> to vector<640x128xf32>
    %get3A_4 = arith.constant 0 : index
    %get3A_5 = arith.constant 0 : index
    %get3A_6 = arith.constant 0 : index
    %get3A_7 = vector.load %arg2[%get3A_4, %get3A_5, %get3A_6] : memref<1x640x128xf32, #tpu.memory_space<vmem>>, vector<1x640x128xf32>
    %get3A_8 = vector.shape_cast %get3A_7 : vector<1x640x128xf32> to vector<640x128xf32>
    %get3A_9 = arith.constant 0 : index
    %get3A_10 = arith.constant 0 : index
    %get3A_11 = arith.constant 0 : index
    %get3A_12 = vector.load %arg3[%get3A_9, %get3A_10, %get3A_11] : memref<1x640x128xf32, #tpu.memory_space<vmem>>, vector<1x640x128xf32>
    %get3A_13 = vector.shape_cast %get3A_12 : vector<1x640x128xf32> to vector<640x128xf32>
    %get3A_14 = arith.constant 0 : index
    %get3A_15 = arith.constant 0 : index
    %get3A_16 = arith.constant 0 : index
    %get3A_17 = vector.load %arg4[%get3A_14, %get3A_15, %get3A_16] : memref<1x640x128xf32, #tpu.memory_space<vmem>>, vector<1x640x128xf32>
    %get3A_18 = vector.shape_cast %get3A_17 : vector<1x640x128xf32> to vector<640x128xf32>
    %get3A_19 = arith.constant 0 : index
    %get3A_20 = arith.constant 0 : index
    %get3A_21 = arith.constant 0 : index
    %get3A_22 = vector.load %arg5[%get3A_19, %get3A_20, %get3A_21] : memref<1x640x128xf32, #tpu.memory_space<vmem>>, vector<1x640x128xf32>
    %get3A_23 = vector.shape_cast %get3A_22 : vector<1x640x128xf32> to vector<640x128xf32>
    %get3A_24 = arith.constant 0 : index
    %get3A_25 = arith.constant 0 : index
    %get3A_26 = arith.constant 0 : index
    %get3A_27 = vector.load %arg6[%get3A_24, %get3A_25, %get3A_26] : memref<1x640x128xf32, #tpu.memory_space<vmem>>, vector<1x640x128xf32>
    %get3A_28 = vector.shape_cast %get3A_27 : vector<1x640x128xf32> to vector<640x128xf32>
    %get3A_29 = arith.constant 0 : index
    %get3A_30 = arith.constant 0 : index
    %get3A_31 = arith.constant 0 : index
    %get3A_32 = vector.load %arg7[%get3A_29, %get3A_30, %get3A_31] : memref<1x640x128xf32, #tpu.memory_space<vmem>>, vector<1x640x128xf32>
    %get3A_33 = vector.shape_cast %get3A_32 : vector<1x640x128xf32> to vector<640x128xf32>
    %get3A_34 = arith.constant 0 : index
    %get3A_35 = arith.constant 0 : index
    %get3A_36 = arith.constant 0 : index
    %get3A_37 = vector.load %arg8[%get3A_34, %get3A_35, %get3A_36] : memref<1x640x128xf32, #tpu.memory_space<vmem>>, vector<1x640x128xf32>
    %get3A_38 = vector.shape_cast %get3A_37 : vector<1x640x128xf32> to vector<640x128xf32>
    %slice3A = vector.extract_strided_slice %get3A_23 {offsets = [0, 0], sizes = [640, 1], strides = [1, 1]} : vector<640x128xf32> to vector<640x1xf32>
    %slice3A_39 = vector.extract_strided_slice %get3A_28 {offsets = [0, 0], sizes = [640, 1], strides = [1, 1]} : vector<640x128xf32> to vector<640x1xf32>
    %add3A = arith.addf %slice3A, %slice3A_39 : vector<640x1xf32>
    %slice3A_40 = vector.extract_strided_slice %get3A_33 {offsets = [0, 0], sizes = [640, 1], strides = [1, 1]} : vector<640x128xf32> to vector<640x1xf32>
    %slice3A_41 = vector.extract_strided_slice %get3A_38 {offsets = [0, 0], sizes = [640, 1], strides = [1, 1]} : vector<640x128xf32> to vector<640x1xf32>
    %add3A_42 = arith.addf %slice3A_40, %slice3A_41 : vector<640x1xf32>
    %max3A = arith.constant 1.000000e+00 : f32
    %max3A_43 = vector.broadcast %max3A : f32 to vector<640x1xf32>
    %max3A_44 = arith.maximumf %add3A, %max3A_43 : vector<640x1xf32>
    %div3A = arith.constant 1.000000e+00 : f32
    %div3A_45 = vector.broadcast %div3A : f32 to vector<640x1xf32>
    %div3A_46 = arith.divf %div3A_45, %max3A_44 : vector<640x1xf32>
    %max3A_47 = arith.constant 1.000000e+00 : f32
    %max3A_48 = vector.broadcast %max3A_47 : f32 to vector<640x1xf32>
    %max3A_49 = arith.maximumf %add3A_42, %max3A_48 : vector<640x1xf32>
    %div3A_50 = arith.constant 1.000000e+00 : f32
    %div3A_51 = vector.broadcast %div3A_50 : f32 to vector<640x1xf32>
    %div3A_52 = arith.divf %div3A_51, %max3A_49 : vector<640x1xf32>
    %add3A_53 = arith.addf %get3A_3, %get3A_8 : vector<640x128xf32>
    %mul3A = vector.broadcast %div3A_46 : vector<640x1xf32> to vector<640x128xf32>
    %mul3A_54 = arith.mulf %add3A_53, %mul3A : vector<640x128xf32>
    %add3A_55 = arith.addf %get3A_13, %get3A_18 : vector<640x128xf32>
    %mul3A_56 = vector.broadcast %div3A_52 : vector<640x1xf32> to vector<640x128xf32>
    %mul3A_57 = arith.mulf %add3A_55, %mul3A_56 : vector<640x128xf32>
    %add3A_58 = arith.addf %mul3A_54, %mul3A_57 : vector<640x128xf32>
    %swap3A = arith.constant 0 : index
    %swap3A_59 = arith.constant 0 : index
    %swap3A_60 = vector.load %arg9[%swap3A, %swap3A_59] : memref<640x128xf32, #tpu.memory_space<vmem>>, vector<640x128xf32>
    tpu.vector_store %arg9[%swap3A, %swap3A_59], %add3A_58 {strides = array<i32>} : memref<640x128xf32, #tpu.memory_space<vmem>>, vector<640x128xf32>,
    return
  }
  func.func @transform_0(%arg0: i32) -> (i32, i32, i32) {
    %c0_i32 = arith.constant 0 : i32
    %c0_i32_0 = arith.constant 0 : i32
    %c0_i32_1 = arith.constant 0 : i32
    return %c0_i32, %arg0, %c0_i32_0 : i32, i32, i32
  }
  func.func @transform_1(%arg0: i32) -> (i32, i32, i32) {
    %c1_i32 = arith.constant 1 : i32
    %c0_i32 = arith.constant 0 : i32
    %c0_i32_0 = arith.constant 0 : i32
    return %c1_i32, %arg0, %c0_i32 : i32, i32, i32
  }
  func.func @transform_2(%arg0: i32) -> (i32, i32, i32) {
    %c0_i32 = arith.constant 0 : i32
    %c0_i32_0 = arith.constant 0 : i32
    %c0_i32_1 = arith.constant 0 : i32
    return %c0_i32, %arg0, %c0_i32_0 : i32, i32, i32
  }
  func.func @transform_3(%arg0: i32) -> (i32, i32, i32) {
    %c1_i32 = arith.constant 1 : i32
    %c0_i32 = arith.constant 0 : i32
    %c0_i32_0 = arith.constant 0 : i32
    return %c1_i32, %arg0, %c0_i32 : i32, i32, i32
  }
  func.func @transform_4(%arg0: i32) -> (i32, i32, i32) {
    %c0_i32 = arith.constant 0 : i32
    %c0_i32_0 = arith.constant 0 : i32
    %c0_i32_1 = arith.constant 0 : i32
    return %c0_i32, %arg0, %c0_i32_0 : i32, i32, i32
  }
  func.func @transform_5(%arg0: i32) -> (i32, i32, i32) {
    %c1_i32 = arith.constant 1 : i32
    %c0_i32 = arith.constant 0 : i32
    %c0_i32_0 = arith.constant 0 : i32
    return %c1_i32, %arg0, %c0_i32 : i32, i32, i32
  }
  func.func @transform_6(%arg0: i32) -> (i32, i32, i32) {
    %c0_i32 = arith.constant 0 : i32
    %c0_i32_0 = arith.constant 0 : i32
    %c0_i32_1 = arith.constant 0 : i32
    return %c0_i32, %arg0, %c0_i32_0 : i32, i32, i32
  }
  func.func @transform_7(%arg0: i32) -> (i32, i32, i32) {
    %c1_i32 = arith.constant 1 : i32
    %c0_i32 = arith.constant 0 : i32
    %c0_i32_0 = arith.constant 0 : i32
    return %c1_i32, %arg0, %c0_i32 : i32, i32, i32
  }
  func.func @transform_8(%arg0: i32) -> (i32, i32) {
    %c0_i32 = arith.constant 0 : i32
    %c0_i32_0 = arith.constant 0 : i32
    return %arg0, %c0_i32 : i32, i32
  }
}

</mosaic_0001>

<sc_bundles>
// kernel: kernel.10.cloned.1.call-start
scs
__scs_entry_jumppad:
0x0: {  	(pc) =	sbr.rel $0x88, $3  }
0x1: {  	(tag) =	ssettag $0x0;
	lr =	simm.s32 $0x1  }
0x2: {  	[smem:$0x3F92] =	sst lr;
	_ =	strace $0xD0000000  }
0x3: {  	_ = 	snop  }
0x4: {  	_ = 	snop  }
0x5: {  	_ = 	snop  }
0x6: {  	_ = 	snop  }
0x7: {  	_ = 	snop  }
__scs_overlays_trampoline_lowered:
0x8: {  	[smem:$0x3FA1] =	sst s0  }
0x9: {  	[smem:$0x3FA2] =	sst s1  }
0xa: {  	[smem:$0x3FA3] =	sst s2  }
0xb: {  	[smem:$0x3FA4] =	sst s3  }
0xc: {  	[smem:$0x3FA5] =	sst s4  }
0xd: {  	[smem:$0x3FA6] =	sst s5  }
0xe: {  	[smem:$0x3FA7] =	sst s6  }
0xf: {  	[smem:$0x3FA8] =	sst s7  }
0x10: {  	[smem:$0x3FA9] =	sst s8  }
0x11: {  	[smem:$0x3FAA] =	sst s9;
	s0 =	simm.s32 @!p0 $0x0  }
0x12: {  	s1 =	sld [smem:$0x3F90];
	s0 =	simm.s32 @p0 $0x1  }
0x13: {  	[smem:$0x3FAB] =	sst s0;
	s0 =	simm.s32 @!p1 $0x0  }
0x14: {  	s2 =	sld [smem:$0x3F8F];
	s0 =	simm.s32 @p1 $0x1  }
0x15: {  	[smem:$0x3FAC] =	sst s0;
	s0 =	simm.s32 @!p2 $0x0  }
0x16: {  	s3 =	sld [smem:$0x3FDB];
	s0 =	simm.s32 @p2 $0x1  }
0x17: {  	s4 =	simm.s32 $0x1BF5;
	[smem:$0x3FAE] =	sst s0  }
0x18: {  	s0 =	sld [smem:$0x3F91];
	_ =	swait.ge [sflag:s4], $0x0  }
0x19: {  	s7 =	sld [smem:$0x3F92]  }
0x1a: {  	s8 =	sadd.s32 $0xFFFFE003, lr  }
0x1b: {  	s9 =	sadd.s32 $0xFFFFFEF7, lr;
	s5 =	simm.s32 $0xFFFFFFFF;
	p2 =	slt.u32 s8, $0xFFFFF086  }
0x1c: {  	p1 =	slt.u32 s9, $0xF7A;
	s5 =	simm.s32 @!p2 $0x0  }
0x1d: {  	s5 =	simm.s32 @p1 $0x1;
	p0 =	seq.s32 s7, s2  }
0x1e: {  	s7 =	smul.u32 @!p0 $0xF7A, s2;
	p2 =	seq.s32 @!p0 s5, $0x0  }
0x1f: {  	s9 =	smul.u32 $0xF7A, s1;
	s8 =	simm.s32 @!p0 $0x1BF5;
	p2 =	por !p2, p0  }
0x20: {  	[sflag:s8] =	ssyncset.s32 @!p0 $0xFFFFF086;
	s6 =	sadd.s32 @!p0 s3, s7;
	s7 =	simm.s32 @!p0 $0x108  }
0x21: {  	s3 =	sadd.s32 s3, s9;
	s6 =	sadd.s32 @!p0 $0x88, s6;
	s7 =	simm.s32 @p2 $0x1082  }
0x22: {  	[simem:s7], [sflag:s8] =	dma.local @!p0 [hbm:s6], $0xF7A  }
0x23: {  	s9 =	sor.u32 $0xD0000000, s2;
	s6 =	simm.s32 $0x108;
	_ =	swait.ge @!p0 [sflag:s8], $0x0  }
0x24: {  	s3 =	sadd.s32 $0x88, s3;
	s6 =	simm.s32 @!p1 $0x1082;
	[sflag:s4] =	ssyncset.s32 $0xFFFFF086  }
0x25: {  	[simem:s6], [sflag:s4] =	dma.local [hbm:s3], $0xF7A  }
0x26: {  	[smem:$0x3F92] =	sst s1;
	(tag) =	ssettag s2;
	_ =	strace s9  }
0x27: {  	s1 =	sld [smem:$0x3FA2]  }
0x28: {  	s2 =	sld [smem:$0x3FA3]  }
0x29: {  	s4 =	sld [smem:$0x3FA5]  }
0x2a: {  	p0 =	seq.s32 s5, $0x0;
	s5 =	sld [smem:$0x3FA6]  }
0x2b: {  	s6 =	sld [smem:$0x3FA7]  }
0x2c: {  	s7 =	sld [smem:$0x3FA8]  }
0x2d: {  	s3 =	simm.s32 $0x108;
	s8 =	sld [smem:$0x3FA9]  }
0x2e: {  	s3 =	simm.s32 @!p0 $0x1082;
	s9 =	sld [smem:$0x3FAA]  }
0x2f: {  	lr =	sadd.s32 s0, s3;
	s0 =	sld [smem:$0x3FA1]  }
0x30: {  	s3 =	sld [smem:$0x3FA4]  }
0x31: {  	[smem:$0x3FAD] =	sst s10  }
0x32: {  	s10 =	sld [smem:$0x3FAB];
	_ =	sdelay $0x3  }
0x33: {  	p0 =	seq.s32 s10, $0x1;
	s10 =	sld [smem:$0x3FAD];
	_ =	sdelay $0x3  }
0x34: {  	[smem:$0x3FAD] =	sst s10  }
0x35: {  	s10 =	sld [smem:$0x3FAC];
	_ =	sdelay $0x3  }
0x36: {  	p1 =	seq.s32 s10, $0x1;
	s10 =	sld [smem:$0x3FAD];
	_ =	sdelay $0x3  }
0x37: {  	[smem:$0x3FAD] =	sst s10  }
0x38: {  	s10 =	sld [smem:$0x3FAE]  }
0x39: {  	_ = 	snop;
	(pc) =	sbr.ind lr, $3  }
0x3a: {  	_ = 	snop  }
0x3b: {  	_ = 	snop  }
0x3c: {  	p2 =	seq.s32 s10, $0x1;
	s10 =	sld [smem:$0x3FAD]  }
0x3d: {  	_ =	shalt  }
0x3e: {  	_ =	shalt  }
0x3f: {  	_ =	shalt  }
0x40: {  	_ =	shalt  }
0x41: {  	_ =	shalt  }
0x42: {  	_ =	shalt  }
0x43: {  	_ =	shalt  }
0x44: {  	_ =	shalt  }
0x45: {  	_ =	shalt  }
0x46: {  	_ =	shalt  }
0x47: {  	_ =	shalt  }
0x48: {  	_ =	shalt  }
0x49: {  	_ =	shalt  }
0x4a: {  	_ =	shalt  }
0x4b: {  	_ =	shalt  }
0x4c: {  	_ =	shalt  }
0x4d: {  	_ =	shalt  }
0x4e: {  	_ =	shalt  }
0x4f: {  	_ =	shalt  }
0x50: {  	_ =	shalt  }
0x51: {  	_ =	shalt  }
0x52: {  	_ =	shalt  }
0x53: {  	_ =	shalt  }
0x54: {  	_ =	shalt  }
0x55: {  	_ =	shalt  }
0x56: {  	_ =	shalt  }
0x57: {  	_ =	shalt  }
0x58: {  	_ =	shalt  }
0x59: {  	_ =	shalt  }
0x5a: {  	_ =	shalt  }
0x5b: {  	_ =	shalt  }
0x5c: {  	_ =	shalt  }
0x5d: {  	_ =	shalt  }
0x5e: {  	_ =	shalt  }
0x5f: {  	_ =	shalt  }
0x60: {  	_ =	shalt  }
0x61: {  	_ =	shalt  }
0x62: {  	_ =	shalt  }
0x63: {  	_ =	shalt  }
0x64: {  	_ =	shalt  }
0x65: {  	_ =	shalt  }
0x66: {  	_ =	shalt  }
0x67: {  	_ =	shalt  }
0x68: {  	_ =	shalt  }
0x69: {  	_ =	shalt  }
0x6a: {  	_ =	shalt  }
0x6b: {  	_ =	shalt  }
0x6c: {  	_ =	shalt  }
0x6d: {  	_ =	shalt  }
0x6e: {  	_ =	shalt  }
0x6f: {  	_ =	shalt  }
0x70: {  	_ =	shalt  }
0x71: {  	_ =	shalt  }
0x72: {  	_ =	shalt  }
0x73: {  	_ =	shalt  }
0x74: {  	_ =	shalt  }
0x75: {  	_ =	shalt  }
0x76: {  	_ =	shalt  }
0x77: {  	_ =	shalt  }
0x78: {  	_ =	shalt  }
0x79: {  	_ =	shalt  }
0x7a: {  	_ =	shalt  }
0x7b: {  	_ =	shalt  }
0x7c: {  	_ =	shalt  }
0x7d: {  	_ =	shalt  }
0x7e: {  	_ =	shalt  }
0x7f: {  	_ =	shalt  }
0x80: {  	_ =	shalt  }
0x81: {  	_ =	shalt  }
0x82: {  	_ =	shalt  }
0x83: {  	_ =	shalt  }
0x84: {  	_ =	shalt  }
0x85: {  	_ =	shalt  }
0x86: {  	_ =	shalt  }
0x87: {  	_ =	shalt  }
.Lfunc_end0:
.L_simem_size_0:
called_computation_lowered:
.L_overlay_start_0:
0x88: {  	s2 =	sld [smem:$0x3FD9]  }
0x89: {  	s3 =	sld [smem:$0x3FFE];
	_ =	sdelay $0x1  }
0x8a: {  	s1 =	srdreg.scid  }
0x8b: {  	s0 =	sand.u32 $0x1, s1  }
0x8c: {  	s17 =	sshll.u32 s0, $0xA;
	s2 =	sadd.s32 s3, s2  }
0x8d: {  	s2 =	sadd.s32 s2, s17  }
0x8e: {  	[smem:$0x3FB9] =	sst s2  }
0x8f: {  	_ = 	snop  }
0x90: {  	s18 =	sld [smem:$0x3FD0];
	(tm) =	ssettm $0x1  }
0x91: {  	s19 =	sld [smem:$0x3FFB];
	_ =	sdelay $0x3  }
0x92: {  	_ =	strace s19  }
0x93: {  	s2 =	sld [smem:$0x3FFC];
	_ =	sdelay $0x3  }
0x94: {  	_ =	strace s2  }
0x95: {  	s2 =	sld [smem:$0x3FFD];
	_ =	sdelay $0x3  }
0x96: {  	_ =	strace s2  }
0x97: {  	_ =	strace $0x8FFFFFFF  }
0x98: {  	s20 =	sld [smem:$0x3FDB];
	_ =	sdelay $0x1  }
0x99: {  	s4 =	simm.s32 $_scs_section_size  }
0x9a: {  	s5 =	simm.s32 $_size__tile_overlayer_lowered;
	s6 =	simm.s32 $_tile_overlayer_lowered  }
0x9b: {  	s7 =	simm.s32 $0x1BFF;
	s21 =	sshll.u32 s6, $0x1;
	s4 =	sadd.s32 s4, s20  }
0x9c: {  	s22 =	simm.s32 $0x0;
	s5 =	sshll.u32 s5, $0x1;
	s6 =	sadd.s32 s21, s4  }
0x9d: {  	[timem:s22], [sflag:s7] =	dma.local [hbm:s6], s5  }
0x9e: {  	_ =	swait.ge [sflag:s7], s5  }
0x9f: {  	s5 =	ssub.s32 $0x0, s5;
	[sflag:s7] =	ssyncset.done $0x0  }
0xa0: {  	[sflag:s7] =	ssyncadd.s32 s5;
	_ =	sdelay $0x1  }
0xa1: {  	s23 =	simm.s32 $0x1B8B  }
0xa2: {  	_ =	swait.ge [sflag:s23], $0x1  }
0xa3: {  	[sflag:s23] =	ssyncset.done $0x0  }
0xa4: {  	[sflag:s23] =	ssyncadd.s32 $0xFFFFFFFF  }
0xa5: {  	s5 =	sld [smem:$0x0]  }
0xa6: {  	s6 =	sand.u32 $0xFFFFFFFE, s1  }
0xa7: {  	p0 =	sne.s32 s1, s6  }
0xa8: {  	s6 =	sshll.u32 @p0 s6, $0xE  }
0xa9: {  	s6 =	sadd.s32 @p0 $0x11B8D, s6;
	s7 =	sshll.u32 @p0 s5, $0x11  }
0xaa: {  	s6 =	sor.u32 @p0 s7, s6  }
0xab: {  	[sflag:s6] =	ssyncadd.remote.s32 @p0 $0x1;
	_ =	sdelay $0x1  }
0xac: {  	s6 =	simm.s32 @p0 $0x1B8D  }
0xad: {  	_ =	swait.eq @p0 [sflag:s6], $0x1  }
0xae: {  	[sflag:s6] =	ssyncadd.s32 @p0 $0xFFFFFFFF  }
0xaf: {  	s7 =	sshll.u32 @!p0 s1, $0xE  }
0xb0: {  	s7 =	sor.u32 @!p0 $0x4000, s7;
	s6 =	simm.s32 @!p0 $0x1B8D  }
0xb1: {  	s5 =	sshll.u32 @!p0 s5, $0x11;
	s7 =	sadd.s32 @!p0 $0x11B8D, s7;
	_ =	swait.eq @!p0 [sflag:s6], $0x1  }
0xb2: {  	s5 =	sor.u32 @!p0 s5, s7;
	[sflag:s6] =	ssyncadd.s32 @!p0 $0xFFFFFFFF  }
0xb3: {  	s25 =	simm.s32 $0x1B8E;
	s24 =	sld [smem:$0x3FFE];
	[sflag:s5] =	ssyncadd.remote.s32 @!p0 $0x1  }
0xb4: {  	s26 =	simm.s32 $execute0_lowered;
	[smem:$0x3FD2] =	sst s25  }
0xb5: {  	s6 =	sshll.u32 s26, $0x1;
	_ =	strace $0x80000049;
	[dreg:$0x1] =	wrdreg $0xFFFFFFFF  }
0xb6: {  	s28 =	simm.s32 $_size_execute0_lowered;
	s4 =	sadd.s32 s4, s6;
	[dreg:$0x0] =	wrdreg $0x0  }
0xb7: {  	s6 =	sshll.u32 s28, $0x1;
	[dreg:$0x2] =	wrdreg s4  }
0xb8: {  	[dreg:$0x3] =	wrdreg s6  }
0xb9: {  	[dreg:$0x4] =	wrdreg $0xC0  }
0xba: {  	_ =	task [dreg:s22], $0x5FFFF  }
0xbb: {  	[dreg:$0x1] =	wrdreg $0xFFFFFFFF  }
0xbc: {  	[dreg:$0x0] =	wrdreg $0x60  }
0xbd: {  	[dreg:$0x2] =	wrdreg s24  }
0xbe: {  	[dreg:$0x3] =	wrdreg s18  }
0xbf: {  	[dreg:$0x4] =	wrdreg $0x0  }
0xc0: {  	[dreg:$0x5] =	wrdreg $0x9  }
0xc1: {  	_ =	task.clear_ibuf [dreg:s22], $0x6FFFF;
	_ =	strace $0x90000049  }
0xc2: {  	s29 =	simm.s32 $0x9;
	_ =	strace $0x8000004B  }
0xc3: {  	_ =	swait.ge [sflag:s29], $0x1  }
0xc4: {  	[sflag:s29] =	ssyncadd.s32 $0xFFFFFFFF  }
0xc5: {  	_ =	strace $0x9000004B  }
0xc6: {  	_ =	sfence  }
0xc7: {  	s30 =	sld [smem:$0x0];
	_ =	sdelay $0x2  }
0xc8: {  	s31 =	sshll.u32 s1, $0xD;
	s1 =	sshrl.u32 s1, $0x2  }
0xc9: {  	s4 =	sand.u32 $0x4000, s31;
	s1 =	sadd.s32 s1, s30  }
0xca: {  	s0 =	sor.u32 s4, s0;
	s1 =	sshll.u32 s1, $0x11  }
0xcb: {  	s0 =	sor.u32 s1, s0  }
0xcc: {  	s0 =	sadd.s32 $0x8F2B, s0  }
0xcd: {  	[sflag:s0] =	ssyncadd.remote.s32 $0x1  }
0xce: {  	_ =	sfence.sel $0xFFFF  }
0xcf: {  	[dreg:$0x0] =	wrdreg $0xFFFFFFFF;
	(pc) =	sbr.abs _section_cstart, $3  }
0xd0: {  	[dreg:$0x1] =	wrdreg $0xFFFFFFFF  }
0xd1: {  	_ =	task.clear_ibuf [dreg:s22], $0x2FFFF;
	_ =	strace $0x9FFFFFFF  }
0xd2: {  	(tm) =	ssettm $0x7FFFFFFF  }
0xd3: {  	_ =	shalt  }
tec
execute0_lowered:
.L_overlay_start_1:
0x0: {  	(tag) =	ssettag $0x1  }
0x1: {  	s6 =	rddreg [dreg:$0x0]  }
0x2: {  	s1 =	srdreg.scid;
	s2 =	rddreg [dreg:$0x1]  }
0x3: {  	s0 =	stileid.u32;
	s3 =	rddreg [dreg:$0x2];
	s4 =	simm.s32 $0x0  }
0x4: {  	s15 =	simm.s32 $0x14000;
	s16 =	simm.s32 $0x80;
	s17 =	simm.s32 $0x0  }
0x5: {  	s7 =	sand.u32 $0x1, s1;
	s28 =	sshll.u32 s0, $0x1;
	s9 =	smul.u32 $0x14000, s0  }
0x6: {  	[smem:$0x7FF] =	sst s4;
	s29 =	smul.u32 $0x50000, s0;
	s13 =	sshll.u32 s0, $0x6  }
0x7: {  	s1 =	sor.u32 s7, s28;
	s8 =	smul.u32 $0x140000, s7;
	s7 =	ssub.s32 $0x2, s7  }
0x8: {  	s13 =	sor.u32 $0x1C01, s13;
	s5 =	smul.u32 $0x280, s1;
	s1 =	rddreg [dreg:$0x3]  }
0x9: {  	_ =	strace $0x8000004A;
	s30 =	sshrl.u32 s7, $0x1;
	s31 =	sshrl.u32 s29, $0x2  }
0xa: {  	s8 =	sadd.s32 s9, s8;
	s12 =	ssub.s32 s7, s30;
	s14 =	sadd.s32 s31, s3  }
0xb: {  	s10 =	sadd.s32 s5, s6;
	s5 =	sadd.s32 $0x108200, s6;
	s8 =	sshrl.u32 s8, $0x3  }
0xc: {  	s14 =	sshrl.u32 s14, $0x3;
	s11 =	sadd.s32 s8, s6;
	s7 =	sadd.s32 $0x4200, s10  }
0xd: {  	s8 =	sadd.s32 $0xE200, s10;
	s10 =	smax.u32 s12, $0x1;
	s6 =	sadd.s32 $0x108A00, s11  }
0xe: {  	s12 =	simm.s32 $0x1;
	s9 =	sadd.s32 $0x158A00, s11;
	s11 =	simm.s32 $0x15400  }
.LBB2_1:
0xf: {  	[tilespmem:s11], [sflag:$0x1] =	stream.linear.gather [hbm4b:s5+s4], $0x4000, $0x38;
	[tilespmem:$0x19400] =	vst v63  }
0x10: {  	_ =	swait.ge [sflag:s12], $0x4000  }
0x11: {  	[sflag:s12] =	ssyncset.done $0x0  }
0x12: {  	[sflag:s12] =	ssyncadd.s32 $0xFFFFC000  }
0x13: {  	[spmem:s14], [sflag:s13] =	dma.local [hbm:s2], $0x2800  }
0x14: {  	_ =	swait.ge [sflag:s12], $0x2800  }
0x15: {  	[sflag:s12] =	ssyncset.done $0x0  }
0x16: {  	[sflag:s12] =	ssyncadd.s32 $0xFFFFD800  }
0x17: {  	[bflag:$0x0] =	sbarrier.arrive $0xFFFF  }
0x18: {  	[tilespmem:s15], [sflag:$0x1] =	stream.linear.gather [hbm4b:s7+s4], $0x1400, $0x38;
	[tilespmem:$0x19400] =	vst v63  }
0x19: {  	_ =	swait.ge [sflag:s12], $0x1400  }
0x1a: {  	[sflag:s12] =	ssyncset.done $0x0  }
0x1b: {  	s18 =	simm.s32 $0x14000;
	[sflag:s12] =	ssyncadd.s32 $0xFFFFEC00  }
0x1c: {  	[spmem:s3] =	stream.indirect.scatter.add.f32 [tilespmem:s11], [sflag:$0x1], $0x80, s18, s16, $0xb8;
	[tilespmem:$0x19400] =	vst v63  }
0x1d: {  	s18 =	simm.s32 $0x200;
	_ =	swait.ge [sflag:s12], $0x4000  }
.LBB2_2:
0x1e: {  	s19 =	sshra.s32 s18, $0x2;
	[sflag:s12] =	ssyncset.done $0x0;
	p0 =	sne.s32 s18, $0x4E00  }
.Ltmp0:
0x1f: {  	s19 =	sadd.s32 $0x14000, s19;
	[sflag:s12] =	ssyncadd.s32 $0xFFFFC000;
	(pc) =	sbr.rel @p0 .LBB2_2-.Ltmp0, $3  }
0x20: {  	[spmem:s3] =	stream.indirect.scatter.add.f32 [tilespmem:s11], [sflag:$0x1], $0x80, s19, s16, $0xb8;
	[tilespmem:$0x19400] =	vst v63  }
0x21: {  	s18 =	sadd.s32 $0x200, s18;
	_ =	sdelay $0x1  }
0x22: {  	_ =	swait.ge [sflag:s12], $0x4000  }
0x23: {  	[sflag:s12] =	ssyncset.done $0x0  }
0x24: {  	[sflag:s12] =	ssyncadd.s32 $0xFFFFC000  }
0x25: {  	[bflag:$0x0] =	sbarrier.arrive $0xFFFF  }
0x26: {  	[hbm:s6], [sflag:s13] =	dma.local [spmem:s14], $0x2800  }
0x27: {  	_ =	swait.ge [sflag:s12], $0x2800  }
0x28: {  	[sflag:s12] =	ssyncset.done $0x0  }
0x29: {  	[sflag:s12] =	ssyncadd.s32 $0xFFFFD800  }
0x2a: {  	[spmem:s14], [sflag:s13] =	dma.local [hbm:s2], $0x2800  }
0x2b: {  	_ =	swait.ge [sflag:s12], $0x2800  }
0x2c: {  	[sflag:s12] =	ssyncset.done $0x0  }
0x2d: {  	[sflag:s12] =	ssyncadd.s32 $0xFFFFD800  }
0x2e: {  	s18 =	simm.s32 $0x0;
	[bflag:$0x0] =	sbarrier.arrive $0xFFFF  }
0x2f: {  	[tilespmem:s15], [sflag:$0x1] =	stream.linear.gather [hbm4b:s8+s18], $0x1400, $0x38;
	[tilespmem:$0x19400] =	vst v63  }
0x30: {  	_ =	swait.ge [sflag:s12], $0x1400  }
0x31: {  	[sflag:s12] =	ssyncset.done $0x0  }
0x32: {  	s31 =	simm.s32 $0x14000;
	[sflag:s12] =	ssyncadd.s32 $0xFFFFEC00  }
0x33: {  	[spmem:s3] =	stream.indirect.scatter.add.f32 [tilespmem:s11], [sflag:$0x1], $0x80, s31, s16, $0xb8;
	[tilespmem:$0x19400] =	vst v63  }
0x34: {  	s18 =	simm.s32 $0x200;
	_ =	swait.ge [sflag:s12], $0x4000  }
.LBB2_4:
0x35: {  	s19 =	sshra.s32 s18, $0x2;
	[sflag:s12] =	ssyncset.done $0x0;
	p0 =	sne.s32 s18, $0x4E00  }
.Ltmp1:
0x36: {  	s19 =	sadd.s32 $0x14000, s19;
	[sflag:s12] =	ssyncadd.s32 $0xFFFFC000;
	(pc) =	sbr.rel @p0 .LBB2_4-.Ltmp1, $3  }
0x37: {  	[spmem:s3] =	stream.indirect.scatter.add.f32 [tilespmem:s11], [sflag:$0x1], $0x80, s19, s16, $0xb8;
	[tilespmem:$0x19400] =	vst v63  }
0x38: {  	s18 =	sadd.s32 $0x200, s18;
	_ =	sdelay $0x1  }
0x39: {  	_ =	swait.ge [sflag:s12], $0x4000  }
0x3a: {  	[sflag:s12] =	ssyncset.done $0x0;
	s17 =	sadd.s32 $0x1, s17  }
0x3b: {  	[sflag:s12] =	ssyncadd.s32 $0xFFFFC000;
	p0 =	sne.s32 s17, s10  }
.Ltmp2:
0x3c: {  	[bflag:$0x0] =	sbarrier.arrive $0xFFFF;
	(pc) =	sbr.rel @p0 .LBB2_1-.Ltmp2, $4  }
0x3d: {  	[hbm:s9], [sflag:s13] =	dma.local [spmem:s14], $0x2800  }
0x3e: {  	_ =	swait.ge [sflag:s12], $0x2800  }
0x3f: {  	[sflag:s12] =	ssyncset.done $0x0  }
0x40: {  	[sflag:s12] =	ssyncadd.s32 $0xFFFFD800  }
0x41: {  	_ =	sfence.sel $0x180000  }
0x42: {  	[bflag:$0x0] =	sbarrier.arrive $0xFFFF  }
0x43: {  	p0 =	sne.s32 s0, $0x0;
	_ =	strace $0x9000004A  }
0x44: {  	s0 =	sadd.s32 @!p0 $0x100000, s1;
	[bflag:$0x2] =	sbarrier.arrive $0xFFFF  }
0x45: {  	[sflag:s0] =	ssyncadd.tile.s32 @!p0 $0x1;
	_ =	shalt  }
.Lfunc_end2:
_tile_overlayer_lowered:
.L_overlay_start_2:
0x46: {  	(tag) =	ssettag $0x2  }
0x47: {  	s0 =	rddreg [dreg:$0x0];
	s2 =	stileid.u32  }
0x48: {  	s1 =	rddreg [dreg:$0x1];
	p0 =	sne.s32 s2, $0x0  }
0x49: {  	s3 =	rddreg [dreg:$0x2];
	[bflag:$0x3] =	sbarrier.arrive $0xFFFF;
	s2 =	simm.s32 @!p0 $0x1C01  }
0x4a: {  	[timem:s3], [sflag:s2] =	dma.local @!p0 [hbm:s0], s1  }
0x4b: {  	s0 =	simm.s32 @!p0 $0x1  }
0x4c: {  	_ =	swait.ge @!p0 [sflag:s0], s1  }
0x4d: {  	s1 =	ssub.s32 @!p0 $0x0, s1;
	[sflag:s0] =	ssyncset.done @!p0 $0x0  }
0x4e: {  	[sflag:s0] =	ssyncadd.s32 @!p0 s1  }
0x4f: {  	[bflag:$0x3] =	sbarrier.arrive $0xFFFF  }
0x50: {  	_ =	shalt  }

// kernel: kernel.13.cloned.1.call-start
scs
__scs_entry_jumppad:
0x0: {  	(pc) =	sbr.rel $0x88, $3  }
0x1: {  	(tag) =	ssettag $0x0;
	lr =	simm.s32 $0x1  }
0x2: {  	[smem:$0x3F92] =	sst lr;
	_ =	strace $0xD0000000  }
0x3: {  	_ = 	snop  }
0x4: {  	_ = 	snop  }
0x5: {  	_ = 	snop  }
0x6: {  	_ = 	snop  }
0x7: {  	_ = 	snop  }
__scs_overlays_trampoline_lowered:
0x8: {  	[smem:$0x3FA1] =	sst s0  }
0x9: {  	[smem:$0x3FA2] =	sst s1  }
0xa: {  	[smem:$0x3FA3] =	sst s2  }
0xb: {  	[smem:$0x3FA4] =	sst s3  }
0xc: {  	[smem:$0x3FA5] =	sst s4  }
0xd: {  	[smem:$0x3FA6] =	sst s5  }
0xe: {  	[smem:$0x3FA7] =	sst s6  }
0xf: {  	[smem:$0x3FA8] =	sst s7  }
0x10: {  	[smem:$0x3FA9] =	sst s8  }
0x11: {  	[smem:$0x3FAA] =	sst s9;
	s0 =	simm.s32 @!p0 $0x0  }
0x12: {  	s1 =	sld [smem:$0x3F90];
	s0 =	simm.s32 @p0 $0x1  }
0x13: {  	[smem:$0x3FAB] =	sst s0;
	s0 =	simm.s32 @!p1 $0x0  }
0x14: {  	s2 =	sld [smem:$0x3F8F];
	s0 =	simm.s32 @p1 $0x1  }
0x15: {  	[smem:$0x3FAC] =	sst s0;
	s0 =	simm.s32 @!p2 $0x0  }
0x16: {  	s3 =	sld [smem:$0x3FDB];
	s0 =	simm.s32 @p2 $0x1  }
0x17: {  	s4 =	simm.s32 $0x1BF5;
	[smem:$0x3FAE] =	sst s0  }
0x18: {  	s0 =	sld [smem:$0x3F91];
	_ =	swait.ge [sflag:s4], $0x0  }
0x19: {  	s7 =	sld [smem:$0x3F92]  }
0x1a: {  	s8 =	sadd.s32 $0xFFFFE003, lr  }
0x1b: {  	s9 =	sadd.s32 $0xFFFFFEF7, lr;
	s5 =	simm.s32 $0xFFFFFFFF;
	p2 =	slt.u32 s8, $0xFFFFF086  }
0x1c: {  	p1 =	slt.u32 s9, $0xF7A;
	s5 =	simm.s32 @!p2 $0x0  }
0x1d: {  	s5 =	simm.s32 @p1 $0x1;
	p0 =	seq.s32 s7, s2  }
0x1e: {  	s7 =	smul.u32 @!p0 $0xF7A, s2;
	p2 =	seq.s32 @!p0 s5, $0x0  }
0x1f: {  	s9 =	smul.u32 $0xF7A, s1;
	s8 =	simm.s32 @!p0 $0x1BF5;
	p2 =	por !p2, p0  }
0x20: {  	[sflag:s8] =	ssyncset.s32 @!p0 $0xFFFFF086;
	s6 =	sadd.s32 @!p0 s3, s7;
	s7 =	simm.s32 @!p0 $0x108  }
0x21: {  	s3 =	sadd.s32 s3, s9;
	s6 =	sadd.s32 @!p0 $0x88, s6;
	s7 =	simm.s32 @p2 $0x1082  }
0x22: {  	[simem:s7], [sflag:s8] =	dma.local @!p0 [hbm:s6], $0xF7A  }
0x23: {  	s9 =	sor.u32 $0xD0000000, s2;
	s6 =	simm.s32 $0x108;
	_ =	swait.ge @!p0 [sflag:s8], $0x0  }
0x24: {  	s3 =	sadd.s32 $0x88, s3;
	s6 =	simm.s32 @!p1 $0x1082;
	[sflag:s4] =	ssyncset.s32 $0xFFFFF086  }
0x25: {  	[simem:s6], [sflag:s4] =	dma.local [hbm:s3], $0xF7A  }
0x26: {  	[smem:$0x3F92] =	sst s1;
	(tag) =	ssettag s2;
	_ =	strace s9  }
0x27: {  	s1 =	sld [smem:$0x3FA2]  }
0x28: {  	s2 =	sld [smem:$0x3FA3]  }
0x29: {  	s4 =	sld [smem:$0x3FA5]  }
0x2a: {  	p0 =	seq.s32 s5, $0x0;
	s5 =	sld [smem:$0x3FA6]  }
0x2b: {  	s6 =	sld [smem:$0x3FA7]  }
0x2c: {  	s7 =	sld [smem:$0x3FA8]  }
0x2d: {  	s3 =	simm.s32 $0x108;
	s8 =	sld [smem:$0x3FA9]  }
0x2e: {  	s3 =	simm.s32 @!p0 $0x1082;
	s9 =	sld [smem:$0x3FAA]  }
0x2f: {  	lr =	sadd.s32 s0, s3;
	s0 =	sld [smem:$0x3FA1]  }
0x30: {  	s3 =	sld [smem:$0x3FA4]  }
0x31: {  	[smem:$0x3FAD] =	sst s10  }
0x32: {  	s10 =	sld [smem:$0x3FAB];
	_ =	sdelay $0x3  }
0x33: {  	p0 =	seq.s32 s10, $0x1;
	s10 =	sld [smem:$0x3FAD];
	_ =	sdelay $0x3  }
0x34: {  	[smem:$0x3FAD] =	sst s10  }
0x35: {  	s10 =	sld [smem:$0x3FAC];
	_ =	sdelay $0x3  }
0x36: {  	p1 =	seq.s32 s10, $0x1;
	s10 =	sld [smem:$0x3FAD];
	_ =	sdelay $0x3  }
0x37: {  	[smem:$0x3FAD] =	sst s10  }
0x38: {  	s10 =	sld [smem:$0x3FAE]  }
0x39: {  	_ = 	snop;
	(pc) =	sbr.ind lr, $3  }
0x3a: {  	_ = 	snop  }
0x3b: {  	_ = 	snop  }
0x3c: {  	p2 =	seq.s32 s10, $0x1;
	s10 =	sld [smem:$0x3FAD]  }
0x3d: {  	_ =	shalt  }
0x3e: {  	_ =	shalt  }
0x3f: {  	_ =	shalt  }
0x40: {  	_ =	shalt  }
0x41: {  	_ =	shalt  }
0x42: {  	_ =	shalt  }
0x43: {  	_ =	shalt  }
0x44: {  	_ =	shalt  }
0x45: {  	_ =	shalt  }
0x46: {  	_ =	shalt  }
0x47: {  	_ =	shalt  }
0x48: {  	_ =	shalt  }
0x49: {  	_ =	shalt  }
0x4a: {  	_ =	shalt  }
0x4b: {  	_ =	shalt  }
0x4c: {  	_ =	shalt  }
0x4d: {  	_ =	shalt  }
0x4e: {  	_ =	shalt  }
0x4f: {  	_ =	shalt  }
0x50: {  	_ =	shalt  }
0x51: {  	_ =	shalt  }
0x52: {  	_ =	shalt  }
0x53: {  	_ =	shalt  }
0x54: {  	_ =	shalt  }
0x55: {  	_ =	shalt  }
0x56: {  	_ =	shalt  }
0x57: {  	_ =	shalt  }
0x58: {  	_ =	shalt  }
0x59: {  	_ =	shalt  }
0x5a: {  	_ =	shalt  }
0x5b: {  	_ =	shalt  }
0x5c: {  	_ =	shalt  }
0x5d: {  	_ =	shalt  }
0x5e: {  	_ =	shalt  }
0x5f: {  	_ =	shalt  }
0x60: {  	_ =	shalt  }
0x61: {  	_ =	shalt  }
0x62: {  	_ =	shalt  }
0x63: {  	_ =	shalt  }
0x64: {  	_ =	shalt  }
0x65: {  	_ =	shalt  }
0x66: {  	_ =	shalt  }
0x67: {  	_ =	shalt  }
0x68: {  	_ =	shalt  }
0x69: {  	_ =	shalt  }
0x6a: {  	_ =	shalt  }
0x6b: {  	_ =	shalt  }
0x6c: {  	_ =	shalt  }
0x6d: {  	_ =	shalt  }
0x6e: {  	_ =	shalt  }
0x6f: {  	_ =	shalt  }
0x70: {  	_ =	shalt  }
0x71: {  	_ =	shalt  }
0x72: {  	_ =	shalt  }
0x73: {  	_ =	shalt  }
0x74: {  	_ =	shalt  }
0x75: {  	_ =	shalt  }
0x76: {  	_ =	shalt  }
0x77: {  	_ =	shalt  }
0x78: {  	_ =	shalt  }
0x79: {  	_ =	shalt  }
0x7a: {  	_ =	shalt  }
0x7b: {  	_ =	shalt  }
0x7c: {  	_ =	shalt  }
0x7d: {  	_ =	shalt  }
0x7e: {  	_ =	shalt  }
0x7f: {  	_ =	shalt  }
0x80: {  	_ =	shalt  }
0x81: {  	_ =	shalt  }
0x82: {  	_ =	shalt  }
0x83: {  	_ =	shalt  }
0x84: {  	_ =	shalt  }
0x85: {  	_ =	shalt  }
0x86: {  	_ =	shalt  }
0x87: {  	_ =	shalt  }
.Lfunc_end0:
.L_simem_size_0:
called_computation.1_lowered:
.L_overlay_start_0:
0x88: {  	s2 =	sld [smem:$0x3FD9]  }
0x89: {  	s3 =	sld [smem:$0x3FFE];
	_ =	sdelay $0x1  }
0x8a: {  	s1 =	srdreg.scid  }
0x8b: {  	s0 =	sand.u32 $0x1, s1  }
0x8c: {  	s17 =	sshll.u32 s0, $0xA;
	s2 =	sadd.s32 s3, s2  }
0x8d: {  	s2 =	sadd.s32 s2, s17  }
0x8e: {  	[smem:$0x3FB9] =	sst s2  }
0x8f: {  	_ = 	snop  }
0x90: {  	s2 =	sld [smem:$0x3FD0];
	(tm) =	ssettm $0x1  }
0x91: {  	s18 =	sld [smem:$0x3FFB];
	_ =	sdelay $0x3  }
0x92: {  	_ =	strace s18  }
0x93: {  	s3 =	sld [smem:$0x3FFC];
	_ =	sdelay $0x3  }
0x94: {  	_ =	strace s3  }
0x95: {  	s3 =	sld [smem:$0x3FFD];
	_ =	sdelay $0x3  }
0x96: {  	_ =	strace s3  }
0x97: {  	_ =	strace $0x8FFFFFFF  }
0x98: {  	s19 =	sld [smem:$0x3FDB];
	_ =	sdelay $0x1  }
0x99: {  	s4 =	simm.s32 $_scs_section_size  }
0x9a: {  	s5 =	simm.s32 $_size__tile_overlayer_lowered;
	s6 =	simm.s32 $_tile_overlayer_lowered  }
0x9b: {  	s22 =	simm.s32 $0x1BFF;
	s21 =	sshll.u32 s6, $0x1;
	s3 =	sadd.s32 s4, s19  }
0x9c: {  	s7 =	simm.s32 $0x0;
	s20 =	sshll.u32 s5, $0x1;
	s5 =	sadd.s32 s21, s3  }
0x9d: {  	[timem:s7], [sflag:s22] =	dma.local [hbm:s5], s20  }
0x9e: {  	_ =	swait.ge [sflag:s22], s20  }
0x9f: {  	s4 =	ssub.s32 $0x0, s20;
	[sflag:s22] =	ssyncset.done $0x0  }
0xa0: {  	[sflag:s22] =	ssyncadd.s32 s4;
	_ =	sdelay $0x1  }
0xa1: {  	s23 =	simm.s32 $0x1B8B  }
0xa2: {  	_ =	swait.ge [sflag:s23], $0x1  }
0xa3: {  	[sflag:s23] =	ssyncset.done $0x0  }
0xa4: {  	s25 =	simm.s32 $0x1B8E;
	s24 =	sld [smem:$0x3FFE];
	[sflag:s23] =	ssyncadd.s32 $0xFFFFFFFF  }
0xa5: {  	s26 =	simm.s32 $execute0_lowered;
	[smem:$0x3FD2] =	sst s25  }
0xa6: {  	s5 =	sshll.u32 s26, $0x1;
	_ =	strace $0x80000046;
	[dreg:$0x1] =	wrdreg $0xFFFFFFFF  }
0xa7: {  	s28 =	simm.s32 $_size_execute0_lowered;
	s3 =	sadd.s32 s3, s5;
	[dreg:$0x0] =	wrdreg $0x0  }
0xa8: {  	s5 =	sshll.u32 s28, $0x1;
	[dreg:$0x2] =	wrdreg s3  }
0xa9: {  	[dreg:$0x3] =	wrdreg s5  }
0xaa: {  	[dreg:$0x4] =	wrdreg $0xC0  }
0xab: {  	_ =	task [dreg:s7], $0x5FFFF  }
0xac: {  	[dreg:$0x1] =	wrdreg $0xFFFFFFFF  }
0xad: {  	[dreg:$0x0] =	wrdreg $0x60  }
0xae: {  	[dreg:$0x2] =	wrdreg s24  }
0xaf: {  	[dreg:$0x3] =	wrdreg s2  }
0xb0: {  	[dreg:$0x4] =	wrdreg $0x0  }
0xb1: {  	[dreg:$0x5] =	wrdreg $0xA  }
0xb2: {  	_ =	task.clear_ibuf [dreg:s7], $0x6FFFF;
	_ =	strace $0x90000046  }
0xb3: {  	s29 =	simm.s32 $0xA;
	_ =	strace $0x80000048  }
0xb4: {  	_ =	swait.ge [sflag:s29], $0x1  }
0xb5: {  	[sflag:s29] =	ssyncadd.s32 $0xFFFFFFFF  }
0xb6: {  	_ =	strace $0x90000048  }
0xb7: {  	_ =	sfence  }
0xb8: {  	s30 =	sld [smem:$0x0];
	_ =	sdelay $0x2  }
0xb9: {  	s31 =	sshll.u32 s1, $0xD;
	s1 =	sshrl.u32 s1, $0x2  }
0xba: {  	s3 =	sand.u32 $0x4000, s31;
	s1 =	sadd.s32 s1, s30  }
0xbb: {  	s0 =	sor.u32 s3, s0;
	s1 =	sshll.u32 s1, $0x11  }
0xbc: {  	s0 =	sor.u32 s1, s0  }
0xbd: {  	s0 =	sadd.s32 $0x8F2B, s0  }
0xbe: {  	[sflag:s0] =	ssyncadd.remote.s32 $0x1  }
0xbf: {  	_ =	sfence.sel $0xFFFF  }
0xc0: {  	[dreg:$0x0] =	wrdreg $0xFFFFFFFF;
	(pc) =	sbr.abs _section_cstart, $3  }
0xc1: {  	[dreg:$0x1] =	wrdreg $0xFFFFFFFF  }
0xc2: {  	_ =	task.clear_ibuf [dreg:s7], $0x2FFFF;
	_ =	strace $0x9FFFFFFF  }
0xc3: {  	(tm) =	ssettm $0x7FFFFFFF  }
tec
execute0_lowered:
.L_overlay_start_1:
0x0: {  	(tag) =	ssettag $0x1  }
0x1: {  	s0 =	rddreg [dreg:$0x0];
	s1 =	srdreg.scid  }
0x2: {  	s4 =	stileid.u32;
	s3 =	rddreg [dreg:$0x2];
	s5 =	simm.s32 $0x0  }
0x3: {  	s21 =	simm.s32 $0x2;
	s28 =	simm.s32 $0x1C000;
	s2 =	smul.u32 $0x500, s4  }
0x4: {  	s29 =	simm.s32 $0x0;
	s1 =	sand.u32 $0x1, s1;
	s8 =	smul.u32 $0x14000, s4  }
0x5: {  	[smem:$0x7FF] =	sst s5;
	s5 =	sadd.s32 $0x18200, s0;
	s24 =	smul.u32 $0x50000, s4  }
0x6: {  	s6 =	sadd.s32 $0x40200, s0;
	s30 =	sshll.u32 s4, $0x6;
	s7 =	smul.u32 $0x140000, s1  }
0x7: {  	_ =	strace $0x80000047;
	s9 =	sshll.u32 s1, $0x8;
	s22 =	ssub.s32 $0x2, s1  }
0x8: {  	s10 =	ssub.s32 $0x0, s1;
	p0 =	seq.s32 s1, $0x0;
	s2 =	sadd.s32 s2, s9  }
0x9: {  	s23 =	sshrl.u32 s22, $0x1;
	s25 =	sand.u32 $0x1800, s10;
	s26 =	sshrl.u32 s24, $0x2  }
0xa: {  	s24 =	simm.s32 $0x80;
	s7 =	sadd.s32 s8, s7;
	s2 =	sadd.s32 s2, s0  }
0xb: {  	s17 =	ssub.s32 s22, s23;
	s18 =	sadd.s32 s26, s3;
	s8 =	simm.s32 $0x20  }
0xc: {  	s11 =	sor.u32 $0x14000, s25;
	s19 =	sor.u32 $0x16000, s25;
	s22 =	simm.s32 $0x14000  }
0xd: {  	s23 =	simm.s32 $0x16000;
	s26 =	simm.s32 $0x1;
	s7 =	sshrl.u32 s7, $0x3  }
0xe: {  	s31 =	sadd.s32 $0x9200, s2;
	s10 =	sadd.s32 $0x4200, s2;
	s8 =	simm.s32 @!p0 $0x8  }
0xf: {  	s14 =	sadd.s32 $0x13200, s2;
	s15 =	sadd.s32 $0xE200, s2;
	s17 =	smax.u32 s17, $0x1  }
0x10: {  	s2 =	sor.u32 $0x14100, s25;
	s20 =	sshrl.u32 s18, $0x3;
	s25 =	simm.s32 $0x18000  }
0x11: {  	s0 =	sadd.s32 s7, s0;
	s7 =	sor.u32 $0x1C02, s30;
	[dreg:$0x4] =	wrdreg s31  }
0x12: {  	s12 =	sadd.s32 $0xFFFFFFFF, s8;
	s13 =	sadd.s32 $0x68200, s0;
	s16 =	sadd.s32 $0xB8200, s0  }
.LBB2_1:
0x13: {  	s0 =	rddreg [dreg:$0x1]  }
0x14: {  	[spmem:s20], [sflag:s7] =	dma.local [hbm:s0], $0x2800  }
0x15: {  	_ =	swait.ge [sflag:s21], $0x2800  }
0x16: {  	[sflag:s21] =	ssyncset.done $0x0  }
0x17: {  	[sflag:s21] =	ssyncadd.s32 $0xFFFFD800  }
0x18: {  	[bflag:$0x0] =	sbarrier.arrive $0xFFFF  }
0x19: {  	s18 =	simm.s32 $0x0;
	s1 =	rddreg [dreg:$0x4]  }
0x1a: {  	[tilespmem:s22], [sflag:$0x2] =	stream.linear.gather [hbm4b:s1+s18], $0x2000, $0x38;
	v63 =	vld [tilespmem:$0x0]  }
0x1b: {  	_ =	swait.ge [sflag:s21], $0x2000  }
0x1c: {  	[sflag:s21] =	ssyncset.done $0x0  }
0x1d: {  	[sflag:s21] =	ssyncadd.s32 $0xFFFFE000  }
0x1e: {  	[tilespmem:s23], [sflag:$0x2] =	stream.linear.gather [hbm4b:s10+s18], $0x2000, $0x38;
	v63 =	vld [tilespmem:$0x0]  }
0x1f: {  	_ =	swait.ge [sflag:s21], $0x2000  }
0x20: {  	[sflag:s21] =	ssyncset.done $0x0  }
0x21: {  	[sflag:s21] =	ssyncadd.s32 $0xFFFFE000  }
0x22: {  	[tilespmem:s25], [sflag:$0x1] =	stream.indirect.gather [hbm4b:s5+s24], $0x80, s11, s24, $0xb8;
	v63 =	vld [tilespmem:$0x0]  }
0x23: {  	_ =	swait.ge [sflag:s26], $0x4000  }
0x24: {  	[sflag:s26] =	ssyncset.done $0x0  }
0x25: {  	s30 =	sadd.s32 $0xFFFFFF80, s2;
	[sflag:s26] =	ssyncadd.s32 $0xFFFFC000  }
0x26: {  	[tilespmem:s28], [sflag:$0x1] =	stream.indirect.gather [hbm4b:s5+s24], $0x80, s30, s24, $0xb8;
	v63 =	vld [tilespmem:$0x0]  }
0x27: {  	_ = 	snop  }
0x28: {  	[spmem:s3] =	stream.indirect.scatter.add.f32 [tilespmem:s25], [sflag:$0x2], $0x80, s19, s24, $0xb8;
	v63 =	vld [tilespmem:$0x0]  }
0x29: {  	_ =	swait.ge [sflag:s21], $0x4000  }
0x2a: {  	[sflag:s21] =	ssyncset.done $0x0  }
0x2b: {  	[sflag:s21] =	ssyncadd.s32 $0xFFFFC000  }
0x2c: {  	_ =	swait.ge [sflag:s26], $0x4000  }
0x2d: {  	p0 =	sle.s32 s12, $0x0;
	[sflag:s26] =	ssyncset.done $0x0  }
0x2e: {  	s0 =	simm.s32 @!p0 $0x80;
	s1 =	simm.s32 @!p0 $0x18000;
	[sflag:s26] =	ssyncadd.s32 $0xFFFFC000  }
0x2f: {  	[tilespmem:s1], [sflag:$0x1] =	stream.indirect.gather @!p0 [hbm4b:s5+s0], $0x80, s2, s0, $0xb8;
	v63 =	vld [tilespmem:$0x0]  }
0x30: {  	p0 =	sne.s32 s8, $0x1  }
.Ltmp0:
0x31: {  	_ = 	snop;
	(pc) =	sbr.rel @!p0 .LBB2_3-.Ltmp0, $4  }
0x32: {  	s31 =	sadd.s32 $0x80, s19  }
0x33: {  	[spmem:s3] =	stream.indirect.scatter.add.f32 [tilespmem:s28], [sflag:$0x2], $0x80, s31, s24, $0xb8;
	v63 =	vld [tilespmem:$0x0]  }
0x34: {  	s18 =	smov.u32 s2;
	_ =	swait.ge [sflag:s21], $0x4000  }
0x35: {  	s1 =	simm.s32 $0x1;
	s0 =	sadd.s32 $0x100, s19;
	[sflag:s21] =	ssyncset.done $0x0  }
.LBB2_2:
0x36: {  	[sflag:s21] =	ssyncadd.s32 $0xFFFFC000  }
0x37: {  	s18 =	sadd.s32 $0x100, s18;
	s4 =	smov.u32 s1;
	s1 =	sadd.s32 $0x1, s1  }
0x38: {  	p0 =	sne.s32 s8, s1  }
0x39: {  	_ =	swait.ge [sflag:s26], $0x4000  }
0x3a: {  	[sflag:s26] =	ssyncset.done $0x0  }
0x3b: {  	s9 =	sadd.s32 $0xFFFFFF80, s18;
	[sflag:s26] =	ssyncadd.s32 $0xFFFFC000  }
0x3c: {  	[tilespmem:s28], [sflag:$0x1] =	stream.indirect.gather [hbm4b:s5+s24], $0x80, s9, s24, $0xb8;
	v63 =	vld [tilespmem:$0x0]  }
0x3d: {  	_ = 	snop  }
0x3e: {  	[spmem:s3] =	stream.indirect.scatter.add.f32 [tilespmem:s25], [sflag:$0x2], $0x80, s0, s24, $0xb8;
	v63 =	vld [tilespmem:$0x0]  }
0x3f: {  	_ =	swait.ge [sflag:s21], $0x4000  }
0x40: {  	[sflag:s21] =	ssyncset.done $0x0  }
0x41: {  	[sflag:s21] =	ssyncadd.s32 $0xFFFFC000  }
0x42: {  	_ =	swait.ge [sflag:s26], $0x4000  }
0x43: {  	p1 =	sge.s32 s4, s12;
	[sflag:s26] =	ssyncset.done $0x0  }
0x44: {  	s4 =	simm.s32 @!p1 $0x80;
	s9 =	simm.s32 @!p1 $0x18000;
	[sflag:s26] =	ssyncadd.s32 $0xFFFFC000  }
0x45: {  	[tilespmem:s9], [sflag:$0x1] =	stream.indirect.gather @!p1 [hbm4b:s5+s4], $0x80, s18, s4, $0xb8;
	v63 =	vld [tilespmem:$0x0]  }
.Ltmp1:
0x46: {  	_ = 	snop;
	(pc) =	sbr.rel @p0 .LBB2_2-.Ltmp1, $4  }
0x47: {  	s4 =	sadd.s32 $0x80, s0  }
0x48: {  	[spmem:s3] =	stream.indirect.scatter.add.f32 [tilespmem:s28], [sflag:$0x2], $0x80, s4, s24, $0xb8;
	v63 =	vld [tilespmem:$0x0]  }
0x49: {  	_ =	swait.ge [sflag:s21], $0x4000  }
0x4a: {  	s0 =	sadd.s32 $0x100, s0;
	[sflag:s21] =	ssyncset.done $0x0  }
.LBB2_3:
0x4b: {  	[sflag:s21] =	ssyncadd.s32 $0xFFFFC000  }
0x4c: {  	[bflag:$0x0] =	sbarrier.arrive $0xFFFF  }
0x4d: {  	[hbm:s13], [sflag:s7] =	dma.local [spmem:s20], $0x2800  }
0x4e: {  	_ =	swait.ge [sflag:s21], $0x2800  }
0x4f: {  	[sflag:s21] =	ssyncset.done $0x0  }
0x50: {  	[sflag:s21] =	ssyncadd.s32 $0xFFFFD800  }
0x51: {  	s0 =	rddreg [dreg:$0x1]  }
0x52: {  	[spmem:s20], [sflag:s7] =	dma.local [hbm:s0], $0x2800  }
0x53: {  	_ =	swait.ge [sflag:s21], $0x2800  }
0x54: {  	[sflag:s21] =	ssyncset.done $0x0  }
0x55: {  	[sflag:s21] =	ssyncadd.s32 $0xFFFFD800  }
0x56: {  	s18 =	simm.s32 $0x0;
	[bflag:$0x0] =	sbarrier.arrive $0xFFFF  }
0x57: {  	[tilespmem:s22], [sflag:$0x2] =	stream.linear.gather [hbm4b:s14+s18], $0x2000, $0x38;
	v63 =	vld [tilespmem:$0x0]  }
0x58: {  	_ =	swait.ge [sflag:s21], $0x2000  }
0x59: {  	[sflag:s21] =	ssyncset.done $0x0  }
0x5a: {  	[sflag:s21] =	ssyncadd.s32 $0xFFFFE000  }
0x5b: {  	[tilespmem:s23], [sflag:$0x2] =	stream.linear.gather [hbm4b:s15+s18], $0x2000, $0x38;
	v63 =	vld [tilespmem:$0x0]  }
0x5c: {  	_ =	swait.ge [sflag:s21], $0x2000  }
0x5d: {  	[sflag:s21] =	ssyncset.done $0x0  }
0x5e: {  	[sflag:s21] =	ssyncadd.s32 $0xFFFFE000  }
0x5f: {  	[tilespmem:s25], [sflag:$0x1] =	stream.indirect.gather [hbm4b:s6+s24], $0x80, s11, s24, $0xb8;
	v63 =	vld [tilespmem:$0x0]  }
0x60: {  	_ =	swait.ge [sflag:s26], $0x4000  }
0x61: {  	[sflag:s26] =	ssyncset.done $0x0  }
0x62: {  	[sflag:s26] =	ssyncadd.s32 $0xFFFFC000  }
0x63: {  	[tilespmem:s28], [sflag:$0x1] =	stream.indirect.gather [hbm4b:s6+s24], $0x80, s30, s24, $0xb8;
	v63 =	vld [tilespmem:$0x0]  }
0x64: {  	_ = 	snop  }
0x65: {  	[spmem:s3] =	stream.indirect.scatter.add.f32 [tilespmem:s25], [sflag:$0x2], $0x80, s19, s24, $0xb8;
	v63 =	vld [tilespmem:$0x0]  }
0x66: {  	_ =	swait.ge [sflag:s21], $0x4000  }
0x67: {  	[sflag:s21] =	ssyncset.done $0x0  }
0x68: {  	[sflag:s21] =	ssyncadd.s32 $0xFFFFC000  }
0x69: {  	_ =	swait.ge [sflag:s26], $0x4000  }
0x6a: {  	p0 =	sle.s32 s12, $0x0;
	[sflag:s26] =	ssyncset.done $0x0  }
0x6b: {  	s1 =	simm.s32 @!p0 $0x18000;
	s0 =	simm.s32 @!p0 $0x80;
	[sflag:s26] =	ssyncadd.s32 $0xFFFFC000  }
0x6c: {  	[tilespmem:s1], [sflag:$0x1] =	stream.indirect.gather @!p0 [hbm4b:s6+s0], $0x80, s2, s0, $0xb8;
	v63 =	vld [tilespmem:$0x0]  }
0x6d: {  	p0 =	sne.s32 s8, $0x1  }
.Ltmp2:
0x6e: {  	_ = 	snop;
	(pc) =	sbr.rel @!p0 .LBB2_5-.Ltmp2, $4  }
0x6f: {  	_ = 	snop  }
0x70: {  	[spmem:s3] =	stream.indirect.scatter.add.f32 [tilespmem:s28], [sflag:$0x2], $0x80, s31, s24, $0xb8;
	v63 =	vld [tilespmem:$0x0]  }
0x71: {  	s18 =	smov.u32 s2;
	_ =	swait.ge [sflag:s21], $0x4000  }
0x72: {  	s1 =	simm.s32 $0x1;
	s0 =	sadd.s32 $0x100, s19;
	[sflag:s21] =	ssyncset.done $0x0  }
.LBB2_4:
0x73: {  	[sflag:s21] =	ssyncadd.s32 $0xFFFFC000  }
0x74: {  	s18 =	sadd.s32 $0x100, s18;
	s4 =	smov.u32 s1;
	s1 =	sadd.s32 $0x1, s1  }
0x75: {  	p0 =	sne.s32 s8, s1  }
0x76: {  	_ =	swait.ge [sflag:s26], $0x4000  }
0x77: {  	[sflag:s26] =	ssyncset.done $0x0  }
0x78: {  	s9 =	sadd.s32 $0xFFFFFF80, s18;
	[sflag:s26] =	ssyncadd.s32 $0xFFFFC000  }
0x79: {  	[tilespmem:s28], [sflag:$0x1] =	stream.indirect.gather [hbm4b:s6+s24], $0x80, s9, s24, $0xb8;
	v63 =	vld [tilespmem:$0x0]  }
0x7a: {  	_ = 	snop  }
0x7b: {  	[spmem:s3] =	stream.indirect.scatter.add.f32 [tilespmem:s25], [sflag:$0x2], $0x80, s0, s24, $0xb8;
	v63 =	vld [tilespmem:$0x0]  }
0x7c: {  	_ =	swait.ge [sflag:s21], $0x4000  }
0x7d: {  	[sflag:s21] =	ssyncset.done $0x0  }
0x7e: {  	[sflag:s21] =	ssyncadd.s32 $0xFFFFC000  }
0x7f: {  	_ =	swait.ge [sflag:s26], $0x4000  }
0x80: {  	p1 =	sge.s32 s4, s12;
	[sflag:s26] =	ssyncset.done $0x0  }
0x81: {  	s4 =	simm.s32 @!p1 $0x80;
	s9 =	simm.s32 @!p1 $0x18000;
	[sflag:s26] =	ssyncadd.s32 $0xFFFFC000  }
0x82: {  	[tilespmem:s9], [sflag:$0x1] =	stream.indirect.gather @!p1 [hbm4b:s6+s4], $0x80, s18, s4, $0xb8;
	v63 =	vld [tilespmem:$0x0]  }
.Ltmp3:
0x83: {  	_ = 	snop;
	(pc) =	sbr.rel @p0 .LBB2_4-.Ltmp3, $4  }
0x84: {  	s4 =	sadd.s32 $0x80, s0  }
0x85: {  	[spmem:s3] =	stream.indirect.scatter.add.f32 [tilespmem:s28], [sflag:$0x2], $0x80, s4, s24, $0xb8;
	v63 =	vld [tilespmem:$0x0]  }
0x86: {  	_ =	swait.ge [sflag:s21], $0x4000  }
0x87: {  	s0 =	sadd.s32 $0x100, s0;
	[sflag:s21] =	ssyncset.done $0x0  }
.LBB2_5:
0x88: {  	s29 =	sadd.s32 $0x1, s29  }
0x89: {  	[sflag:s21] =	ssyncadd.s32 $0xFFFFC000;
	p0 =	sne.s32 s29, s17  }
.Ltmp4:
0x8a: {  	[bflag:$0x0] =	sbarrier.arrive $0xFFFF;
	(pc) =	sbr.rel @p0 .LBB2_1-.Ltmp4, $4  }
0x8b: {  	[hbm:s16], [sflag:s7] =	dma.local [spmem:s20], $0x2800  }
0x8c: {  	_ =	swait.ge [sflag:s21], $0x2800  }
0x8d: {  	[sflag:s21] =	ssyncset.done $0x0  }
0x8e: {  	[sflag:s21] =	ssyncadd.s32 $0xFFFFD800  }
0x8f: {  	_ =	sfence.sel $0x180000  }
0x90: {  	[bflag:$0x0] =	sbarrier.arrive $0xFFFF  }
0x91: {  	_ =	strace $0x90000047  }
0x92: {  	s0 =	stileid.u32;
	[bflag:$0x2] =	sbarrier.arrive $0xFFFF  }
0x93: {  	p0 =	sne.s32 s0, $0x0;
	s0 =	rddreg [dreg:$0x3]  }
0x94: {  	s0 =	sadd.s32 @!p0 $0x100000, s0  }
0x95: {  	[sflag:s0] =	ssyncadd.tile.s32 @!p0 $0x1;
	_ =	shalt  }
.Lfunc_end2:
_tile_overlayer_lowered:
.L_overlay_start_2:
0x96: {  	(tag) =	ssettag $0x2  }
0x97: {  	s0 =	rddreg [dreg:$0x0];
	s2 =	stileid.u32  }
0x98: {  	s1 =	rddreg [dreg:$0x1];
	p0 =	sne.s32 s2, $0x0  }
0x99: {  	s3 =	rddreg [dreg:$0x2];
	[bflag:$0x3] =	sbarrier.arrive $0xFFFF;
	s2 =	simm.s32 @!p0 $0x1C02  }
0x9a: {  	[timem:s3], [sflag:s2] =	dma.local @!p0 [hbm:s0], s1  }
0x9b: {  	s0 =	simm.s32 @!p0 $0x2  }
0x9c: {  	_ =	swait.ge @!p0 [sflag:s0], s1  }
0x9d: {  	s1 =	ssub.s32 @!p0 $0x0, s1;
	[sflag:s0] =	ssyncset.done @!p0 $0x0  }
0x9e: {  	[sflag:s0] =	ssyncadd.s32 @!p0 s1  }
0x9f: {  	[bflag:$0x3] =	sbarrier.arrive $0xFFFF  }
0xa0: {  	_ =	shalt  }

// kernel: kernel.16.cloned.1.call-start
scs
__scs_entry_jumppad:
0x0: {  	(pc) =	sbr.rel $0x88, $3  }
0x1: {  	(tag) =	ssettag $0x0;
	lr =	simm.s32 $0x1  }
0x2: {  	[smem:$0x3F92] =	sst lr;
	_ =	strace $0xD0000000  }
0x3: {  	_ = 	snop  }
0x4: {  	_ = 	snop  }
0x5: {  	_ = 	snop  }
0x6: {  	_ = 	snop  }
0x7: {  	_ = 	snop  }
__scs_overlays_trampoline_lowered:
0x8: {  	[smem:$0x3FA1] =	sst s0  }
0x9: {  	[smem:$0x3FA2] =	sst s1  }
0xa: {  	[smem:$0x3FA3] =	sst s2  }
0xb: {  	[smem:$0x3FA4] =	sst s3  }
0xc: {  	[smem:$0x3FA5] =	sst s4  }
0xd: {  	[smem:$0x3FA6] =	sst s5  }
0xe: {  	[smem:$0x3FA7] =	sst s6  }
0xf: {  	[smem:$0x3FA8] =	sst s7  }
0x10: {  	[smem:$0x3FA9] =	sst s8  }
0x11: {  	[smem:$0x3FAA] =	sst s9;
	s0 =	simm.s32 @!p0 $0x0  }
0x12: {  	s1 =	sld [smem:$0x3F90];
	s0 =	simm.s32 @p0 $0x1  }
0x13: {  	[smem:$0x3FAB] =	sst s0;
	s0 =	simm.s32 @!p1 $0x0  }
0x14: {  	s2 =	sld [smem:$0x3F8F];
	s0 =	simm.s32 @p1 $0x1  }
0x15: {  	[smem:$0x3FAC] =	sst s0;
	s0 =	simm.s32 @!p2 $0x0  }
0x16: {  	s3 =	sld [smem:$0x3FDB];
	s0 =	simm.s32 @p2 $0x1  }
0x17: {  	s4 =	simm.s32 $0x1BF5;
	[smem:$0x3FAE] =	sst s0  }
0x18: {  	s0 =	sld [smem:$0x3F91];
	_ =	swait.ge [sflag:s4], $0x0  }
0x19: {  	s7 =	sld [smem:$0x3F92]  }
0x1a: {  	s8 =	sadd.s32 $0xFFFFE003, lr  }
0x1b: {  	s9 =	sadd.s32 $0xFFFFFEF7, lr;
	s5 =	simm.s32 $0xFFFFFFFF;
	p2 =	slt.u32 s8, $0xFFFFF086  }
0x1c: {  	p1 =	slt.u32 s9, $0xF7A;
	s5 =	simm.s32 @!p2 $0x0  }
0x1d: {  	s5 =	simm.s32 @p1 $0x1;
	p0 =	seq.s32 s7, s2  }
0x1e: {  	s7 =	smul.u32 @!p0 $0xF7A, s2;
	p2 =	seq.s32 @!p0 s5, $0x0  }
0x1f: {  	s9 =	smul.u32 $0xF7A, s1;
	s8 =	simm.s32 @!p0 $0x1BF5;
	p2 =	por !p2, p0  }
0x20: {  	[sflag:s8] =	ssyncset.s32 @!p0 $0xFFFFF086;
	s6 =	sadd.s32 @!p0 s3, s7;
	s7 =	simm.s32 @!p0 $0x108  }
0x21: {  	s3 =	sadd.s32 s3, s9;
	s6 =	sadd.s32 @!p0 $0x88, s6;
	s7 =	simm.s32 @p2 $0x1082  }
0x22: {  	[simem:s7], [sflag:s8] =	dma.local @!p0 [hbm:s6], $0xF7A  }
0x23: {  	s9 =	sor.u32 $0xD0000000, s2;
	s6 =	simm.s32 $0x108;
	_ =	swait.ge @!p0 [sflag:s8], $0x0  }
0x24: {  	s3 =	sadd.s32 $0x88, s3;
	s6 =	simm.s32 @!p1 $0x1082;
	[sflag:s4] =	ssyncset.s32 $0xFFFFF086  }
0x25: {  	[simem:s6], [sflag:s4] =	dma.local [hbm:s3], $0xF7A  }
0x26: {  	[smem:$0x3F92] =	sst s1;
	(tag) =	ssettag s2;
	_ =	strace s9  }
0x27: {  	s1 =	sld [smem:$0x3FA2]  }
0x28: {  	s2 =	sld [smem:$0x3FA3]  }
0x29: {  	s4 =	sld [smem:$0x3FA5]  }
0x2a: {  	p0 =	seq.s32 s5, $0x0;
	s5 =	sld [smem:$0x3FA6]  }
0x2b: {  	s6 =	sld [smem:$0x3FA7]  }
0x2c: {  	s7 =	sld [smem:$0x3FA8]  }
0x2d: {  	s3 =	simm.s32 $0x108;
	s8 =	sld [smem:$0x3FA9]  }
0x2e: {  	s3 =	simm.s32 @!p0 $0x1082;
	s9 =	sld [smem:$0x3FAA]  }
0x2f: {  	lr =	sadd.s32 s0, s3;
	s0 =	sld [smem:$0x3FA1]  }
0x30: {  	s3 =	sld [smem:$0x3FA4]  }
0x31: {  	[smem:$0x3FAD] =	sst s10  }
0x32: {  	s10 =	sld [smem:$0x3FAB];
	_ =	sdelay $0x3  }
0x33: {  	p0 =	seq.s32 s10, $0x1;
	s10 =	sld [smem:$0x3FAD];
	_ =	sdelay $0x3  }
0x34: {  	[smem:$0x3FAD] =	sst s10  }
0x35: {  	s10 =	sld [smem:$0x3FAC];
	_ =	sdelay $0x3  }
0x36: {  	p1 =	seq.s32 s10, $0x1;
	s10 =	sld [smem:$0x3FAD];
	_ =	sdelay $0x3  }
0x37: {  	[smem:$0x3FAD] =	sst s10  }
0x38: {  	s10 =	sld [smem:$0x3FAE]  }
0x39: {  	_ = 	snop;
	(pc) =	sbr.ind lr, $3  }
0x3a: {  	_ = 	snop  }
0x3b: {  	_ = 	snop  }
0x3c: {  	p2 =	seq.s32 s10, $0x1;
	s10 =	sld [smem:$0x3FAD]  }
0x3d: {  	_ =	shalt  }
0x3e: {  	_ =	shalt  }
0x3f: {  	_ =	shalt  }
0x40: {  	_ =	shalt  }
0x41: {  	_ =	shalt  }
0x42: {  	_ =	shalt  }
0x43: {  	_ =	shalt  }
0x44: {  	_ =	shalt  }
0x45: {  	_ =	shalt  }
0x46: {  	_ =	shalt  }
0x47: {  	_ =	shalt  }
0x48: {  	_ =	shalt  }
0x49: {  	_ =	shalt  }
0x4a: {  	_ =	shalt  }
0x4b: {  	_ =	shalt  }
0x4c: {  	_ =	shalt  }
0x4d: {  	_ =	shalt  }
0x4e: {  	_ =	shalt  }
0x4f: {  	_ =	shalt  }
0x50: {  	_ =	shalt  }
0x51: {  	_ =	shalt  }
0x52: {  	_ =	shalt  }
0x53: {  	_ =	shalt  }
0x54: {  	_ =	shalt  }
0x55: {  	_ =	shalt  }
0x56: {  	_ =	shalt  }
0x57: {  	_ =	shalt  }
0x58: {  	_ =	shalt  }
0x59: {  	_ =	shalt  }
0x5a: {  	_ =	shalt  }
0x5b: {  	_ =	shalt  }
0x5c: {  	_ =	shalt  }
0x5d: {  	_ =	shalt  }
0x5e: {  	_ =	shalt  }
0x5f: {  	_ =	shalt  }
0x60: {  	_ =	shalt  }
0x61: {  	_ =	shalt  }
0x62: {  	_ =	shalt  }
0x63: {  	_ =	shalt  }
0x64: {  	_ =	shalt  }
0x65: {  	_ =	shalt  }
0x66: {  	_ =	shalt  }
0x67: {  	_ =	shalt  }
0x68: {  	_ =	shalt  }
0x69: {  	_ =	shalt  }
0x6a: {  	_ =	shalt  }
0x6b: {  	_ =	shalt  }
0x6c: {  	_ =	shalt  }
0x6d: {  	_ =	shalt  }
0x6e: {  	_ =	shalt  }
0x6f: {  	_ =	shalt  }
0x70: {  	_ =	shalt  }
0x71: {  	_ =	shalt  }
0x72: {  	_ =	shalt  }
0x73: {  	_ =	shalt  }
0x74: {  	_ =	shalt  }
0x75: {  	_ =	shalt  }
0x76: {  	_ =	shalt  }
0x77: {  	_ =	shalt  }
0x78: {  	_ =	shalt  }
0x79: {  	_ =	shalt  }
0x7a: {  	_ =	shalt  }
0x7b: {  	_ =	shalt  }
0x7c: {  	_ =	shalt  }
0x7d: {  	_ =	shalt  }
0x7e: {  	_ =	shalt  }
0x7f: {  	_ =	shalt  }
0x80: {  	_ =	shalt  }
0x81: {  	_ =	shalt  }
0x82: {  	_ =	shalt  }
0x83: {  	_ =	shalt  }
0x84: {  	_ =	shalt  }
0x85: {  	_ =	shalt  }
0x86: {  	_ =	shalt  }
0x87: {  	_ =	shalt  }
.Lfunc_end0:
.L_simem_size_0:
called_computation.2_lowered:
.L_overlay_start_0:
0x88: {  	s2 =	sld [smem:$0x3FD9]  }
0x89: {  	s3 =	sld [smem:$0x3FFE];
	_ =	sdelay $0x1  }
0x8a: {  	s1 =	srdreg.scid  }
0x8b: {  	s0 =	sand.u32 $0x1, s1  }
0x8c: {  	s17 =	sshll.u32 s0, $0xA;
	s2 =	sadd.s32 s3, s2  }
0x8d: {  	s2 =	sadd.s32 s2, s17  }
0x8e: {  	[smem:$0x3FB9] =	sst s2  }
0x8f: {  	_ = 	snop  }
0x90: {  	s2 =	sld [smem:$0x3FD0];
	(tm) =	ssettm $0x1  }
0x91: {  	s18 =	sld [smem:$0x3FFB];
	_ =	sdelay $0x3  }
0x92: {  	_ =	strace s18  }
0x93: {  	s3 =	sld [smem:$0x3FFC];
	_ =	sdelay $0x3  }
0x94: {  	_ =	strace s3  }
0x95: {  	s3 =	sld [smem:$0x3FFD];
	_ =	sdelay $0x3  }
0x96: {  	_ =	strace s3  }
0x97: {  	_ =	strace $0x8FFFFFFF  }
0x98: {  	s19 =	sld [smem:$0x3FDB];
	_ =	sdelay $0x1  }
0x99: {  	s4 =	simm.s32 $_scs_section_size  }
0x9a: {  	s5 =	simm.s32 $_size__tile_overlayer_lowered;
	s6 =	simm.s32 $_tile_overlayer_lowered  }
0x9b: {  	s22 =	simm.s32 $0x1BFF;
	s21 =	sshll.u32 s6, $0x1;
	s3 =	sadd.s32 s4, s19  }
0x9c: {  	s7 =	simm.s32 $0x0;
	s20 =	sshll.u32 s5, $0x1;
	s5 =	sadd.s32 s21, s3  }
0x9d: {  	[timem:s7], [sflag:s22] =	dma.local [hbm:s5], s20  }
0x9e: {  	_ =	swait.ge [sflag:s22], s20  }
0x9f: {  	s4 =	ssub.s32 $0x0, s20;
	[sflag:s22] =	ssyncset.done $0x0  }
0xa0: {  	[sflag:s22] =	ssyncadd.s32 s4;
	_ =	sdelay $0x1  }
0xa1: {  	s23 =	simm.s32 $0x1B8B  }
0xa2: {  	_ =	swait.ge [sflag:s23], $0x1  }
0xa3: {  	[sflag:s23] =	ssyncset.done $0x0  }
0xa4: {  	s25 =	simm.s32 $0x1B8E;
	s24 =	sld [smem:$0x3FFE];
	[sflag:s23] =	ssyncadd.s32 $0xFFFFFFFF  }
0xa5: {  	s26 =	simm.s32 $execute0_lowered;
	[smem:$0x3FD2] =	sst s25  }
0xa6: {  	s5 =	sshll.u32 s26, $0x1;
	_ =	strace $0x8000004C;
	[dreg:$0x1] =	wrdreg $0xFFFFFFFF  }
0xa7: {  	s28 =	simm.s32 $_size_execute0_lowered;
	s3 =	sadd.s32 s3, s5;
	[dreg:$0x0] =	wrdreg $0x0  }
0xa8: {  	s5 =	sshll.u32 s28, $0x1;
	[dreg:$0x2] =	wrdreg s3  }
0xa9: {  	[dreg:$0x3] =	wrdreg s5  }
0xaa: {  	[dreg:$0x4] =	wrdreg $0xC0  }
0xab: {  	_ =	task [dreg:s7], $0x5FFFF  }
0xac: {  	[dreg:$0x1] =	wrdreg $0xFFFFFFFF  }
0xad: {  	[dreg:$0x0] =	wrdreg $0x60  }
0xae: {  	[dreg:$0x2] =	wrdreg s24  }
0xaf: {  	[dreg:$0x3] =	wrdreg s2  }
0xb0: {  	[dreg:$0x4] =	wrdreg $0x0  }
0xb1: {  	[dreg:$0x5] =	wrdreg $0x9  }
0xb2: {  	_ =	task.clear_ibuf [dreg:s7], $0x6FFFF;
	_ =	strace $0x9000004C  }
0xb3: {  	s29 =	simm.s32 $0x9;
	_ =	strace $0x8000004E  }
0xb4: {  	_ =	swait.ge [sflag:s29], $0x1  }
0xb5: {  	[sflag:s29] =	ssyncadd.s32 $0xFFFFFFFF  }
0xb6: {  	_ =	strace $0x9000004E  }
0xb7: {  	_ =	sfence  }
0xb8: {  	s30 =	sld [smem:$0x0];
	_ =	sdelay $0x2  }
0xb9: {  	s31 =	sshll.u32 s1, $0xD;
	s1 =	sshrl.u32 s1, $0x2  }
0xba: {  	s3 =	sand.u32 $0x4000, s31;
	s1 =	sadd.s32 s1, s30  }
0xbb: {  	s0 =	sor.u32 s3, s0;
	s1 =	sshll.u32 s1, $0x11  }
0xbc: {  	s0 =	sor.u32 s1, s0  }
0xbd: {  	s0 =	sadd.s32 $0x8F2B, s0  }
0xbe: {  	[sflag:s0] =	ssyncadd.remote.s32 $0x1  }
0xbf: {  	_ =	sfence.sel $0xFFFF  }
0xc0: {  	[dreg:$0x0] =	wrdreg $0xFFFFFFFF;
	(pc) =	sbr.abs _section_cstart, $3  }
0xc1: {  	[dreg:$0x1] =	wrdreg $0xFFFFFFFF  }
0xc2: {  	_ =	task.clear_ibuf [dreg:s7], $0x2FFFF;
	_ =	strace $0x9FFFFFFF  }
0xc3: {  	(tm) =	ssettm $0x7FFFFFFF  }
tec
execute0_lowered:
.L_overlay_start_1:
0x0: {  	(tag) =	ssettag $0x1  }
0x1: {  	s0 =	rddreg [dreg:$0x0];
	s1 =	srdreg.scid  }
0x2: {  	s4 =	stileid.u32;
	s3 =	rddreg [dreg:$0x2];
	s5 =	simm.s32 $0x0  }
0x3: {  	s21 =	simm.s32 $0x2;
	s28 =	simm.s32 $0x1C000;
	s2 =	smul.u32 $0x500, s4  }
0x4: {  	s29 =	simm.s32 $0x0;
	s1 =	sand.u32 $0x1, s1;
	s8 =	smul.u32 $0x14000, s4  }
0x5: {  	[smem:$0x7FF] =	sst s5;
	s5 =	sadd.s32 $0x18200, s0;
	s24 =	smul.u32 $0x50000, s4  }
0x6: {  	s6 =	sadd.s32 $0x40200, s0;
	s30 =	sshll.u32 s4, $0x6;
	s7 =	smul.u32 $0x140000, s1  }
0x7: {  	_ =	strace $0x8000004D;
	s9 =	sshll.u32 s1, $0x8;
	s22 =	ssub.s32 $0x2, s1  }
0x8: {  	s10 =	ssub.s32 $0x0, s1;
	p0 =	seq.s32 s1, $0x0;
	s2 =	sadd.s32 s2, s9  }
0x9: {  	s23 =	sshrl.u32 s22, $0x1;
	s25 =	sand.u32 $0x1800, s10;
	s26 =	sshrl.u32 s24, $0x2  }
0xa: {  	s24 =	simm.s32 $0x80;
	s7 =	sadd.s32 s8, s7;
	s2 =	sadd.s32 s2, s0  }
0xb: {  	s17 =	ssub.s32 s22, s23;
	s18 =	sadd.s32 s26, s3;
	s8 =	simm.s32 $0x20  }
0xc: {  	s11 =	sor.u32 $0x14000, s25;
	s19 =	sor.u32 $0x16000, s25;
	s22 =	simm.s32 $0x14000  }
0xd: {  	s23 =	simm.s32 $0x16000;
	s26 =	simm.s32 $0x1;
	s7 =	sshrl.u32 s7, $0x3  }
0xe: {  	s31 =	sadd.s32 $0x9200, s2;
	s10 =	sadd.s32 $0x4200, s2;
	s8 =	simm.s32 @!p0 $0x8  }
0xf: {  	s14 =	sadd.s32 $0x13200, s2;
	s15 =	sadd.s32 $0xE200, s2;
	s17 =	smax.u32 s17, $0x1  }
0x10: {  	s2 =	sor.u32 $0x14100, s25;
	s20 =	sshrl.u32 s18, $0x3;
	s25 =	simm.s32 $0x18000  }
0x11: {  	s0 =	sadd.s32 s7, s0;
	s7 =	sor.u32 $0x1C02, s30;
	[dreg:$0x4] =	wrdreg s31  }
0x12: {  	s12 =	sadd.s32 $0xFFFFFFFF, s8;
	s13 =	sadd.s32 $0x68200, s0;
	s16 =	sadd.s32 $0xB8200, s0  }
.LBB2_1:
0x13: {  	s0 =	rddreg [dreg:$0x1]  }
0x14: {  	[spmem:s20], [sflag:s7] =	dma.local [hbm:s0], $0x2800  }
0x15: {  	_ =	swait.ge [sflag:s21], $0x2800  }
0x16: {  	[sflag:s21] =	ssyncset.done $0x0  }
0x17: {  	[sflag:s21] =	ssyncadd.s32 $0xFFFFD800  }
0x18: {  	[bflag:$0x0] =	sbarrier.arrive $0xFFFF  }
0x19: {  	s18 =	simm.s32 $0x0;
	s1 =	rddreg [dreg:$0x4]  }
0x1a: {  	[tilespmem:s22], [sflag:$0x2] =	stream.linear.gather [hbm4b:s1+s18], $0x2000, $0x38;
	v63 =	vld [tilespmem:$0x0]  }
0x1b: {  	_ =	swait.ge [sflag:s21], $0x2000  }
0x1c: {  	[sflag:s21] =	ssyncset.done $0x0  }
0x1d: {  	[sflag:s21] =	ssyncadd.s32 $0xFFFFE000  }
0x1e: {  	[tilespmem:s23], [sflag:$0x2] =	stream.linear.gather [hbm4b:s10+s18], $0x2000, $0x38;
	v63 =	vld [tilespmem:$0x0]  }
0x1f: {  	_ =	swait.ge [sflag:s21], $0x2000  }
0x20: {  	[sflag:s21] =	ssyncset.done $0x0  }
0x21: {  	[sflag:s21] =	ssyncadd.s32 $0xFFFFE000  }
0x22: {  	[tilespmem:s25], [sflag:$0x1] =	stream.indirect.gather [hbm4b:s5+s24], $0x80, s11, s24, $0xb8;
	v63 =	vld [tilespmem:$0x0]  }
0x23: {  	_ =	swait.ge [sflag:s26], $0x4000  }
0x24: {  	[sflag:s26] =	ssyncset.done $0x0  }
0x25: {  	s30 =	sadd.s32 $0xFFFFFF80, s2;
	[sflag:s26] =	ssyncadd.s32 $0xFFFFC000  }
0x26: {  	[tilespmem:s28], [sflag:$0x1] =	stream.indirect.gather [hbm4b:s5+s24], $0x80, s30, s24, $0xb8;
	v63 =	vld [tilespmem:$0x0]  }
0x27: {  	_ = 	snop  }
0x28: {  	[spmem:s3] =	stream.indirect.scatter.add.f32 [tilespmem:s25], [sflag:$0x2], $0x80, s19, s24, $0xb8;
	v63 =	vld [tilespmem:$0x0]  }
0x29: {  	_ =	swait.ge [sflag:s21], $0x4000  }
0x2a: {  	[sflag:s21] =	ssyncset.done $0x0  }
0x2b: {  	[sflag:s21] =	ssyncadd.s32 $0xFFFFC000  }
0x2c: {  	_ =	swait.ge [sflag:s26], $0x4000  }
0x2d: {  	p0 =	sle.s32 s12, $0x0;
	[sflag:s26] =	ssyncset.done $0x0  }
0x2e: {  	s0 =	simm.s32 @!p0 $0x80;
	s1 =	simm.s32 @!p0 $0x18000;
	[sflag:s26] =	ssyncadd.s32 $0xFFFFC000  }
0x2f: {  	[tilespmem:s1], [sflag:$0x1] =	stream.indirect.gather @!p0 [hbm4b:s5+s0], $0x80, s2, s0, $0xb8;
	v63 =	vld [tilespmem:$0x0]  }
0x30: {  	p0 =	sne.s32 s8, $0x1  }
.Ltmp0:
0x31: {  	_ = 	snop;
	(pc) =	sbr.rel @!p0 .LBB2_3-.Ltmp0, $4  }
0x32: {  	s31 =	sadd.s32 $0x80, s19  }
0x33: {  	[spmem:s3] =	stream.indirect.scatter.add.f32 [tilespmem:s28], [sflag:$0x2], $0x80, s31, s24, $0xb8;
	v63 =	vld [tilespmem:$0x0]  }
0x34: {  	s18 =	smov.u32 s2;
	_ =	swait.ge [sflag:s21], $0x4000  }
0x35: {  	s1 =	simm.s32 $0x1;
	s0 =	sadd.s32 $0x100, s19;
	[sflag:s21] =	ssyncset.done $0x0  }
.LBB2_2:
0x36: {  	[sflag:s21] =	ssyncadd.s32 $0xFFFFC000  }
0x37: {  	s18 =	sadd.s32 $0x100, s18;
	s4 =	smov.u32 s1;
	s1 =	sadd.s32 $0x1, s1  }
0x38: {  	p0 =	sne.s32 s8, s1  }
0x39: {  	_ =	swait.ge [sflag:s26], $0x4000  }
0x3a: {  	[sflag:s26] =	ssyncset.done $0x0  }
0x3b: {  	s9 =	sadd.s32 $0xFFFFFF80, s18;
	[sflag:s26] =	ssyncadd.s32 $0xFFFFC000  }
0x3c: {  	[tilespmem:s28], [sflag:$0x1] =	stream.indirect.gather [hbm4b:s5+s24], $0x80, s9, s24, $0xb8;
	v63 =	vld [tilespmem:$0x0]  }
0x3d: {  	_ = 	snop  }
0x3e: {  	[spmem:s3] =	stream.indirect.scatter.add.f32 [tilespmem:s25], [sflag:$0x2], $0x80, s0, s24, $0xb8;
	v63 =	vld [tilespmem:$0x0]  }
0x3f: {  	_ =	swait.ge [sflag:s21], $0x4000  }
0x40: {  	[sflag:s21] =	ssyncset.done $0x0  }
0x41: {  	[sflag:s21] =	ssyncadd.s32 $0xFFFFC000  }
0x42: {  	_ =	swait.ge [sflag:s26], $0x4000  }
0x43: {  	p1 =	sge.s32 s4, s12;
	[sflag:s26] =	ssyncset.done $0x0  }
0x44: {  	s4 =	simm.s32 @!p1 $0x80;
	s9 =	simm.s32 @!p1 $0x18000;
	[sflag:s26] =	ssyncadd.s32 $0xFFFFC000  }
0x45: {  	[tilespmem:s9], [sflag:$0x1] =	stream.indirect.gather @!p1 [hbm4b:s5+s4], $0x80, s18, s4, $0xb8;
	v63 =	vld [tilespmem:$0x0]  }
.Ltmp1:
0x46: {  	_ = 	snop;
	(pc) =	sbr.rel @p0 .LBB2_2-.Ltmp1, $4  }
0x47: {  	s4 =	sadd.s32 $0x80, s0  }
0x48: {  	[spmem:s3] =	stream.indirect.scatter.add.f32 [tilespmem:s28], [sflag:$0x2], $0x80, s4, s24, $0xb8;
	v63 =	vld [tilespmem:$0x0]  }
0x49: {  	_ =	swait.ge [sflag:s21], $0x4000  }
0x4a: {  	s0 =	sadd.s32 $0x100, s0;
	[sflag:s21] =	ssyncset.done $0x0  }
.LBB2_3:
0x4b: {  	[sflag:s21] =	ssyncadd.s32 $0xFFFFC000  }
0x4c: {  	[bflag:$0x0] =	sbarrier.arrive $0xFFFF  }
0x4d: {  	[hbm:s13], [sflag:s7] =	dma.local [spmem:s20], $0x2800  }
0x4e: {  	_ =	swait.ge [sflag:s21], $0x2800  }
0x4f: {  	[sflag:s21] =	ssyncset.done $0x0  }
0x50: {  	[sflag:s21] =	ssyncadd.s32 $0xFFFFD800  }
0x51: {  	s0 =	rddreg [dreg:$0x1]  }
0x52: {  	[spmem:s20], [sflag:s7] =	dma.local [hbm:s0], $0x2800  }
0x53: {  	_ =	swait.ge [sflag:s21], $0x2800  }
0x54: {  	[sflag:s21] =	ssyncset.done $0x0  }
0x55: {  	[sflag:s21] =	ssyncadd.s32 $0xFFFFD800  }
0x56: {  	s18 =	simm.s32 $0x0;
	[bflag:$0x0] =	sbarrier.arrive $0xFFFF  }
0x57: {  	[tilespmem:s22], [sflag:$0x2] =	stream.linear.gather [hbm4b:s14+s18], $0x2000, $0x38;
	v63 =	vld [tilespmem:$0x0]  }
0x58: {  	_ =	swait.ge [sflag:s21], $0x2000  }
0x59: {  	[sflag:s21] =	ssyncset.done $0x0  }
0x5a: {  	[sflag:s21] =	ssyncadd.s32 $0xFFFFE000  }
0x5b: {  	[tilespmem:s23], [sflag:$0x2] =	stream.linear.gather [hbm4b:s15+s18], $0x2000, $0x38;
	v63 =	vld [tilespmem:$0x0]  }
0x5c: {  	_ =	swait.ge [sflag:s21], $0x2000  }
0x5d: {  	[sflag:s21] =	ssyncset.done $0x0  }
0x5e: {  	[sflag:s21] =	ssyncadd.s32 $0xFFFFE000  }
0x5f: {  	[tilespmem:s25], [sflag:$0x1] =	stream.indirect.gather [hbm4b:s6+s24], $0x80, s11, s24, $0xb8;
	v63 =	vld [tilespmem:$0x0]  }
0x60: {  	_ =	swait.ge [sflag:s26], $0x4000  }
0x61: {  	[sflag:s26] =	ssyncset.done $0x0  }
0x62: {  	[sflag:s26] =	ssyncadd.s32 $0xFFFFC000  }
0x63: {  	[tilespmem:s28], [sflag:$0x1] =	stream.indirect.gather [hbm4b:s6+s24], $0x80, s30, s24, $0xb8;
	v63 =	vld [tilespmem:$0x0]  }
0x64: {  	_ = 	snop  }
0x65: {  	[spmem:s3] =	stream.indirect.scatter.add.f32 [tilespmem:s25], [sflag:$0x2], $0x80, s19, s24, $0xb8;
	v63 =	vld [tilespmem:$0x0]  }
0x66: {  	_ =	swait.ge [sflag:s21], $0x4000  }
0x67: {  	[sflag:s21] =	ssyncset.done $0x0  }
0x68: {  	[sflag:s21] =	ssyncadd.s32 $0xFFFFC000  }
0x69: {  	_ =	swait.ge [sflag:s26], $0x4000  }
0x6a: {  	p0 =	sle.s32 s12, $0x0;
	[sflag:s26] =	ssyncset.done $0x0  }
0x6b: {  	s1 =	simm.s32 @!p0 $0x18000;
	s0 =	simm.s32 @!p0 $0x80;
	[sflag:s26] =	ssyncadd.s32 $0xFFFFC000  }
0x6c: {  	[tilespmem:s1], [sflag:$0x1] =	stream.indirect.gather @!p0 [hbm4b:s6+s0], $0x80, s2, s0, $0xb8;
	v63 =	vld [tilespmem:$0x0]  }
0x6d: {  	p0 =	sne.s32 s8, $0x1  }
.Ltmp2:
0x6e: {  	_ = 	snop;
	(pc) =	sbr.rel @!p0 .LBB2_5-.Ltmp2, $4  }
0x6f: {  	_ = 	snop  }
0x70: {  	[spmem:s3] =	stream.indirect.scatter.add.f32 [tilespmem:s28], [sflag:$0x2], $0x80, s31, s24, $0xb8;
	v63 =	vld [tilespmem:$0x0]  }
0x71: {  	s18 =	smov.u32 s2;
	_ =	swait.ge [sflag:s21], $0x4000  }
0x72: {  	s1 =	simm.s32 $0x1;
	s0 =	sadd.s32 $0x100, s19;
	[sflag:s21] =	ssyncset.done $0x0  }
.LBB2_4:
0x73: {  	[sflag:s21] =	ssyncadd.s32 $0xFFFFC000  }
0x74: {  	s18 =	sadd.s32 $0x100, s18;
	s4 =	smov.u32 s1;
	s1 =	sadd.s32 $0x1, s1  }
0x75: {  	p0 =	sne.s32 s8, s1  }
0x76: {  	_ =	swait.ge [sflag:s26], $0x4000  }
0x77: {  	[sflag:s26] =	ssyncset.done $0x0  }
0x78: {  	s9 =	sadd.s32 $0xFFFFFF80, s18;
	[sflag:s26] =	ssyncadd.s32 $0xFFFFC000  }
0x79: {  	[tilespmem:s28], [sflag:$0x1] =	stream.indirect.gather [hbm4b:s6+s24], $0x80, s9, s24, $0xb8;
	v63 =	vld [tilespmem:$0x0]  }
0x7a: {  	_ = 	snop  }
0x7b: {  	[spmem:s3] =	stream.indirect.scatter.add.f32 [tilespmem:s25], [sflag:$0x2], $0x80, s0, s24, $0xb8;
	v63 =	vld [tilespmem:$0x0]  }
0x7c: {  	_ =	swait.ge [sflag:s21], $0x4000  }
0x7d: {  	[sflag:s21] =	ssyncset.done $0x0  }
0x7e: {  	[sflag:s21] =	ssyncadd.s32 $0xFFFFC000  }
0x7f: {  	_ =	swait.ge [sflag:s26], $0x4000  }
0x80: {  	p1 =	sge.s32 s4, s12;
	[sflag:s26] =	ssyncset.done $0x0  }
0x81: {  	s4 =	simm.s32 @!p1 $0x80;
	s9 =	simm.s32 @!p1 $0x18000;
	[sflag:s26] =	ssyncadd.s32 $0xFFFFC000  }
0x82: {  	[tilespmem:s9], [sflag:$0x1] =	stream.indirect.gather @!p1 [hbm4b:s6+s4], $0x80, s18, s4, $0xb8;
	v63 =	vld [tilespmem:$0x0]  }
.Ltmp3:
0x83: {  	_ = 	snop;
	(pc) =	sbr.rel @p0 .LBB2_4-.Ltmp3, $4  }
0x84: {  	s4 =	sadd.s32 $0x80, s0  }
0x85: {  	[spmem:s3] =	stream.indirect.scatter.add.f32 [tilespmem:s28], [sflag:$0x2], $0x80, s4, s24, $0xb8;
	v63 =	vld [tilespmem:$0x0]  }
0x86: {  	_ =	swait.ge [sflag:s21], $0x4000  }
0x87: {  	s0 =	sadd.s32 $0x100, s0;
	[sflag:s21] =	ssyncset.done $0x0  }
.LBB2_5:
0x88: {  	s29 =	sadd.s32 $0x1, s29  }
0x89: {  	[sflag:s21] =	ssyncadd.s32 $0xFFFFC000;
	p0 =	sne.s32 s29, s17  }
.Ltmp4:
0x8a: {  	[bflag:$0x0] =	sbarrier.arrive $0xFFFF;
	(pc) =	sbr.rel @p0 .LBB2_1-.Ltmp4, $4  }
0x8b: {  	[hbm:s16], [sflag:s7] =	dma.local [spmem:s20], $0x2800  }
0x8c: {  	_ =	swait.ge [sflag:s21], $0x2800  }
0x8d: {  	[sflag:s21] =	ssyncset.done $0x0  }
0x8e: {  	[sflag:s21] =	ssyncadd.s32 $0xFFFFD800  }
0x8f: {  	_ =	sfence.sel $0x180000  }
0x90: {  	[bflag:$0x0] =	sbarrier.arrive $0xFFFF  }
0x91: {  	_ =	strace $0x9000004D  }
0x92: {  	s0 =	stileid.u32;
	[bflag:$0x2] =	sbarrier.arrive $0xFFFF  }
0x93: {  	p0 =	sne.s32 s0, $0x0;
	s0 =	rddreg [dreg:$0x3]  }
0x94: {  	s0 =	sadd.s32 @!p0 $0x100000, s0  }
0x95: {  	[sflag:s0] =	ssyncadd.tile.s32 @!p0 $0x1;
	_ =	shalt  }
.Lfunc_end2:
_tile_overlayer_lowered:
.L_overlay_start_2:
0x96: {  	(tag) =	ssettag $0x2  }
0x97: {  	s0 =	rddreg [dreg:$0x0];
	s2 =	stileid.u32  }
0x98: {  	s1 =	rddreg [dreg:$0x1];
	p0 =	sne.s32 s2, $0x0  }
0x99: {  	s3 =	rddreg [dreg:$0x2];
	[bflag:$0x3] =	sbarrier.arrive $0xFFFF;
	s2 =	simm.s32 @!p0 $0x1C02  }
0x9a: {  	[timem:s3], [sflag:s2] =	dma.local @!p0 [hbm:s0], s1  }
0x9b: {  	s0 =	simm.s32 @!p0 $0x2  }
0x9c: {  	_ =	swait.ge @!p0 [sflag:s0], s1  }
0x9d: {  	s1 =	ssub.s32 @!p0 $0x0, s1;
	[sflag:s0] =	ssyncset.done @!p0 $0x0  }
0x9e: {  	[sflag:s0] =	ssyncadd.s32 @!p0 s1  }
0x9f: {  	[bflag:$0x3] =	sbarrier.arrive $0xFFFF  }
0xa0: {  	_ =	shalt  }

// kernel: kernel.19.cloned.1.call-start
scs
__scs_entry_jumppad:
0x0: {  	(pc) =	sbr.rel $0x88, $3  }
0x1: {  	(tag) =	ssettag $0x0;
	lr =	simm.s32 $0x1  }
0x2: {  	[smem:$0x3F92] =	sst lr;
	_ =	strace $0xD0000000  }
0x3: {  	_ = 	snop  }
0x4: {  	_ = 	snop  }
0x5: {  	_ = 	snop  }
0x6: {  	_ = 	snop  }
0x7: {  	_ = 	snop  }
__scs_overlays_trampoline_lowered:
0x8: {  	[smem:$0x3FA1] =	sst s0  }
0x9: {  	[smem:$0x3FA2] =	sst s1  }
0xa: {  	[smem:$0x3FA3] =	sst s2  }
0xb: {  	[smem:$0x3FA4] =	sst s3  }
0xc: {  	[smem:$0x3FA5] =	sst s4  }
0xd: {  	[smem:$0x3FA6] =	sst s5  }
0xe: {  	[smem:$0x3FA7] =	sst s6  }
0xf: {  	[smem:$0x3FA8] =	sst s7  }
0x10: {  	[smem:$0x3FA9] =	sst s8  }
0x11: {  	[smem:$0x3FAA] =	sst s9;
	s0 =	simm.s32 @!p0 $0x0  }
0x12: {  	s1 =	sld [smem:$0x3F90];
	s0 =	simm.s32 @p0 $0x1  }
0x13: {  	[smem:$0x3FAB] =	sst s0;
	s0 =	simm.s32 @!p1 $0x0  }
0x14: {  	s2 =	sld [smem:$0x3F8F];
	s0 =	simm.s32 @p1 $0x1  }
0x15: {  	[smem:$0x3FAC] =	sst s0;
	s0 =	simm.s32 @!p2 $0x0  }
0x16: {  	s3 =	sld [smem:$0x3FDB];
	s0 =	simm.s32 @p2 $0x1  }
0x17: {  	s4 =	simm.s32 $0x1BF5;
	[smem:$0x3FAE] =	sst s0  }
0x18: {  	s0 =	sld [smem:$0x3F91];
	_ =	swait.ge [sflag:s4], $0x0  }
0x19: {  	s7 =	sld [smem:$0x3F92]  }
0x1a: {  	s8 =	sadd.s32 $0xFFFFE003, lr  }
0x1b: {  	s9 =	sadd.s32 $0xFFFFFEF7, lr;
	s5 =	simm.s32 $0xFFFFFFFF;
	p2 =	slt.u32 s8, $0xFFFFF086  }
0x1c: {  	p1 =	slt.u32 s9, $0xF7A;
	s5 =	simm.s32 @!p2 $0x0  }
0x1d: {  	s5 =	simm.s32 @p1 $0x1;
	p0 =	seq.s32 s7, s2  }
0x1e: {  	s7 =	smul.u32 @!p0 $0xF7A, s2;
	p2 =	seq.s32 @!p0 s5, $0x0  }
0x1f: {  	s9 =	smul.u32 $0xF7A, s1;
	s8 =	simm.s32 @!p0 $0x1BF5;
	p2 =	por !p2, p0  }
0x20: {  	[sflag:s8] =	ssyncset.s32 @!p0 $0xFFFFF086;
	s6 =	sadd.s32 @!p0 s3, s7;
	s7 =	simm.s32 @!p0 $0x108  }
0x21: {  	s3 =	sadd.s32 s3, s9;
	s6 =	sadd.s32 @!p0 $0x88, s6;
	s7 =	simm.s32 @p2 $0x1082  }
0x22: {  	[simem:s7], [sflag:s8] =	dma.local @!p0 [hbm:s6], $0xF7A  }
0x23: {  	s9 =	sor.u32 $0xD0000000, s2;
	s6 =	simm.s32 $0x108;
	_ =	swait.ge @!p0 [sflag:s8], $0x0  }
0x24: {  	s3 =	sadd.s32 $0x88, s3;
	s6 =	simm.s32 @!p1 $0x1082;
	[sflag:s4] =	ssyncset.s32 $0xFFFFF086  }
0x25: {  	[simem:s6], [sflag:s4] =	dma.local [hbm:s3], $0xF7A  }
0x26: {  	[smem:$0x3F92] =	sst s1;
	(tag) =	ssettag s2;
	_ =	strace s9  }
0x27: {  	s1 =	sld [smem:$0x3FA2]  }
0x28: {  	s2 =	sld [smem:$0x3FA3]  }
0x29: {  	s4 =	sld [smem:$0x3FA5]  }
0x2a: {  	p0 =	seq.s32 s5, $0x0;
	s5 =	sld [smem:$0x3FA6]  }
0x2b: {  	s6 =	sld [smem:$0x3FA7]  }
0x2c: {  	s7 =	sld [smem:$0x3FA8]  }
0x2d: {  	s3 =	simm.s32 $0x108;
	s8 =	sld [smem:$0x3FA9]  }
0x2e: {  	s3 =	simm.s32 @!p0 $0x1082;
	s9 =	sld [smem:$0x3FAA]  }
0x2f: {  	lr =	sadd.s32 s0, s3;
	s0 =	sld [smem:$0x3FA1]  }
0x30: {  	s3 =	sld [smem:$0x3FA4]  }
0x31: {  	[smem:$0x3FAD] =	sst s10  }
0x32: {  	s10 =	sld [smem:$0x3FAB];
	_ =	sdelay $0x3  }
0x33: {  	p0 =	seq.s32 s10, $0x1;
	s10 =	sld [smem:$0x3FAD];
	_ =	sdelay $0x3  }
0x34: {  	[smem:$0x3FAD] =	sst s10  }
0x35: {  	s10 =	sld [smem:$0x3FAC];
	_ =	sdelay $0x3  }
0x36: {  	p1 =	seq.s32 s10, $0x1;
	s10 =	sld [smem:$0x3FAD];
	_ =	sdelay $0x3  }
0x37: {  	[smem:$0x3FAD] =	sst s10  }
0x38: {  	s10 =	sld [smem:$0x3FAE]  }
0x39: {  	_ = 	snop;
	(pc) =	sbr.ind lr, $3  }
0x3a: {  	_ = 	snop  }
0x3b: {  	_ = 	snop  }
0x3c: {  	p2 =	seq.s32 s10, $0x1;
	s10 =	sld [smem:$0x3FAD]  }
0x3d: {  	_ =	shalt  }
0x3e: {  	_ =	shalt  }
0x3f: {  	_ =	shalt  }
0x40: {  	_ =	shalt  }
0x41: {  	_ =	shalt  }
0x42: {  	_ =	shalt  }
0x43: {  	_ =	shalt  }
0x44: {  	_ =	shalt  }
0x45: {  	_ =	shalt  }
0x46: {  	_ =	shalt  }
0x47: {  	_ =	shalt  }
0x48: {  	_ =	shalt  }
0x49: {  	_ =	shalt  }
0x4a: {  	_ =	shalt  }
0x4b: {  	_ =	shalt  }
0x4c: {  	_ =	shalt  }
0x4d: {  	_ =	shalt  }
0x4e: {  	_ =	shalt  }
0x4f: {  	_ =	shalt  }
0x50: {  	_ =	shalt  }
0x51: {  	_ =	shalt  }
0x52: {  	_ =	shalt  }
0x53: {  	_ =	shalt  }
0x54: {  	_ =	shalt  }
0x55: {  	_ =	shalt  }
0x56: {  	_ =	shalt  }
0x57: {  	_ =	shalt  }
0x58: {  	_ =	shalt  }
0x59: {  	_ =	shalt  }
0x5a: {  	_ =	shalt  }
0x5b: {  	_ =	shalt  }
0x5c: {  	_ =	shalt  }
0x5d: {  	_ =	shalt  }
0x5e: {  	_ =	shalt  }
0x5f: {  	_ =	shalt  }
0x60: {  	_ =	shalt  }
0x61: {  	_ =	shalt  }
0x62: {  	_ =	shalt  }
0x63: {  	_ =	shalt  }
0x64: {  	_ =	shalt  }
0x65: {  	_ =	shalt  }
0x66: {  	_ =	shalt  }
0x67: {  	_ =	shalt  }
0x68: {  	_ =	shalt  }
0x69: {  	_ =	shalt  }
0x6a: {  	_ =	shalt  }
0x6b: {  	_ =	shalt  }
0x6c: {  	_ =	shalt  }
0x6d: {  	_ =	shalt  }
0x6e: {  	_ =	shalt  }
0x6f: {  	_ =	shalt  }
0x70: {  	_ =	shalt  }
0x71: {  	_ =	shalt  }
0x72: {  	_ =	shalt  }
0x73: {  	_ =	shalt  }
0x74: {  	_ =	shalt  }
0x75: {  	_ =	shalt  }
0x76: {  	_ =	shalt  }
0x77: {  	_ =	shalt  }
0x78: {  	_ =	shalt  }
0x79: {  	_ =	shalt  }
0x7a: {  	_ =	shalt  }
0x7b: {  	_ =	shalt  }
0x7c: {  	_ =	shalt  }
0x7d: {  	_ =	shalt  }
0x7e: {  	_ =	shalt  }
0x7f: {  	_ =	shalt  }
0x80: {  	_ =	shalt  }
0x81: {  	_ =	shalt  }
0x82: {  	_ =	shalt  }
0x83: {  	_ =	shalt  }
0x84: {  	_ =	shalt  }
0x85: {  	_ =	shalt  }
0x86: {  	_ =	shalt  }
0x87: {  	_ =	shalt  }
.Lfunc_end0:
.L_simem_size_0:
called_computation.3_lowered:
.L_overlay_start_0:
0x88: {  	s2 =	sld [smem:$0x3FD9]  }
0x89: {  	s3 =	sld [smem:$0x3FFE];
	_ =	sdelay $0x1  }
0x8a: {  	s1 =	srdreg.scid  }
0x8b: {  	s0 =	sand.u32 $0x1, s1  }
0x8c: {  	s17 =	sshll.u32 s0, $0xA;
	s2 =	sadd.s32 s3, s2  }
0x8d: {  	s2 =	sadd.s32 s2, s17  }
0x8e: {  	[smem:$0x3FB9] =	sst s2  }
0x8f: {  	_ = 	snop  }
0x90: {  	s2 =	sld [smem:$0x3FD0];
	(tm) =	ssettm $0x1  }
0x91: {  	s18 =	sld [smem:$0x3FFB];
	_ =	sdelay $0x3  }
0x92: {  	_ =	strace s18  }
0x93: {  	s3 =	sld [smem:$0x3FFC];
	_ =	sdelay $0x3  }
0x94: {  	_ =	strace s3  }
0x95: {  	s3 =	sld [smem:$0x3FFD];
	_ =	sdelay $0x3  }
0x96: {  	_ =	strace s3  }
0x97: {  	_ =	strace $0x8FFFFFFF  }
0x98: {  	s19 =	sld [smem:$0x3FDB];
	_ =	sdelay $0x1  }
0x99: {  	s4 =	simm.s32 $_scs_section_size  }
0x9a: {  	s5 =	simm.s32 $_size__tile_overlayer_lowered;
	s6 =	simm.s32 $_tile_overlayer_lowered  }
0x9b: {  	s22 =	simm.s32 $0x1BFF;
	s21 =	sshll.u32 s6, $0x1;
	s3 =	sadd.s32 s4, s19  }
0x9c: {  	s7 =	simm.s32 $0x0;
	s20 =	sshll.u32 s5, $0x1;
	s5 =	sadd.s32 s21, s3  }
0x9d: {  	[timem:s7], [sflag:s22] =	dma.local [hbm:s5], s20  }
0x9e: {  	_ =	swait.ge [sflag:s22], s20  }
0x9f: {  	s4 =	ssub.s32 $0x0, s20;
	[sflag:s22] =	ssyncset.done $0x0  }
0xa0: {  	[sflag:s22] =	ssyncadd.s32 s4;
	_ =	sdelay $0x1  }
0xa1: {  	s23 =	simm.s32 $0x1B8B  }
0xa2: {  	_ =	swait.ge [sflag:s23], $0x1  }
0xa3: {  	[sflag:s23] =	ssyncset.done $0x0  }
0xa4: {  	s25 =	simm.s32 $0x1B8E;
	s24 =	sld [smem:$0x3FFE];
	[sflag:s23] =	ssyncadd.s32 $0xFFFFFFFF  }
0xa5: {  	s26 =	simm.s32 $execute0_lowered;
	[smem:$0x3FD2] =	sst s25  }
0xa6: {  	s5 =	sshll.u32 s26, $0x1;
	_ =	strace $0x8000004F;
	[dreg:$0x1] =	wrdreg $0xFFFFFFFF  }
0xa7: {  	s28 =	simm.s32 $_size_execute0_lowered;
	s3 =	sadd.s32 s3, s5;
	[dreg:$0x0] =	wrdreg $0x0  }
0xa8: {  	s5 =	sshll.u32 s28, $0x1;
	[dreg:$0x2] =	wrdreg s3  }
0xa9: {  	[dreg:$0x3] =	wrdreg s5  }
0xaa: {  	[dreg:$0x4] =	wrdreg $0xC0  }
0xab: {  	_ =	task [dreg:s7], $0x5FFFF  }
0xac: {  	[dreg:$0x1] =	wrdreg $0xFFFFFFFF  }
0xad: {  	[dreg:$0x0] =	wrdreg $0x60  }
0xae: {  	[dreg:$0x2] =	wrdreg s24  }
0xaf: {  	[dreg:$0x3] =	wrdreg s2  }
0xb0: {  	[dreg:$0x4] =	wrdreg $0x0  }
0xb1: {  	[dreg:$0x5] =	wrdreg $0x9  }
0xb2: {  	_ =	task.clear_ibuf [dreg:s7], $0x6FFFF;
	_ =	strace $0x9000004F  }
0xb3: {  	s29 =	simm.s32 $0x9;
	_ =	strace $0x80000051  }
0xb4: {  	_ =	swait.ge [sflag:s29], $0x1  }
0xb5: {  	[sflag:s29] =	ssyncadd.s32 $0xFFFFFFFF  }
0xb6: {  	_ =	strace $0x90000051  }
0xb7: {  	_ =	sfence  }
0xb8: {  	s30 =	sld [smem:$0x0];
	_ =	sdelay $0x2  }
0xb9: {  	s31 =	sshll.u32 s1, $0xD;
	s1 =	sshrl.u32 s1, $0x2  }
0xba: {  	s3 =	sand.u32 $0x4000, s31;
	s1 =	sadd.s32 s1, s30  }
0xbb: {  	s0 =	sor.u32 s3, s0;
	s1 =	sshll.u32 s1, $0x11  }
0xbc: {  	s0 =	sor.u32 s1, s0  }
0xbd: {  	s0 =	sadd.s32 $0x8F2B, s0  }
0xbe: {  	[sflag:s0] =	ssyncadd.remote.s32 $0x1  }
0xbf: {  	_ =	sfence.sel $0xFFFF  }
0xc0: {  	[dreg:$0x0] =	wrdreg $0xFFFFFFFF;
	(pc) =	sbr.abs _section_cstart, $3  }
0xc1: {  	[dreg:$0x1] =	wrdreg $0xFFFFFFFF  }
0xc2: {  	_ =	task.clear_ibuf [dreg:s7], $0x2FFFF;
	_ =	strace $0x9FFFFFFF  }
0xc3: {  	(tm) =	ssettm $0x7FFFFFFF  }
tec
execute0_lowered:
.L_overlay_start_1:
0x0: {  	(tag) =	ssettag $0x1  }
0x1: {  	s0 =	rddreg [dreg:$0x0];
	s1 =	srdreg.scid  }
0x2: {  	s4 =	stileid.u32;
	s3 =	rddreg [dreg:$0x2];
	s5 =	simm.s32 $0x0  }
0x3: {  	s21 =	simm.s32 $0x2;
	s28 =	simm.s32 $0x1C000;
	s2 =	smul.u32 $0x500, s4  }
0x4: {  	s29 =	simm.s32 $0x0;
	s1 =	sand.u32 $0x1, s1;
	s8 =	smul.u32 $0x14000, s4  }
0x5: {  	[smem:$0x7FF] =	sst s5;
	s5 =	sadd.s32 $0x18200, s0;
	s24 =	smul.u32 $0x50000, s4  }
0x6: {  	s6 =	sadd.s32 $0x40200, s0;
	s30 =	sshll.u32 s4, $0x6;
	s7 =	smul.u32 $0x140000, s1  }
0x7: {  	_ =	strace $0x80000050;
	s9 =	sshll.u32 s1, $0x8;
	s22 =	ssub.s32 $0x2, s1  }
0x8: {  	s10 =	ssub.s32 $0x0, s1;
	p0 =	seq.s32 s1, $0x0;
	s2 =	sadd.s32 s2, s9  }
0x9: {  	s23 =	sshrl.u32 s22, $0x1;
	s25 =	sand.u32 $0x1800, s10;
	s26 =	sshrl.u32 s24, $0x2  }
0xa: {  	s24 =	simm.s32 $0x80;
	s7 =	sadd.s32 s8, s7;
	s2 =	sadd.s32 s2, s0  }
0xb: {  	s17 =	ssub.s32 s22, s23;
	s18 =	sadd.s32 s26, s3;
	s8 =	simm.s32 $0x20  }
0xc: {  	s11 =	sor.u32 $0x14000, s25;
	s19 =	sor.u32 $0x16000, s25;
	s22 =	simm.s32 $0x14000  }
0xd: {  	s23 =	simm.s32 $0x16000;
	s26 =	simm.s32 $0x1;
	s7 =	sshrl.u32 s7, $0x3  }
0xe: {  	s31 =	sadd.s32 $0x9200, s2;
	s10 =	sadd.s32 $0x4200, s2;
	s8 =	simm.s32 @!p0 $0x8  }
0xf: {  	s14 =	sadd.s32 $0x13200, s2;
	s15 =	sadd.s32 $0xE200, s2;
	s17 =	smax.u32 s17, $0x1  }
0x10: {  	s2 =	sor.u32 $0x14100, s25;
	s20 =	sshrl.u32 s18, $0x3;
	s25 =	simm.s32 $0x18000  }
0x11: {  	s0 =	sadd.s32 s7, s0;
	s7 =	sor.u32 $0x1C02, s30;
	[dreg:$0x4] =	wrdreg s31  }
0x12: {  	s12 =	sadd.s32 $0xFFFFFFFF, s8;
	s13 =	sadd.s32 $0x68200, s0;
	s16 =	sadd.s32 $0xB8200, s0  }
.LBB2_1:
0x13: {  	s0 =	rddreg [dreg:$0x1]  }
0x14: {  	[spmem:s20], [sflag:s7] =	dma.local [hbm:s0], $0x2800  }
0x15: {  	_ =	swait.ge [sflag:s21], $0x2800  }
0x16: {  	[sflag:s21] =	ssyncset.done $0x0  }
0x17: {  	[sflag:s21] =	ssyncadd.s32 $0xFFFFD800  }
0x18: {  	[bflag:$0x0] =	sbarrier.arrive $0xFFFF  }
0x19: {  	s18 =	simm.s32 $0x0;
	s1 =	rddreg [dreg:$0x4]  }
0x1a: {  	[tilespmem:s22], [sflag:$0x2] =	stream.linear.gather [hbm4b:s1+s18], $0x2000, $0x38;
	v63 =	vld [tilespmem:$0x0]  }
0x1b: {  	_ =	swait.ge [sflag:s21], $0x2000  }
0x1c: {  	[sflag:s21] =	ssyncset.done $0x0  }
0x1d: {  	[sflag:s21] =	ssyncadd.s32 $0xFFFFE000  }
0x1e: {  	[tilespmem:s23], [sflag:$0x2] =	stream.linear.gather [hbm4b:s10+s18], $0x2000, $0x38;
	v63 =	vld [tilespmem:$0x0]  }
0x1f: {  	_ =	swait.ge [sflag:s21], $0x2000  }
0x20: {  	[sflag:s21] =	ssyncset.done $0x0  }
0x21: {  	[sflag:s21] =	ssyncadd.s32 $0xFFFFE000  }
0x22: {  	[tilespmem:s25], [sflag:$0x1] =	stream.indirect.gather [hbm4b:s5+s24], $0x80, s11, s24, $0xb8;
	v63 =	vld [tilespmem:$0x0]  }
0x23: {  	_ =	swait.ge [sflag:s26], $0x4000  }
0x24: {  	[sflag:s26] =	ssyncset.done $0x0  }
0x25: {  	s30 =	sadd.s32 $0xFFFFFF80, s2;
	[sflag:s26] =	ssyncadd.s32 $0xFFFFC000  }
0x26: {  	[tilespmem:s28], [sflag:$0x1] =	stream.indirect.gather [hbm4b:s5+s24], $0x80, s30, s24, $0xb8;
	v63 =	vld [tilespmem:$0x0]  }
0x27: {  	_ = 	snop  }
0x28: {  	[spmem:s3] =	stream.indirect.scatter.add.f32 [tilespmem:s25], [sflag:$0x2], $0x80, s19, s24, $0xb8;
	v63 =	vld [tilespmem:$0x0]  }
0x29: {  	_ =	swait.ge [sflag:s21], $0x4000  }
0x2a: {  	[sflag:s21] =	ssyncset.done $0x0  }
0x2b: {  	[sflag:s21] =	ssyncadd.s32 $0xFFFFC000  }
0x2c: {  	_ =	swait.ge [sflag:s26], $0x4000  }
0x2d: {  	p0 =	sle.s32 s12, $0x0;
	[sflag:s26] =	ssyncset.done $0x0  }
0x2e: {  	s0 =	simm.s32 @!p0 $0x80;
	s1 =	simm.s32 @!p0 $0x18000;
	[sflag:s26] =	ssyncadd.s32 $0xFFFFC000  }
0x2f: {  	[tilespmem:s1], [sflag:$0x1] =	stream.indirect.gather @!p0 [hbm4b:s5+s0], $0x80, s2, s0, $0xb8;
	v63 =	vld [tilespmem:$0x0]  }
0x30: {  	p0 =	sne.s32 s8, $0x1  }
.Ltmp0:
0x31: {  	_ = 	snop;
	(pc) =	sbr.rel @!p0 .LBB2_3-.Ltmp0, $4  }
0x32: {  	s31 =	sadd.s32 $0x80, s19  }
0x33: {  	[spmem:s3] =	stream.indirect.scatter.add.f32 [tilespmem:s28], [sflag:$0x2], $0x80, s31, s24, $0xb8;
	v63 =	vld [tilespmem:$0x0]  }
0x34: {  	s18 =	smov.u32 s2;
	_ =	swait.ge [sflag:s21], $0x4000  }
0x35: {  	s1 =	simm.s32 $0x1;
	s0 =	sadd.s32 $0x100, s19;
	[sflag:s21] =	ssyncset.done $0x0  }
.LBB2_2:
0x36: {  	[sflag:s21] =	ssyncadd.s32 $0xFFFFC000  }
0x37: {  	s18 =	sadd.s32 $0x100, s18;
	s4 =	smov.u32 s1;
	s1 =	sadd.s32 $0x1, s1  }
0x38: {  	p0 =	sne.s32 s8, s1  }
0x39: {  	_ =	swait.ge [sflag:s26], $0x4000  }
0x3a: {  	[sflag:s26] =	ssyncset.done $0x0  }
0x3b: {  	s9 =	sadd.s32 $0xFFFFFF80, s18;
	[sflag:s26] =	ssyncadd.s32 $0xFFFFC000  }
0x3c: {  	[tilespmem:s28], [sflag:$0x1] =	stream.indirect.gather [hbm4b:s5+s24], $0x80, s9, s24, $0xb8;
	v63 =	vld [tilespmem:$0x0]  }
0x3d: {  	_ = 	snop  }
0x3e: {  	[spmem:s3] =	stream.indirect.scatter.add.f32 [tilespmem:s25], [sflag:$0x2], $0x80, s0, s24, $0xb8;
	v63 =	vld [tilespmem:$0x0]  }
0x3f: {  	_ =	swait.ge [sflag:s21], $0x4000  }
0x40: {  	[sflag:s21] =	ssyncset.done $0x0  }
0x41: {  	[sflag:s21] =	ssyncadd.s32 $0xFFFFC000  }
0x42: {  	_ =	swait.ge [sflag:s26], $0x4000  }
0x43: {  	p1 =	sge.s32 s4, s12;
	[sflag:s26] =	ssyncset.done $0x0  }
0x44: {  	s4 =	simm.s32 @!p1 $0x80;
	s9 =	simm.s32 @!p1 $0x18000;
	[sflag:s26] =	ssyncadd.s32 $0xFFFFC000  }
0x45: {  	[tilespmem:s9], [sflag:$0x1] =	stream.indirect.gather @!p1 [hbm4b:s5+s4], $0x80, s18, s4, $0xb8;
	v63 =	vld [tilespmem:$0x0]  }
.Ltmp1:
0x46: {  	_ = 	snop;
	(pc) =	sbr.rel @p0 .LBB2_2-.Ltmp1, $4  }
0x47: {  	s4 =	sadd.s32 $0x80, s0  }
0x48: {  	[spmem:s3] =	stream.indirect.scatter.add.f32 [tilespmem:s28], [sflag:$0x2], $0x80, s4, s24, $0xb8;
	v63 =	vld [tilespmem:$0x0]  }
0x49: {  	_ =	swait.ge [sflag:s21], $0x4000  }
0x4a: {  	s0 =	sadd.s32 $0x100, s0;
	[sflag:s21] =	ssyncset.done $0x0  }
.LBB2_3:
0x4b: {  	[sflag:s21] =	ssyncadd.s32 $0xFFFFC000  }
0x4c: {  	[bflag:$0x0] =	sbarrier.arrive $0xFFFF  }
0x4d: {  	[hbm:s13], [sflag:s7] =	dma.local [spmem:s20], $0x2800  }
0x4e: {  	_ =	swait.ge [sflag:s21], $0x2800  }
0x4f: {  	[sflag:s21] =	ssyncset.done $0x0  }
0x50: {  	[sflag:s21] =	ssyncadd.s32 $0xFFFFD800  }
0x51: {  	s0 =	rddreg [dreg:$0x1]  }
0x52: {  	[spmem:s20], [sflag:s7] =	dma.local [hbm:s0], $0x2800  }
0x53: {  	_ =	swait.ge [sflag:s21], $0x2800  }
0x54: {  	[sflag:s21] =	ssyncset.done $0x0  }
0x55: {  	[sflag:s21] =	ssyncadd.s32 $0xFFFFD800  }
0x56: {  	s18 =	simm.s32 $0x0;
	[bflag:$0x0] =	sbarrier.arrive $0xFFFF  }
0x57: {  	[tilespmem:s22], [sflag:$0x2] =	stream.linear.gather [hbm4b:s14+s18], $0x2000, $0x38;
	v63 =	vld [tilespmem:$0x0]  }
0x58: {  	_ =	swait.ge [sflag:s21], $0x2000  }
0x59: {  	[sflag:s21] =	ssyncset.done $0x0  }
0x5a: {  	[sflag:s21] =	ssyncadd.s32 $0xFFFFE000  }
0x5b: {  	[tilespmem:s23], [sflag:$0x2] =	stream.linear.gather [hbm4b:s15+s18], $0x2000, $0x38;
	v63 =	vld [tilespmem:$0x0]  }
0x5c: {  	_ =	swait.ge [sflag:s21], $0x2000  }
0x5d: {  	[sflag:s21] =	ssyncset.done $0x0  }
0x5e: {  	[sflag:s21] =	ssyncadd.s32 $0xFFFFE000  }
0x5f: {  	[tilespmem:s25], [sflag:$0x1] =	stream.indirect.gather [hbm4b:s6+s24], $0x80, s11, s24, $0xb8;
	v63 =	vld [tilespmem:$0x0]  }
0x60: {  	_ =	swait.ge [sflag:s26], $0x4000  }
0x61: {  	[sflag:s26] =	ssyncset.done $0x0  }
0x62: {  	[sflag:s26] =	ssyncadd.s32 $0xFFFFC000  }
0x63: {  	[tilespmem:s28], [sflag:$0x1] =	stream.indirect.gather [hbm4b:s6+s24], $0x80, s30, s24, $0xb8;
	v63 =	vld [tilespmem:$0x0]  }
0x64: {  	_ = 	snop  }
0x65: {  	[spmem:s3] =	stream.indirect.scatter.add.f32 [tilespmem:s25], [sflag:$0x2], $0x80, s19, s24, $0xb8;
	v63 =	vld [tilespmem:$0x0]  }
0x66: {  	_ =	swait.ge [sflag:s21], $0x4000  }
0x67: {  	[sflag:s21] =	ssyncset.done $0x0  }
0x68: {  	[sflag:s21] =	ssyncadd.s32 $0xFFFFC000  }
0x69: {  	_ =	swait.ge [sflag:s26], $0x4000  }
0x6a: {  	p0 =	sle.s32 s12, $0x0;
	[sflag:s26] =	ssyncset.done $0x0  }
0x6b: {  	s1 =	simm.s32 @!p0 $0x18000;
	s0 =	simm.s32 @!p0 $0x80;
	[sflag:s26] =	ssyncadd.s32 $0xFFFFC000  }
0x6c: {  	[tilespmem:s1], [sflag:$0x1] =	stream.indirect.gather @!p0 [hbm4b:s6+s0], $0x80, s2, s0, $0xb8;
	v63 =	vld [tilespmem:$0x0]  }
0x6d: {  	p0 =	sne.s32 s8, $0x1  }
.Ltmp2:
0x6e: {  	_ = 	snop;
	(pc) =	sbr.rel @!p0 .LBB2_5-.Ltmp2, $4  }
0x6f: {  	_ = 	snop  }
0x70: {  	[spmem:s3] =	stream.indirect.scatter.add.f32 [tilespmem:s28], [sflag:$0x2], $0x80, s31, s24, $0xb8;
	v63 =	vld [tilespmem:$0x0]  }
0x71: {  	s18 =	smov.u32 s2;
	_ =	swait.ge [sflag:s21], $0x4000  }
0x72: {  	s1 =	simm.s32 $0x1;
	s0 =	sadd.s32 $0x100, s19;
	[sflag:s21] =	ssyncset.done $0x0  }
.LBB2_4:
0x73: {  	[sflag:s21] =	ssyncadd.s32 $0xFFFFC000  }
0x74: {  	s18 =	sadd.s32 $0x100, s18;
	s4 =	smov.u32 s1;
	s1 =	sadd.s32 $0x1, s1  }
0x75: {  	p0 =	sne.s32 s8, s1  }
0x76: {  	_ =	swait.ge [sflag:s26], $0x4000  }
0x77: {  	[sflag:s26] =	ssyncset.done $0x0  }
0x78: {  	s9 =	sadd.s32 $0xFFFFFF80, s18;
	[sflag:s26] =	ssyncadd.s32 $0xFFFFC000  }
0x79: {  	[tilespmem:s28], [sflag:$0x1] =	stream.indirect.gather [hbm4b:s6+s24], $0x80, s9, s24, $0xb8;
	v63 =	vld [tilespmem:$0x0]  }
0x7a: {  	_ = 	snop  }
0x7b: {  	[spmem:s3] =	stream.indirect.scatter.add.f32 [tilespmem:s25], [sflag:$0x2], $0x80, s0, s24, $0xb8;
	v63 =	vld [tilespmem:$0x0]  }
0x7c: {  	_ =	swait.ge [sflag:s21], $0x4000  }
0x7d: {  	[sflag:s21] =	ssyncset.done $0x0  }
0x7e: {  	[sflag:s21] =	ssyncadd.s32 $0xFFFFC000  }
0x7f: {  	_ =	swait.ge [sflag:s26], $0x4000  }
0x80: {  	p1 =	sge.s32 s4, s12;
	[sflag:s26] =	ssyncset.done $0x0  }
0x81: {  	s4 =	simm.s32 @!p1 $0x80;
	s9 =	simm.s32 @!p1 $0x18000;
	[sflag:s26] =	ssyncadd.s32 $0xFFFFC000  }
0x82: {  	[tilespmem:s9], [sflag:$0x1] =	stream.indirect.gather @!p1 [hbm4b:s6+s4], $0x80, s18, s4, $0xb8;
	v63 =	vld [tilespmem:$0x0]  }
.Ltmp3:
0x83: {  	_ = 	snop;
	(pc) =	sbr.rel @p0 .LBB2_4-.Ltmp3, $4  }
0x84: {  	s4 =	sadd.s32 $0x80, s0  }
0x85: {  	[spmem:s3] =	stream.indirect.scatter.add.f32 [tilespmem:s28], [sflag:$0x2], $0x80, s4, s24, $0xb8;
	v63 =	vld [tilespmem:$0x0]  }
0x86: {  	_ =	swait.ge [sflag:s21], $0x4000  }
0x87: {  	s0 =	sadd.s32 $0x100, s0;
	[sflag:s21] =	ssyncset.done $0x0  }
.LBB2_5:
0x88: {  	s29 =	sadd.s32 $0x1, s29  }
0x89: {  	[sflag:s21] =	ssyncadd.s32 $0xFFFFC000;
	p0 =	sne.s32 s29, s17  }
.Ltmp4:
0x8a: {  	[bflag:$0x0] =	sbarrier.arrive $0xFFFF;
	(pc) =	sbr.rel @p0 .LBB2_1-.Ltmp4, $4  }
0x8b: {  	[hbm:s16], [sflag:s7] =	dma.local [spmem:s20], $0x2800  }
0x8c: {  	_ =	swait.ge [sflag:s21], $0x2800  }
0x8d: {  	[sflag:s21] =	ssyncset.done $0x0  }
0x8e: {  	[sflag:s21] =	ssyncadd.s32 $0xFFFFD800  }
0x8f: {  	_ =	sfence.sel $0x180000  }
0x90: {  	[bflag:$0x0] =	sbarrier.arrive $0xFFFF  }
0x91: {  	_ =	strace $0x90000050  }
0x92: {  	s0 =	stileid.u32;
	[bflag:$0x2] =	sbarrier.arrive $0xFFFF  }
0x93: {  	p0 =	sne.s32 s0, $0x0;
	s0 =	rddreg [dreg:$0x3]  }
0x94: {  	s0 =	sadd.s32 @!p0 $0x100000, s0  }
0x95: {  	[sflag:s0] =	ssyncadd.tile.s32 @!p0 $0x1;
	_ =	shalt  }
.Lfunc_end2:
_tile_overlayer_lowered:
.L_overlay_start_2:
0x96: {  	(tag) =	ssettag $0x2  }
0x97: {  	s0 =	rddreg [dreg:$0x0];
	s2 =	stileid.u32  }
0x98: {  	s1 =	rddreg [dreg:$0x1];
	p0 =	sne.s32 s2, $0x0  }
0x99: {  	s3 =	rddreg [dreg:$0x2];
	[bflag:$0x3] =	sbarrier.arrive $0xFFFF;
	s2 =	simm.s32 @!p0 $0x1C02  }
0x9a: {  	[timem:s3], [sflag:s2] =	dma.local @!p0 [hbm:s0], s1  }
0x9b: {  	s0 =	simm.s32 @!p0 $0x2  }
0x9c: {  	_ =	swait.ge @!p0 [sflag:s0], s1  }
0x9d: {  	s1 =	ssub.s32 @!p0 $0x0, s1;
	[sflag:s0] =	ssyncset.done @!p0 $0x0  }
0x9e: {  	[sflag:s0] =	ssyncadd.s32 @!p0 s1  }
0x9f: {  	[bflag:$0x3] =	sbarrier.arrive $0xFFFF  }
0xa0: {  	_ =	shalt  }

</sc_bundles>
